<compile_context>
chip_gen: v7x
topology: tpu7x:2x2x1
jax: 0.10.2.dev20260603
libtpu: 0.0.44.dev20260713+nightly
codegen_flags: <defaults>
</compile_context>

<pallas_src>
import jax
import jax.numpy as jnp
from jax import lax
from jax.experimental import pallas as pl
from jax.experimental.pallas import tpu as pltpu
from jax.experimental.pallas import tpu_sc as plsc

_N = 10000
_E = 320000
_D = 128
_NC = 2
_NS = 16
_EPT = _E // (_NC * _NS)
_K = 128
_NF = _EPT // _K
_TAIL = _EPT - _NF * _K
_NPAD = 10112
_RPT = _NPAD // _NS


def _scores_body(x_ref, w_ref, b_ref, o_ref):
    o_ref[...] = jnp.dot(x_ref[...], w_ref[...],
                         preferred_element_type=jnp.float32) + b_ref[...]


def _finalize_body(p_ref, d_ref, o_ref):
    p = p_ref[...]
    d = d_ref[...]
    inv = 1.0 / (d[0] + d[1] + 1e-9)
    o_ref[...] = (p[0] + p[1]) * inv


def _sc_body(nfeat_h, eidx_h, et_h, el_h, er_h, rel_h, zr_h, zd_h,
             outp_h, denp_h,
             rel_v, sidx_a, sidx_b, didx_a, didx_b, tidx2, el2, er2, w2,
             rows2, tsi, tdi, tti, trows, tw, tel, ter,
             el_s, er_s, acc_s, den_s, sem_g, sem_s):
    cid = lax.axis_index("c")
    sid = lax.axis_index("s")
    tid = cid * _NS + sid
    row0 = sid * _RPT
    ebase = tid * _EPT
    dbase = _E + ebase

    pltpu.sync_copy(rel_h, rel_v)

    @pl.when(sid == 0)
    def _stage_tables():
        pltpu.sync_copy(el_h, el_s)
        pltpu.sync_copy(er_h, er_s)
        pltpu.sync_copy(zd_h, den_s)

    pltpu.sync_copy(zr_h, acc_s.at[pl.ds(row0, _RPT)])
    plsc.subcore_barrier()

    r_a = rows2.at[pl.ds(0, _K)]
    r_b = rows2.at[pl.ds(_K, _K)]

    def stage_idx(j, si, di, ti_slot):
        off = ebase + j * _K
        pltpu.sync_copy(eidx_h.at[pl.ds(off, _K)], si)
        pltpu.sync_copy(eidx_h.at[pl.ds(_E + off, _K)], di)
        pltpu.sync_copy(et_h.at[pl.ds(off, _K)], tidx2.at[ti_slot])

    sl_a = pl.ds(0, _K)
    sl_b = pl.ds(_K, _K)

    def process(boff):
        def grp(g, c2):
            gsl = pl.ds(boff + g * 16, 16)
            t16 = tidx2[gsl]
            a = el2[gsl] + er2[gsl] + plsc.load_gather(rel_v, [t16])
            w16 = jnp.exp(a)
            w2[gsl] = w16
            base = boff + g * 16
            for l in range(16):
                ws = w16[l]
                for c in range(_D // 16):
                    csl = pl.ds(c * 16, 16)
                    rows2[base + l, csl] = rows2[base + l, csl] * ws
            return c2
        lax.fori_loop(0, _K // 16, grp, 0)

    def pair_body(i, carry):
        stage_idx(2 * i, sidx_a, didx_a, sl_a)
        stage_idx(2 * i + 1, sidx_b, didx_b, sl_b)
        ga = pltpu.async_copy(nfeat_h.at[sidx_a], r_a, sem_g)
        gb = pltpu.async_copy(nfeat_h.at[sidx_b], r_b, sem_s)
        pltpu.sync_copy(el_s.at[sidx_a], el2.at[sl_a])
        pltpu.sync_copy(er_s.at[didx_a], er2.at[sl_a])
        pltpu.sync_copy(el_s.at[sidx_b], el2.at[sl_b])
        pltpu.sync_copy(er_s.at[didx_b], er2.at[sl_b])
        ga.wait()
        process(0)
        pltpu.sync_copy(r_a, acc_s.at[didx_a], add=True)
        pltpu.sync_copy(w2.at[sl_a], den_s.at[didx_a], add=True)
        gb.wait()
        process(_K)
        pltpu.sync_copy(r_b, acc_s.at[didx_b], add=True)
        pltpu.sync_copy(w2.at[sl_b], den_s.at[didx_b], add=True)
        return carry

    lax.fori_loop(0, _NF // 2, pair_body, 0)

    toff = ebase + _NF * _K
    pltpu.sync_copy(eidx_h.at[pl.ds(toff, _TAIL)], tsi)
    pltpu.sync_copy(eidx_h.at[pl.ds(_E + toff, _TAIL)], tdi)
    pltpu.sync_copy(et_h.at[pl.ds(toff, _TAIL)], tti)
    pltpu.sync_copy(nfeat_h.at[tsi], trows)
    t16 = tti[pl.ds(0, 16)]
    pltpu.sync_copy(el_s.at[tsi], tel)
    pltpu.sync_copy(er_s.at[tdi], ter)
    elv = tel[pl.ds(0, 16)]
    erv = ter[pl.ds(0, 16)]
    wv = jnp.exp(elv + erv + plsc.load_gather(rel_v, [t16]))
    tw[pl.ds(0, 16)] = wv
    for l in range(16):
        ws = wv[l]
        for c in range(_D // 16):
            csl = pl.ds(c * 16, 16)
            trows[l, csl] = trows[l, csl] * ws
    pltpu.sync_copy(trows, acc_s.at[tdi], add=True)
    pltpu.sync_copy(tw, den_s.at[tdi], add=True)

    plsc.subcore_barrier()
    pltpu.sync_copy(acc_s.at[pl.ds(row0, _RPT)],
                    outp_h.at[cid, pl.ds(row0, _RPT)])

    @pl.when(sid == 0)
    def _den_out():
        pltpu.sync_copy(den_s, denp_h.at[pl.ds(cid * _NPAD, _NPAD)])


def kernel(nfeat, edge_index, edge_type, head_W, head_b, tail_W, tail_b,
           rel_weight):
    eidx = edge_index.astype(jnp.int32).reshape(-1)
    et = edge_type.astype(jnp.int32)

    wcat = (jnp.zeros((_D, 8), jnp.float32)
            .at[:, 0].set(head_W[0])
            .at[:, 1].set(tail_W[0]))
    bias = (jnp.zeros((1, 8), jnp.float32)
            .at[0, 0].set(head_b[0])
            .at[0, 1].set(tail_b[0]))
    scores = pl.pallas_call(
        _scores_body,
        grid=(_N // 2000,),
        in_specs=[pl.BlockSpec((2000, _D), lambda i: (i, 0)),
                  pl.BlockSpec((_D, 8), lambda i: (0, 0)),
                  pl.BlockSpec((1, 8), lambda i: (0, 0))],
        out_specs=pl.BlockSpec((2000, 8), lambda i: (i, 0)),
        out_shape=jax.ShapeDtypeStruct((_N, 8), jnp.float32),
    )(nfeat, wcat, bias)
    elp = jnp.zeros((_NPAD,), jnp.float32).at[:_N].set(scores[:, 0])
    erp = jnp.zeros((_NPAD,), jnp.float32).at[:_N].set(scores[:, 1])

    relpad = jnp.zeros((16,), jnp.float32).at[:4].set(rel_weight[:, 0])
    zrows = jnp.zeros((_RPT, _D), jnp.float32)
    zden = jnp.zeros((_NPAD,), jnp.float32)

    mesh = plsc.VectorSubcoreMesh(core_axis_name="c", subcore_axis_name="s",
                                  num_cores=_NC, num_subcores=_NS)
    outp, denp = pl.kernel(
        _sc_body,
        out_type=(jax.ShapeDtypeStruct((_NC, _NPAD, _D), jnp.float32),
                  jax.ShapeDtypeStruct((_NC * _NPAD,), jnp.float32)),
        mesh=mesh,
        compiler_params=pltpu.CompilerParams(needs_layout_passes=False),
        scratch_types=[
            pltpu.VMEM((16,), jnp.float32),
            pltpu.VMEM((_K,), jnp.int32),
            pltpu.VMEM((_K,), jnp.int32),
            pltpu.VMEM((_K,), jnp.int32),
            pltpu.VMEM((_K,), jnp.int32),
            pltpu.VMEM((2 * _K,), jnp.int32),
            pltpu.VMEM((2 * _K,), jnp.float32),
            pltpu.VMEM((2 * _K,), jnp.float32),
            pltpu.VMEM((2 * _K,), jnp.float32),
            pltpu.VMEM((2 * _K, _D), jnp.float32),
            pltpu.VMEM((_TAIL,), jnp.int32),
            pltpu.VMEM((_TAIL,), jnp.int32),
            pltpu.VMEM((_TAIL,), jnp.int32),
            pltpu.VMEM((_TAIL, _D), jnp.float32),
            pltpu.VMEM((_TAIL,), jnp.float32),
            pltpu.VMEM((_TAIL,), jnp.float32),
            pltpu.VMEM((_TAIL,), jnp.float32),
            pltpu.VMEM_SHARED((_NPAD,), jnp.float32),
            pltpu.VMEM_SHARED((_NPAD,), jnp.float32),
            pltpu.VMEM_SHARED((_NPAD, _D), jnp.float32),
            pltpu.VMEM_SHARED((_NPAD,), jnp.float32),
            pltpu.SemaphoreType.DMA,
            pltpu.SemaphoreType.DMA,
        ],
    )(nfeat, eidx, et, elp, erp, relpad, zrows, zden)

    dsum = denp.reshape(_NC, _NPAD, 1)
    out = pl.pallas_call(
        _finalize_body,
        grid=(_N // 400,),
        in_specs=[pl.BlockSpec((_NC, 400, _D), lambda i: (0, i, 0)),
                  pl.BlockSpec((_NC, 400, 1), lambda i: (0, i, 0))],
        out_specs=pl.BlockSpec((400, _D), lambda i: (i, 0)),
        out_shape=jax.ShapeDtypeStruct((_N, _D), jnp.float32),
    )(outp, dsum)
    return out

# --- scband reference (transcript-rebuilt; emitter-appended) ---
"""Pipeline reference for scband-rsrconv-29386166239302 (READ-ONLY COPY).

The authoritative reference and input builder live on the scoring server;
editing this copy changes nothing except your own understanding.
"""

import jax, jax.numpy as jnp
import numpy as np

N_NODES = 10000
N_EDGES = 320000
D_FEAT = 128
N_ETYPES = 4


def setup_inputs(seed: int = 0) -> dict:
    key = jax.random.key(seed)
    k1, k2, k3, k4, k5, k6, k7, k8 = jax.random.split(key, 8)
    nfeat = jax.random.normal(k1, (N_NODES, D_FEAT), dtype=jnp.float32)
    edge_index = jax.random.randint(k2, (2, N_EDGES), 0, N_NODES, dtype=jnp.int64)
    edge_type = jax.random.randint(k3, (N_EDGES,), 0, N_ETYPES, dtype=jnp.int64)
    gain = float(np.sqrt(2.0))  # relu gain
    std = gain * float(np.sqrt(2.0 / (D_FEAT + 1)))
    head_W = jax.random.normal(k4, (1, D_FEAT), dtype=jnp.float32) * std
    head_b = jnp.zeros((1,), dtype=jnp.float32)
    tail_W = jax.random.normal(k5, (1, D_FEAT), dtype=jnp.float32) * std
    tail_b = jnp.zeros((1,), dtype=jnp.float32)
    std_r = gain * float(np.sqrt(2.0 / (N_ETYPES + 1)))
    rel_weight = jax.random.normal(k6, (N_ETYPES, 1), dtype=jnp.float32) * std_r
    return {
        "nfeat": nfeat,
        "edge_index": edge_index,
        "edge_type": edge_type,
        "head_W": head_W,
        "head_b": head_b,
        "tail_W": tail_W,
        "tail_b": tail_b,
        "rel_weight": rel_weight,
    }


def reference(nfeat, edge_index, edge_type, head_W, head_b, tail_W, tail_b, rel_weight):
    src = edge_index[0]
    dst = edge_index[1]
    # per-node head/tail scalar scores (Linear(in_feats, 1))
    el = nfeat @ head_W.T + head_b  # [N, 1]
    er = nfeat @ tail_W.T + tail_b  # [N, 1]
    # edge logits: u_add_v plus per-relation bias
    a = el[src] + er[dst] + rel_weight[edge_type]  # [E, 1]
    a = a[:, 0]  # [E]
    # edge softmax grouped by destination node
    amax = jax.ops.segment_max(a, dst, num_segments=N_NODES)  # [N]
    amax = jnp.where(jnp.isfinite(amax), amax, 0.0)
    ea = jnp.exp(a - amax[dst])  # [E]
    denom = jax.ops.segment_sum(ea, dst, num_segments=N_NODES)  # [N]
    attn = ea / (denom[dst] + 1e-9)  # [E]
    # message passing: u_mul_e then sum at dst
    m = nfeat[src] * attn[:, None]  # [E, D]
    out = jax.ops.segment_sum(m, dst, num_segments=N_NODES)  # [N, D]
    return out

if __name__ == "__main__":
    import jax
    _d = setup_inputs()
    print(jax.jit(kernel)(*tuple(_d.values())))

</pallas_src>

<mosaic_0001>
#map = affine_map<(d0, d1) -> (0, 0)>
#map1 = affine_map<(d0, d1) -> (0)>
#map2 = affine_map<(d0, d1) -> (0, 0, 0)>
module attributes {stable_mosaic.version = 14 : i64} {
  func.func @_sc_body(%arg0: i32, %arg1: i32, %arg2: memref<10000x128xf32, #tpu.memory_space<hbm>>, %arg3: memref<640000xi32, #tpu.memory_space<hbm>>, %arg4: memref<320000xi32, #tpu.memory_space<hbm>>, %arg5: memref<10112xf32, #tpu.memory_space<hbm>>, %arg6: memref<10112xf32, #tpu.memory_space<hbm>>, %arg7: memref<16xf32, #tpu.memory_space<hbm>>, %arg8: memref<632x128xf32, #tpu.memory_space<hbm>>, %arg9: memref<10112xf32, #tpu.memory_space<hbm>>, %arg10: memref<2x10112x128xf32, #tpu.memory_space<hbm>>, %arg11: memref<20224xf32, #tpu.memory_space<hbm>>, %arg12: memref<16xf32, #tpu.memory_space<vmem>>, %arg13: memref<128xi32, #tpu.memory_space<vmem>>, %arg14: memref<128xi32, #tpu.memory_space<vmem>>, %arg15: memref<128xi32, #tpu.memory_space<vmem>>, %arg16: memref<128xi32, #tpu.memory_space<vmem>>, %arg17: memref<256xi32, #tpu.memory_space<vmem>>, %arg18: memref<256xf32, #tpu.memory_space<vmem>>, %arg19: memref<256xf32, #tpu.memory_space<vmem>>, %arg20: memref<256xf32, #tpu.memory_space<vmem>>, %arg21: memref<256x128xf32, #tpu.memory_space<vmem>>, %arg22: memref<16xi32, #tpu.memory_space<vmem>>, %arg23: memref<16xi32, #tpu.memory_space<vmem>>, %arg24: memref<16xi32, #tpu.memory_space<vmem>>, %arg25: memref<16x128xf32, #tpu.memory_space<vmem>>, %arg26: memref<16xf32, #tpu.memory_space<vmem>>, %arg27: memref<16xf32, #tpu.memory_space<vmem>>, %arg28: memref<16xf32, #tpu.memory_space<vmem>>, %arg29: memref<10112xf32, #tpu.memory_space<vmem_shared>>, %arg30: memref<10112xf32, #tpu.memory_space<vmem_shared>>, %arg31: memref<10112x128xf32, #tpu.memory_space<vmem_shared>>, %arg32: memref<10112xf32, #tpu.memory_space<vmem_shared>>, %arg33: memref<!tpu.dma_semaphore, #tpu.memory_space<semaphore_mem>>, %arg34: memref<!tpu.dma_semaphore, #tpu.memory_space<semaphore_mem>>) attributes {dimension_semantics = [#tpu.dimension_semantics<core_parallel>, #tpu.dimension_semantics<subcore_parallel>], iteration_bounds = array<i64: 2, 16>, scalar_prefetch = 0 : i64, scratch_operands = 23 : i64, tpu.core_type = #tpu.core_type<sc_vector_subcore>, window_params = [{transform_indices = #map}, {transform_indices = #map1}, {transform_indices = #map1}, {transform_indices = #map1}, {transform_indices = #map1}, {transform_indices = #map1}, {transform_indices = #map}, {transform_indices = #map1}, {transform_indices = #map2}, {transform_indices = #map1}]} {
    %mul3A = arith.constant 16 : i32
    %mul3A_0 = arith.muli %arg0, %mul3A : i32
    %add3A = arith.addi %mul3A_0, %arg1 : i32
    %mul3A_1 = arith.constant 632 : i32
    %mul3A_2 = arith.muli %arg1, %mul3A_1 : i32
    %mul3A_3 = arith.constant 10000 : i32
    %mul3A_4 = arith.muli %add3A, %mul3A_3 : i32
    %add3A_5 = arith.constant 320000 : i32
    %add3A_6 = arith.addi %add3A_5, %mul3A_4 : i32
    "tpu.region"() ({
      %run_scoped3A = tpu.sem_alloc : memref<!tpu.dma_semaphore, #tpu.memory_space<semaphore_mem>>
      tpu.enqueue_dma source(%arg7 : memref<16xf32, #tpu.memory_space<hbm>>) target(%arg12 : memref<16xf32, #tpu.memory_space<vmem>>) target_semaphore(%run_scoped3A : memref<!tpu.dma_semaphore, #tpu.memory_space<semaphore_mem>>)
      tpu.wait_dma2 semaphore(%run_scoped3A : memref<!tpu.dma_semaphore, #tpu.memory_space<semaphore_mem>>) src(%arg7 : memref<16xf32, #tpu.memory_space<hbm>>) dst(%arg12 : memref<16xf32, #tpu.memory_space<vmem>>)
      tpu.yield
    }) : () -> ()
    %eq3A = arith.constant 0 : i32
    %eq3A_7 = arith.cmpi eq, %arg1, %eq3A : i32
    %convert_element_type3A = arith.extui %eq3A_7 : i1 to i32
    %cond3A = arith.constant 0 : i32
    %cond3A_8 = arith.cmpi ne, %convert_element_type3A, %cond3A : i32
    scf.if %cond3A_8 {
      "tpu.region"() ({
        %run_scoped3A = tpu.sem_alloc : memref<!tpu.dma_semaphore, #tpu.memory_space<semaphore_mem>>
        tpu.enqueue_dma source(%arg5 : memref<10112xf32, #tpu.memory_space<hbm>>) target(%arg29 : memref<10112xf32, #tpu.memory_space<vmem_shared>>) target_semaphore(%run_scoped3A : memref<!tpu.dma_semaphore, #tpu.memory_space<semaphore_mem>>)
        tpu.wait_dma2 semaphore(%run_scoped3A : memref<!tpu.dma_semaphore, #tpu.memory_space<semaphore_mem>>) src(%arg5 : memref<10112xf32, #tpu.memory_space<hbm>>) dst(%arg29 : memref<10112xf32, #tpu.memory_space<vmem_shared>>)
        tpu.yield
      }) : () -> ()
      "tpu.region"() ({
        %run_scoped3A = tpu.sem_alloc : memref<!tpu.dma_semaphore, #tpu.memory_space<semaphore_mem>>
        tpu.enqueue_dma source(%arg6 : memref<10112xf32, #tpu.memory_space<hbm>>) target(%arg30 : memref<10112xf32, #tpu.memory_space<vmem_shared>>) target_semaphore(%run_scoped3A : memref<!tpu.dma_semaphore, #tpu.memory_space<semaphore_mem>>)
        tpu.wait_dma2 semaphore(%run_scoped3A : memref<!tpu.dma_semaphore, #tpu.memory_space<semaphore_mem>>) src(%arg6 : memref<10112xf32, #tpu.memory_space<hbm>>) dst(%arg30 : memref<10112xf32, #tpu.memory_space<vmem_shared>>)
        tpu.yield
      }) : () -> ()
      "tpu.region"() ({
        %run_scoped3A = tpu.sem_alloc : memref<!tpu.dma_semaphore, #tpu.memory_space<semaphore_mem>>
        tpu.enqueue_dma source(%arg9 : memref<10112xf32, #tpu.memory_space<hbm>>) target(%arg32 : memref<10112xf32, #tpu.memory_space<vmem_shared>>) target_semaphore(%run_scoped3A : memref<!tpu.dma_semaphore, #tpu.memory_space<semaphore_mem>>)
        tpu.wait_dma2 semaphore(%run_scoped3A : memref<!tpu.dma_semaphore, #tpu.memory_space<semaphore_mem>>) src(%arg9 : memref<10112xf32, #tpu.memory_space<hbm>>) dst(%arg32 : memref<10112xf32, #tpu.memory_space<vmem_shared>>)
        tpu.yield
      }) : () -> ()
    } else {
    }
    "tpu.region"() ({
      %run_scoped3A = tpu.sem_alloc : memref<!tpu.dma_semaphore, #tpu.memory_space<semaphore_mem>>
      %dma_start3A = arith.constant 0 : i32
      %dma_start3A_1342 = tpu.memref_slice %arg31[%mul3A_2, %dma_start3A] : memref<10112x128xf32, #tpu.memory_space<vmem_shared>> -> memref<632x128xf32, #tpu.memory_space<vmem_shared>>
      tpu.enqueue_dma source(%arg8 : memref<632x128xf32, #tpu.memory_space<hbm>>) target(%dma_start3A_1342 : memref<632x128xf32, #tpu.memory_space<vmem_shared>>) target_semaphore(%run_scoped3A : memref<!tpu.dma_semaphore, #tpu.memory_space<semaphore_mem>>)
      %dma_wait3A = arith.constant 0 : i32
      %dma_wait3A_1343 = tpu.memref_slice %arg31[%mul3A_2, %dma_wait3A] : memref<10112x128xf32, #tpu.memory_space<vmem_shared>> -> memref<632x128xf32, #tpu.memory_space<vmem_shared>>
      tpu.wait_dma2 semaphore(%run_scoped3A : memref<!tpu.dma_semaphore, #tpu.memory_space<semaphore_mem>>) src(%arg8 : memref<632x128xf32, #tpu.memory_space<hbm>>) dst(%dma_wait3A_1343 : memref<632x128xf32, #tpu.memory_space<vmem_shared>>)
      tpu.yield
    }) : () -> ()
    %barrier3A = arith.constant 0 : index
    tpu.barrier barrier_id(%barrier3A)
    %scan3A = arith.constant 0 : i32
    %scan3A_9 = arith.constant 0 : i32
    %scan3A_10 = arith.constant 39 : i32
    %scan3A_11 = arith.addi %scan3A_9, %scan3A_10 : i32
    %scan3A_12 = arith.constant 1 : i32
    scf.for %scan3A_1342 = %scan3A_9 to %scan3A_11 step %scan3A_12  : i32 {
      %mul3A_1343 = arith.constant 2 : i32
      %mul3A_1344 = arith.muli %mul3A_1343, %scan3A_1342 : i32
      %mul3A_1345 = arith.constant 128 : i32
      %mul3A_1346 = arith.muli %mul3A_1344, %mul3A_1345 : i32
      %add3A_1347 = arith.addi %mul3A_4, %mul3A_1346 : i32
      "tpu.region"() ({
        %run_scoped3A = tpu.sem_alloc : memref<!tpu.dma_semaphore, #tpu.memory_space<semaphore_mem>>
        %dma_start3A_1393 = tpu.memref_slice %arg3[%add3A_1347] : memref<640000xi32, #tpu.memory_space<hbm>> -> memref<128xi32, #tpu.memory_space<hbm>>
        %dma_start3A_1394 = tpu.memref_slice %arg3[%add3A_1347] : memref<640000xi32, #tpu.memory_space<hbm>> -> memref<128xi32, #tpu.memory_space<hbm>>
        tpu.enqueue_dma source(%dma_start3A_1394 : memref<128xi32, #tpu.memory_space<hbm>>) target(%arg13 : memref<128xi32, #tpu.memory_space<vmem>>) target_semaphore(%run_scoped3A : memref<!tpu.dma_semaphore, #tpu.memory_space<semaphore_mem>>)
        %dma_wait3A_1395 = tpu.memref_slice %arg3[%add3A_1347] : memref<640000xi32, #tpu.memory_space<hbm>> -> memref<128xi32, #tpu.memory_space<hbm>>
        %dma_wait3A_1396 = tpu.memref_slice %arg3[%add3A_1347] : memref<640000xi32, #tpu.memory_space<hbm>> -> memref<128xi32, #tpu.memory_space<hbm>>
        tpu.wait_dma2 semaphore(%run_scoped3A : memref<!tpu.dma_semaphore, #tpu.memory_space<semaphore_mem>>) src(%dma_wait3A_1396 : memref<128xi32, #tpu.memory_space<hbm>>) dst(%arg13 : memref<128xi32, #tpu.memory_space<vmem>>)
        tpu.yield
      }) : () -> ()
      %add3A_1348 = arith.constant 320000 : i32
      %add3A_1349 = arith.addi %add3A_1348, %add3A_1347 : i32
      "tpu.region"() ({
        %run_scoped3A = tpu.sem_alloc : memref<!tpu.dma_semaphore, #tpu.memory_space<semaphore_mem>>
        %dma_start3A_1393 = tpu.memref_slice %arg3[%add3A_1349] : memref<640000xi32, #tpu.memory_space<hbm>> -> memref<128xi32, #tpu.memory_space<hbm>>
        %dma_start3A_1394 = tpu.memref_slice %arg3[%add3A_1349] : memref<640000xi32, #tpu.memory_space<hbm>> -> memref<128xi32, #tpu.memory_space<hbm>>
        tpu.enqueue_dma source(%dma_start3A_1394 : memref<128xi32, #tpu.memory_space<hbm>>) target(%arg15 : memref<128xi32, #tpu.memory_space<vmem>>) target_semaphore(%run_scoped3A : memref<!tpu.dma_semaphore, #tpu.memory_space<semaphore_mem>>)
        %dma_wait3A_1395 = tpu.memref_slice %arg3[%add3A_1349] : memref<640000xi32, #tpu.memory_space<hbm>> -> memref<128xi32, #tpu.memory_space<hbm>>
        %dma_wait3A_1396 = tpu.memref_slice %arg3[%add3A_1349] : memref<640000xi32, #tpu.memory_space<hbm>> -> memref<128xi32, #tpu.memory_space<hbm>>
        tpu.wait_dma2 semaphore(%run_scoped3A : memref<!tpu.dma_semaphore, #tpu.memory_space<semaphore_mem>>) src(%dma_wait3A_1396 : memref<128xi32, #tpu.memory_space<hbm>>) dst(%arg15 : memref<128xi32, #tpu.memory_space<vmem>>)
        tpu.yield
      }) : () -> ()
      "tpu.region"() ({
        %run_scoped3A = tpu.sem_alloc : memref<!tpu.dma_semaphore, #tpu.memory_space<semaphore_mem>>
        %dma_start3A_1393 = arith.constant 0 : i32
        %dma_start3A_1394 = tpu.memref_slice %arg17[%dma_start3A_1393] : memref<256xi32, #tpu.memory_space<vmem>> -> memref<128xi32, #tpu.memory_space<vmem>>
        %dma_start3A_1395 = tpu.memref_slice %arg4[%add3A_1347] : memref<320000xi32, #tpu.memory_space<hbm>> -> memref<128xi32, #tpu.memory_space<hbm>>
        %dma_start3A_1396 = arith.constant 0 : i32
        %dma_start3A_1397 = tpu.memref_slice %arg17[%dma_start3A_1396] : memref<256xi32, #tpu.memory_space<vmem>> -> memref<128xi32, #tpu.memory_space<vmem>>
        %dma_start3A_1398 = tpu.memref_slice %arg4[%add3A_1347] : memref<320000xi32, #tpu.memory_space<hbm>> -> memref<128xi32, #tpu.memory_space<hbm>>
        tpu.enqueue_dma source(%dma_start3A_1398 : memref<128xi32, #tpu.memory_space<hbm>>) target(%dma_start3A_1397 : memref<128xi32, #tpu.memory_space<vmem>>) target_semaphore(%run_scoped3A : memref<!tpu.dma_semaphore, #tpu.memory_space<semaphore_mem>>)
        %dma_wait3A_1399 = arith.constant 0 : i32
        %dma_wait3A_1400 = tpu.memref_slice %arg17[%dma_wait3A_1399] : memref<256xi32, #tpu.memory_space<vmem>> -> memref<128xi32, #tpu.memory_space<vmem>>
        %dma_wait3A_1401 = tpu.memref_slice %arg4[%add3A_1347] : memref<320000xi32, #tpu.memory_space<hbm>> -> memref<128xi32, #tpu.memory_space<hbm>>
        %dma_wait3A_1402 = arith.constant 0 : i32
        %dma_wait3A_1403 = tpu.memref_slice %arg17[%dma_wait3A_1402] : memref<256xi32, #tpu.memory_space<vmem>> -> memref<128xi32, #tpu.memory_space<vmem>>
        %dma_wait3A_1404 = tpu.memref_slice %arg4[%add3A_1347] : memref<320000xi32, #tpu.memory_space<hbm>> -> memref<128xi32, #tpu.memory_space<hbm>>
        tpu.wait_dma2 semaphore(%run_scoped3A : memref<!tpu.dma_semaphore, #tpu.memory_space<semaphore_mem>>) src(%dma_wait3A_1404 : memref<128xi32, #tpu.memory_space<hbm>>) dst(%dma_wait3A_1403 : memref<128xi32, #tpu.memory_space<vmem>>)
        tpu.yield
      }) : () -> ()
      %mul3A_1350 = arith.constant 2 : i32
      %mul3A_1351 = arith.muli %mul3A_1350, %scan3A_1342 : i32
      %add3A_1352 = arith.constant 1 : i32
      %add3A_1353 = arith.addi %mul3A_1351, %add3A_1352 : i32
      %mul3A_1354 = arith.constant 128 : i32
      %mul3A_1355 = arith.muli %add3A_1353, %mul3A_1354 : i32
      %add3A_1356 = arith.addi %mul3A_4, %mul3A_1355 : i32
      "tpu.region"() ({
        %run_scoped3A = tpu.sem_alloc : memref<!tpu.dma_semaphore, #tpu.memory_space<semaphore_mem>>
        %dma_start3A_1393 = tpu.memref_slice %arg3[%add3A_1356] : memref<640000xi32, #tpu.memory_space<hbm>> -> memref<128xi32, #tpu.memory_space<hbm>>
        %dma_start3A_1394 = tpu.memref_slice %arg3[%add3A_1356] : memref<640000xi32, #tpu.memory_space<hbm>> -> memref<128xi32, #tpu.memory_space<hbm>>
        tpu.enqueue_dma source(%dma_start3A_1394 : memref<128xi32, #tpu.memory_space<hbm>>) target(%arg14 : memref<128xi32, #tpu.memory_space<vmem>>) target_semaphore(%run_scoped3A : memref<!tpu.dma_semaphore, #tpu.memory_space<semaphore_mem>>)
        %dma_wait3A_1395 = tpu.memref_slice %arg3[%add3A_1356] : memref<640000xi32, #tpu.memory_space<hbm>> -> memref<128xi32, #tpu.memory_space<hbm>>
        %dma_wait3A_1396 = tpu.memref_slice %arg3[%add3A_1356] : memref<640000xi32, #tpu.memory_space<hbm>> -> memref<128xi32, #tpu.memory_space<hbm>>
        tpu.wait_dma2 semaphore(%run_scoped3A : memref<!tpu.dma_semaphore, #tpu.memory_space<semaphore_mem>>) src(%dma_wait3A_1396 : memref<128xi32, #tpu.memory_space<hbm>>) dst(%arg14 : memref<128xi32, #tpu.memory_space<vmem>>)
        tpu.yield
      }) : () -> ()
      %add3A_1357 = arith.constant 320000 : i32
      %add3A_1358 = arith.addi %add3A_1357, %add3A_1356 : i32
      "tpu.region"() ({
        %run_scoped3A = tpu.sem_alloc : memref<!tpu.dma_semaphore, #tpu.memory_space<semaphore_mem>>
        %dma_start3A_1393 = tpu.memref_slice %arg3[%add3A_1358] : memref<640000xi32, #tpu.memory_space<hbm>> -> memref<128xi32, #tpu.memory_space<hbm>>
        %dma_start3A_1394 = tpu.memref_slice %arg3[%add3A_1358] : memref<640000xi32, #tpu.memory_space<hbm>> -> memref<128xi32, #tpu.memory_space<hbm>>
        tpu.enqueue_dma source(%dma_start3A_1394 : memref<128xi32, #tpu.memory_space<hbm>>) target(%arg16 : memref<128xi32, #tpu.memory_space<vmem>>) target_semaphore(%run_scoped3A : memref<!tpu.dma_semaphore, #tpu.memory_space<semaphore_mem>>)
        %dma_wait3A_1395 = tpu.memref_slice %arg3[%add3A_1358] : memref<640000xi32, #tpu.memory_space<hbm>> -> memref<128xi32, #tpu.memory_space<hbm>>
        %dma_wait3A_1396 = tpu.memref_slice %arg3[%add3A_1358] : memref<640000xi32, #tpu.memory_space<hbm>> -> memref<128xi32, #tpu.memory_space<hbm>>
        tpu.wait_dma2 semaphore(%run_scoped3A : memref<!tpu.dma_semaphore, #tpu.memory_space<semaphore_mem>>) src(%dma_wait3A_1396 : memref<128xi32, #tpu.memory_space<hbm>>) dst(%arg16 : memref<128xi32, #tpu.memory_space<vmem>>)
        tpu.yield
      }) : () -> ()
      "tpu.region"() ({
        %run_scoped3A = tpu.sem_alloc : memref<!tpu.dma_semaphore, #tpu.memory_space<semaphore_mem>>
        %dma_start3A_1393 = arith.constant 128 : i32
        %dma_start3A_1394 = tpu.memref_slice %arg17[%dma_start3A_1393] : memref<256xi32, #tpu.memory_space<vmem>> -> memref<128xi32, #tpu.memory_space<vmem>>
        %dma_start3A_1395 = tpu.memref_slice %arg4[%add3A_1356] : memref<320000xi32, #tpu.memory_space<hbm>> -> memref<128xi32, #tpu.memory_space<hbm>>
        %dma_start3A_1396 = arith.constant 128 : i32
        %dma_start3A_1397 = tpu.memref_slice %arg17[%dma_start3A_1396] : memref<256xi32, #tpu.memory_space<vmem>> -> memref<128xi32, #tpu.memory_space<vmem>>
        %dma_start3A_1398 = tpu.memref_slice %arg4[%add3A_1356] : memref<320000xi32, #tpu.memory_space<hbm>> -> memref<128xi32, #tpu.memory_space<hbm>>
        tpu.enqueue_dma source(%dma_start3A_1398 : memref<128xi32, #tpu.memory_space<hbm>>) target(%dma_start3A_1397 : memref<128xi32, #tpu.memory_space<vmem>>) target_semaphore(%run_scoped3A : memref<!tpu.dma_semaphore, #tpu.memory_space<semaphore_mem>>)
        %dma_wait3A_1399 = arith.constant 128 : i32
        %dma_wait3A_1400 = tpu.memref_slice %arg17[%dma_wait3A_1399] : memref<256xi32, #tpu.memory_space<vmem>> -> memref<128xi32, #tpu.memory_space<vmem>>
        %dma_wait3A_1401 = tpu.memref_slice %arg4[%add3A_1356] : memref<320000xi32, #tpu.memory_space<hbm>> -> memref<128xi32, #tpu.memory_space<hbm>>
        %dma_wait3A_1402 = arith.constant 128 : i32
        %dma_wait3A_1403 = tpu.memref_slice %arg17[%dma_wait3A_1402] : memref<256xi32, #tpu.memory_space<vmem>> -> memref<128xi32, #tpu.memory_space<vmem>>
        %dma_wait3A_1404 = tpu.memref_slice %arg4[%add3A_1356] : memref<320000xi32, #tpu.memory_space<hbm>> -> memref<128xi32, #tpu.memory_space<hbm>>
        tpu.wait_dma2 semaphore(%run_scoped3A : memref<!tpu.dma_semaphore, #tpu.memory_space<semaphore_mem>>) src(%dma_wait3A_1404 : memref<128xi32, #tpu.memory_space<hbm>>) dst(%dma_wait3A_1403 : memref<128xi32, #tpu.memory_space<vmem>>)
        tpu.yield
      }) : () -> ()
      %dma_start3A = arith.constant 0 : i32
      %dma_start3A_1359 = arith.constant 0 : i32
      %dma_start3A_1360 = tpu.memref_slice %arg21[%dma_start3A, %dma_start3A_1359] : memref<256x128xf32, #tpu.memory_space<vmem>> -> memref<128x128xf32, #tpu.memory_space<vmem>>
      %dma_start3A_1361 = arith.constant 0 : i32
      %dma_start3A_1362 = arith.constant 0 : i32
      %dma_start3A_1363 = tpu.memref_slice %arg2[%dma_start3A_1361, %dma_start3A_1362] : memref<10000x128xf32, #tpu.memory_space<hbm>> -> memref<10000x128xf32, #tpu.memory_space<hbm>>
      tpu.enqueue_indirect_dma source(%dma_start3A_1363 : memref<10000x128xf32, #tpu.memory_space<hbm>>) target(%dma_start3A_1360 : memref<128x128xf32, #tpu.memory_space<vmem>>) offsets(%arg13 : memref<128xi32, #tpu.memory_space<vmem>>) semaphore(%arg33 : memref<!tpu.dma_semaphore, #tpu.memory_space<semaphore_mem>>)
      %dma_start3A_1364 = arith.constant 128 : i32
      %dma_start3A_1365 = arith.constant 0 : i32
      %dma_start3A_1366 = tpu.memref_slice %arg21[%dma_start3A_1364, %dma_start3A_1365] : memref<256x128xf32, #tpu.memory_space<vmem>> -> memref<128x128xf32, #tpu.memory_space<vmem>>
      %dma_start3A_1367 = arith.constant 0 : i32
      %dma_start3A_1368 = arith.constant 0 : i32
      %dma_start3A_1369 = tpu.memref_slice %arg2[%dma_start3A_1367, %dma_start3A_1368] : memref<10000x128xf32, #tpu.memory_space<hbm>> -> memref<10000x128xf32, #tpu.memory_space<hbm>>
      tpu.enqueue_indirect_dma source(%dma_start3A_1369 : memref<10000x128xf32, #tpu.memory_space<hbm>>) target(%dma_start3A_1366 : memref<128x128xf32, #tpu.memory_space<vmem>>) offsets(%arg14 : memref<128xi32, #tpu.memory_space<vmem>>) semaphore(%arg34 : memref<!tpu.dma_semaphore, #tpu.memory_space<semaphore_mem>>)
      "tpu.region"() ({
        %run_scoped3A = tpu.sem_alloc : memref<!tpu.dma_semaphore, #tpu.memory_space<semaphore_mem>>
        %dma_start3A_1393 = arith.constant 0 : i32
        %dma_start3A_1394 = tpu.memref_slice %arg18[%dma_start3A_1393] : memref<256xf32, #tpu.memory_space<vmem>> -> memref<128xf32, #tpu.memory_space<vmem>>
        %dma_start3A_1395 = arith.constant 0 : i32
        %dma_start3A_1396 = tpu.memref_slice %arg29[%dma_start3A_1395] : memref<10112xf32, #tpu.memory_space<vmem_shared>> -> memref<10112xf32, #tpu.memory_space<vmem_shared>>
        tpu.enqueue_indirect_dma source(%dma_start3A_1396 : memref<10112xf32, #tpu.memory_space<vmem_shared>>) target(%dma_start3A_1394 : memref<128xf32, #tpu.memory_space<vmem>>) offsets(%arg13 : memref<128xi32, #tpu.memory_space<vmem>>) semaphore(%run_scoped3A : memref<!tpu.dma_semaphore, #tpu.memory_space<semaphore_mem>>)
        %dma_wait3A_1397 = arith.constant 0 : i32
        %dma_wait3A_1398 = tpu.memref_slice %arg18[%dma_wait3A_1397] : memref<256xf32, #tpu.memory_space<vmem>> -> memref<128xf32, #tpu.memory_space<vmem>>
        %dma_wait3A_1399 = arith.constant 0 : i32
        %dma_wait3A_1400 = tpu.memref_slice %arg29[%dma_wait3A_1399] : memref<10112xf32, #tpu.memory_space<vmem_shared>> -> memref<10112xf32, #tpu.memory_space<vmem_shared>>
        tpu.wait_indirect_dma semaphore(%run_scoped3A : memref<!tpu.dma_semaphore, #tpu.memory_space<semaphore_mem>>) src(%dma_wait3A_1400 : memref<10112xf32, #tpu.memory_space<vmem_shared>>) dst(%dma_wait3A_1398 : memref<128xf32, #tpu.memory_space<vmem>>)
        tpu.yield
      }) : () -> ()
      "tpu.region"() ({
        %run_scoped3A = tpu.sem_alloc : memref<!tpu.dma_semaphore, #tpu.memory_space<semaphore_mem>>
        %dma_start3A_1393 = arith.constant 0 : i32
        %dma_start3A_1394 = tpu.memref_slice %arg19[%dma_start3A_1393] : memref<256xf32, #tpu.memory_space<vmem>> -> memref<128xf32, #tpu.memory_space<vmem>>
        %dma_start3A_1395 = arith.constant 0 : i32
        %dma_start3A_1396 = tpu.memref_slice %arg30[%dma_start3A_1395] : memref<10112xf32, #tpu.memory_space<vmem_shared>> -> memref<10112xf32, #tpu.memory_space<vmem_shared>>
        tpu.enqueue_indirect_dma source(%dma_start3A_1396 : memref<10112xf32, #tpu.memory_space<vmem_shared>>) target(%dma_start3A_1394 : memref<128xf32, #tpu.memory_space<vmem>>) offsets(%arg15 : memref<128xi32, #tpu.memory_space<vmem>>) semaphore(%run_scoped3A : memref<!tpu.dma_semaphore, #tpu.memory_space<semaphore_mem>>)
        %dma_wait3A_1397 = arith.constant 0 : i32
        %dma_wait3A_1398 = tpu.memref_slice %arg19[%dma_wait3A_1397] : memref<256xf32, #tpu.memory_space<vmem>> -> memref<128xf32, #tpu.memory_space<vmem>>
        %dma_wait3A_1399 = arith.constant 0 : i32
        %dma_wait3A_1400 = tpu.memref_slice %arg30[%dma_wait3A_1399] : memref<10112xf32, #tpu.memory_space<vmem_shared>> -> memref<10112xf32, #tpu.memory_space<vmem_shared>>
        tpu.wait_indirect_dma semaphore(%run_scoped3A : memref<!tpu.dma_semaphore, #tpu.memory_space<semaphore_mem>>) src(%dma_wait3A_1400 : memref<10112xf32, #tpu.memory_space<vmem_shared>>) dst(%dma_wait3A_1398 : memref<128xf32, #tpu.memory_space<vmem>>)
        tpu.yield
      }) : () -> ()
      "tpu.region"() ({
        %run_scoped3A = tpu.sem_alloc : memref<!tpu.dma_semaphore, #tpu.memory_space<semaphore_mem>>
        %dma_start3A_1393 = arith.constant 128 : i32
        %dma_start3A_1394 = tpu.memref_slice %arg18[%dma_start3A_1393] : memref<256xf32, #tpu.memory_space<vmem>> -> memref<128xf32, #tpu.memory_space<vmem>>
        %dma_start3A_1395 = arith.constant 0 : i32
        %dma_start3A_1396 = tpu.memref_slice %arg29[%dma_start3A_1395] : memref<10112xf32, #tpu.memory_space<vmem_shared>> -> memref<10112xf32, #tpu.memory_space<vmem_shared>>
        tpu.enqueue_indirect_dma source(%dma_start3A_1396 : memref<10112xf32, #tpu.memory_space<vmem_shared>>) target(%dma_start3A_1394 : memref<128xf32, #tpu.memory_space<vmem>>) offsets(%arg14 : memref<128xi32, #tpu.memory_space<vmem>>) semaphore(%run_scoped3A : memref<!tpu.dma_semaphore, #tpu.memory_space<semaphore_mem>>)
        %dma_wait3A_1397 = arith.constant 128 : i32
        %dma_wait3A_1398 = tpu.memref_slice %arg18[%dma_wait3A_1397] : memref<256xf32, #tpu.memory_space<vmem>> -> memref<128xf32, #tpu.memory_space<vmem>>
        %dma_wait3A_1399 = arith.constant 0 : i32
        %dma_wait3A_1400 = tpu.memref_slice %arg29[%dma_wait3A_1399] : memref<10112xf32, #tpu.memory_space<vmem_shared>> -> memref<10112xf32, #tpu.memory_space<vmem_shared>>
        tpu.wait_indirect_dma semaphore(%run_scoped3A : memref<!tpu.dma_semaphore, #tpu.memory_space<semaphore_mem>>) src(%dma_wait3A_1400 : memref<10112xf32, #tpu.memory_space<vmem_shared>>) dst(%dma_wait3A_1398 : memref<128xf32, #tpu.memory_space<vmem>>)
        tpu.yield
      }) : () -> ()
      "tpu.region"() ({
        %run_scoped3A = tpu.sem_alloc : memref<!tpu.dma_semaphore, #tpu.memory_space<semaphore_mem>>
        %dma_start3A_1393 = arith.constant 128 : i32
        %dma_start3A_1394 = tpu.memref_slice %arg19[%dma_start3A_1393] : memref<256xf32, #tpu.memory_space<vmem>> -> memref<128xf32, #tpu.memory_space<vmem>>
        %dma_start3A_1395 = arith.constant 0 : i32
        %dma_start3A_1396 = tpu.memref_slice %arg30[%dma_start3A_1395] : memref<10112xf32, #tpu.memory_space<vmem_shared>> -> memref<10112xf32, #tpu.memory_space<vmem_shared>>
        tpu.enqueue_indirect_dma source(%dma_start3A_1396 : memref<10112xf32, #tpu.memory_space<vmem_shared>>) target(%dma_start3A_1394 : memref<128xf32, #tpu.memory_space<vmem>>) offsets(%arg16 : memref<128xi32, #tpu.memory_space<vmem>>) semaphore(%run_scoped3A : memref<!tpu.dma_semaphore, #tpu.memory_space<semaphore_mem>>)
        %dma_wait3A_1397 = arith.constant 128 : i32
        %dma_wait3A_1398 = tpu.memref_slice %arg19[%dma_wait3A_1397] : memref<256xf32, #tpu.memory_space<vmem>> -> memref<128xf32, #tpu.memory_space<vmem>>
        %dma_wait3A_1399 = arith.constant 0 : i32
        %dma_wait3A_1400 = tpu.memref_slice %arg30[%dma_wait3A_1399] : memref<10112xf32, #tpu.memory_space<vmem_shared>> -> memref<10112xf32, #tpu.memory_space<vmem_shared>>
        tpu.wait_indirect_dma semaphore(%run_scoped3A : memref<!tpu.dma_semaphore, #tpu.memory_space<semaphore_mem>>) src(%dma_wait3A_1400 : memref<10112xf32, #tpu.memory_space<vmem_shared>>) dst(%dma_wait3A_1398 : memref<128xf32, #tpu.memory_space<vmem>>)
        tpu.yield
      }) : () -> ()
      %dma_wait3A = arith.constant 0 : i32
      %dma_wait3A_1370 = arith.constant 0 : i32
      %dma_wait3A_1371 = tpu.memref_slice %arg21[%dma_wait3A, %dma_wait3A_1370] : memref<256x128xf32, #tpu.memory_space<vmem>> -> memref<128x128xf32, #tpu.memory_space<vmem>>
      %dma_wait3A_1372 = arith.constant 0 : i32
      %dma_wait3A_1373 = arith.constant 0 : i32
      %dma_wait3A_1374 = tpu.memref_slice %arg2[%dma_wait3A_1372, %dma_wait3A_1373] : memref<10000x128xf32, #tpu.memory_space<hbm>> -> memref<10000x128xf32, #tpu.memory_space<hbm>>
      tpu.wait_indirect_dma semaphore(%arg33 : memref<!tpu.dma_semaphore, #tpu.memory_space<semaphore_mem>>) src(%dma_wait3A_1374 : memref<10000x128xf32, #tpu.memory_space<hbm>>) dst(%dma_wait3A_1371 : memref<128x128xf32, #tpu.memory_space<vmem>>)
      %scan3A_1375 = arith.constant 0 : i32
      %scan3A_1376 = arith.constant 0 : i32
      %scan3A_1377 = arith.constant 8 : i32
      %scan3A_1378 = arith.addi %scan3A_1376, %scan3A_1377 : i32
      %scan3A_1379 = arith.constant 1 : i32
      scf.for %scan3A_1393 = %scan3A_1376 to %scan3A_1378 step %scan3A_1379  : i32 {
        %mul3A_1394 = arith.constant 16 : i32
        %mul3A_1395 = arith.muli %scan3A_1393, %mul3A_1394 : i32
        %add3A_1396 = arith.constant 0 : i32
        %add3A_1397 = arith.addi %add3A_1396, %mul3A_1395 : i32
        %get3A_1398 = arith.index_cast %add3A_1397 : i32 to index
        %get3A_1399 = tpu.vector_load %arg17[%get3A_1398] {strides = array<i32>} : memref<256xi32, #tpu.memory_space<vmem>>, vector<16xi32>,
        %get3A_1400 = arith.index_cast %add3A_1397 : i32 to index
        %get3A_1401 = tpu.vector_load %arg18[%get3A_1400] {strides = array<i32>} : memref<256xf32, #tpu.memory_space<vmem>>, vector<16xf32>,
        %get3A_1402 = arith.index_cast %add3A_1397 : i32 to index
        %get3A_1403 = tpu.vector_load %arg19[%get3A_1402] {strides = array<i32>} : memref<256xf32, #tpu.memory_space<vmem>>, vector<16xf32>,
        %add3A_1404 = arith.addf %get3A_1401, %get3A_1403 : vector<16xf32>
        %gather3A_1405 = tpu.vector_load_idx %arg12[%get3A_1399] : memref<16xf32, #tpu.memory_space<vmem>>[vector<16xi32>], vector<16xf32>,
        %add3A_1406 = arith.addf %add3A_1404, %gather3A_1405 : vector<16xf32>
        %exp3A_1407 = math.exp %add3A_1406 : vector<16xf32>
        %swap3A_1408 = arith.index_cast %add3A_1397 : i32 to index
        %swap3A_1409 = tpu.vector_load %arg20[%swap3A_1408] {strides = array<i32>} : memref<256xf32, #tpu.memory_space<vmem>>, vector<16xf32>,
        tpu.vector_store %arg20[%swap3A_1408], %exp3A_1407 {strides = array<i32>} : memref<256xf32, #tpu.memory_space<vmem>>, vector<16xf32>,
        %mul3A_1410 = arith.constant 16 : i32
        %mul3A_1411 = arith.muli %scan3A_1393, %mul3A_1410 : i32
        %add3A_1412 = arith.constant 0 : i32
        %add3A_1413 = arith.addi %add3A_1412, %mul3A_1411 : i32
        %slice3A_1414 = vector.extract_strided_slice %exp3A_1407 {offsets = [0], sizes = [1], strides = [1]} : vector<16xf32> to vector<1xf32>
        %squeeze3A_1415 = vector.extract %slice3A_1414[0] : f32 from vector<1xf32>
        %add3A_1416 = arith.constant 0 : i32
        %add3A_1417 = arith.addi %add3A_1413, %add3A_1416 : i32
        %get3A_1418 = arith.index_cast %add3A_1417 : i32 to index
        %get3A_1419 = arith.constant 0 : index
        %get3A_1420 = tpu.vector_load %arg21[%get3A_1418, %get3A_1419] {strides = array<i32>} : memref<256x128xf32, #tpu.memory_space<vmem>>, vector<16xf32>,
        %mul3A_1421 = vector.broadcast %squeeze3A_1415 : f32 to vector<16xf32>
        %mul3A_1422 = arith.mulf %get3A_1420, %mul3A_1421 : vector<16xf32>
        %add3A_1423 = arith.constant 0 : i32
        %add3A_1424 = arith.addi %add3A_1413, %add3A_1423 : i32
        %swap3A_1425 = arith.index_cast %add3A_1424 : i32 to index
        %swap3A_1426 = arith.constant 0 : index
        %swap3A_1427 = tpu.vector_load %arg21[%swap3A_1425, %swap3A_1426] {strides = array<i32>} : memref<256x128xf32, #tpu.memory_space<vmem>>, vector<16xf32>,
        tpu.vector_store %arg21[%swap3A_1425, %swap3A_1426], %mul3A_1422 {strides = array<i32>} : memref<256x128xf32, #tpu.memory_space<vmem>>, vector<16xf32>,
        %add3A_1428 = arith.constant 0 : i32
        %add3A_1429 = arith.addi %add3A_1413, %add3A_1428 : i32
        %get3A_1430 = arith.index_cast %add3A_1429 : i32 to index
        %get3A_1431 = arith.constant 16 : index
        %get3A_1432 = tpu.vector_load %arg21[%get3A_1430, %get3A_1431] {strides = array<i32>} : memref<256x128xf32, #tpu.memory_space<vmem>>, vector<16xf32>,
        %mul3A_1433 = vector.broadcast %squeeze3A_1415 : f32 to vector<16xf32>
        %mul3A_1434 = arith.mulf %get3A_1432, %mul3A_1433 : vector<16xf32>
        %add3A_1435 = arith.constant 0 : i32
        %add3A_1436 = arith.addi %add3A_1413, %add3A_1435 : i32
        %swap3A_1437 = arith.index_cast %add3A_1436 : i32 to index
        %swap3A_1438 = arith.constant 16 : index
        %swap3A_1439 = tpu.vector_load %arg21[%swap3A_1437, %swap3A_1438] {strides = array<i32>} : memref<256x128xf32, #tpu.memory_space<vmem>>, vector<16xf32>,
        tpu.vector_store %arg21[%swap3A_1437, %swap3A_1438], %mul3A_1434 {strides = array<i32>} : memref<256x128xf32, #tpu.memory_space<vmem>>, vector<16xf32>,
        %add3A_1440 = arith.constant 0 : i32
        %add3A_1441 = arith.addi %add3A_1413, %add3A_1440 : i32
        %get3A_1442 = arith.index_cast %add3A_1441 : i32 to index
        %get3A_1443 = arith.constant 32 : index
        %get3A_1444 = tpu.vector_load %arg21[%get3A_1442, %get3A_1443] {strides = array<i32>} : memref<256x128xf32, #tpu.memory_space<vmem>>, vector<16xf32>,
        %mul3A_1445 = vector.broadcast %squeeze3A_1415 : f32 to vector<16xf32>
        %mul3A_1446 = arith.mulf %get3A_1444, %mul3A_1445 : vector<16xf32>
        %add3A_1447 = arith.constant 0 : i32
        %add3A_1448 = arith.addi %add3A_1413, %add3A_1447 : i32
        %swap3A_1449 = arith.index_cast %add3A_1448 : i32 to index
        %swap3A_1450 = arith.constant 32 : index
        %swap3A_1451 = tpu.vector_load %arg21[%swap3A_1449, %swap3A_1450] {strides = array<i32>} : memref<256x128xf32, #tpu.memory_space<vmem>>, vector<16xf32>,
        tpu.vector_store %arg21[%swap3A_1449, %swap3A_1450], %mul3A_1446 {strides = array<i32>} : memref<256x128xf32, #tpu.memory_space<vmem>>, vector<16xf32>,
        %add3A_1452 = arith.constant 0 : i32
        %add3A_1453 = arith.addi %add3A_1413, %add3A_1452 : i32
        %get3A_1454 = arith.index_cast %add3A_1453 : i32 to index
        %get3A_1455 = arith.constant 48 : index
        %get3A_1456 = tpu.vector_load %arg21[%get3A_1454, %get3A_1455] {strides = array<i32>} : memref<256x128xf32, #tpu.memory_space<vmem>>, vector<16xf32>,
        %mul3A_1457 = vector.broadcast %squeeze3A_1415 : f32 to vector<16xf32>
        %mul3A_1458 = arith.mulf %get3A_1456, %mul3A_1457 : vector<16xf32>
        %add3A_1459 = arith.constant 0 : i32
        %add3A_1460 = arith.addi %add3A_1413, %add3A_1459 : i32
        %swap3A_1461 = arith.index_cast %add3A_1460 : i32 to index
        %swap3A_1462 = arith.constant 48 : index
        %swap3A_1463 = tpu.vector_load %arg21[%swap3A_1461, %swap3A_1462] {strides = array<i32>} : memref<256x128xf32, #tpu.memory_space<vmem>>, vector<16xf32>,
        tpu.vector_store %arg21[%swap3A_1461, %swap3A_1462], %mul3A_1458 {strides = array<i32>} : memref<256x128xf32, #tpu.memory_space<vmem>>, vector<16xf32>,
        %add3A_1464 = arith.constant 0 : i32
        %add3A_1465 = arith.addi %add3A_1413, %add3A_1464 : i32
        %get3A_1466 = arith.index_cast %add3A_1465 : i32 to index
        %get3A_1467 = arith.constant 64 : index
        %get3A_1468 = tpu.vector_load %arg21[%get3A_1466, %get3A_1467] {strides = array<i32>} : memref<256x128xf32, #tpu.memory_space<vmem>>, vector<16xf32>,
        %mul3A_1469 = vector.broadcast %squeeze3A_1415 : f32 to vector<16xf32>
        %mul3A_1470 = arith.mulf %get3A_1468, %mul3A_1469 : vector<16xf32>
        %add3A_1471 = arith.constant 0 : i32
        %add3A_1472 = arith.addi %add3A_1413, %add3A_1471 : i32
        %swap3A_1473 = arith.index_cast %add3A_1472 : i32 to index
        %swap3A_1474 = arith.constant 64 : index
        %swap3A_1475 = tpu.vector_load %arg21[%swap3A_1473, %swap3A_1474] {strides = array<i32>} : memref<256x128xf32, #tpu.memory_space<vmem>>, vector<16xf32>,
        tpu.vector_store %arg21[%swap3A_1473, %swap3A_1474], %mul3A_1470 {strides = array<i32>} : memref<256x128xf32, #tpu.memory_space<vmem>>, vector<16xf32>,
        %add3A_1476 = arith.constant 0 : i32
        %add3A_1477 = arith.addi %add3A_1413, %add3A_1476 : i32
        %get3A_1478 = arith.index_cast %add3A_1477 : i32 to index
        %get3A_1479 = arith.constant 80 : index
        %get3A_1480 = tpu.vector_load %arg21[%get3A_1478, %get3A_1479] {strides = array<i32>} : memref<256x128xf32, #tpu.memory_space<vmem>>, vector<16xf32>,
        %mul3A_1481 = vector.broadcast %squeeze3A_1415 : f32 to vector<16xf32>
        %mul3A_1482 = arith.mulf %get3A_1480, %mul3A_1481 : vector<16xf32>
        %add3A_1483 = arith.constant 0 : i32
        %add3A_1484 = arith.addi %add3A_1413, %add3A_1483 : i32
        %swap3A_1485 = arith.index_cast %add3A_1484 : i32 to index
        %swap3A_1486 = arith.constant 80 : index
        %swap3A_1487 = tpu.vector_load %arg21[%swap3A_1485, %swap3A_1486] {strides = array<i32>} : memref<256x128xf32, #tpu.memory_space<vmem>>, vector<16xf32>,
        tpu.vector_store %arg21[%swap3A_1485, %swap3A_1486], %mul3A_1482 {strides = array<i32>} : memref<256x128xf32, #tpu.memory_space<vmem>>, vector<16xf32>,
        %add3A_1488 = arith.constant 0 : i32
        %add3A_1489 = arith.addi %add3A_1413, %add3A_1488 : i32
        %get3A_1490 = arith.index_cast %add3A_1489 : i32 to index
        %get3A_1491 = arith.constant 96 : index
        %get3A_1492 = tpu.vector_load %arg21[%get3A_1490, %get3A_1491] {strides = array<i32>} : memref<256x128xf32, #tpu.memory_space<vmem>>, vector<16xf32>,
        %mul3A_1493 = vector.broadcast %squeeze3A_1415 : f32 to vector<16xf32>
        %mul3A_1494 = arith.mulf %get3A_1492, %mul3A_1493 : vector<16xf32>
        %add3A_1495 = arith.constant 0 : i32
        %add3A_1496 = arith.addi %add3A_1413, %add3A_1495 : i32
        %swap3A_1497 = arith.index_cast %add3A_1496 : i32 to index
        %swap3A_1498 = arith.constant 96 : index
        %swap3A_1499 = tpu.vector_load %arg21[%swap3A_1497, %swap3A_1498] {strides = array<i32>} : memref<256x128xf32, #tpu.memory_space<vmem>>, vector<16xf32>,
        tpu.vector_store %arg21[%swap3A_1497, %swap3A_1498], %mul3A_1494 {strides = array<i32>} : memref<256x128xf32, #tpu.memory_space<vmem>>, vector<16xf32>,
        %add3A_1500 = arith.constant 0 : i32
        %add3A_1501 = arith.addi %add3A_1413, %add3A_1500 : i32
        %get3A_1502 = arith.index_cast %add3A_1501 : i32 to index
        %get3A_1503 = arith.constant 112 : index
        %get3A_1504 = tpu.vector_load %arg21[%get3A_1502, %get3A_1503] {strides = array<i32>} : memref<256x128xf32, #tpu.memory_space<vmem>>, vector<16xf32>,
        %mul3A_1505 = vector.broadcast %squeeze3A_1415 : f32 to vector<16xf32>
        %mul3A_1506 = arith.mulf %get3A_1504, %mul3A_1505 : vector<16xf32>
        %add3A_1507 = arith.constant 0 : i32
        %add3A_1508 = arith.addi %add3A_1413, %add3A_1507 : i32
        %swap3A_1509 = arith.index_cast %add3A_1508 : i32 to index
        %swap3A_1510 = arith.constant 112 : index
        %swap3A_1511 = tpu.vector_load %arg21[%swap3A_1509, %swap3A_1510] {strides = array<i32>} : memref<256x128xf32, #tpu.memory_space<vmem>>, vector<16xf32>,
        tpu.vector_store %arg21[%swap3A_1509, %swap3A_1510], %mul3A_1506 {strides = array<i32>} : memref<256x128xf32, #tpu.memory_space<vmem>>, vector<16xf32>,
        %slice3A_1512 = vector.extract_strided_slice %exp3A_1407 {offsets = [1], sizes = [1], strides = [1]} : vector<16xf32> to vector<1xf32>
        %squeeze3A_1513 = vector.extract %slice3A_1512[0] : f32 from vector<1xf32>
        %add3A_1514 = arith.constant 1 : i32
        %add3A_1515 = arith.addi %add3A_1413, %add3A_1514 : i32
        %get3A_1516 = arith.index_cast %add3A_1515 : i32 to index
        %get3A_1517 = arith.constant 0 : index
        %get3A_1518 = tpu.vector_load %arg21[%get3A_1516, %get3A_1517] {strides = array<i32>} : memref<256x128xf32, #tpu.memory_space<vmem>>, vector<16xf32>,
        %mul3A_1519 = vector.broadcast %squeeze3A_1513 : f32 to vector<16xf32>
        %mul3A_1520 = arith.mulf %get3A_1518, %mul3A_1519 : vector<16xf32>
        %add3A_1521 = arith.constant 1 : i32
        %add3A_1522 = arith.addi %add3A_1413, %add3A_1521 : i32
        %swap3A_1523 = arith.index_cast %add3A_1522 : i32 to index
        %swap3A_1524 = arith.constant 0 : index
        %swap3A_1525 = tpu.vector_load %arg21[%swap3A_1523, %swap3A_1524] {strides = array<i32>} : memref<256x128xf32, #tpu.memory_space<vmem>>, vector<16xf32>,
        tpu.vector_store %arg21[%swap3A_1523, %swap3A_1524], %mul3A_1520 {strides = array<i32>} : memref<256x128xf32, #tpu.memory_space<vmem>>, vector<16xf32>,
        %add3A_1526 = arith.constant 1 : i32
        %add3A_1527 = arith.addi %add3A_1413, %add3A_1526 : i32
        %get3A_1528 = arith.index_cast %add3A_1527 : i32 to index
        %get3A_1529 = arith.constant 16 : index
        %get3A_1530 = tpu.vector_load %arg21[%get3A_1528, %get3A_1529] {strides = array<i32>} : memref<256x128xf32, #tpu.memory_space<vmem>>, vector<16xf32>,
        %mul3A_1531 = vector.broadcast %squeeze3A_1513 : f32 to vector<16xf32>
        %mul3A_1532 = arith.mulf %get3A_1530, %mul3A_1531 : vector<16xf32>
        %add3A_1533 = arith.constant 1 : i32
        %add3A_1534 = arith.addi %add3A_1413, %add3A_1533 : i32
        %swap3A_1535 = arith.index_cast %add3A_1534 : i32 to index
        %swap3A_1536 = arith.constant 16 : index
        %swap3A_1537 = tpu.vector_load %arg21[%swap3A_1535, %swap3A_1536] {strides = array<i32>} : memref<256x128xf32, #tpu.memory_space<vmem>>, vector<16xf32>,
        tpu.vector_store %arg21[%swap3A_1535, %swap3A_1536], %mul3A_1532 {strides = array<i32>} : memref<256x128xf32, #tpu.memory_space<vmem>>, vector<16xf32>,
        %add3A_1538 = arith.constant 1 : i32
        %add3A_1539 = arith.addi %add3A_1413, %add3A_1538 : i32
        %get3A_1540 = arith.index_cast %add3A_1539 : i32 to index
        %get3A_1541 = arith.constant 32 : index
        %get3A_1542 = tpu.vector_load %arg21[%get3A_1540, %get3A_1541] {strides = array<i32>} : memref<256x128xf32, #tpu.memory_space<vmem>>, vector<16xf32>,
        %mul3A_1543 = vector.broadcast %squeeze3A_1513 : f32 to vector<16xf32>
        %mul3A_1544 = arith.mulf %get3A_1542, %mul3A_1543 : vector<16xf32>
        %add3A_1545 = arith.constant 1 : i32
        %add3A_1546 = arith.addi %add3A_1413, %add3A_1545 : i32
        %swap3A_1547 = arith.index_cast %add3A_1546 : i32 to index
        %swap3A_1548 = arith.constant 32 : index
        %swap3A_1549 = tpu.vector_load %arg21[%swap3A_1547, %swap3A_1548] {strides = array<i32>} : memref<256x128xf32, #tpu.memory_space<vmem>>, vector<16xf32>,
        tpu.vector_store %arg21[%swap3A_1547, %swap3A_1548], %mul3A_1544 {strides = array<i32>} : memref<256x128xf32, #tpu.memory_space<vmem>>, vector<16xf32>,
        %add3A_1550 = arith.constant 1 : i32
        %add3A_1551 = arith.addi %add3A_1413, %add3A_1550 : i32
        %get3A_1552 = arith.index_cast %add3A_1551 : i32 to index
        %get3A_1553 = arith.constant 48 : index
        %get3A_1554 = tpu.vector_load %arg21[%get3A_1552, %get3A_1553] {strides = array<i32>} : memref<256x128xf32, #tpu.memory_space<vmem>>, vector<16xf32>,
        %mul3A_1555 = vector.broadcast %squeeze3A_1513 : f32 to vector<16xf32>
        %mul3A_1556 = arith.mulf %get3A_1554, %mul3A_1555 : vector<16xf32>
        %add3A_1557 = arith.constant 1 : i32
        %add3A_1558 = arith.addi %add3A_1413, %add3A_1557 : i32
        %swap3A_1559 = arith.index_cast %add3A_1558 : i32 to index
        %swap3A_1560 = arith.constant 48 : index
        %swap3A_1561 = tpu.vector_load %arg21[%swap3A_1559, %swap3A_1560] {strides = array<i32>} : memref<256x128xf32, #tpu.memory_space<vmem>>, vector<16xf32>,
        tpu.vector_store %arg21[%swap3A_1559, %swap3A_1560], %mul3A_1556 {strides = array<i32>} : memref<256x128xf32, #tpu.memory_space<vmem>>, vector<16xf32>,
        %add3A_1562 = arith.constant 1 : i32
        %add3A_1563 = arith.addi %add3A_1413, %add3A_1562 : i32
        %get3A_1564 = arith.index_cast %add3A_1563 : i32 to index
        %get3A_1565 = arith.constant 64 : index
        %get3A_1566 = tpu.vector_load %arg21[%get3A_1564, %get3A_1565] {strides = array<i32>} : memref<256x128xf32, #tpu.memory_space<vmem>>, vector<16xf32>,
        %mul3A_1567 = vector.broadcast %squeeze3A_1513 : f32 to vector<16xf32>
        %mul3A_1568 = arith.mulf %get3A_1566, %mul3A_1567 : vector<16xf32>
        %add3A_1569 = arith.constant 1 : i32
        %add3A_1570 = arith.addi %add3A_1413, %add3A_1569 : i32
        %swap3A_1571 = arith.index_cast %add3A_1570 : i32 to index
        %swap3A_1572 = arith.constant 64 : index
        %swap3A_1573 = tpu.vector_load %arg21[%swap3A_1571, %swap3A_1572] {strides = array<i32>} : memref<256x128xf32, #tpu.memory_space<vmem>>, vector<16xf32>,
        tpu.vector_store %arg21[%swap3A_1571, %swap3A_1572], %mul3A_1568 {strides = array<i32>} : memref<256x128xf32, #tpu.memory_space<vmem>>, vector<16xf32>,
        %add3A_1574 = arith.constant 1 : i32
        %add3A_1575 = arith.addi %add3A_1413, %add3A_1574 : i32
        %get3A_1576 = arith.index_cast %add3A_1575 : i32 to index
        %get3A_1577 = arith.constant 80 : index
        %get3A_1578 = tpu.vector_load %arg21[%get3A_1576, %get3A_1577] {strides = array<i32>} : memref<256x128xf32, #tpu.memory_space<vmem>>, vector<16xf32>,
        %mul3A_1579 = vector.broadcast %squeeze3A_1513 : f32 to vector<16xf32>
        %mul3A_1580 = arith.mulf %get3A_1578, %mul3A_1579 : vector<16xf32>
        %add3A_1581 = arith.constant 1 : i32
        %add3A_1582 = arith.addi %add3A_1413, %add3A_1581 : i32
        %swap3A_1583 = arith.index_cast %add3A_1582 : i32 to index
        %swap3A_1584 = arith.constant 80 : index
        %swap3A_1585 = tpu.vector_load %arg21[%swap3A_1583, %swap3A_1584] {strides = array<i32>} : memref<256x128xf32, #tpu.memory_space<vmem>>, vector<16xf32>,
        tpu.vector_store %arg21[%swap3A_1583, %swap3A_1584], %mul3A_1580 {strides = array<i32>} : memref<256x128xf32, #tpu.memory_space<vmem>>, vector<16xf32>,
        %add3A_1586 = arith.constant 1 : i32
        %add3A_1587 = arith.addi %add3A_1413, %add3A_1586 : i32
        %get3A_1588 = arith.index_cast %add3A_1587 : i32 to index
        %get3A_1589 = arith.constant 96 : index
        %get3A_1590 = tpu.vector_load %arg21[%get3A_1588, %get3A_1589] {strides = array<i32>} : memref<256x128xf32, #tpu.memory_space<vmem>>, vector<16xf32>,
        %mul3A_1591 = vector.broadcast %squeeze3A_1513 : f32 to vector<16xf32>
        %mul3A_1592 = arith.mulf %get3A_1590, %mul3A_1591 : vector<16xf32>
        %add3A_1593 = arith.constant 1 : i32
        %add3A_1594 = arith.addi %add3A_1413, %add3A_1593 : i32
        %swap3A_1595 = arith.index_cast %add3A_1594 : i32 to index
        %swap3A_1596 = arith.constant 96 : index
        %swap3A_1597 = tpu.vector_load %arg21[%swap3A_1595, %swap3A_1596] {strides = array<i32>} : memref<256x128xf32, #tpu.memory_space<vmem>>, vector<16xf32>,
        tpu.vector_store %arg21[%swap3A_1595, %swap3A_1596], %mul3A_1592 {strides = array<i32>} : memref<256x128xf32, #tpu.memory_space<vmem>>, vector<16xf32>,
        %add3A_1598 = arith.constant 1 : i32
        %add3A_1599 = arith.addi %add3A_1413, %add3A_1598 : i32
        %get3A_1600 = arith.index_cast %add3A_1599 : i32 to index
        %get3A_1601 = arith.constant 112 : index
        %get3A_1602 = tpu.vector_load %arg21[%get3A_1600, %get3A_1601] {strides = array<i32>} : memref<256x128xf32, #tpu.memory_space<vmem>>, vector<16xf32>,
        %mul3A_1603 = vector.broadcast %squeeze3A_1513 : f32 to vector<16xf32>
        %mul3A_1604 = arith.mulf %get3A_1602, %mul3A_1603 : vector<16xf32>
        %add3A_1605 = arith.constant 1 : i32
        %add3A_1606 = arith.addi %add3A_1413, %add3A_1605 : i32
        %swap3A_1607 = arith.index_cast %add3A_1606 : i32 to index
        %swap3A_1608 = arith.constant 112 : index
        %swap3A_1609 = tpu.vector_load %arg21[%swap3A_1607, %swap3A_1608] {strides = array<i32>} : memref<256x128xf32, #tpu.memory_space<vmem>>, vector<16xf32>,
        tpu.vector_store %arg21[%swap3A_1607, %swap3A_1608], %mul3A_1604 {strides = array<i32>} : memref<256x128xf32, #tpu.memory_space<vmem>>, vector<16xf32>,
        %slice3A_1610 = vector.extract_strided_slice %exp3A_1407 {offsets = [2], sizes = [1], strides = [1]} : vector<16xf32> to vector<1xf32>
        %squeeze3A_1611 = vector.extract %slice3A_1610[0] : f32 from vector<1xf32>
        %add3A_1612 = arith.constant 2 : i32
        %add3A_1613 = arith.addi %add3A_1413, %add3A_1612 : i32
        %get3A_1614 = arith.index_cast %add3A_1613 : i32 to index
        %get3A_1615 = arith.constant 0 : index
        %get3A_1616 = tpu.vector_load %arg21[%get3A_1614, %get3A_1615] {strides = array<i32>} : memref<256x128xf32, #tpu.memory_space<vmem>>, vector<16xf32>,
        %mul3A_1617 = vector.broadcast %squeeze3A_1611 : f32 to vector<16xf32>
        %mul3A_1618 = arith.mulf %get3A_1616, %mul3A_1617 : vector<16xf32>
        %add3A_1619 = arith.constant 2 : i32
        %add3A_1620 = arith.addi %add3A_1413, %add3A_1619 : i32
        %swap3A_1621 = arith.index_cast %add3A_1620 : i32 to index
        %swap3A_1622 = arith.constant 0 : index
        %swap3A_1623 = tpu.vector_load %arg21[%swap3A_1621, %swap3A_1622] {strides = array<i32>} : memref<256x128xf32, #tpu.memory_space<vmem>>, vector<16xf32>,
        tpu.vector_store %arg21[%swap3A_1621, %swap3A_1622], %mul3A_1618 {strides = array<i32>} : memref<256x128xf32, #tpu.memory_space<vmem>>, vector<16xf32>,
        %add3A_1624 = arith.constant 2 : i32
        %add3A_1625 = arith.addi %add3A_1413, %add3A_1624 : i32
        %get3A_1626 = arith.index_cast %add3A_1625 : i32 to index
        %get3A_1627 = arith.constant 16 : index
        %get3A_1628 = tpu.vector_load %arg21[%get3A_1626, %get3A_1627] {strides = array<i32>} : memref<256x128xf32, #tpu.memory_space<vmem>>, vector<16xf32>,
        %mul3A_1629 = vector.broadcast %squeeze3A_1611 : f32 to vector<16xf32>
        %mul3A_1630 = arith.mulf %get3A_1628, %mul3A_1629 : vector<16xf32>
        %add3A_1631 = arith.constant 2 : i32
        %add3A_1632 = arith.addi %add3A_1413, %add3A_1631 : i32
        %swap3A_1633 = arith.index_cast %add3A_1632 : i32 to index
        %swap3A_1634 = arith.constant 16 : index
        %swap3A_1635 = tpu.vector_load %arg21[%swap3A_1633, %swap3A_1634] {strides = array<i32>} : memref<256x128xf32, #tpu.memory_space<vmem>>, vector<16xf32>,
        tpu.vector_store %arg21[%swap3A_1633, %swap3A_1634], %mul3A_1630 {strides = array<i32>} : memref<256x128xf32, #tpu.memory_space<vmem>>, vector<16xf32>,
        %add3A_1636 = arith.constant 2 : i32
        %add3A_1637 = arith.addi %add3A_1413, %add3A_1636 : i32
        %get3A_1638 = arith.index_cast %add3A_1637 : i32 to index
        %get3A_1639 = arith.constant 32 : index
        %get3A_1640 = tpu.vector_load %arg21[%get3A_1638, %get3A_1639] {strides = array<i32>} : memref<256x128xf32, #tpu.memory_space<vmem>>, vector<16xf32>,
        %mul3A_1641 = vector.broadcast %squeeze3A_1611 : f32 to vector<16xf32>
        %mul3A_1642 = arith.mulf %get3A_1640, %mul3A_1641 : vector<16xf32>
        %add3A_1643 = arith.constant 2 : i32
        %add3A_1644 = arith.addi %add3A_1413, %add3A_1643 : i32
        %swap3A_1645 = arith.index_cast %add3A_1644 : i32 to index
        %swap3A_1646 = arith.constant 32 : index
        %swap3A_1647 = tpu.vector_load %arg21[%swap3A_1645, %swap3A_1646] {strides = array<i32>} : memref<256x128xf32, #tpu.memory_space<vmem>>, vector<16xf32>,
        tpu.vector_store %arg21[%swap3A_1645, %swap3A_1646], %mul3A_1642 {strides = array<i32>} : memref<256x128xf32, #tpu.memory_space<vmem>>, vector<16xf32>,
        %add3A_1648 = arith.constant 2 : i32
        %add3A_1649 = arith.addi %add3A_1413, %add3A_1648 : i32
        %get3A_1650 = arith.index_cast %add3A_1649 : i32 to index
        %get3A_1651 = arith.constant 48 : index
        %get3A_1652 = tpu.vector_load %arg21[%get3A_1650, %get3A_1651] {strides = array<i32>} : memref<256x128xf32, #tpu.memory_space<vmem>>, vector<16xf32>,
        %mul3A_1653 = vector.broadcast %squeeze3A_1611 : f32 to vector<16xf32>
        %mul3A_1654 = arith.mulf %get3A_1652, %mul3A_1653 : vector<16xf32>
        %add3A_1655 = arith.constant 2 : i32
        %add3A_1656 = arith.addi %add3A_1413, %add3A_1655 : i32
        %swap3A_1657 = arith.index_cast %add3A_1656 : i32 to index
        %swap3A_1658 = arith.constant 48 : index
        %swap3A_1659 = tpu.vector_load %arg21[%swap3A_1657, %swap3A_1658] {strides = array<i32>} : memref<256x128xf32, #tpu.memory_space<vmem>>, vector<16xf32>,
        tpu.vector_store %arg21[%swap3A_1657, %swap3A_1658], %mul3A_1654 {strides = array<i32>} : memref<256x128xf32, #tpu.memory_space<vmem>>, vector<16xf32>,
        %add3A_1660 = arith.constant 2 : i32
        %add3A_1661 = arith.addi %add3A_1413, %add3A_1660 : i32
        %get3A_1662 = arith.index_cast %add3A_1661 : i32 to index
        %get3A_1663 = arith.constant 64 : index
        %get3A_1664 = tpu.vector_load %arg21[%get3A_1662, %get3A_1663] {strides = array<i32>} : memref<256x128xf32, #tpu.memory_space<vmem>>, vector<16xf32>,
        %mul3A_1665 = vector.broadcast %squeeze3A_1611 : f32 to vector<16xf32>
        %mul3A_1666 = arith.mulf %get3A_1664, %mul3A_1665 : vector<16xf32>
        %add3A_1667 = arith.constant 2 : i32
        %add3A_1668 = arith.addi %add3A_1413, %add3A_1667 : i32
        %swap3A_1669 = arith.index_cast %add3A_1668 : i32 to index
        %swap3A_1670 = arith.constant 64 : index
        %swap3A_1671 = tpu.vector_load %arg21[%swap3A_1669, %swap3A_1670] {strides = array<i32>} : memref<256x128xf32, #tpu.memory_space<vmem>>, vector<16xf32>,
        tpu.vector_store %arg21[%swap3A_1669, %swap3A_1670], %mul3A_1666 {strides = array<i32>} : memref<256x128xf32, #tpu.memory_space<vmem>>, vector<16xf32>,
        %add3A_1672 = arith.constant 2 : i32
        %add3A_1673 = arith.addi %add3A_1413, %add3A_1672 : i32
        %get3A_1674 = arith.index_cast %add3A_1673 : i32 to index
        %get3A_1675 = arith.constant 80 : index
        %get3A_1676 = tpu.vector_load %arg21[%get3A_1674, %get3A_1675] {strides = array<i32>} : memref<256x128xf32, #tpu.memory_space<vmem>>, vector<16xf32>,
        %mul3A_1677 = vector.broadcast %squeeze3A_1611 : f32 to vector<16xf32>
        %mul3A_1678 = arith.mulf %get3A_1676, %mul3A_1677 : vector<16xf32>
        %add3A_1679 = arith.constant 2 : i32
        %add3A_1680 = arith.addi %add3A_1413, %add3A_1679 : i32
        %swap3A_1681 = arith.index_cast %add3A_1680 : i32 to index
        %swap3A_1682 = arith.constant 80 : index
        %swap3A_1683 = tpu.vector_load %arg21[%swap3A_1681, %swap3A_1682] {strides = array<i32>} : memref<256x128xf32, #tpu.memory_space<vmem>>, vector<16xf32>,
        tpu.vector_store %arg21[%swap3A_1681, %swap3A_1682], %mul3A_1678 {strides = array<i32>} : memref<256x128xf32, #tpu.memory_space<vmem>>, vector<16xf32>,
        %add3A_1684 = arith.constant 2 : i32
        %add3A_1685 = arith.addi %add3A_1413, %add3A_1684 : i32
        %get3A_1686 = arith.index_cast %add3A_1685 : i32 to index
        %get3A_1687 = arith.constant 96 : index
        %get3A_1688 = tpu.vector_load %arg21[%get3A_1686, %get3A_1687] {strides = array<i32>} : memref<256x128xf32, #tpu.memory_space<vmem>>, vector<16xf32>,
        %mul3A_1689 = vector.broadcast %squeeze3A_1611 : f32 to vector<16xf32>
        %mul3A_1690 = arith.mulf %get3A_1688, %mul3A_1689 : vector<16xf32>
        %add3A_1691 = arith.constant 2 : i32
        %add3A_1692 = arith.addi %add3A_1413, %add3A_1691 : i32
        %swap3A_1693 = arith.index_cast %add3A_1692 : i32 to index
        %swap3A_1694 = arith.constant 96 : index
        %swap3A_1695 = tpu.vector_load %arg21[%swap3A_1693, %swap3A_1694] {strides = array<i32>} : memref<256x128xf32, #tpu.memory_space<vmem>>, vector<16xf32>,
        tpu.vector_store %arg21[%swap3A_1693, %swap3A_1694], %mul3A_1690 {strides = array<i32>} : memref<256x128xf32, #tpu.memory_space<vmem>>, vector<16xf32>,
        %add3A_1696 = arith.constant 2 : i32
        %add3A_1697 = arith.addi %add3A_1413, %add3A_1696 : i32
        %get3A_1698 = arith.index_cast %add3A_1697 : i32 to index
        %get3A_1699 = arith.constant 112 : index
        %get3A_1700 = tpu.vector_load %arg21[%get3A_1698, %get3A_1699] {strides = array<i32>} : memref<256x128xf32, #tpu.memory_space<vmem>>, vector<16xf32>,
        %mul3A_1701 = vector.broadcast %squeeze3A_1611 : f32 to vector<16xf32>
        %mul3A_1702 = arith.mulf %get3A_1700, %mul3A_1701 : vector<16xf32>
        %add3A_1703 = arith.constant 2 : i32
        %add3A_1704 = arith.addi %add3A_1413, %add3A_1703 : i32
        %swap3A_1705 = arith.index_cast %add3A_1704 : i32 to index
        %swap3A_1706 = arith.constant 112 : index
        %swap3A_1707 = tpu.vector_load %arg21[%swap3A_1705, %swap3A_1706] {strides = array<i32>} : memref<256x128xf32, #tpu.memory_space<vmem>>, vector<16xf32>,
        tpu.vector_store %arg21[%swap3A_1705, %swap3A_1706], %mul3A_1702 {strides = array<i32>} : memref<256x128xf32, #tpu.memory_space<vmem>>, vector<16xf32>,
        %slice3A_1708 = vector.extract_strided_slice %exp3A_1407 {offsets = [3], sizes = [1], strides = [1]} : vector<16xf32> to vector<1xf32>
        %squeeze3A_1709 = vector.extract %slice3A_1708[0] : f32 from vector<1xf32>
        %add3A_1710 = arith.constant 3 : i32
        %add3A_1711 = arith.addi %add3A_1413, %add3A_1710 : i32
        %get3A_1712 = arith.index_cast %add3A_1711 : i32 to index
        %get3A_1713 = arith.constant 0 : index
        %get3A_1714 = tpu.vector_load %arg21[%get3A_1712, %get3A_1713] {strides = array<i32>} : memref<256x128xf32, #tpu.memory_space<vmem>>, vector<16xf32>,
        %mul3A_1715 = vector.broadcast %squeeze3A_1709 : f32 to vector<16xf32>
        %mul3A_1716 = arith.mulf %get3A_1714, %mul3A_1715 : vector<16xf32>
        %add3A_1717 = arith.constant 3 : i32
        %add3A_1718 = arith.addi %add3A_1413, %add3A_1717 : i32
        %swap3A_1719 = arith.index_cast %add3A_1718 : i32 to index
        %swap3A_1720 = arith.constant 0 : index
        %swap3A_1721 = tpu.vector_load %arg21[%swap3A_1719, %swap3A_1720] {strides = array<i32>} : memref<256x128xf32, #tpu.memory_space<vmem>>, vector<16xf32>,
        tpu.vector_store %arg21[%swap3A_1719, %swap3A_1720], %mul3A_1716 {strides = array<i32>} : memref<256x128xf32, #tpu.memory_space<vmem>>, vector<16xf32>,
        %add3A_1722 = arith.constant 3 : i32
        %add3A_1723 = arith.addi %add3A_1413, %add3A_1722 : i32
        %get3A_1724 = arith.index_cast %add3A_1723 : i32 to index
        %get3A_1725 = arith.constant 16 : index
        %get3A_1726 = tpu.vector_load %arg21[%get3A_1724, %get3A_1725] {strides = array<i32>} : memref<256x128xf32, #tpu.memory_space<vmem>>, vector<16xf32>,
        %mul3A_1727 = vector.broadcast %squeeze3A_1709 : f32 to vector<16xf32>
        %mul3A_1728 = arith.mulf %get3A_1726, %mul3A_1727 : vector<16xf32>
        %add3A_1729 = arith.constant 3 : i32
        %add3A_1730 = arith.addi %add3A_1413, %add3A_1729 : i32
        %swap3A_1731 = arith.index_cast %add3A_1730 : i32 to index
        %swap3A_1732 = arith.constant 16 : index
        %swap3A_1733 = tpu.vector_load %arg21[%swap3A_1731, %swap3A_1732] {strides = array<i32>} : memref<256x128xf32, #tpu.memory_space<vmem>>, vector<16xf32>,
        tpu.vector_store %arg21[%swap3A_1731, %swap3A_1732], %mul3A_1728 {strides = array<i32>} : memref<256x128xf32, #tpu.memory_space<vmem>>, vector<16xf32>,
        %add3A_1734 = arith.constant 3 : i32
        %add3A_1735 = arith.addi %add3A_1413, %add3A_1734 : i32
        %get3A_1736 = arith.index_cast %add3A_1735 : i32 to index
        %get3A_1737 = arith.constant 32 : index
        %get3A_1738 = tpu.vector_load %arg21[%get3A_1736, %get3A_1737] {strides = array<i32>} : memref<256x128xf32, #tpu.memory_space<vmem>>, vector<16xf32>,
        %mul3A_1739 = vector.broadcast %squeeze3A_1709 : f32 to vector<16xf32>
        %mul3A_1740 = arith.mulf %get3A_1738, %mul3A_1739 : vector<16xf32>
        %add3A_1741 = arith.constant 3 : i32
        %add3A_1742 = arith.addi %add3A_1413, %add3A_1741 : i32
        %swap3A_1743 = arith.index_cast %add3A_1742 : i32 to index
        %swap3A_1744 = arith.constant 32 : index
        %swap3A_1745 = tpu.vector_load %arg21[%swap3A_1743, %swap3A_1744] {strides = array<i32>} : memref<256x128xf32, #tpu.memory_space<vmem>>, vector<16xf32>,
        tpu.vector_store %arg21[%swap3A_1743, %swap3A_1744], %mul3A_1740 {strides = array<i32>} : memref<256x128xf32, #tpu.memory_space<vmem>>, vector<16xf32>,
        %add3A_1746 = arith.constant 3 : i32
        %add3A_1747 = arith.addi %add3A_1413, %add3A_1746 : i32
        %get3A_1748 = arith.index_cast %add3A_1747 : i32 to index
        %get3A_1749 = arith.constant 48 : index
        %get3A_1750 = tpu.vector_load %arg21[%get3A_1748, %get3A_1749] {strides = array<i32>} : memref<256x128xf32, #tpu.memory_space<vmem>>, vector<16xf32>,
        %mul3A_1751 = vector.broadcast %squeeze3A_1709 : f32 to vector<16xf32>
        %mul3A_1752 = arith.mulf %get3A_1750, %mul3A_1751 : vector<16xf32>
        %add3A_1753 = arith.constant 3 : i32
        %add3A_1754 = arith.addi %add3A_1413, %add3A_1753 : i32
        %swap3A_1755 = arith.index_cast %add3A_1754 : i32 to index
        %swap3A_1756 = arith.constant 48 : index
        %swap3A_1757 = tpu.vector_load %arg21[%swap3A_1755, %swap3A_1756] {strides = array<i32>} : memref<256x128xf32, #tpu.memory_space<vmem>>, vector<16xf32>,
        tpu.vector_store %arg21[%swap3A_1755, %swap3A_1756], %mul3A_1752 {strides = array<i32>} : memref<256x128xf32, #tpu.memory_space<vmem>>, vector<16xf32>,
        %add3A_1758 = arith.constant 3 : i32
        %add3A_1759 = arith.addi %add3A_1413, %add3A_1758 : i32
        %get3A_1760 = arith.index_cast %add3A_1759 : i32 to index
        %get3A_1761 = arith.constant 64 : index
        %get3A_1762 = tpu.vector_load %arg21[%get3A_1760, %get3A_1761] {strides = array<i32>} : memref<256x128xf32, #tpu.memory_space<vmem>>, vector<16xf32>,
        %mul3A_1763 = vector.broadcast %squeeze3A_1709 : f32 to vector<16xf32>
        %mul3A_1764 = arith.mulf %get3A_1762, %mul3A_1763 : vector<16xf32>
        %add3A_1765 = arith.constant 3 : i32
        %add3A_1766 = arith.addi %add3A_1413, %add3A_1765 : i32
        %swap3A_1767 = arith.index_cast %add3A_1766 : i32 to index
        %swap3A_1768 = arith.constant 64 : index
        %swap3A_1769 = tpu.vector_load %arg21[%swap3A_1767, %swap3A_1768] {strides = array<i32>} : memref<256x128xf32, #tpu.memory_space<vmem>>, vector<16xf32>,
        tpu.vector_store %arg21[%swap3A_1767, %swap3A_1768], %mul3A_1764 {strides = array<i32>} : memref<256x128xf32, #tpu.memory_space<vmem>>, vector<16xf32>,
        %add3A_1770 = arith.constant 3 : i32
        %add3A_1771 = arith.addi %add3A_1413, %add3A_1770 : i32
        %get3A_1772 = arith.index_cast %add3A_1771 : i32 to index
        %get3A_1773 = arith.constant 80 : index
        %get3A_1774 = tpu.vector_load %arg21[%get3A_1772, %get3A_1773] {strides = array<i32>} : memref<256x128xf32, #tpu.memory_space<vmem>>, vector<16xf32>,
        %mul3A_1775 = vector.broadcast %squeeze3A_1709 : f32 to vector<16xf32>
        %mul3A_1776 = arith.mulf %get3A_1774, %mul3A_1775 : vector<16xf32>
        %add3A_1777 = arith.constant 3 : i32
        %add3A_1778 = arith.addi %add3A_1413, %add3A_1777 : i32
        %swap3A_1779 = arith.index_cast %add3A_1778 : i32 to index
        %swap3A_1780 = arith.constant 80 : index
        %swap3A_1781 = tpu.vector_load %arg21[%swap3A_1779, %swap3A_1780] {strides = array<i32>} : memref<256x128xf32, #tpu.memory_space<vmem>>, vector<16xf32>,
        tpu.vector_store %arg21[%swap3A_1779, %swap3A_1780], %mul3A_1776 {strides = array<i32>} : memref<256x128xf32, #tpu.memory_space<vmem>>, vector<16xf32>,
        %add3A_1782 = arith.constant 3 : i32
        %add3A_1783 = arith.addi %add3A_1413, %add3A_1782 : i32
        %get3A_1784 = arith.index_cast %add3A_1783 : i32 to index
        %get3A_1785 = arith.constant 96 : index
        %get3A_1786 = tpu.vector_load %arg21[%get3A_1784, %get3A_1785] {strides = array<i32>} : memref<256x128xf32, #tpu.memory_space<vmem>>, vector<16xf32>,
        %mul3A_1787 = vector.broadcast %squeeze3A_1709 : f32 to vector<16xf32>
        %mul3A_1788 = arith.mulf %get3A_1786, %mul3A_1787 : vector<16xf32>
        %add3A_1789 = arith.constant 3 : i32
        %add3A_1790 = arith.addi %add3A_1413, %add3A_1789 : i32
        %swap3A_1791 = arith.index_cast %add3A_1790 : i32 to index
        %swap3A_1792 = arith.constant 96 : index
        %swap3A_1793 = tpu.vector_load %arg21[%swap3A_1791, %swap3A_1792] {strides = array<i32>} : memref<256x128xf32, #tpu.memory_space<vmem>>, vector<16xf32>,
        tpu.vector_store %arg21[%swap3A_1791, %swap3A_1792], %mul3A_1788 {strides = array<i32>} : memref<256x128xf32, #tpu.memory_space<vmem>>, vector<16xf32>,
        %add3A_1794 = arith.constant 3 : i32
        %add3A_1795 = arith.addi %add3A_1413, %add3A_1794 : i32
        %get3A_1796 = arith.index_cast %add3A_1795 : i32 to index
        %get3A_1797 = arith.constant 112 : index
        %get3A_1798 = tpu.vector_load %arg21[%get3A_1796, %get3A_1797] {strides = array<i32>} : memref<256x128xf32, #tpu.memory_space<vmem>>, vector<16xf32>,
        %mul3A_1799 = vector.broadcast %squeeze3A_1709 : f32 to vector<16xf32>
        %mul3A_1800 = arith.mulf %get3A_1798, %mul3A_1799 : vector<16xf32>
        %add3A_1801 = arith.constant 3 : i32
        %add3A_1802 = arith.addi %add3A_1413, %add3A_1801 : i32
        %swap3A_1803 = arith.index_cast %add3A_1802 : i32 to index
        %swap3A_1804 = arith.constant 112 : index
        %swap3A_1805 = tpu.vector_load %arg21[%swap3A_1803, %swap3A_1804] {strides = array<i32>} : memref<256x128xf32, #tpu.memory_space<vmem>>, vector<16xf32>,
        tpu.vector_store %arg21[%swap3A_1803, %swap3A_1804], %mul3A_1800 {strides = array<i32>} : memref<256x128xf32, #tpu.memory_space<vmem>>, vector<16xf32>,
        %slice3A_1806 = vector.extract_strided_slice %exp3A_1407 {offsets = [4], sizes = [1], strides = [1]} : vector<16xf32> to vector<1xf32>
        %squeeze3A_1807 = vector.extract %slice3A_1806[0] : f32 from vector<1xf32>
        %add3A_1808 = arith.constant 4 : i32
        %add3A_1809 = arith.addi %add3A_1413, %add3A_1808 : i32
        %get3A_1810 = arith.index_cast %add3A_1809 : i32 to index
        %get3A_1811 = arith.constant 0 : index
        %get3A_1812 = tpu.vector_load %arg21[%get3A_1810, %get3A_1811] {strides = array<i32>} : memref<256x128xf32, #tpu.memory_space<vmem>>, vector<16xf32>,
        %mul3A_1813 = vector.broadcast %squeeze3A_1807 : f32 to vector<16xf32>
        %mul3A_1814 = arith.mulf %get3A_1812, %mul3A_1813 : vector<16xf32>
        %add3A_1815 = arith.constant 4 : i32
        %add3A_1816 = arith.addi %add3A_1413, %add3A_1815 : i32
        %swap3A_1817 = arith.index_cast %add3A_1816 : i32 to index
        %swap3A_1818 = arith.constant 0 : index
        %swap3A_1819 = tpu.vector_load %arg21[%swap3A_1817, %swap3A_1818] {strides = array<i32>} : memref<256x128xf32, #tpu.memory_space<vmem>>, vector<16xf32>,
        tpu.vector_store %arg21[%swap3A_1817, %swap3A_1818], %mul3A_1814 {strides = array<i32>} : memref<256x128xf32, #tpu.memory_space<vmem>>, vector<16xf32>,
        %add3A_1820 = arith.constant 4 : i32
        %add3A_1821 = arith.addi %add3A_1413, %add3A_1820 : i32
        %get3A_1822 = arith.index_cast %add3A_1821 : i32 to index
        %get3A_1823 = arith.constant 16 : index
        %get3A_1824 = tpu.vector_load %arg21[%get3A_1822, %get3A_1823] {strides = array<i32>} : memref<256x128xf32, #tpu.memory_space<vmem>>, vector<16xf32>,
        %mul3A_1825 = vector.broadcast %squeeze3A_1807 : f32 to vector<16xf32>
        %mul3A_1826 = arith.mulf %get3A_1824, %mul3A_1825 : vector<16xf32>
        %add3A_1827 = arith.constant 4 : i32
        %add3A_1828 = arith.addi %add3A_1413, %add3A_1827 : i32
        %swap3A_1829 = arith.index_cast %add3A_1828 : i32 to index
        %swap3A_1830 = arith.constant 16 : index
        %swap3A_1831 = tpu.vector_load %arg21[%swap3A_1829, %swap3A_1830] {strides = array<i32>} : memref<256x128xf32, #tpu.memory_space<vmem>>, vector<16xf32>,
        tpu.vector_store %arg21[%swap3A_1829, %swap3A_1830], %mul3A_1826 {strides = array<i32>} : memref<256x128xf32, #tpu.memory_space<vmem>>, vector<16xf32>,
        %add3A_1832 = arith.constant 4 : i32
        %add3A_1833 = arith.addi %add3A_1413, %add3A_1832 : i32
        %get3A_1834 = arith.index_cast %add3A_1833 : i32 to index
        %get3A_1835 = arith.constant 32 : index
        %get3A_1836 = tpu.vector_load %arg21[%get3A_1834, %get3A_1835] {strides = array<i32>} : memref<256x128xf32, #tpu.memory_space<vmem>>, vector<16xf32>,
        %mul3A_1837 = vector.broadcast %squeeze3A_1807 : f32 to vector<16xf32>
        %mul3A_1838 = arith.mulf %get3A_1836, %mul3A_1837 : vector<16xf32>
        %add3A_1839 = arith.constant 4 : i32
        %add3A_1840 = arith.addi %add3A_1413, %add3A_1839 : i32
        %swap3A_1841 = arith.index_cast %add3A_1840 : i32 to index
        %swap3A_1842 = arith.constant 32 : index
        %swap3A_1843 = tpu.vector_load %arg21[%swap3A_1841, %swap3A_1842] {strides = array<i32>} : memref<256x128xf32, #tpu.memory_space<vmem>>, vector<16xf32>,
        tpu.vector_store %arg21[%swap3A_1841, %swap3A_1842], %mul3A_1838 {strides = array<i32>} : memref<256x128xf32, #tpu.memory_space<vmem>>, vector<16xf32>,
        %add3A_1844 = arith.constant 4 : i32
        %add3A_1845 = arith.addi %add3A_1413, %add3A_1844 : i32
        %get3A_1846 = arith.index_cast %add3A_1845 : i32 to index
        %get3A_1847 = arith.constant 48 : index
        %get3A_1848 = tpu.vector_load %arg21[%get3A_1846, %get3A_1847] {strides = array<i32>} : memref<256x128xf32, #tpu.memory_space<vmem>>, vector<16xf32>,
        %mul3A_1849 = vector.broadcast %squeeze3A_1807 : f32 to vector<16xf32>
        %mul3A_1850 = arith.mulf %get3A_1848, %mul3A_1849 : vector<16xf32>
        %add3A_1851 = arith.constant 4 : i32
        %add3A_1852 = arith.addi %add3A_1413, %add3A_1851 : i32
        %swap3A_1853 = arith.index_cast %add3A_1852 : i32 to index
        %swap3A_1854 = arith.constant 48 : index
        %swap3A_1855 = tpu.vector_load %arg21[%swap3A_1853, %swap3A_1854] {strides = array<i32>} : memref<256x128xf32, #tpu.memory_space<vmem>>, vector<16xf32>,
        tpu.vector_store %arg21[%swap3A_1853, %swap3A_1854], %mul3A_1850 {strides = array<i32>} : memref<256x128xf32, #tpu.memory_space<vmem>>, vector<16xf32>,
        %add3A_1856 = arith.constant 4 : i32
        %add3A_1857 = arith.addi %add3A_1413, %add3A_1856 : i32
        %get3A_1858 = arith.index_cast %add3A_1857 : i32 to index
        %get3A_1859 = arith.constant 64 : index
        %get3A_1860 = tpu.vector_load %arg21[%get3A_1858, %get3A_1859] {strides = array<i32>} : memref<256x128xf32, #tpu.memory_space<vmem>>, vector<16xf32>,
        %mul3A_1861 = vector.broadcast %squeeze3A_1807 : f32 to vector<16xf32>
        %mul3A_1862 = arith.mulf %get3A_1860, %mul3A_1861 : vector<16xf32>
        %add3A_1863 = arith.constant 4 : i32
        %add3A_1864 = arith.addi %add3A_1413, %add3A_1863 : i32
        %swap3A_1865 = arith.index_cast %add3A_1864 : i32 to index
        %swap3A_1866 = arith.constant 64 : index
        %swap3A_1867 = tpu.vector_load %arg21[%swap3A_1865, %swap3A_1866] {strides = array<i32>} : memref<256x128xf32, #tpu.memory_space<vmem>>, vector<16xf32>,
        tpu.vector_store %arg21[%swap3A_1865, %swap3A_1866], %mul3A_1862 {strides = array<i32>} : memref<256x128xf32, #tpu.memory_space<vmem>>, vector<16xf32>,
        %add3A_1868 = arith.constant 4 : i32
        %add3A_1869 = arith.addi %add3A_1413, %add3A_1868 : i32
        %get3A_1870 = arith.index_cast %add3A_1869 : i32 to index
        %get3A_1871 = arith.constant 80 : index
        %get3A_1872 = tpu.vector_load %arg21[%get3A_1870, %get3A_1871] {strides = array<i32>} : memref<256x128xf32, #tpu.memory_space<vmem>>, vector<16xf32>,
        %mul3A_1873 = vector.broadcast %squeeze3A_1807 : f32 to vector<16xf32>
        %mul3A_1874 = arith.mulf %get3A_1872, %mul3A_1873 : vector<16xf32>
        %add3A_1875 = arith.constant 4 : i32
        %add3A_1876 = arith.addi %add3A_1413, %add3A_1875 : i32
        %swap3A_1877 = arith.index_cast %add3A_1876 : i32 to index
        %swap3A_1878 = arith.constant 80 : index
        %swap3A_1879 = tpu.vector_load %arg21[%swap3A_1877, %swap3A_1878] {strides = array<i32>} : memref<256x128xf32, #tpu.memory_space<vmem>>, vector<16xf32>,
        tpu.vector_store %arg21[%swap3A_1877, %swap3A_1878], %mul3A_1874 {strides = array<i32>} : memref<256x128xf32, #tpu.memory_space<vmem>>, vector<16xf32>,
        %add3A_1880 = arith.constant 4 : i32
        %add3A_1881 = arith.addi %add3A_1413, %add3A_1880 : i32
        %get3A_1882 = arith.index_cast %add3A_1881 : i32 to index
        %get3A_1883 = arith.constant 96 : index
        %get3A_1884 = tpu.vector_load %arg21[%get3A_1882, %get3A_1883] {strides = array<i32>} : memref<256x128xf32, #tpu.memory_space<vmem>>, vector<16xf32>,
        %mul3A_1885 = vector.broadcast %squeeze3A_1807 : f32 to vector<16xf32>
        %mul3A_1886 = arith.mulf %get3A_1884, %mul3A_1885 : vector<16xf32>
        %add3A_1887 = arith.constant 4 : i32
        %add3A_1888 = arith.addi %add3A_1413, %add3A_1887 : i32
        %swap3A_1889 = arith.index_cast %add3A_1888 : i32 to index
        %swap3A_1890 = arith.constant 96 : index
        %swap3A_1891 = tpu.vector_load %arg21[%swap3A_1889, %swap3A_1890] {strides = array<i32>} : memref<256x128xf32, #tpu.memory_space<vmem>>, vector<16xf32>,
        tpu.vector_store %arg21[%swap3A_1889, %swap3A_1890], %mul3A_1886 {strides = array<i32>} : memref<256x128xf32, #tpu.memory_space<vmem>>, vector<16xf32>,
        %add3A_1892 = arith.constant 4 : i32
        %add3A_1893 = arith.addi %add3A_1413, %add3A_1892 : i32
        %get3A_1894 = arith.index_cast %add3A_1893 : i32 to index
        %get3A_1895 = arith.constant 112 : index
        %get3A_1896 = tpu.vector_load %arg21[%get3A_1894, %get3A_1895] {strides = array<i32>} : memref<256x128xf32, #tpu.memory_space<vmem>>, vector<16xf32>,
        %mul3A_1897 = vector.broadcast %squeeze3A_1807 : f32 to vector<16xf32>
        %mul3A_1898 = arith.mulf %get3A_1896, %mul3A_1897 : vector<16xf32>
        %add3A_1899 = arith.constant 4 : i32
        %add3A_1900 = arith.addi %add3A_1413, %add3A_1899 : i32
        %swap3A_1901 = arith.index_cast %add3A_1900 : i32 to index
        %swap3A_1902 = arith.constant 112 : index
        %swap3A_1903 = tpu.vector_load %arg21[%swap3A_1901, %swap3A_1902] {strides = array<i32>} : memref<256x128xf32, #tpu.memory_space<vmem>>, vector<16xf32>,
        tpu.vector_store %arg21[%swap3A_1901, %swap3A_1902], %mul3A_1898 {strides = array<i32>} : memref<256x128xf32, #tpu.memory_space<vmem>>, vector<16xf32>,
        %slice3A_1904 = vector.extract_strided_slice %exp3A_1407 {offsets = [5], sizes = [1], strides = [1]} : vector<16xf32> to vector<1xf32>
        %squeeze3A_1905 = vector.extract %slice3A_1904[0] : f32 from vector<1xf32>
        %add3A_1906 = arith.constant 5 : i32
        %add3A_1907 = arith.addi %add3A_1413, %add3A_1906 : i32
        %get3A_1908 = arith.index_cast %add3A_1907 : i32 to index
        %get3A_1909 = arith.constant 0 : index
        %get3A_1910 = tpu.vector_load %arg21[%get3A_1908, %get3A_1909] {strides = array<i32>} : memref<256x128xf32, #tpu.memory_space<vmem>>, vector<16xf32>,
        %mul3A_1911 = vector.broadcast %squeeze3A_1905 : f32 to vector<16xf32>
        %mul3A_1912 = arith.mulf %get3A_1910, %mul3A_1911 : vector<16xf32>
        %add3A_1913 = arith.constant 5 : i32
        %add3A_1914 = arith.addi %add3A_1413, %add3A_1913 : i32
        %swap3A_1915 = arith.index_cast %add3A_1914 : i32 to index
        %swap3A_1916 = arith.constant 0 : index
        %swap3A_1917 = tpu.vector_load %arg21[%swap3A_1915, %swap3A_1916] {strides = array<i32>} : memref<256x128xf32, #tpu.memory_space<vmem>>, vector<16xf32>,
        tpu.vector_store %arg21[%swap3A_1915, %swap3A_1916], %mul3A_1912 {strides = array<i32>} : memref<256x128xf32, #tpu.memory_space<vmem>>, vector<16xf32>,
        %add3A_1918 = arith.constant 5 : i32
        %add3A_1919 = arith.addi %add3A_1413, %add3A_1918 : i32
        %get3A_1920 = arith.index_cast %add3A_1919 : i32 to index
        %get3A_1921 = arith.constant 16 : index
        %get3A_1922 = tpu.vector_load %arg21[%get3A_1920, %get3A_1921] {strides = array<i32>} : memref<256x128xf32, #tpu.memory_space<vmem>>, vector<16xf32>,
        %mul3A_1923 = vector.broadcast %squeeze3A_1905 : f32 to vector<16xf32>
        %mul3A_1924 = arith.mulf %get3A_1922, %mul3A_1923 : vector<16xf32>
        %add3A_1925 = arith.constant 5 : i32
        %add3A_1926 = arith.addi %add3A_1413, %add3A_1925 : i32
        %swap3A_1927 = arith.index_cast %add3A_1926 : i32 to index
        %swap3A_1928 = arith.constant 16 : index
        %swap3A_1929 = tpu.vector_load %arg21[%swap3A_1927, %swap3A_1928] {strides = array<i32>} : memref<256x128xf32, #tpu.memory_space<vmem>>, vector<16xf32>,
        tpu.vector_store %arg21[%swap3A_1927, %swap3A_1928], %mul3A_1924 {strides = array<i32>} : memref<256x128xf32, #tpu.memory_space<vmem>>, vector<16xf32>,
        %add3A_1930 = arith.constant 5 : i32
        %add3A_1931 = arith.addi %add3A_1413, %add3A_1930 : i32
        %get3A_1932 = arith.index_cast %add3A_1931 : i32 to index
        %get3A_1933 = arith.constant 32 : index
        %get3A_1934 = tpu.vector_load %arg21[%get3A_1932, %get3A_1933] {strides = array<i32>} : memref<256x128xf32, #tpu.memory_space<vmem>>, vector<16xf32>,
        %mul3A_1935 = vector.broadcast %squeeze3A_1905 : f32 to vector<16xf32>
        %mul3A_1936 = arith.mulf %get3A_1934, %mul3A_1935 : vector<16xf32>
        %add3A_1937 = arith.constant 5 : i32
        %add3A_1938 = arith.addi %add3A_1413, %add3A_1937 : i32
        %swap3A_1939 = arith.index_cast %add3A_1938 : i32 to index
        %swap3A_1940 = arith.constant 32 : index
        %swap3A_1941 = tpu.vector_load %arg21[%swap3A_1939, %swap3A_1940] {strides = array<i32>} : memref<256x128xf32, #tpu.memory_space<vmem>>, vector<16xf32>,
        tpu.vector_store %arg21[%swap3A_1939, %swap3A_1940], %mul3A_1936 {strides = array<i32>} : memref<256x128xf32, #tpu.memory_space<vmem>>, vector<16xf32>,
        %add3A_1942 = arith.constant 5 : i32
        %add3A_1943 = arith.addi %add3A_1413, %add3A_1942 : i32
        %get3A_1944 = arith.index_cast %add3A_1943 : i32 to index
        %get3A_1945 = arith.constant 48 : index
        %get3A_1946 = tpu.vector_load %arg21[%get3A_1944, %get3A_1945] {strides = array<i32>} : memref<256x128xf32, #tpu.memory_space<vmem>>, vector<16xf32>,
        %mul3A_1947 = vector.broadcast %squeeze3A_1905 : f32 to vector<16xf32>
        %mul3A_1948 = arith.mulf %get3A_1946, %mul3A_1947 : vector<16xf32>
        %add3A_1949 = arith.constant 5 : i32
        %add3A_1950 = arith.addi %add3A_1413, %add3A_1949 : i32
        %swap3A_1951 = arith.index_cast %add3A_1950 : i32 to index
        %swap3A_1952 = arith.constant 48 : index
        %swap3A_1953 = tpu.vector_load %arg21[%swap3A_1951, %swap3A_1952] {strides = array<i32>} : memref<256x128xf32, #tpu.memory_space<vmem>>, vector<16xf32>,
        tpu.vector_store %arg21[%swap3A_1951, %swap3A_1952], %mul3A_1948 {strides = array<i32>} : memref<256x128xf32, #tpu.memory_space<vmem>>, vector<16xf32>,
        %add3A_1954 = arith.constant 5 : i32
        %add3A_1955 = arith.addi %add3A_1413, %add3A_1954 : i32
        %get3A_1956 = arith.index_cast %add3A_1955 : i32 to index
        %get3A_1957 = arith.constant 64 : index
        %get3A_1958 = tpu.vector_load %arg21[%get3A_1956, %get3A_1957] {strides = array<i32>} : memref<256x128xf32, #tpu.memory_space<vmem>>, vector<16xf32>,
        %mul3A_1959 = vector.broadcast %squeeze3A_1905 : f32 to vector<16xf32>
        %mul3A_1960 = arith.mulf %get3A_1958, %mul3A_1959 : vector<16xf32>
        %add3A_1961 = arith.constant 5 : i32
        %add3A_1962 = arith.addi %add3A_1413, %add3A_1961 : i32
        %swap3A_1963 = arith.index_cast %add3A_1962 : i32 to index
        %swap3A_1964 = arith.constant 64 : index
        %swap3A_1965 = tpu.vector_load %arg21[%swap3A_1963, %swap3A_1964] {strides = array<i32>} : memref<256x128xf32, #tpu.memory_space<vmem>>, vector<16xf32>,
        tpu.vector_store %arg21[%swap3A_1963, %swap3A_1964], %mul3A_1960 {strides = array<i32>} : memref<256x128xf32, #tpu.memory_space<vmem>>, vector<16xf32>,
        %add3A_1966 = arith.constant 5 : i32
        %add3A_1967 = arith.addi %add3A_1413, %add3A_1966 : i32
        %get3A_1968 = arith.index_cast %add3A_1967 : i32 to index
        %get3A_1969 = arith.constant 80 : index
        %get3A_1970 = tpu.vector_load %arg21[%get3A_1968, %get3A_1969] {strides = array<i32>} : memref<256x128xf32, #tpu.memory_space<vmem>>, vector<16xf32>,
        %mul3A_1971 = vector.broadcast %squeeze3A_1905 : f32 to vector<16xf32>
        %mul3A_1972 = arith.mulf %get3A_1970, %mul3A_1971 : vector<16xf32>
        %add3A_1973 = arith.constant 5 : i32
        %add3A_1974 = arith.addi %add3A_1413, %add3A_1973 : i32
        %swap3A_1975 = arith.index_cast %add3A_1974 : i32 to index
        %swap3A_1976 = arith.constant 80 : index
        %swap3A_1977 = tpu.vector_load %arg21[%swap3A_1975, %swap3A_1976] {strides = array<i32>} : memref<256x128xf32, #tpu.memory_space<vmem>>, vector<16xf32>,
        tpu.vector_store %arg21[%swap3A_1975, %swap3A_1976], %mul3A_1972 {strides = array<i32>} : memref<256x128xf32, #tpu.memory_space<vmem>>, vector<16xf32>,
        %add3A_1978 = arith.constant 5 : i32
        %add3A_1979 = arith.addi %add3A_1413, %add3A_1978 : i32
        %get3A_1980 = arith.index_cast %add3A_1979 : i32 to index
        %get3A_1981 = arith.constant 96 : index
        %get3A_1982 = tpu.vector_load %arg21[%get3A_1980, %get3A_1981] {strides = array<i32>} : memref<256x128xf32, #tpu.memory_space<vmem>>, vector<16xf32>,
        %mul3A_1983 = vector.broadcast %squeeze3A_1905 : f32 to vector<16xf32>
        %mul3A_1984 = arith.mulf %get3A_1982, %mul3A_1983 : vector<16xf32>
        %add3A_1985 = arith.constant 5 : i32
        %add3A_1986 = arith.addi %add3A_1413, %add3A_1985 : i32
        %swap3A_1987 = arith.index_cast %add3A_1986 : i32 to index
        %swap3A_1988 = arith.constant 96 : index
        %swap3A_1989 = tpu.vector_load %arg21[%swap3A_1987, %swap3A_1988] {strides = array<i32>} : memref<256x128xf32, #tpu.memory_space<vmem>>, vector<16xf32>,
        tpu.vector_store %arg21[%swap3A_1987, %swap3A_1988], %mul3A_1984 {strides = array<i32>} : memref<256x128xf32, #tpu.memory_space<vmem>>, vector<16xf32>,
        %add3A_1990 = arith.constant 5 : i32
        %add3A_1991 = arith.addi %add3A_1413, %add3A_1990 : i32
        %get3A_1992 = arith.index_cast %add3A_1991 : i32 to index
        %get3A_1993 = arith.constant 112 : index
        %get3A_1994 = tpu.vector_load %arg21[%get3A_1992, %get3A_1993] {strides = array<i32>} : memref<256x128xf32, #tpu.memory_space<vmem>>, vector<16xf32>,
        %mul3A_1995 = vector.broadcast %squeeze3A_1905 : f32 to vector<16xf32>
        %mul3A_1996 = arith.mulf %get3A_1994, %mul3A_1995 : vector<16xf32>
        %add3A_1997 = arith.constant 5 : i32
        %add3A_1998 = arith.addi %add3A_1413, %add3A_1997 : i32
        %swap3A_1999 = arith.index_cast %add3A_1998 : i32 to index
        %swap3A_2000 = arith.constant 112 : index
        %swap3A_2001 = tpu.vector_load %arg21[%swap3A_1999, %swap3A_2000] {strides = array<i32>} : memref<256x128xf32, #tpu.memory_space<vmem>>, vector<16xf32>,
        tpu.vector_store %arg21[%swap3A_1999, %swap3A_2000], %mul3A_1996 {strides = array<i32>} : memref<256x128xf32, #tpu.memory_space<vmem>>, vector<16xf32>,
        %slice3A_2002 = vector.extract_strided_slice %exp3A_1407 {offsets = [6], sizes = [1], strides = [1]} : vector<16xf32> to vector<1xf32>
        %squeeze3A_2003 = vector.extract %slice3A_2002[0] : f32 from vector<1xf32>
        %add3A_2004 = arith.constant 6 : i32
        %add3A_2005 = arith.addi %add3A_1413, %add3A_2004 : i32
        %get3A_2006 = arith.index_cast %add3A_2005 : i32 to index
        %get3A_2007 = arith.constant 0 : index
        %get3A_2008 = tpu.vector_load %arg21[%get3A_2006, %get3A_2007] {strides = array<i32>} : memref<256x128xf32, #tpu.memory_space<vmem>>, vector<16xf32>,
        %mul3A_2009 = vector.broadcast %squeeze3A_2003 : f32 to vector<16xf32>
        %mul3A_2010 = arith.mulf %get3A_2008, %mul3A_2009 : vector<16xf32>
        %add3A_2011 = arith.constant 6 : i32
        %add3A_2012 = arith.addi %add3A_1413, %add3A_2011 : i32
        %swap3A_2013 = arith.index_cast %add3A_2012 : i32 to index
        %swap3A_2014 = arith.constant 0 : index
        %swap3A_2015 = tpu.vector_load %arg21[%swap3A_2013, %swap3A_2014] {strides = array<i32>} : memref<256x128xf32, #tpu.memory_space<vmem>>, vector<16xf32>,
        tpu.vector_store %arg21[%swap3A_2013, %swap3A_2014], %mul3A_2010 {strides = array<i32>} : memref<256x128xf32, #tpu.memory_space<vmem>>, vector<16xf32>,
        %add3A_2016 = arith.constant 6 : i32
        %add3A_2017 = arith.addi %add3A_1413, %add3A_2016 : i32
        %get3A_2018 = arith.index_cast %add3A_2017 : i32 to index
        %get3A_2019 = arith.constant 16 : index
        %get3A_2020 = tpu.vector_load %arg21[%get3A_2018, %get3A_2019] {strides = array<i32>} : memref<256x128xf32, #tpu.memory_space<vmem>>, vector<16xf32>,
        %mul3A_2021 = vector.broadcast %squeeze3A_2003 : f32 to vector<16xf32>
        %mul3A_2022 = arith.mulf %get3A_2020, %mul3A_2021 : vector<16xf32>
        %add3A_2023 = arith.constant 6 : i32
        %add3A_2024 = arith.addi %add3A_1413, %add3A_2023 : i32
        %swap3A_2025 = arith.index_cast %add3A_2024 : i32 to index
        %swap3A_2026 = arith.constant 16 : index
        %swap3A_2027 = tpu.vector_load %arg21[%swap3A_2025, %swap3A_2026] {strides = array<i32>} : memref<256x128xf32, #tpu.memory_space<vmem>>, vector<16xf32>,
        tpu.vector_store %arg21[%swap3A_2025, %swap3A_2026], %mul3A_2022 {strides = array<i32>} : memref<256x128xf32, #tpu.memory_space<vmem>>, vector<16xf32>,
        %add3A_2028 = arith.constant 6 : i32
        %add3A_2029 = arith.addi %add3A_1413, %add3A_2028 : i32
        %get3A_2030 = arith.index_cast %add3A_2029 : i32 to index
        %get3A_2031 = arith.constant 32 : index
        %get3A_2032 = tpu.vector_load %arg21[%get3A_2030, %get3A_2031] {strides = array<i32>} : memref<256x128xf32, #tpu.memory_space<vmem>>, vector<16xf32>,
        %mul3A_2033 = vector.broadcast %squeeze3A_2003 : f32 to vector<16xf32>
        %mul3A_2034 = arith.mulf %get3A_2032, %mul3A_2033 : vector<16xf32>
        %add3A_2035 = arith.constant 6 : i32
        %add3A_2036 = arith.addi %add3A_1413, %add3A_2035 : i32
        %swap3A_2037 = arith.index_cast %add3A_2036 : i32 to index
        %swap3A_2038 = arith.constant 32 : index
        %swap3A_2039 = tpu.vector_load %arg21[%swap3A_2037, %swap3A_2038] {strides = array<i32>} : memref<256x128xf32, #tpu.memory_space<vmem>>, vector<16xf32>,
        tpu.vector_store %arg21[%swap3A_2037, %swap3A_2038], %mul3A_2034 {strides = array<i32>} : memref<256x128xf32, #tpu.memory_space<vmem>>, vector<16xf32>,
        %add3A_2040 = arith.constant 6 : i32
        %add3A_2041 = arith.addi %add3A_1413, %add3A_2040 : i32
        %get3A_2042 = arith.index_cast %add3A_2041 : i32 to index
        %get3A_2043 = arith.constant 48 : index
        %get3A_2044 = tpu.vector_load %arg21[%get3A_2042, %get3A_2043] {strides = array<i32>} : memref<256x128xf32, #tpu.memory_space<vmem>>, vector<16xf32>,
        %mul3A_2045 = vector.broadcast %squeeze3A_2003 : f32 to vector<16xf32>
        %mul3A_2046 = arith.mulf %get3A_2044, %mul3A_2045 : vector<16xf32>
        %add3A_2047 = arith.constant 6 : i32
        %add3A_2048 = arith.addi %add3A_1413, %add3A_2047 : i32
        %swap3A_2049 = arith.index_cast %add3A_2048 : i32 to index
        %swap3A_2050 = arith.constant 48 : index
        %swap3A_2051 = tpu.vector_load %arg21[%swap3A_2049, %swap3A_2050] {strides = array<i32>} : memref<256x128xf32, #tpu.memory_space<vmem>>, vector<16xf32>,
        tpu.vector_store %arg21[%swap3A_2049, %swap3A_2050], %mul3A_2046 {strides = array<i32>} : memref<256x128xf32, #tpu.memory_space<vmem>>, vector<16xf32>,
        %add3A_2052 = arith.constant 6 : i32
        %add3A_2053 = arith.addi %add3A_1413, %add3A_2052 : i32
        %get3A_2054 = arith.index_cast %add3A_2053 : i32 to index
        %get3A_2055 = arith.constant 64 : index
        %get3A_2056 = tpu.vector_load %arg21[%get3A_2054, %get3A_2055] {strides = array<i32>} : memref<256x128xf32, #tpu.memory_space<vmem>>, vector<16xf32>,
        %mul3A_2057 = vector.broadcast %squeeze3A_2003 : f32 to vector<16xf32>
        %mul3A_2058 = arith.mulf %get3A_2056, %mul3A_2057 : vector<16xf32>
        %add3A_2059 = arith.constant 6 : i32
        %add3A_2060 = arith.addi %add3A_1413, %add3A_2059 : i32
        %swap3A_2061 = arith.index_cast %add3A_2060 : i32 to index
        %swap3A_2062 = arith.constant 64 : index
        %swap3A_2063 = tpu.vector_load %arg21[%swap3A_2061, %swap3A_2062] {strides = array<i32>} : memref<256x128xf32, #tpu.memory_space<vmem>>, vector<16xf32>,
        tpu.vector_store %arg21[%swap3A_2061, %swap3A_2062], %mul3A_2058 {strides = array<i32>} : memref<256x128xf32, #tpu.memory_space<vmem>>, vector<16xf32>,
        %add3A_2064 = arith.constant 6 : i32
        %add3A_2065 = arith.addi %add3A_1413, %add3A_2064 : i32
        %get3A_2066 = arith.index_cast %add3A_2065 : i32 to index
        %get3A_2067 = arith.constant 80 : index
        %get3A_2068 = tpu.vector_load %arg21[%get3A_2066, %get3A_2067] {strides = array<i32>} : memref<256x128xf32, #tpu.memory_space<vmem>>, vector<16xf32>,
        %mul3A_2069 = vector.broadcast %squeeze3A_2003 : f32 to vector<16xf32>
        %mul3A_2070 = arith.mulf %get3A_2068, %mul3A_2069 : vector<16xf32>
        %add3A_2071 = arith.constant 6 : i32
        %add3A_2072 = arith.addi %add3A_1413, %add3A_2071 : i32
        %swap3A_2073 = arith.index_cast %add3A_2072 : i32 to index
        %swap3A_2074 = arith.constant 80 : index
        %swap3A_2075 = tpu.vector_load %arg21[%swap3A_2073, %swap3A_2074] {strides = array<i32>} : memref<256x128xf32, #tpu.memory_space<vmem>>, vector<16xf32>,
        tpu.vector_store %arg21[%swap3A_2073, %swap3A_2074], %mul3A_2070 {strides = array<i32>} : memref<256x128xf32, #tpu.memory_space<vmem>>, vector<16xf32>,
        %add3A_2076 = arith.constant 6 : i32
        %add3A_2077 = arith.addi %add3A_1413, %add3A_2076 : i32
        %get3A_2078 = arith.index_cast %add3A_2077 : i32 to index
        %get3A_2079 = arith.constant 96 : index
        %get3A_2080 = tpu.vector_load %arg21[%get3A_2078, %get3A_2079] {strides = array<i32>} : memref<256x128xf32, #tpu.memory_space<vmem>>, vector<16xf32>,
        %mul3A_2081 = vector.broadcast %squeeze3A_2003 : f32 to vector<16xf32>
        %mul3A_2082 = arith.mulf %get3A_2080, %mul3A_2081 : vector<16xf32>
        %add3A_2083 = arith.constant 6 : i32
        %add3A_2084 = arith.addi %add3A_1413, %add3A_2083 : i32
        %swap3A_2085 = arith.index_cast %add3A_2084 : i32 to index
        %swap3A_2086 = arith.constant 96 : index
        %swap3A_2087 = tpu.vector_load %arg21[%swap3A_2085, %swap3A_2086] {strides = array<i32>} : memref<256x128xf32, #tpu.memory_space<vmem>>, vector<16xf32>,
        tpu.vector_store %arg21[%swap3A_2085, %swap3A_2086], %mul3A_2082 {strides = array<i32>} : memref<256x128xf32, #tpu.memory_space<vmem>>, vector<16xf32>,
        %add3A_2088 = arith.constant 6 : i32
        %add3A_2089 = arith.addi %add3A_1413, %add3A_2088 : i32
        %get3A_2090 = arith.index_cast %add3A_2089 : i32 to index
        %get3A_2091 = arith.constant 112 : index
        %get3A_2092 = tpu.vector_load %arg21[%get3A_2090, %get3A_2091] {strides = array<i32>} : memref<256x128xf32, #tpu.memory_space<vmem>>, vector<16xf32>,
        %mul3A_2093 = vector.broadcast %squeeze3A_2003 : f32 to vector<16xf32>
        %mul3A_2094 = arith.mulf %get3A_2092, %mul3A_2093 : vector<16xf32>
        %add3A_2095 = arith.constant 6 : i32
        %add3A_2096 = arith.addi %add3A_1413, %add3A_2095 : i32
        %swap3A_2097 = arith.index_cast %add3A_2096 : i32 to index
        %swap3A_2098 = arith.constant 112 : index
        %swap3A_2099 = tpu.vector_load %arg21[%swap3A_2097, %swap3A_2098] {strides = array<i32>} : memref<256x128xf32, #tpu.memory_space<vmem>>, vector<16xf32>,
        tpu.vector_store %arg21[%swap3A_2097, %swap3A_2098], %mul3A_2094 {strides = array<i32>} : memref<256x128xf32, #tpu.memory_space<vmem>>, vector<16xf32>,
        %slice3A_2100 = vector.extract_strided_slice %exp3A_1407 {offsets = [7], sizes = [1], strides = [1]} : vector<16xf32> to vector<1xf32>
        %squeeze3A_2101 = vector.extract %slice3A_2100[0] : f32 from vector<1xf32>
        %add3A_2102 = arith.constant 7 : i32
        %add3A_2103 = arith.addi %add3A_1413, %add3A_2102 : i32
        %get3A_2104 = arith.index_cast %add3A_2103 : i32 to index
        %get3A_2105 = arith.constant 0 : index
        %get3A_2106 = tpu.vector_load %arg21[%get3A_2104, %get3A_2105] {strides = array<i32>} : memref<256x128xf32, #tpu.memory_space<vmem>>, vector<16xf32>,
        %mul3A_2107 = vector.broadcast %squeeze3A_2101 : f32 to vector<16xf32>
        %mul3A_2108 = arith.mulf %get3A_2106, %mul3A_2107 : vector<16xf32>
        %add3A_2109 = arith.constant 7 : i32
        %add3A_2110 = arith.addi %add3A_1413, %add3A_2109 : i32
        %swap3A_2111 = arith.index_cast %add3A_2110 : i32 to index
        %swap3A_2112 = arith.constant 0 : index
        %swap3A_2113 = tpu.vector_load %arg21[%swap3A_2111, %swap3A_2112] {strides = array<i32>} : memref<256x128xf32, #tpu.memory_space<vmem>>, vector<16xf32>,
        tpu.vector_store %arg21[%swap3A_2111, %swap3A_2112], %mul3A_2108 {strides = array<i32>} : memref<256x128xf32, #tpu.memory_space<vmem>>, vector<16xf32>,
        %add3A_2114 = arith.constant 7 : i32
        %add3A_2115 = arith.addi %add3A_1413, %add3A_2114 : i32
        %get3A_2116 = arith.index_cast %add3A_2115 : i32 to index
        %get3A_2117 = arith.constant 16 : index
        %get3A_2118 = tpu.vector_load %arg21[%get3A_2116, %get3A_2117] {strides = array<i32>} : memref<256x128xf32, #tpu.memory_space<vmem>>, vector<16xf32>,
        %mul3A_2119 = vector.broadcast %squeeze3A_2101 : f32 to vector<16xf32>
        %mul3A_2120 = arith.mulf %get3A_2118, %mul3A_2119 : vector<16xf32>
        %add3A_2121 = arith.constant 7 : i32
        %add3A_2122 = arith.addi %add3A_1413, %add3A_2121 : i32
        %swap3A_2123 = arith.index_cast %add3A_2122 : i32 to index
        %swap3A_2124 = arith.constant 16 : index
        %swap3A_2125 = tpu.vector_load %arg21[%swap3A_2123, %swap3A_2124] {strides = array<i32>} : memref<256x128xf32, #tpu.memory_space<vmem>>, vector<16xf32>,
        tpu.vector_store %arg21[%swap3A_2123, %swap3A_2124], %mul3A_2120 {strides = array<i32>} : memref<256x128xf32, #tpu.memory_space<vmem>>, vector<16xf32>,
        %add3A_2126 = arith.constant 7 : i32
        %add3A_2127 = arith.addi %add3A_1413, %add3A_2126 : i32
        %get3A_2128 = arith.index_cast %add3A_2127 : i32 to index
        %get3A_2129 = arith.constant 32 : index
        %get3A_2130 = tpu.vector_load %arg21[%get3A_2128, %get3A_2129] {strides = array<i32>} : memref<256x128xf32, #tpu.memory_space<vmem>>, vector<16xf32>,
        %mul3A_2131 = vector.broadcast %squeeze3A_2101 : f32 to vector<16xf32>
        %mul3A_2132 = arith.mulf %get3A_2130, %mul3A_2131 : vector<16xf32>
        %add3A_2133 = arith.constant 7 : i32
        %add3A_2134 = arith.addi %add3A_1413, %add3A_2133 : i32
        %swap3A_2135 = arith.index_cast %add3A_2134 : i32 to index
        %swap3A_2136 = arith.constant 32 : index
        %swap3A_2137 = tpu.vector_load %arg21[%swap3A_2135, %swap3A_2136] {strides = array<i32>} : memref<256x128xf32, #tpu.memory_space<vmem>>, vector<16xf32>,
        tpu.vector_store %arg21[%swap3A_2135, %swap3A_2136], %mul3A_2132 {strides = array<i32>} : memref<256x128xf32, #tpu.memory_space<vmem>>, vector<16xf32>,
        %add3A_2138 = arith.constant 7 : i32
        %add3A_2139 = arith.addi %add3A_1413, %add3A_2138 : i32
        %get3A_2140 = arith.index_cast %add3A_2139 : i32 to index
        %get3A_2141 = arith.constant 48 : index
        %get3A_2142 = tpu.vector_load %arg21[%get3A_2140, %get3A_2141] {strides = array<i32>} : memref<256x128xf32, #tpu.memory_space<vmem>>, vector<16xf32>,
        %mul3A_2143 = vector.broadcast %squeeze3A_2101 : f32 to vector<16xf32>
        %mul3A_2144 = arith.mulf %get3A_2142, %mul3A_2143 : vector<16xf32>
        %add3A_2145 = arith.constant 7 : i32
        %add3A_2146 = arith.addi %add3A_1413, %add3A_2145 : i32
        %swap3A_2147 = arith.index_cast %add3A_2146 : i32 to index
        %swap3A_2148 = arith.constant 48 : index
        %swap3A_2149 = tpu.vector_load %arg21[%swap3A_2147, %swap3A_2148] {strides = array<i32>} : memref<256x128xf32, #tpu.memory_space<vmem>>, vector<16xf32>,
        tpu.vector_store %arg21[%swap3A_2147, %swap3A_2148], %mul3A_2144 {strides = array<i32>} : memref<256x128xf32, #tpu.memory_space<vmem>>, vector<16xf32>,
        %add3A_2150 = arith.constant 7 : i32
        %add3A_2151 = arith.addi %add3A_1413, %add3A_2150 : i32
        %get3A_2152 = arith.index_cast %add3A_2151 : i32 to index
        %get3A_2153 = arith.constant 64 : index
        %get3A_2154 = tpu.vector_load %arg21[%get3A_2152, %get3A_2153] {strides = array<i32>} : memref<256x128xf32, #tpu.memory_space<vmem>>, vector<16xf32>,
        %mul3A_2155 = vector.broadcast %squeeze3A_2101 : f32 to vector<16xf32>
        %mul3A_2156 = arith.mulf %get3A_2154, %mul3A_2155 : vector<16xf32>
        %add3A_2157 = arith.constant 7 : i32
        %add3A_2158 = arith.addi %add3A_1413, %add3A_2157 : i32
        %swap3A_2159 = arith.index_cast %add3A_2158 : i32 to index
        %swap3A_2160 = arith.constant 64 : index
        %swap3A_2161 = tpu.vector_load %arg21[%swap3A_2159, %swap3A_2160] {strides = array<i32>} : memref<256x128xf32, #tpu.memory_space<vmem>>, vector<16xf32>,
        tpu.vector_store %arg21[%swap3A_2159, %swap3A_2160], %mul3A_2156 {strides = array<i32>} : memref<256x128xf32, #tpu.memory_space<vmem>>, vector<16xf32>,
        %add3A_2162 = arith.constant 7 : i32
        %add3A_2163 = arith.addi %add3A_1413, %add3A_2162 : i32
        %get3A_2164 = arith.index_cast %add3A_2163 : i32 to index
        %get3A_2165 = arith.constant 80 : index
        %get3A_2166 = tpu.vector_load %arg21[%get3A_2164, %get3A_2165] {strides = array<i32>} : memref<256x128xf32, #tpu.memory_space<vmem>>, vector<16xf32>,
        %mul3A_2167 = vector.broadcast %squeeze3A_2101 : f32 to vector<16xf32>
        %mul3A_2168 = arith.mulf %get3A_2166, %mul3A_2167 : vector<16xf32>
        %add3A_2169 = arith.constant 7 : i32
        %add3A_2170 = arith.addi %add3A_1413, %add3A_2169 : i32
        %swap3A_2171 = arith.index_cast %add3A_2170 : i32 to index
        %swap3A_2172 = arith.constant 80 : index
        %swap3A_2173 = tpu.vector_load %arg21[%swap3A_2171, %swap3A_2172] {strides = array<i32>} : memref<256x128xf32, #tpu.memory_space<vmem>>, vector<16xf32>,
        tpu.vector_store %arg21[%swap3A_2171, %swap3A_2172], %mul3A_2168 {strides = array<i32>} : memref<256x128xf32, #tpu.memory_space<vmem>>, vector<16xf32>,
        %add3A_2174 = arith.constant 7 : i32
        %add3A_2175 = arith.addi %add3A_1413, %add3A_2174 : i32
        %get3A_2176 = arith.index_cast %add3A_2175 : i32 to index
        %get3A_2177 = arith.constant 96 : index
        %get3A_2178 = tpu.vector_load %arg21[%get3A_2176, %get3A_2177] {strides = array<i32>} : memref<256x128xf32, #tpu.memory_space<vmem>>, vector<16xf32>,
        %mul3A_2179 = vector.broadcast %squeeze3A_2101 : f32 to vector<16xf32>
        %mul3A_2180 = arith.mulf %get3A_2178, %mul3A_2179 : vector<16xf32>
        %add3A_2181 = arith.constant 7 : i32
        %add3A_2182 = arith.addi %add3A_1413, %add3A_2181 : i32
        %swap3A_2183 = arith.index_cast %add3A_2182 : i32 to index
        %swap3A_2184 = arith.constant 96 : index
        %swap3A_2185 = tpu.vector_load %arg21[%swap3A_2183, %swap3A_2184] {strides = array<i32>} : memref<256x128xf32, #tpu.memory_space<vmem>>, vector<16xf32>,
        tpu.vector_store %arg21[%swap3A_2183, %swap3A_2184], %mul3A_2180 {strides = array<i32>} : memref<256x128xf32, #tpu.memory_space<vmem>>, vector<16xf32>,
        %add3A_2186 = arith.constant 7 : i32
        %add3A_2187 = arith.addi %add3A_1413, %add3A_2186 : i32
        %get3A_2188 = arith.index_cast %add3A_2187 : i32 to index
        %get3A_2189 = arith.constant 112 : index
        %get3A_2190 = tpu.vector_load %arg21[%get3A_2188, %get3A_2189] {strides = array<i32>} : memref<256x128xf32, #tpu.memory_space<vmem>>, vector<16xf32>,
        %mul3A_2191 = vector.broadcast %squeeze3A_2101 : f32 to vector<16xf32>
        %mul3A_2192 = arith.mulf %get3A_2190, %mul3A_2191 : vector<16xf32>
        %add3A_2193 = arith.constant 7 : i32
        %add3A_2194 = arith.addi %add3A_1413, %add3A_2193 : i32
        %swap3A_2195 = arith.index_cast %add3A_2194 : i32 to index
        %swap3A_2196 = arith.constant 112 : index
        %swap3A_2197 = tpu.vector_load %arg21[%swap3A_2195, %swap3A_2196] {strides = array<i32>} : memref<256x128xf32, #tpu.memory_space<vmem>>, vector<16xf32>,
        tpu.vector_store %arg21[%swap3A_2195, %swap3A_2196], %mul3A_2192 {strides = array<i32>} : memref<256x128xf32, #tpu.memory_space<vmem>>, vector<16xf32>,
        %slice3A_2198 = vector.extract_strided_slice %exp3A_1407 {offsets = [8], sizes = [1], strides = [1]} : vector<16xf32> to vector<1xf32>
        %squeeze3A_2199 = vector.extract %slice3A_2198[0] : f32 from vector<1xf32>
        %add3A_2200 = arith.constant 8 : i32
        %add3A_2201 = arith.addi %add3A_1413, %add3A_2200 : i32
        %get3A_2202 = arith.index_cast %add3A_2201 : i32 to index
        %get3A_2203 = arith.constant 0 : index
        %get3A_2204 = tpu.vector_load %arg21[%get3A_2202, %get3A_2203] {strides = array<i32>} : memref<256x128xf32, #tpu.memory_space<vmem>>, vector<16xf32>,
        %mul3A_2205 = vector.broadcast %squeeze3A_2199 : f32 to vector<16xf32>
        %mul3A_2206 = arith.mulf %get3A_2204, %mul3A_2205 : vector<16xf32>
        %add3A_2207 = arith.constant 8 : i32
        %add3A_2208 = arith.addi %add3A_1413, %add3A_2207 : i32
        %swap3A_2209 = arith.index_cast %add3A_2208 : i32 to index
        %swap3A_2210 = arith.constant 0 : index
        %swap3A_2211 = tpu.vector_load %arg21[%swap3A_2209, %swap3A_2210] {strides = array<i32>} : memref<256x128xf32, #tpu.memory_space<vmem>>, vector<16xf32>,
        tpu.vector_store %arg21[%swap3A_2209, %swap3A_2210], %mul3A_2206 {strides = array<i32>} : memref<256x128xf32, #tpu.memory_space<vmem>>, vector<16xf32>,
        %add3A_2212 = arith.constant 8 : i32
        %add3A_2213 = arith.addi %add3A_1413, %add3A_2212 : i32
        %get3A_2214 = arith.index_cast %add3A_2213 : i32 to index
        %get3A_2215 = arith.constant 16 : index
        %get3A_2216 = tpu.vector_load %arg21[%get3A_2214, %get3A_2215] {strides = array<i32>} : memref<256x128xf32, #tpu.memory_space<vmem>>, vector<16xf32>,
        %mul3A_2217 = vector.broadcast %squeeze3A_2199 : f32 to vector<16xf32>
        %mul3A_2218 = arith.mulf %get3A_2216, %mul3A_2217 : vector<16xf32>
        %add3A_2219 = arith.constant 8 : i32
        %add3A_2220 = arith.addi %add3A_1413, %add3A_2219 : i32
        %swap3A_2221 = arith.index_cast %add3A_2220 : i32 to index
        %swap3A_2222 = arith.constant 16 : index
        %swap3A_2223 = tpu.vector_load %arg21[%swap3A_2221, %swap3A_2222] {strides = array<i32>} : memref<256x128xf32, #tpu.memory_space<vmem>>, vector<16xf32>,
        tpu.vector_store %arg21[%swap3A_2221, %swap3A_2222], %mul3A_2218 {strides = array<i32>} : memref<256x128xf32, #tpu.memory_space<vmem>>, vector<16xf32>,
        %add3A_2224 = arith.constant 8 : i32
        %add3A_2225 = arith.addi %add3A_1413, %add3A_2224 : i32
        %get3A_2226 = arith.index_cast %add3A_2225 : i32 to index
        %get3A_2227 = arith.constant 32 : index
        %get3A_2228 = tpu.vector_load %arg21[%get3A_2226, %get3A_2227] {strides = array<i32>} : memref<256x128xf32, #tpu.memory_space<vmem>>, vector<16xf32>,
        %mul3A_2229 = vector.broadcast %squeeze3A_2199 : f32 to vector<16xf32>
        %mul3A_2230 = arith.mulf %get3A_2228, %mul3A_2229 : vector<16xf32>
        %add3A_2231 = arith.constant 8 : i32
        %add3A_2232 = arith.addi %add3A_1413, %add3A_2231 : i32
        %swap3A_2233 = arith.index_cast %add3A_2232 : i32 to index
        %swap3A_2234 = arith.constant 32 : index
        %swap3A_2235 = tpu.vector_load %arg21[%swap3A_2233, %swap3A_2234] {strides = array<i32>} : memref<256x128xf32, #tpu.memory_space<vmem>>, vector<16xf32>,
        tpu.vector_store %arg21[%swap3A_2233, %swap3A_2234], %mul3A_2230 {strides = array<i32>} : memref<256x128xf32, #tpu.memory_space<vmem>>, vector<16xf32>,
        %add3A_2236 = arith.constant 8 : i32
        %add3A_2237 = arith.addi %add3A_1413, %add3A_2236 : i32
        %get3A_2238 = arith.index_cast %add3A_2237 : i32 to index
        %get3A_2239 = arith.constant 48 : index
        %get3A_2240 = tpu.vector_load %arg21[%get3A_2238, %get3A_2239] {strides = array<i32>} : memref<256x128xf32, #tpu.memory_space<vmem>>, vector<16xf32>,
        %mul3A_2241 = vector.broadcast %squeeze3A_2199 : f32 to vector<16xf32>
        %mul3A_2242 = arith.mulf %get3A_2240, %mul3A_2241 : vector<16xf32>
        %add3A_2243 = arith.constant 8 : i32
        %add3A_2244 = arith.addi %add3A_1413, %add3A_2243 : i32
        %swap3A_2245 = arith.index_cast %add3A_2244 : i32 to index
        %swap3A_2246 = arith.constant 48 : index
        %swap3A_2247 = tpu.vector_load %arg21[%swap3A_2245, %swap3A_2246] {strides = array<i32>} : memref<256x128xf32, #tpu.memory_space<vmem>>, vector<16xf32>,
        tpu.vector_store %arg21[%swap3A_2245, %swap3A_2246], %mul3A_2242 {strides = array<i32>} : memref<256x128xf32, #tpu.memory_space<vmem>>, vector<16xf32>,
        %add3A_2248 = arith.constant 8 : i32
        %add3A_2249 = arith.addi %add3A_1413, %add3A_2248 : i32
        %get3A_2250 = arith.index_cast %add3A_2249 : i32 to index
        %get3A_2251 = arith.constant 64 : index
        %get3A_2252 = tpu.vector_load %arg21[%get3A_2250, %get3A_2251] {strides = array<i32>} : memref<256x128xf32, #tpu.memory_space<vmem>>, vector<16xf32>,
        %mul3A_2253 = vector.broadcast %squeeze3A_2199 : f32 to vector<16xf32>
        %mul3A_2254 = arith.mulf %get3A_2252, %mul3A_2253 : vector<16xf32>
        %add3A_2255 = arith.constant 8 : i32
        %add3A_2256 = arith.addi %add3A_1413, %add3A_2255 : i32
        %swap3A_2257 = arith.index_cast %add3A_2256 : i32 to index
        %swap3A_2258 = arith.constant 64 : index
        %swap3A_2259 = tpu.vector_load %arg21[%swap3A_2257, %swap3A_2258] {strides = array<i32>} : memref<256x128xf32, #tpu.memory_space<vmem>>, vector<16xf32>,
        tpu.vector_store %arg21[%swap3A_2257, %swap3A_2258], %mul3A_2254 {strides = array<i32>} : memref<256x128xf32, #tpu.memory_space<vmem>>, vector<16xf32>,
        %add3A_2260 = arith.constant 8 : i32
        %add3A_2261 = arith.addi %add3A_1413, %add3A_2260 : i32
        %get3A_2262 = arith.index_cast %add3A_2261 : i32 to index
        %get3A_2263 = arith.constant 80 : index
        %get3A_2264 = tpu.vector_load %arg21[%get3A_2262, %get3A_2263] {strides = array<i32>} : memref<256x128xf32, #tpu.memory_space<vmem>>, vector<16xf32>,
        %mul3A_2265 = vector.broadcast %squeeze3A_2199 : f32 to vector<16xf32>
        %mul3A_2266 = arith.mulf %get3A_2264, %mul3A_2265 : vector<16xf32>
        %add3A_2267 = arith.constant 8 : i32
        %add3A_2268 = arith.addi %add3A_1413, %add3A_2267 : i32
        %swap3A_2269 = arith.index_cast %add3A_2268 : i32 to index
        %swap3A_2270 = arith.constant 80 : index
        %swap3A_2271 = tpu.vector_load %arg21[%swap3A_2269, %swap3A_2270] {strides = array<i32>} : memref<256x128xf32, #tpu.memory_space<vmem>>, vector<16xf32>,
        tpu.vector_store %arg21[%swap3A_2269, %swap3A_2270], %mul3A_2266 {strides = array<i32>} : memref<256x128xf32, #tpu.memory_space<vmem>>, vector<16xf32>,
        %add3A_2272 = arith.constant 8 : i32
        %add3A_2273 = arith.addi %add3A_1413, %add3A_2272 : i32
        %get3A_2274 = arith.index_cast %add3A_2273 : i32 to index
        %get3A_2275 = arith.constant 96 : index
        %get3A_2276 = tpu.vector_load %arg21[%get3A_2274, %get3A_2275] {strides = array<i32>} : memref<256x128xf32, #tpu.memory_space<vmem>>, vector<16xf32>,
        %mul3A_2277 = vector.broadcast %squeeze3A_2199 : f32 to vector<16xf32>
        %mul3A_2278 = arith.mulf %get3A_2276, %mul3A_2277 : vector<16xf32>
        %add3A_2279 = arith.constant 8 : i32
        %add3A_2280 = arith.addi %add3A_1413, %add3A_2279 : i32
        %swap3A_2281 = arith.index_cast %add3A_2280 : i32 to index
        %swap3A_2282 = arith.constant 96 : index
        %swap3A_2283 = tpu.vector_load %arg21[%swap3A_2281, %swap3A_2282] {strides = array<i32>} : memref<256x128xf32, #tpu.memory_space<vmem>>, vector<16xf32>,
        tpu.vector_store %arg21[%swap3A_2281, %swap3A_2282], %mul3A_2278 {strides = array<i32>} : memref<256x128xf32, #tpu.memory_space<vmem>>, vector<16xf32>,
        %add3A_2284 = arith.constant 8 : i32
        %add3A_2285 = arith.addi %add3A_1413, %add3A_2284 : i32
        %get3A_2286 = arith.index_cast %add3A_2285 : i32 to index
        %get3A_2287 = arith.constant 112 : index
        %get3A_2288 = tpu.vector_load %arg21[%get3A_2286, %get3A_2287] {strides = array<i32>} : memref<256x128xf32, #tpu.memory_space<vmem>>, vector<16xf32>,
        %mul3A_2289 = vector.broadcast %squeeze3A_2199 : f32 to vector<16xf32>
        %mul3A_2290 = arith.mulf %get3A_2288, %mul3A_2289 : vector<16xf32>
        %add3A_2291 = arith.constant 8 : i32
        %add3A_2292 = arith.addi %add3A_1413, %add3A_2291 : i32
        %swap3A_2293 = arith.index_cast %add3A_2292 : i32 to index
        %swap3A_2294 = arith.constant 112 : index
        %swap3A_2295 = tpu.vector_load %arg21[%swap3A_2293, %swap3A_2294] {strides = array<i32>} : memref<256x128xf32, #tpu.memory_space<vmem>>, vector<16xf32>,
        tpu.vector_store %arg21[%swap3A_2293, %swap3A_2294], %mul3A_2290 {strides = array<i32>} : memref<256x128xf32, #tpu.memory_space<vmem>>, vector<16xf32>,
        %slice3A_2296 = vector.extract_strided_slice %exp3A_1407 {offsets = [9], sizes = [1], strides = [1]} : vector<16xf32> to vector<1xf32>
        %squeeze3A_2297 = vector.extract %slice3A_2296[0] : f32 from vector<1xf32>
        %add3A_2298 = arith.constant 9 : i32
        %add3A_2299 = arith.addi %add3A_1413, %add3A_2298 : i32
        %get3A_2300 = arith.index_cast %add3A_2299 : i32 to index
        %get3A_2301 = arith.constant 0 : index
        %get3A_2302 = tpu.vector_load %arg21[%get3A_2300, %get3A_2301] {strides = array<i32>} : memref<256x128xf32, #tpu.memory_space<vmem>>, vector<16xf32>,
        %mul3A_2303 = vector.broadcast %squeeze3A_2297 : f32 to vector<16xf32>
        %mul3A_2304 = arith.mulf %get3A_2302, %mul3A_2303 : vector<16xf32>
        %add3A_2305 = arith.constant 9 : i32
        %add3A_2306 = arith.addi %add3A_1413, %add3A_2305 : i32
        %swap3A_2307 = arith.index_cast %add3A_2306 : i32 to index
        %swap3A_2308 = arith.constant 0 : index
        %swap3A_2309 = tpu.vector_load %arg21[%swap3A_2307, %swap3A_2308] {strides = array<i32>} : memref<256x128xf32, #tpu.memory_space<vmem>>, vector<16xf32>,
        tpu.vector_store %arg21[%swap3A_2307, %swap3A_2308], %mul3A_2304 {strides = array<i32>} : memref<256x128xf32, #tpu.memory_space<vmem>>, vector<16xf32>,
        %add3A_2310 = arith.constant 9 : i32
        %add3A_2311 = arith.addi %add3A_1413, %add3A_2310 : i32
        %get3A_2312 = arith.index_cast %add3A_2311 : i32 to index
        %get3A_2313 = arith.constant 16 : index
        %get3A_2314 = tpu.vector_load %arg21[%get3A_2312, %get3A_2313] {strides = array<i32>} : memref<256x128xf32, #tpu.memory_space<vmem>>, vector<16xf32>,
        %mul3A_2315 = vector.broadcast %squeeze3A_2297 : f32 to vector<16xf32>
        %mul3A_2316 = arith.mulf %get3A_2314, %mul3A_2315 : vector<16xf32>
        %add3A_2317 = arith.constant 9 : i32
        %add3A_2318 = arith.addi %add3A_1413, %add3A_2317 : i32
        %swap3A_2319 = arith.index_cast %add3A_2318 : i32 to index
        %swap3A_2320 = arith.constant 16 : index
        %swap3A_2321 = tpu.vector_load %arg21[%swap3A_2319, %swap3A_2320] {strides = array<i32>} : memref<256x128xf32, #tpu.memory_space<vmem>>, vector<16xf32>,
        tpu.vector_store %arg21[%swap3A_2319, %swap3A_2320], %mul3A_2316 {strides = array<i32>} : memref<256x128xf32, #tpu.memory_space<vmem>>, vector<16xf32>,
        %add3A_2322 = arith.constant 9 : i32
        %add3A_2323 = arith.addi %add3A_1413, %add3A_2322 : i32
        %get3A_2324 = arith.index_cast %add3A_2323 : i32 to index
        %get3A_2325 = arith.constant 32 : index
        %get3A_2326 = tpu.vector_load %arg21[%get3A_2324, %get3A_2325] {strides = array<i32>} : memref<256x128xf32, #tpu.memory_space<vmem>>, vector<16xf32>,
        %mul3A_2327 = vector.broadcast %squeeze3A_2297 : f32 to vector<16xf32>
        %mul3A_2328 = arith.mulf %get3A_2326, %mul3A_2327 : vector<16xf32>
        %add3A_2329 = arith.constant 9 : i32
        %add3A_2330 = arith.addi %add3A_1413, %add3A_2329 : i32
        %swap3A_2331 = arith.index_cast %add3A_2330 : i32 to index
        %swap3A_2332 = arith.constant 32 : index
        %swap3A_2333 = tpu.vector_load %arg21[%swap3A_2331, %swap3A_2332] {strides = array<i32>} : memref<256x128xf32, #tpu.memory_space<vmem>>, vector<16xf32>,
        tpu.vector_store %arg21[%swap3A_2331, %swap3A_2332], %mul3A_2328 {strides = array<i32>} : memref<256x128xf32, #tpu.memory_space<vmem>>, vector<16xf32>,
        %add3A_2334 = arith.constant 9 : i32
        %add3A_2335 = arith.addi %add3A_1413, %add3A_2334 : i32
        %get3A_2336 = arith.index_cast %add3A_2335 : i32 to index
        %get3A_2337 = arith.constant 48 : index
        %get3A_2338 = tpu.vector_load %arg21[%get3A_2336, %get3A_2337] {strides = array<i32>} : memref<256x128xf32, #tpu.memory_space<vmem>>, vector<16xf32>,
        %mul3A_2339 = vector.broadcast %squeeze3A_2297 : f32 to vector<16xf32>
        %mul3A_2340 = arith.mulf %get3A_2338, %mul3A_2339 : vector<16xf32>
        %add3A_2341 = arith.constant 9 : i32
        %add3A_2342 = arith.addi %add3A_1413, %add3A_2341 : i32
        %swap3A_2343 = arith.index_cast %add3A_2342 : i32 to index
        %swap3A_2344 = arith.constant 48 : index
        %swap3A_2345 = tpu.vector_load %arg21[%swap3A_2343, %swap3A_2344] {strides = array<i32>} : memref<256x128xf32, #tpu.memory_space<vmem>>, vector<16xf32>,
        tpu.vector_store %arg21[%swap3A_2343, %swap3A_2344], %mul3A_2340 {strides = array<i32>} : memref<256x128xf32, #tpu.memory_space<vmem>>, vector<16xf32>,
        %add3A_2346 = arith.constant 9 : i32
        %add3A_2347 = arith.addi %add3A_1413, %add3A_2346 : i32
        %get3A_2348 = arith.index_cast %add3A_2347 : i32 to index
        %get3A_2349 = arith.constant 64 : index
        %get3A_2350 = tpu.vector_load %arg21[%get3A_2348, %get3A_2349] {strides = array<i32>} : memref<256x128xf32, #tpu.memory_space<vmem>>, vector<16xf32>,
        %mul3A_2351 = vector.broadcast %squeeze3A_2297 : f32 to vector<16xf32>
        %mul3A_2352 = arith.mulf %get3A_2350, %mul3A_2351 : vector<16xf32>
        %add3A_2353 = arith.constant 9 : i32
        %add3A_2354 = arith.addi %add3A_1413, %add3A_2353 : i32
        %swap3A_2355 = arith.index_cast %add3A_2354 : i32 to index
        %swap3A_2356 = arith.constant 64 : index
        %swap3A_2357 = tpu.vector_load %arg21[%swap3A_2355, %swap3A_2356] {strides = array<i32>} : memref<256x128xf32, #tpu.memory_space<vmem>>, vector<16xf32>,
        tpu.vector_store %arg21[%swap3A_2355, %swap3A_2356], %mul3A_2352 {strides = array<i32>} : memref<256x128xf32, #tpu.memory_space<vmem>>, vector<16xf32>,
        %add3A_2358 = arith.constant 9 : i32
        %add3A_2359 = arith.addi %add3A_1413, %add3A_2358 : i32
        %get3A_2360 = arith.index_cast %add3A_2359 : i32 to index
        %get3A_2361 = arith.constant 80 : index
        %get3A_2362 = tpu.vector_load %arg21[%get3A_2360, %get3A_2361] {strides = array<i32>} : memref<256x128xf32, #tpu.memory_space<vmem>>, vector<16xf32>,
        %mul3A_2363 = vector.broadcast %squeeze3A_2297 : f32 to vector<16xf32>
        %mul3A_2364 = arith.mulf %get3A_2362, %mul3A_2363 : vector<16xf32>
        %add3A_2365 = arith.constant 9 : i32
        %add3A_2366 = arith.addi %add3A_1413, %add3A_2365 : i32
        %swap3A_2367 = arith.index_cast %add3A_2366 : i32 to index
        %swap3A_2368 = arith.constant 80 : index
        %swap3A_2369 = tpu.vector_load %arg21[%swap3A_2367, %swap3A_2368] {strides = array<i32>} : memref<256x128xf32, #tpu.memory_space<vmem>>, vector<16xf32>,
        tpu.vector_store %arg21[%swap3A_2367, %swap3A_2368], %mul3A_2364 {strides = array<i32>} : memref<256x128xf32, #tpu.memory_space<vmem>>, vector<16xf32>,
        %add3A_2370 = arith.constant 9 : i32
        %add3A_2371 = arith.addi %add3A_1413, %add3A_2370 : i32
        %get3A_2372 = arith.index_cast %add3A_2371 : i32 to index
        %get3A_2373 = arith.constant 96 : index
        %get3A_2374 = tpu.vector_load %arg21[%get3A_2372, %get3A_2373] {strides = array<i32>} : memref<256x128xf32, #tpu.memory_space<vmem>>, vector<16xf32>,
        %mul3A_2375 = vector.broadcast %squeeze3A_2297 : f32 to vector<16xf32>
        %mul3A_2376 = arith.mulf %get3A_2374, %mul3A_2375 : vector<16xf32>
        %add3A_2377 = arith.constant 9 : i32
        %add3A_2378 = arith.addi %add3A_1413, %add3A_2377 : i32
        %swap3A_2379 = arith.index_cast %add3A_2378 : i32 to index
        %swap3A_2380 = arith.constant 96 : index
        %swap3A_2381 = tpu.vector_load %arg21[%swap3A_2379, %swap3A_2380] {strides = array<i32>} : memref<256x128xf32, #tpu.memory_space<vmem>>, vector<16xf32>,
        tpu.vector_store %arg21[%swap3A_2379, %swap3A_2380], %mul3A_2376 {strides = array<i32>} : memref<256x128xf32, #tpu.memory_space<vmem>>, vector<16xf32>,
        %add3A_2382 = arith.constant 9 : i32
        %add3A_2383 = arith.addi %add3A_1413, %add3A_2382 : i32
        %get3A_2384 = arith.index_cast %add3A_2383 : i32 to index
        %get3A_2385 = arith.constant 112 : index
        %get3A_2386 = tpu.vector_load %arg21[%get3A_2384, %get3A_2385] {strides = array<i32>} : memref<256x128xf32, #tpu.memory_space<vmem>>, vector<16xf32>,
        %mul3A_2387 = vector.broadcast %squeeze3A_2297 : f32 to vector<16xf32>
        %mul3A_2388 = arith.mulf %get3A_2386, %mul3A_2387 : vector<16xf32>
        %add3A_2389 = arith.constant 9 : i32
        %add3A_2390 = arith.addi %add3A_1413, %add3A_2389 : i32
        %swap3A_2391 = arith.index_cast %add3A_2390 : i32 to index
        %swap3A_2392 = arith.constant 112 : index
        %swap3A_2393 = tpu.vector_load %arg21[%swap3A_2391, %swap3A_2392] {strides = array<i32>} : memref<256x128xf32, #tpu.memory_space<vmem>>, vector<16xf32>,
        tpu.vector_store %arg21[%swap3A_2391, %swap3A_2392], %mul3A_2388 {strides = array<i32>} : memref<256x128xf32, #tpu.memory_space<vmem>>, vector<16xf32>,
        %slice3A_2394 = vector.extract_strided_slice %exp3A_1407 {offsets = [10], sizes = [1], strides = [1]} : vector<16xf32> to vector<1xf32>
        %squeeze3A_2395 = vector.extract %slice3A_2394[0] : f32 from vector<1xf32>
        %add3A_2396 = arith.constant 10 : i32
        %add3A_2397 = arith.addi %add3A_1413, %add3A_2396 : i32
        %get3A_2398 = arith.index_cast %add3A_2397 : i32 to index
        %get3A_2399 = arith.constant 0 : index
        %get3A_2400 = tpu.vector_load %arg21[%get3A_2398, %get3A_2399] {strides = array<i32>} : memref<256x128xf32, #tpu.memory_space<vmem>>, vector<16xf32>,
        %mul3A_2401 = vector.broadcast %squeeze3A_2395 : f32 to vector<16xf32>
        %mul3A_2402 = arith.mulf %get3A_2400, %mul3A_2401 : vector<16xf32>
        %add3A_2403 = arith.constant 10 : i32
        %add3A_2404 = arith.addi %add3A_1413, %add3A_2403 : i32
        %swap3A_2405 = arith.index_cast %add3A_2404 : i32 to index
        %swap3A_2406 = arith.constant 0 : index
        %swap3A_2407 = tpu.vector_load %arg21[%swap3A_2405, %swap3A_2406] {strides = array<i32>} : memref<256x128xf32, #tpu.memory_space<vmem>>, vector<16xf32>,
        tpu.vector_store %arg21[%swap3A_2405, %swap3A_2406], %mul3A_2402 {strides = array<i32>} : memref<256x128xf32, #tpu.memory_space<vmem>>, vector<16xf32>,
        %add3A_2408 = arith.constant 10 : i32
        %add3A_2409 = arith.addi %add3A_1413, %add3A_2408 : i32
        %get3A_2410 = arith.index_cast %add3A_2409 : i32 to index
        %get3A_2411 = arith.constant 16 : index
        %get3A_2412 = tpu.vector_load %arg21[%get3A_2410, %get3A_2411] {strides = array<i32>} : memref<256x128xf32, #tpu.memory_space<vmem>>, vector<16xf32>,
        %mul3A_2413 = vector.broadcast %squeeze3A_2395 : f32 to vector<16xf32>
        %mul3A_2414 = arith.mulf %get3A_2412, %mul3A_2413 : vector<16xf32>
        %add3A_2415 = arith.constant 10 : i32
        %add3A_2416 = arith.addi %add3A_1413, %add3A_2415 : i32
        %swap3A_2417 = arith.index_cast %add3A_2416 : i32 to index
        %swap3A_2418 = arith.constant 16 : index
        %swap3A_2419 = tpu.vector_load %arg21[%swap3A_2417, %swap3A_2418] {strides = array<i32>} : memref<256x128xf32, #tpu.memory_space<vmem>>, vector<16xf32>,
        tpu.vector_store %arg21[%swap3A_2417, %swap3A_2418], %mul3A_2414 {strides = array<i32>} : memref<256x128xf32, #tpu.memory_space<vmem>>, vector<16xf32>,
        %add3A_2420 = arith.constant 10 : i32
        %add3A_2421 = arith.addi %add3A_1413, %add3A_2420 : i32
        %get3A_2422 = arith.index_cast %add3A_2421 : i32 to index
        %get3A_2423 = arith.constant 32 : index
        %get3A_2424 = tpu.vector_load %arg21[%get3A_2422, %get3A_2423] {strides = array<i32>} : memref<256x128xf32, #tpu.memory_space<vmem>>, vector<16xf32>,
        %mul3A_2425 = vector.broadcast %squeeze3A_2395 : f32 to vector<16xf32>
        %mul3A_2426 = arith.mulf %get3A_2424, %mul3A_2425 : vector<16xf32>
        %add3A_2427 = arith.constant 10 : i32
        %add3A_2428 = arith.addi %add3A_1413, %add3A_2427 : i32
        %swap3A_2429 = arith.index_cast %add3A_2428 : i32 to index
        %swap3A_2430 = arith.constant 32 : index
        %swap3A_2431 = tpu.vector_load %arg21[%swap3A_2429, %swap3A_2430] {strides = array<i32>} : memref<256x128xf32, #tpu.memory_space<vmem>>, vector<16xf32>,
        tpu.vector_store %arg21[%swap3A_2429, %swap3A_2430], %mul3A_2426 {strides = array<i32>} : memref<256x128xf32, #tpu.memory_space<vmem>>, vector<16xf32>,
        %add3A_2432 = arith.constant 10 : i32
        %add3A_2433 = arith.addi %add3A_1413, %add3A_2432 : i32
        %get3A_2434 = arith.index_cast %add3A_2433 : i32 to index
        %get3A_2435 = arith.constant 48 : index
        %get3A_2436 = tpu.vector_load %arg21[%get3A_2434, %get3A_2435] {strides = array<i32>} : memref<256x128xf32, #tpu.memory_space<vmem>>, vector<16xf32>,
        %mul3A_2437 = vector.broadcast %squeeze3A_2395 : f32 to vector<16xf32>
        %mul3A_2438 = arith.mulf %get3A_2436, %mul3A_2437 : vector<16xf32>
        %add3A_2439 = arith.constant 10 : i32
        %add3A_2440 = arith.addi %add3A_1413, %add3A_2439 : i32
        %swap3A_2441 = arith.index_cast %add3A_2440 : i32 to index
        %swap3A_2442 = arith.constant 48 : index
        %swap3A_2443 = tpu.vector_load %arg21[%swap3A_2441, %swap3A_2442] {strides = array<i32>} : memref<256x128xf32, #tpu.memory_space<vmem>>, vector<16xf32>,
        tpu.vector_store %arg21[%swap3A_2441, %swap3A_2442], %mul3A_2438 {strides = array<i32>} : memref<256x128xf32, #tpu.memory_space<vmem>>, vector<16xf32>,
        %add3A_2444 = arith.constant 10 : i32
        %add3A_2445 = arith.addi %add3A_1413, %add3A_2444 : i32
        %get3A_2446 = arith.index_cast %add3A_2445 : i32 to index
        %get3A_2447 = arith.constant 64 : index
        %get3A_2448 = tpu.vector_load %arg21[%get3A_2446, %get3A_2447] {strides = array<i32>} : memref<256x128xf32, #tpu.memory_space<vmem>>, vector<16xf32>,
        %mul3A_2449 = vector.broadcast %squeeze3A_2395 : f32 to vector<16xf32>
        %mul3A_2450 = arith.mulf %get3A_2448, %mul3A_2449 : vector<16xf32>
        %add3A_2451 = arith.constant 10 : i32
        %add3A_2452 = arith.addi %add3A_1413, %add3A_2451 : i32
        %swap3A_2453 = arith.index_cast %add3A_2452 : i32 to index
        %swap3A_2454 = arith.constant 64 : index
        %swap3A_2455 = tpu.vector_load %arg21[%swap3A_2453, %swap3A_2454] {strides = array<i32>} : memref<256x128xf32, #tpu.memory_space<vmem>>, vector<16xf32>,
        tpu.vector_store %arg21[%swap3A_2453, %swap3A_2454], %mul3A_2450 {strides = array<i32>} : memref<256x128xf32, #tpu.memory_space<vmem>>, vector<16xf32>,
        %add3A_2456 = arith.constant 10 : i32
        %add3A_2457 = arith.addi %add3A_1413, %add3A_2456 : i32
        %get3A_2458 = arith.index_cast %add3A_2457 : i32 to index
        %get3A_2459 = arith.constant 80 : index
        %get3A_2460 = tpu.vector_load %arg21[%get3A_2458, %get3A_2459] {strides = array<i32>} : memref<256x128xf32, #tpu.memory_space<vmem>>, vector<16xf32>,
        %mul3A_2461 = vector.broadcast %squeeze3A_2395 : f32 to vector<16xf32>
        %mul3A_2462 = arith.mulf %get3A_2460, %mul3A_2461 : vector<16xf32>
        %add3A_2463 = arith.constant 10 : i32
        %add3A_2464 = arith.addi %add3A_1413, %add3A_2463 : i32
        %swap3A_2465 = arith.index_cast %add3A_2464 : i32 to index
        %swap3A_2466 = arith.constant 80 : index
        %swap3A_2467 = tpu.vector_load %arg21[%swap3A_2465, %swap3A_2466] {strides = array<i32>} : memref<256x128xf32, #tpu.memory_space<vmem>>, vector<16xf32>,
        tpu.vector_store %arg21[%swap3A_2465, %swap3A_2466], %mul3A_2462 {strides = array<i32>} : memref<256x128xf32, #tpu.memory_space<vmem>>, vector<16xf32>,
        %add3A_2468 = arith.constant 10 : i32
        %add3A_2469 = arith.addi %add3A_1413, %add3A_2468 : i32
        %get3A_2470 = arith.index_cast %add3A_2469 : i32 to index
        %get3A_2471 = arith.constant 96 : index
        %get3A_2472 = tpu.vector_load %arg21[%get3A_2470, %get3A_2471] {strides = array<i32>} : memref<256x128xf32, #tpu.memory_space<vmem>>, vector<16xf32>,
        %mul3A_2473 = vector.broadcast %squeeze3A_2395 : f32 to vector<16xf32>
        %mul3A_2474 = arith.mulf %get3A_2472, %mul3A_2473 : vector<16xf32>
        %add3A_2475 = arith.constant 10 : i32
        %add3A_2476 = arith.addi %add3A_1413, %add3A_2475 : i32
        %swap3A_2477 = arith.index_cast %add3A_2476 : i32 to index
        %swap3A_2478 = arith.constant 96 : index
        %swap3A_2479 = tpu.vector_load %arg21[%swap3A_2477, %swap3A_2478] {strides = array<i32>} : memref<256x128xf32, #tpu.memory_space<vmem>>, vector<16xf32>,
        tpu.vector_store %arg21[%swap3A_2477, %swap3A_2478], %mul3A_2474 {strides = array<i32>} : memref<256x128xf32, #tpu.memory_space<vmem>>, vector<16xf32>,
        %add3A_2480 = arith.constant 10 : i32
        %add3A_2481 = arith.addi %add3A_1413, %add3A_2480 : i32
        %get3A_2482 = arith.index_cast %add3A_2481 : i32 to index
        %get3A_2483 = arith.constant 112 : index
        %get3A_2484 = tpu.vector_load %arg21[%get3A_2482, %get3A_2483] {strides = array<i32>} : memref<256x128xf32, #tpu.memory_space<vmem>>, vector<16xf32>,
        %mul3A_2485 = vector.broadcast %squeeze3A_2395 : f32 to vector<16xf32>
        %mul3A_2486 = arith.mulf %get3A_2484, %mul3A_2485 : vector<16xf32>
        %add3A_2487 = arith.constant 10 : i32
        %add3A_2488 = arith.addi %add3A_1413, %add3A_2487 : i32
        %swap3A_2489 = arith.index_cast %add3A_2488 : i32 to index
        %swap3A_2490 = arith.constant 112 : index
        %swap3A_2491 = tpu.vector_load %arg21[%swap3A_2489, %swap3A_2490] {strides = array<i32>} : memref<256x128xf32, #tpu.memory_space<vmem>>, vector<16xf32>,
        tpu.vector_store %arg21[%swap3A_2489, %swap3A_2490], %mul3A_2486 {strides = array<i32>} : memref<256x128xf32, #tpu.memory_space<vmem>>, vector<16xf32>,
        %slice3A_2492 = vector.extract_strided_slice %exp3A_1407 {offsets = [11], sizes = [1], strides = [1]} : vector<16xf32> to vector<1xf32>
        %squeeze3A_2493 = vector.extract %slice3A_2492[0] : f32 from vector<1xf32>
        %add3A_2494 = arith.constant 11 : i32
        %add3A_2495 = arith.addi %add3A_1413, %add3A_2494 : i32
        %get3A_2496 = arith.index_cast %add3A_2495 : i32 to index
        %get3A_2497 = arith.constant 0 : index
        %get3A_2498 = tpu.vector_load %arg21[%get3A_2496, %get3A_2497] {strides = array<i32>} : memref<256x128xf32, #tpu.memory_space<vmem>>, vector<16xf32>,
        %mul3A_2499 = vector.broadcast %squeeze3A_2493 : f32 to vector<16xf32>
        %mul3A_2500 = arith.mulf %get3A_2498, %mul3A_2499 : vector<16xf32>
        %add3A_2501 = arith.constant 11 : i32
        %add3A_2502 = arith.addi %add3A_1413, %add3A_2501 : i32
        %swap3A_2503 = arith.index_cast %add3A_2502 : i32 to index
        %swap3A_2504 = arith.constant 0 : index
        %swap3A_2505 = tpu.vector_load %arg21[%swap3A_2503, %swap3A_2504] {strides = array<i32>} : memref<256x128xf32, #tpu.memory_space<vmem>>, vector<16xf32>,
        tpu.vector_store %arg21[%swap3A_2503, %swap3A_2504], %mul3A_2500 {strides = array<i32>} : memref<256x128xf32, #tpu.memory_space<vmem>>, vector<16xf32>,
        %add3A_2506 = arith.constant 11 : i32
        %add3A_2507 = arith.addi %add3A_1413, %add3A_2506 : i32
        %get3A_2508 = arith.index_cast %add3A_2507 : i32 to index
        %get3A_2509 = arith.constant 16 : index
        %get3A_2510 = tpu.vector_load %arg21[%get3A_2508, %get3A_2509] {strides = array<i32>} : memref<256x128xf32, #tpu.memory_space<vmem>>, vector<16xf32>,
        %mul3A_2511 = vector.broadcast %squeeze3A_2493 : f32 to vector<16xf32>
        %mul3A_2512 = arith.mulf %get3A_2510, %mul3A_2511 : vector<16xf32>
        %add3A_2513 = arith.constant 11 : i32
        %add3A_2514 = arith.addi %add3A_1413, %add3A_2513 : i32
        %swap3A_2515 = arith.index_cast %add3A_2514 : i32 to index
        %swap3A_2516 = arith.constant 16 : index
        %swap3A_2517 = tpu.vector_load %arg21[%swap3A_2515, %swap3A_2516] {strides = array<i32>} : memref<256x128xf32, #tpu.memory_space<vmem>>, vector<16xf32>,
        tpu.vector_store %arg21[%swap3A_2515, %swap3A_2516], %mul3A_2512 {strides = array<i32>} : memref<256x128xf32, #tpu.memory_space<vmem>>, vector<16xf32>,
        %add3A_2518 = arith.constant 11 : i32
        %add3A_2519 = arith.addi %add3A_1413, %add3A_2518 : i32
        %get3A_2520 = arith.index_cast %add3A_2519 : i32 to index
        %get3A_2521 = arith.constant 32 : index
        %get3A_2522 = tpu.vector_load %arg21[%get3A_2520, %get3A_2521] {strides = array<i32>} : memref<256x128xf32, #tpu.memory_space<vmem>>, vector<16xf32>,
        %mul3A_2523 = vector.broadcast %squeeze3A_2493 : f32 to vector<16xf32>
        %mul3A_2524 = arith.mulf %get3A_2522, %mul3A_2523 : vector<16xf32>
        %add3A_2525 = arith.constant 11 : i32
        %add3A_2526 = arith.addi %add3A_1413, %add3A_2525 : i32
        %swap3A_2527 = arith.index_cast %add3A_2526 : i32 to index
        %swap3A_2528 = arith.constant 32 : index
        %swap3A_2529 = tpu.vector_load %arg21[%swap3A_2527, %swap3A_2528] {strides = array<i32>} : memref<256x128xf32, #tpu.memory_space<vmem>>, vector<16xf32>,
        tpu.vector_store %arg21[%swap3A_2527, %swap3A_2528], %mul3A_2524 {strides = array<i32>} : memref<256x128xf32, #tpu.memory_space<vmem>>, vector<16xf32>,
        %add3A_2530 = arith.constant 11 : i32
        %add3A_2531 = arith.addi %add3A_1413, %add3A_2530 : i32
        %get3A_2532 = arith.index_cast %add3A_2531 : i32 to index
        %get3A_2533 = arith.constant 48 : index
        %get3A_2534 = tpu.vector_load %arg21[%get3A_2532, %get3A_2533] {strides = array<i32>} : memref<256x128xf32, #tpu.memory_space<vmem>>, vector<16xf32>,
        %mul3A_2535 = vector.broadcast %squeeze3A_2493 : f32 to vector<16xf32>
        %mul3A_2536 = arith.mulf %get3A_2534, %mul3A_2535 : vector<16xf32>
        %add3A_2537 = arith.constant 11 : i32
        %add3A_2538 = arith.addi %add3A_1413, %add3A_2537 : i32
        %swap3A_2539 = arith.index_cast %add3A_2538 : i32 to index
        %swap3A_2540 = arith.constant 48 : index
        %swap3A_2541 = tpu.vector_load %arg21[%swap3A_2539, %swap3A_2540] {strides = array<i32>} : memref<256x128xf32, #tpu.memory_space<vmem>>, vector<16xf32>,
        tpu.vector_store %arg21[%swap3A_2539, %swap3A_2540], %mul3A_2536 {strides = array<i32>} : memref<256x128xf32, #tpu.memory_space<vmem>>, vector<16xf32>,
        %add3A_2542 = arith.constant 11 : i32
        %add3A_2543 = arith.addi %add3A_1413, %add3A_2542 : i32
        %get3A_2544 = arith.index_cast %add3A_2543 : i32 to index
        %get3A_2545 = arith.constant 64 : index
        %get3A_2546 = tpu.vector_load %arg21[%get3A_2544, %get3A_2545] {strides = array<i32>} : memref<256x128xf32, #tpu.memory_space<vmem>>, vector<16xf32>,
        %mul3A_2547 = vector.broadcast %squeeze3A_2493 : f32 to vector<16xf32>
        %mul3A_2548 = arith.mulf %get3A_2546, %mul3A_2547 : vector<16xf32>
        %add3A_2549 = arith.constant 11 : i32
        %add3A_2550 = arith.addi %add3A_1413, %add3A_2549 : i32
        %swap3A_2551 = arith.index_cast %add3A_2550 : i32 to index
        %swap3A_2552 = arith.constant 64 : index
        %swap3A_2553 = tpu.vector_load %arg21[%swap3A_2551, %swap3A_2552] {strides = array<i32>} : memref<256x128xf32, #tpu.memory_space<vmem>>, vector<16xf32>,
        tpu.vector_store %arg21[%swap3A_2551, %swap3A_2552], %mul3A_2548 {strides = array<i32>} : memref<256x128xf32, #tpu.memory_space<vmem>>, vector<16xf32>,
        %add3A_2554 = arith.constant 11 : i32
        %add3A_2555 = arith.addi %add3A_1413, %add3A_2554 : i32
        %get3A_2556 = arith.index_cast %add3A_2555 : i32 to index
        %get3A_2557 = arith.constant 80 : index
        %get3A_2558 = tpu.vector_load %arg21[%get3A_2556, %get3A_2557] {strides = array<i32>} : memref<256x128xf32, #tpu.memory_space<vmem>>, vector<16xf32>,
        %mul3A_2559 = vector.broadcast %squeeze3A_2493 : f32 to vector<16xf32>
        %mul3A_2560 = arith.mulf %get3A_2558, %mul3A_2559 : vector<16xf32>
        %add3A_2561 = arith.constant 11 : i32
        %add3A_2562 = arith.addi %add3A_1413, %add3A_2561 : i32
        %swap3A_2563 = arith.index_cast %add3A_2562 : i32 to index
        %swap3A_2564 = arith.constant 80 : index
        %swap3A_2565 = tpu.vector_load %arg21[%swap3A_2563, %swap3A_2564] {strides = array<i32>} : memref<256x128xf32, #tpu.memory_space<vmem>>, vector<16xf32>,
        tpu.vector_store %arg21[%swap3A_2563, %swap3A_2564], %mul3A_2560 {strides = array<i32>} : memref<256x128xf32, #tpu.memory_space<vmem>>, vector<16xf32>,
        %add3A_2566 = arith.constant 11 : i32
        %add3A_2567 = arith.addi %add3A_1413, %add3A_2566 : i32
        %get3A_2568 = arith.index_cast %add3A_2567 : i32 to index
        %get3A_2569 = arith.constant 96 : index
        %get3A_2570 = tpu.vector_load %arg21[%get3A_2568, %get3A_2569] {strides = array<i32>} : memref<256x128xf32, #tpu.memory_space<vmem>>, vector<16xf32>,
        %mul3A_2571 = vector.broadcast %squeeze3A_2493 : f32 to vector<16xf32>
        %mul3A_2572 = arith.mulf %get3A_2570, %mul3A_2571 : vector<16xf32>
        %add3A_2573 = arith.constant 11 : i32
        %add3A_2574 = arith.addi %add3A_1413, %add3A_2573 : i32
        %swap3A_2575 = arith.index_cast %add3A_2574 : i32 to index
        %swap3A_2576 = arith.constant 96 : index
        %swap3A_2577 = tpu.vector_load %arg21[%swap3A_2575, %swap3A_2576] {strides = array<i32>} : memref<256x128xf32, #tpu.memory_space<vmem>>, vector<16xf32>,
        tpu.vector_store %arg21[%swap3A_2575, %swap3A_2576], %mul3A_2572 {strides = array<i32>} : memref<256x128xf32, #tpu.memory_space<vmem>>, vector<16xf32>,
        %add3A_2578 = arith.constant 11 : i32
        %add3A_2579 = arith.addi %add3A_1413, %add3A_2578 : i32
        %get3A_2580 = arith.index_cast %add3A_2579 : i32 to index
        %get3A_2581 = arith.constant 112 : index
        %get3A_2582 = tpu.vector_load %arg21[%get3A_2580, %get3A_2581] {strides = array<i32>} : memref<256x128xf32, #tpu.memory_space<vmem>>, vector<16xf32>,
        %mul3A_2583 = vector.broadcast %squeeze3A_2493 : f32 to vector<16xf32>
        %mul3A_2584 = arith.mulf %get3A_2582, %mul3A_2583 : vector<16xf32>
        %add3A_2585 = arith.constant 11 : i32
        %add3A_2586 = arith.addi %add3A_1413, %add3A_2585 : i32
        %swap3A_2587 = arith.index_cast %add3A_2586 : i32 to index
        %swap3A_2588 = arith.constant 112 : index
        %swap3A_2589 = tpu.vector_load %arg21[%swap3A_2587, %swap3A_2588] {strides = array<i32>} : memref<256x128xf32, #tpu.memory_space<vmem>>, vector<16xf32>,
        tpu.vector_store %arg21[%swap3A_2587, %swap3A_2588], %mul3A_2584 {strides = array<i32>} : memref<256x128xf32, #tpu.memory_space<vmem>>, vector<16xf32>,
        %slice3A_2590 = vector.extract_strided_slice %exp3A_1407 {offsets = [12], sizes = [1], strides = [1]} : vector<16xf32> to vector<1xf32>
        %squeeze3A_2591 = vector.extract %slice3A_2590[0] : f32 from vector<1xf32>
        %add3A_2592 = arith.constant 12 : i32
        %add3A_2593 = arith.addi %add3A_1413, %add3A_2592 : i32
        %get3A_2594 = arith.index_cast %add3A_2593 : i32 to index
        %get3A_2595 = arith.constant 0 : index
        %get3A_2596 = tpu.vector_load %arg21[%get3A_2594, %get3A_2595] {strides = array<i32>} : memref<256x128xf32, #tpu.memory_space<vmem>>, vector<16xf32>,
        %mul3A_2597 = vector.broadcast %squeeze3A_2591 : f32 to vector<16xf32>
        %mul3A_2598 = arith.mulf %get3A_2596, %mul3A_2597 : vector<16xf32>
        %add3A_2599 = arith.constant 12 : i32
        %add3A_2600 = arith.addi %add3A_1413, %add3A_2599 : i32
        %swap3A_2601 = arith.index_cast %add3A_2600 : i32 to index
        %swap3A_2602 = arith.constant 0 : index
        %swap3A_2603 = tpu.vector_load %arg21[%swap3A_2601, %swap3A_2602] {strides = array<i32>} : memref<256x128xf32, #tpu.memory_space<vmem>>, vector<16xf32>,
        tpu.vector_store %arg21[%swap3A_2601, %swap3A_2602], %mul3A_2598 {strides = array<i32>} : memref<256x128xf32, #tpu.memory_space<vmem>>, vector<16xf32>,
        %add3A_2604 = arith.constant 12 : i32
        %add3A_2605 = arith.addi %add3A_1413, %add3A_2604 : i32
        %get3A_2606 = arith.index_cast %add3A_2605 : i32 to index
        %get3A_2607 = arith.constant 16 : index
        %get3A_2608 = tpu.vector_load %arg21[%get3A_2606, %get3A_2607] {strides = array<i32>} : memref<256x128xf32, #tpu.memory_space<vmem>>, vector<16xf32>,
        %mul3A_2609 = vector.broadcast %squeeze3A_2591 : f32 to vector<16xf32>
        %mul3A_2610 = arith.mulf %get3A_2608, %mul3A_2609 : vector<16xf32>
        %add3A_2611 = arith.constant 12 : i32
        %add3A_2612 = arith.addi %add3A_1413, %add3A_2611 : i32
        %swap3A_2613 = arith.index_cast %add3A_2612 : i32 to index
        %swap3A_2614 = arith.constant 16 : index
        %swap3A_2615 = tpu.vector_load %arg21[%swap3A_2613, %swap3A_2614] {strides = array<i32>} : memref<256x128xf32, #tpu.memory_space<vmem>>, vector<16xf32>,
        tpu.vector_store %arg21[%swap3A_2613, %swap3A_2614], %mul3A_2610 {strides = array<i32>} : memref<256x128xf32, #tpu.memory_space<vmem>>, vector<16xf32>,
        %add3A_2616 = arith.constant 12 : i32
        %add3A_2617 = arith.addi %add3A_1413, %add3A_2616 : i32
        %get3A_2618 = arith.index_cast %add3A_2617 : i32 to index
        %get3A_2619 = arith.constant 32 : index
        %get3A_2620 = tpu.vector_load %arg21[%get3A_2618, %get3A_2619] {strides = array<i32>} : memref<256x128xf32, #tpu.memory_space<vmem>>, vector<16xf32>,
        %mul3A_2621 = vector.broadcast %squeeze3A_2591 : f32 to vector<16xf32>
        %mul3A_2622 = arith.mulf %get3A_2620, %mul3A_2621 : vector<16xf32>
        %add3A_2623 = arith.constant 12 : i32
        %add3A_2624 = arith.addi %add3A_1413, %add3A_2623 : i32
        %swap3A_2625 = arith.index_cast %add3A_2624 : i32 to index
        %swap3A_2626 = arith.constant 32 : index
        %swap3A_2627 = tpu.vector_load %arg21[%swap3A_2625, %swap3A_2626] {strides = array<i32>} : memref<256x128xf32, #tpu.memory_space<vmem>>, vector<16xf32>,
        tpu.vector_store %arg21[%swap3A_2625, %swap3A_2626], %mul3A_2622 {strides = array<i32>} : memref<256x128xf32, #tpu.memory_space<vmem>>, vector<16xf32>,
        %add3A_2628 = arith.constant 12 : i32
        %add3A_2629 = arith.addi %add3A_1413, %add3A_2628 : i32
        %get3A_2630 = arith.index_cast %add3A_2629 : i32 to index
        %get3A_2631 = arith.constant 48 : index
        %get3A_2632 = tpu.vector_load %arg21[%get3A_2630, %get3A_2631] {strides = array<i32>} : memref<256x128xf32, #tpu.memory_space<vmem>>, vector<16xf32>,
        %mul3A_2633 = vector.broadcast %squeeze3A_2591 : f32 to vector<16xf32>
        %mul3A_2634 = arith.mulf %get3A_2632, %mul3A_2633 : vector<16xf32>
        %add3A_2635 = arith.constant 12 : i32
        %add3A_2636 = arith.addi %add3A_1413, %add3A_2635 : i32
        %swap3A_2637 = arith.index_cast %add3A_2636 : i32 to index
        %swap3A_2638 = arith.constant 48 : index
        %swap3A_2639 = tpu.vector_load %arg21[%swap3A_2637, %swap3A_2638] {strides = array<i32>} : memref<256x128xf32, #tpu.memory_space<vmem>>, vector<16xf32>,
        tpu.vector_store %arg21[%swap3A_2637, %swap3A_2638], %mul3A_2634 {strides = array<i32>} : memref<256x128xf32, #tpu.memory_space<vmem>>, vector<16xf32>,
        %add3A_2640 = arith.constant 12 : i32
        %add3A_2641 = arith.addi %add3A_1413, %add3A_2640 : i32
        %get3A_2642 = arith.index_cast %add3A_2641 : i32 to index
        %get3A_2643 = arith.constant 64 : index
        %get3A_2644 = tpu.vector_load %arg21[%get3A_2642, %get3A_2643] {strides = array<i32>} : memref<256x128xf32, #tpu.memory_space<vmem>>, vector<16xf32>,
        %mul3A_2645 = vector.broadcast %squeeze3A_2591 : f32 to vector<16xf32>
        %mul3A_2646 = arith.mulf %get3A_2644, %mul3A_2645 : vector<16xf32>
        %add3A_2647 = arith.constant 12 : i32
        %add3A_2648 = arith.addi %add3A_1413, %add3A_2647 : i32
        %swap3A_2649 = arith.index_cast %add3A_2648 : i32 to index
        %swap3A_2650 = arith.constant 64 : index
        %swap3A_2651 = tpu.vector_load %arg21[%swap3A_2649, %swap3A_2650] {strides = array<i32>} : memref<256x128xf32, #tpu.memory_space<vmem>>, vector<16xf32>,
        tpu.vector_store %arg21[%swap3A_2649, %swap3A_2650], %mul3A_2646 {strides = array<i32>} : memref<256x128xf32, #tpu.memory_space<vmem>>, vector<16xf32>,
        %add3A_2652 = arith.constant 12 : i32
        %add3A_2653 = arith.addi %add3A_1413, %add3A_2652 : i32
        %get3A_2654 = arith.index_cast %add3A_2653 : i32 to index
        %get3A_2655 = arith.constant 80 : index
        %get3A_2656 = tpu.vector_load %arg21[%get3A_2654, %get3A_2655] {strides = array<i32>} : memref<256x128xf32, #tpu.memory_space<vmem>>, vector<16xf32>,
        %mul3A_2657 = vector.broadcast %squeeze3A_2591 : f32 to vector<16xf32>
        %mul3A_2658 = arith.mulf %get3A_2656, %mul3A_2657 : vector<16xf32>
        %add3A_2659 = arith.constant 12 : i32
        %add3A_2660 = arith.addi %add3A_1413, %add3A_2659 : i32
        %swap3A_2661 = arith.index_cast %add3A_2660 : i32 to index
        %swap3A_2662 = arith.constant 80 : index
        %swap3A_2663 = tpu.vector_load %arg21[%swap3A_2661, %swap3A_2662] {strides = array<i32>} : memref<256x128xf32, #tpu.memory_space<vmem>>, vector<16xf32>,
        tpu.vector_store %arg21[%swap3A_2661, %swap3A_2662], %mul3A_2658 {strides = array<i32>} : memref<256x128xf32, #tpu.memory_space<vmem>>, vector<16xf32>,
        %add3A_2664 = arith.constant 12 : i32
        %add3A_2665 = arith.addi %add3A_1413, %add3A_2664 : i32
        %get3A_2666 = arith.index_cast %add3A_2665 : i32 to index
        %get3A_2667 = arith.constant 96 : index
        %get3A_2668 = tpu.vector_load %arg21[%get3A_2666, %get3A_2667] {strides = array<i32>} : memref<256x128xf32, #tpu.memory_space<vmem>>, vector<16xf32>,
        %mul3A_2669 = vector.broadcast %squeeze3A_2591 : f32 to vector<16xf32>
        %mul3A_2670 = arith.mulf %get3A_2668, %mul3A_2669 : vector<16xf32>
        %add3A_2671 = arith.constant 12 : i32
        %add3A_2672 = arith.addi %add3A_1413, %add3A_2671 : i32
        %swap3A_2673 = arith.index_cast %add3A_2672 : i32 to index
        %swap3A_2674 = arith.constant 96 : index
        %swap3A_2675 = tpu.vector_load %arg21[%swap3A_2673, %swap3A_2674] {strides = array<i32>} : memref<256x128xf32, #tpu.memory_space<vmem>>, vector<16xf32>,
        tpu.vector_store %arg21[%swap3A_2673, %swap3A_2674], %mul3A_2670 {strides = array<i32>} : memref<256x128xf32, #tpu.memory_space<vmem>>, vector<16xf32>,
        %add3A_2676 = arith.constant 12 : i32
        %add3A_2677 = arith.addi %add3A_1413, %add3A_2676 : i32
        %get3A_2678 = arith.index_cast %add3A_2677 : i32 to index
        %get3A_2679 = arith.constant 112 : index
        %get3A_2680 = tpu.vector_load %arg21[%get3A_2678, %get3A_2679] {strides = array<i32>} : memref<256x128xf32, #tpu.memory_space<vmem>>, vector<16xf32>,
        %mul3A_2681 = vector.broadcast %squeeze3A_2591 : f32 to vector<16xf32>
        %mul3A_2682 = arith.mulf %get3A_2680, %mul3A_2681 : vector<16xf32>
        %add3A_2683 = arith.constant 12 : i32
        %add3A_2684 = arith.addi %add3A_1413, %add3A_2683 : i32
        %swap3A_2685 = arith.index_cast %add3A_2684 : i32 to index
        %swap3A_2686 = arith.constant 112 : index
        %swap3A_2687 = tpu.vector_load %arg21[%swap3A_2685, %swap3A_2686] {strides = array<i32>} : memref<256x128xf32, #tpu.memory_space<vmem>>, vector<16xf32>,
        tpu.vector_store %arg21[%swap3A_2685, %swap3A_2686], %mul3A_2682 {strides = array<i32>} : memref<256x128xf32, #tpu.memory_space<vmem>>, vector<16xf32>,
        %slice3A_2688 = vector.extract_strided_slice %exp3A_1407 {offsets = [13], sizes = [1], strides = [1]} : vector<16xf32> to vector<1xf32>
        %squeeze3A_2689 = vector.extract %slice3A_2688[0] : f32 from vector<1xf32>
        %add3A_2690 = arith.constant 13 : i32
        %add3A_2691 = arith.addi %add3A_1413, %add3A_2690 : i32
        %get3A_2692 = arith.index_cast %add3A_2691 : i32 to index
        %get3A_2693 = arith.constant 0 : index
        %get3A_2694 = tpu.vector_load %arg21[%get3A_2692, %get3A_2693] {strides = array<i32>} : memref<256x128xf32, #tpu.memory_space<vmem>>, vector<16xf32>,
        %mul3A_2695 = vector.broadcast %squeeze3A_2689 : f32 to vector<16xf32>
        %mul3A_2696 = arith.mulf %get3A_2694, %mul3A_2695 : vector<16xf32>
        %add3A_2697 = arith.constant 13 : i32
        %add3A_2698 = arith.addi %add3A_1413, %add3A_2697 : i32
        %swap3A_2699 = arith.index_cast %add3A_2698 : i32 to index
        %swap3A_2700 = arith.constant 0 : index
        %swap3A_2701 = tpu.vector_load %arg21[%swap3A_2699, %swap3A_2700] {strides = array<i32>} : memref<256x128xf32, #tpu.memory_space<vmem>>, vector<16xf32>,
        tpu.vector_store %arg21[%swap3A_2699, %swap3A_2700], %mul3A_2696 {strides = array<i32>} : memref<256x128xf32, #tpu.memory_space<vmem>>, vector<16xf32>,
        %add3A_2702 = arith.constant 13 : i32
        %add3A_2703 = arith.addi %add3A_1413, %add3A_2702 : i32
        %get3A_2704 = arith.index_cast %add3A_2703 : i32 to index
        %get3A_2705 = arith.constant 16 : index
        %get3A_2706 = tpu.vector_load %arg21[%get3A_2704, %get3A_2705] {strides = array<i32>} : memref<256x128xf32, #tpu.memory_space<vmem>>, vector<16xf32>,
        %mul3A_2707 = vector.broadcast %squeeze3A_2689 : f32 to vector<16xf32>
        %mul3A_2708 = arith.mulf %get3A_2706, %mul3A_2707 : vector<16xf32>
        %add3A_2709 = arith.constant 13 : i32
        %add3A_2710 = arith.addi %add3A_1413, %add3A_2709 : i32
        %swap3A_2711 = arith.index_cast %add3A_2710 : i32 to index
        %swap3A_2712 = arith.constant 16 : index
        %swap3A_2713 = tpu.vector_load %arg21[%swap3A_2711, %swap3A_2712] {strides = array<i32>} : memref<256x128xf32, #tpu.memory_space<vmem>>, vector<16xf32>,
        tpu.vector_store %arg21[%swap3A_2711, %swap3A_2712], %mul3A_2708 {strides = array<i32>} : memref<256x128xf32, #tpu.memory_space<vmem>>, vector<16xf32>,
        %add3A_2714 = arith.constant 13 : i32
        %add3A_2715 = arith.addi %add3A_1413, %add3A_2714 : i32
        %get3A_2716 = arith.index_cast %add3A_2715 : i32 to index
        %get3A_2717 = arith.constant 32 : index
        %get3A_2718 = tpu.vector_load %arg21[%get3A_2716, %get3A_2717] {strides = array<i32>} : memref<256x128xf32, #tpu.memory_space<vmem>>, vector<16xf32>,
        %mul3A_2719 = vector.broadcast %squeeze3A_2689 : f32 to vector<16xf32>
        %mul3A_2720 = arith.mulf %get3A_2718, %mul3A_2719 : vector<16xf32>
        %add3A_2721 = arith.constant 13 : i32
        %add3A_2722 = arith.addi %add3A_1413, %add3A_2721 : i32
        %swap3A_2723 = arith.index_cast %add3A_2722 : i32 to index
        %swap3A_2724 = arith.constant 32 : index
        %swap3A_2725 = tpu.vector_load %arg21[%swap3A_2723, %swap3A_2724] {strides = array<i32>} : memref<256x128xf32, #tpu.memory_space<vmem>>, vector<16xf32>,
        tpu.vector_store %arg21[%swap3A_2723, %swap3A_2724], %mul3A_2720 {strides = array<i32>} : memref<256x128xf32, #tpu.memory_space<vmem>>, vector<16xf32>,
        %add3A_2726 = arith.constant 13 : i32
        %add3A_2727 = arith.addi %add3A_1413, %add3A_2726 : i32
        %get3A_2728 = arith.index_cast %add3A_2727 : i32 to index
        %get3A_2729 = arith.constant 48 : index
        %get3A_2730 = tpu.vector_load %arg21[%get3A_2728, %get3A_2729] {strides = array<i32>} : memref<256x128xf32, #tpu.memory_space<vmem>>, vector<16xf32>,
        %mul3A_2731 = vector.broadcast %squeeze3A_2689 : f32 to vector<16xf32>
        %mul3A_2732 = arith.mulf %get3A_2730, %mul3A_2731 : vector<16xf32>
        %add3A_2733 = arith.constant 13 : i32
        %add3A_2734 = arith.addi %add3A_1413, %add3A_2733 : i32
        %swap3A_2735 = arith.index_cast %add3A_2734 : i32 to index
        %swap3A_2736 = arith.constant 48 : index
        %swap3A_2737 = tpu.vector_load %arg21[%swap3A_2735, %swap3A_2736] {strides = array<i32>} : memref<256x128xf32, #tpu.memory_space<vmem>>, vector<16xf32>,
        tpu.vector_store %arg21[%swap3A_2735, %swap3A_2736], %mul3A_2732 {strides = array<i32>} : memref<256x128xf32, #tpu.memory_space<vmem>>, vector<16xf32>,
        %add3A_2738 = arith.constant 13 : i32
        %add3A_2739 = arith.addi %add3A_1413, %add3A_2738 : i32
        %get3A_2740 = arith.index_cast %add3A_2739 : i32 to index
        %get3A_2741 = arith.constant 64 : index
        %get3A_2742 = tpu.vector_load %arg21[%get3A_2740, %get3A_2741] {strides = array<i32>} : memref<256x128xf32, #tpu.memory_space<vmem>>, vector<16xf32>,
        %mul3A_2743 = vector.broadcast %squeeze3A_2689 : f32 to vector<16xf32>
        %mul3A_2744 = arith.mulf %get3A_2742, %mul3A_2743 : vector<16xf32>
        %add3A_2745 = arith.constant 13 : i32
        %add3A_2746 = arith.addi %add3A_1413, %add3A_2745 : i32
        %swap3A_2747 = arith.index_cast %add3A_2746 : i32 to index
        %swap3A_2748 = arith.constant 64 : index
        %swap3A_2749 = tpu.vector_load %arg21[%swap3A_2747, %swap3A_2748] {strides = array<i32>} : memref<256x128xf32, #tpu.memory_space<vmem>>, vector<16xf32>,
        tpu.vector_store %arg21[%swap3A_2747, %swap3A_2748], %mul3A_2744 {strides = array<i32>} : memref<256x128xf32, #tpu.memory_space<vmem>>, vector<16xf32>,
        %add3A_2750 = arith.constant 13 : i32
        %add3A_2751 = arith.addi %add3A_1413, %add3A_2750 : i32
        %get3A_2752 = arith.index_cast %add3A_2751 : i32 to index
        %get3A_2753 = arith.constant 80 : index
        %get3A_2754 = tpu.vector_load %arg21[%get3A_2752, %get3A_2753] {strides = array<i32>} : memref<256x128xf32, #tpu.memory_space<vmem>>, vector<16xf32>,
        %mul3A_2755 = vector.broadcast %squeeze3A_2689 : f32 to vector<16xf32>
        %mul3A_2756 = arith.mulf %get3A_2754, %mul3A_2755 : vector<16xf32>
        %add3A_2757 = arith.constant 13 : i32
        %add3A_2758 = arith.addi %add3A_1413, %add3A_2757 : i32
        %swap3A_2759 = arith.index_cast %add3A_2758 : i32 to index
        %swap3A_2760 = arith.constant 80 : index
        %swap3A_2761 = tpu.vector_load %arg21[%swap3A_2759, %swap3A_2760] {strides = array<i32>} : memref<256x128xf32, #tpu.memory_space<vmem>>, vector<16xf32>,
        tpu.vector_store %arg21[%swap3A_2759, %swap3A_2760], %mul3A_2756 {strides = array<i32>} : memref<256x128xf32, #tpu.memory_space<vmem>>, vector<16xf32>,
        %add3A_2762 = arith.constant 13 : i32
        %add3A_2763 = arith.addi %add3A_1413, %add3A_2762 : i32
        %get3A_2764 = arith.index_cast %add3A_2763 : i32 to index
        %get3A_2765 = arith.constant 96 : index
        %get3A_2766 = tpu.vector_load %arg21[%get3A_2764, %get3A_2765] {strides = array<i32>} : memref<256x128xf32, #tpu.memory_space<vmem>>, vector<16xf32>,
        %mul3A_2767 = vector.broadcast %squeeze3A_2689 : f32 to vector<16xf32>
        %mul3A_2768 = arith.mulf %get3A_2766, %mul3A_2767 : vector<16xf32>
        %add3A_2769 = arith.constant 13 : i32
        %add3A_2770 = arith.addi %add3A_1413, %add3A_2769 : i32
        %swap3A_2771 = arith.index_cast %add3A_2770 : i32 to index
        %swap3A_2772 = arith.constant 96 : index
        %swap3A_2773 = tpu.vector_load %arg21[%swap3A_2771, %swap3A_2772] {strides = array<i32>} : memref<256x128xf32, #tpu.memory_space<vmem>>, vector<16xf32>,
        tpu.vector_store %arg21[%swap3A_2771, %swap3A_2772], %mul3A_2768 {strides = array<i32>} : memref<256x128xf32, #tpu.memory_space<vmem>>, vector<16xf32>,
        %add3A_2774 = arith.constant 13 : i32
        %add3A_2775 = arith.addi %add3A_1413, %add3A_2774 : i32
        %get3A_2776 = arith.index_cast %add3A_2775 : i32 to index
        %get3A_2777 = arith.constant 112 : index
        %get3A_2778 = tpu.vector_load %arg21[%get3A_2776, %get3A_2777] {strides = array<i32>} : memref<256x128xf32, #tpu.memory_space<vmem>>, vector<16xf32>,
        %mul3A_2779 = vector.broadcast %squeeze3A_2689 : f32 to vector<16xf32>
        %mul3A_2780 = arith.mulf %get3A_2778, %mul3A_2779 : vector<16xf32>
        %add3A_2781 = arith.constant 13 : i32
        %add3A_2782 = arith.addi %add3A_1413, %add3A_2781 : i32
        %swap3A_2783 = arith.index_cast %add3A_2782 : i32 to index
        %swap3A_2784 = arith.constant 112 : index
        %swap3A_2785 = tpu.vector_load %arg21[%swap3A_2783, %swap3A_2784] {strides = array<i32>} : memref<256x128xf32, #tpu.memory_space<vmem>>, vector<16xf32>,
        tpu.vector_store %arg21[%swap3A_2783, %swap3A_2784], %mul3A_2780 {strides = array<i32>} : memref<256x128xf32, #tpu.memory_space<vmem>>, vector<16xf32>,
        %slice3A_2786 = vector.extract_strided_slice %exp3A_1407 {offsets = [14], sizes = [1], strides = [1]} : vector<16xf32> to vector<1xf32>
        %squeeze3A_2787 = vector.extract %slice3A_2786[0] : f32 from vector<1xf32>
        %add3A_2788 = arith.constant 14 : i32
        %add3A_2789 = arith.addi %add3A_1413, %add3A_2788 : i32
        %get3A_2790 = arith.index_cast %add3A_2789 : i32 to index
        %get3A_2791 = arith.constant 0 : index
        %get3A_2792 = tpu.vector_load %arg21[%get3A_2790, %get3A_2791] {strides = array<i32>} : memref<256x128xf32, #tpu.memory_space<vmem>>, vector<16xf32>,
        %mul3A_2793 = vector.broadcast %squeeze3A_2787 : f32 to vector<16xf32>
        %mul3A_2794 = arith.mulf %get3A_2792, %mul3A_2793 : vector<16xf32>
        %add3A_2795 = arith.constant 14 : i32
        %add3A_2796 = arith.addi %add3A_1413, %add3A_2795 : i32
        %swap3A_2797 = arith.index_cast %add3A_2796 : i32 to index
        %swap3A_2798 = arith.constant 0 : index
        %swap3A_2799 = tpu.vector_load %arg21[%swap3A_2797, %swap3A_2798] {strides = array<i32>} : memref<256x128xf32, #tpu.memory_space<vmem>>, vector<16xf32>,
        tpu.vector_store %arg21[%swap3A_2797, %swap3A_2798], %mul3A_2794 {strides = array<i32>} : memref<256x128xf32, #tpu.memory_space<vmem>>, vector<16xf32>,
        %add3A_2800 = arith.constant 14 : i32
        %add3A_2801 = arith.addi %add3A_1413, %add3A_2800 : i32
        %get3A_2802 = arith.index_cast %add3A_2801 : i32 to index
        %get3A_2803 = arith.constant 16 : index
        %get3A_2804 = tpu.vector_load %arg21[%get3A_2802, %get3A_2803] {strides = array<i32>} : memref<256x128xf32, #tpu.memory_space<vmem>>, vector<16xf32>,
        %mul3A_2805 = vector.broadcast %squeeze3A_2787 : f32 to vector<16xf32>
        %mul3A_2806 = arith.mulf %get3A_2804, %mul3A_2805 : vector<16xf32>
        %add3A_2807 = arith.constant 14 : i32
        %add3A_2808 = arith.addi %add3A_1413, %add3A_2807 : i32
        %swap3A_2809 = arith.index_cast %add3A_2808 : i32 to index
        %swap3A_2810 = arith.constant 16 : index
        %swap3A_2811 = tpu.vector_load %arg21[%swap3A_2809, %swap3A_2810] {strides = array<i32>} : memref<256x128xf32, #tpu.memory_space<vmem>>, vector<16xf32>,
        tpu.vector_store %arg21[%swap3A_2809, %swap3A_2810], %mul3A_2806 {strides = array<i32>} : memref<256x128xf32, #tpu.memory_space<vmem>>, vector<16xf32>,
        %add3A_2812 = arith.constant 14 : i32
        %add3A_2813 = arith.addi %add3A_1413, %add3A_2812 : i32
        %get3A_2814 = arith.index_cast %add3A_2813 : i32 to index
        %get3A_2815 = arith.constant 32 : index
        %get3A_2816 = tpu.vector_load %arg21[%get3A_2814, %get3A_2815] {strides = array<i32>} : memref<256x128xf32, #tpu.memory_space<vmem>>, vector<16xf32>,
        %mul3A_2817 = vector.broadcast %squeeze3A_2787 : f32 to vector<16xf32>
        %mul3A_2818 = arith.mulf %get3A_2816, %mul3A_2817 : vector<16xf32>
        %add3A_2819 = arith.constant 14 : i32
        %add3A_2820 = arith.addi %add3A_1413, %add3A_2819 : i32
        %swap3A_2821 = arith.index_cast %add3A_2820 : i32 to index
        %swap3A_2822 = arith.constant 32 : index
        %swap3A_2823 = tpu.vector_load %arg21[%swap3A_2821, %swap3A_2822] {strides = array<i32>} : memref<256x128xf32, #tpu.memory_space<vmem>>, vector<16xf32>,
        tpu.vector_store %arg21[%swap3A_2821, %swap3A_2822], %mul3A_2818 {strides = array<i32>} : memref<256x128xf32, #tpu.memory_space<vmem>>, vector<16xf32>,
        %add3A_2824 = arith.constant 14 : i32
        %add3A_2825 = arith.addi %add3A_1413, %add3A_2824 : i32
        %get3A_2826 = arith.index_cast %add3A_2825 : i32 to index
        %get3A_2827 = arith.constant 48 : index
        %get3A_2828 = tpu.vector_load %arg21[%get3A_2826, %get3A_2827] {strides = array<i32>} : memref<256x128xf32, #tpu.memory_space<vmem>>, vector<16xf32>,
        %mul3A_2829 = vector.broadcast %squeeze3A_2787 : f32 to vector<16xf32>
        %mul3A_2830 = arith.mulf %get3A_2828, %mul3A_2829 : vector<16xf32>
        %add3A_2831 = arith.constant 14 : i32
        %add3A_2832 = arith.addi %add3A_1413, %add3A_2831 : i32
        %swap3A_2833 = arith.index_cast %add3A_2832 : i32 to index
        %swap3A_2834 = arith.constant 48 : index
        %swap3A_2835 = tpu.vector_load %arg21[%swap3A_2833, %swap3A_2834] {strides = array<i32>} : memref<256x128xf32, #tpu.memory_space<vmem>>, vector<16xf32>,
        tpu.vector_store %arg21[%swap3A_2833, %swap3A_2834], %mul3A_2830 {strides = array<i32>} : memref<256x128xf32, #tpu.memory_space<vmem>>, vector<16xf32>,
        %add3A_2836 = arith.constant 14 : i32
        %add3A_2837 = arith.addi %add3A_1413, %add3A_2836 : i32
        %get3A_2838 = arith.index_cast %add3A_2837 : i32 to index
        %get3A_2839 = arith.constant 64 : index
        %get3A_2840 = tpu.vector_load %arg21[%get3A_2838, %get3A_2839] {strides = array<i32>} : memref<256x128xf32, #tpu.memory_space<vmem>>, vector<16xf32>,
        %mul3A_2841 = vector.broadcast %squeeze3A_2787 : f32 to vector<16xf32>
        %mul3A_2842 = arith.mulf %get3A_2840, %mul3A_2841 : vector<16xf32>
        %add3A_2843 = arith.constant 14 : i32
        %add3A_2844 = arith.addi %add3A_1413, %add3A_2843 : i32
        %swap3A_2845 = arith.index_cast %add3A_2844 : i32 to index
        %swap3A_2846 = arith.constant 64 : index
        %swap3A_2847 = tpu.vector_load %arg21[%swap3A_2845, %swap3A_2846] {strides = array<i32>} : memref<256x128xf32, #tpu.memory_space<vmem>>, vector<16xf32>,
        tpu.vector_store %arg21[%swap3A_2845, %swap3A_2846], %mul3A_2842 {strides = array<i32>} : memref<256x128xf32, #tpu.memory_space<vmem>>, vector<16xf32>,
        %add3A_2848 = arith.constant 14 : i32
        %add3A_2849 = arith.addi %add3A_1413, %add3A_2848 : i32
        %get3A_2850 = arith.index_cast %add3A_2849 : i32 to index
        %get3A_2851 = arith.constant 80 : index
        %get3A_2852 = tpu.vector_load %arg21[%get3A_2850, %get3A_2851] {strides = array<i32>} : memref<256x128xf32, #tpu.memory_space<vmem>>, vector<16xf32>,
        %mul3A_2853 = vector.broadcast %squeeze3A_2787 : f32 to vector<16xf32>
        %mul3A_2854 = arith.mulf %get3A_2852, %mul3A_2853 : vector<16xf32>
        %add3A_2855 = arith.constant 14 : i32
        %add3A_2856 = arith.addi %add3A_1413, %add3A_2855 : i32
        %swap3A_2857 = arith.index_cast %add3A_2856 : i32 to index
        %swap3A_2858 = arith.constant 80 : index
        %swap3A_2859 = tpu.vector_load %arg21[%swap3A_2857, %swap3A_2858] {strides = array<i32>} : memref<256x128xf32, #tpu.memory_space<vmem>>, vector<16xf32>,
        tpu.vector_store %arg21[%swap3A_2857, %swap3A_2858], %mul3A_2854 {strides = array<i32>} : memref<256x128xf32, #tpu.memory_space<vmem>>, vector<16xf32>,
        %add3A_2860 = arith.constant 14 : i32
        %add3A_2861 = arith.addi %add3A_1413, %add3A_2860 : i32
        %get3A_2862 = arith.index_cast %add3A_2861 : i32 to index
        %get3A_2863 = arith.constant 96 : index
        %get3A_2864 = tpu.vector_load %arg21[%get3A_2862, %get3A_2863] {strides = array<i32>} : memref<256x128xf32, #tpu.memory_space<vmem>>, vector<16xf32>,
        %mul3A_2865 = vector.broadcast %squeeze3A_2787 : f32 to vector<16xf32>
        %mul3A_2866 = arith.mulf %get3A_2864, %mul3A_2865 : vector<16xf32>
        %add3A_2867 = arith.constant 14 : i32
        %add3A_2868 = arith.addi %add3A_1413, %add3A_2867 : i32
        %swap3A_2869 = arith.index_cast %add3A_2868 : i32 to index
        %swap3A_2870 = arith.constant 96 : index
        %swap3A_2871 = tpu.vector_load %arg21[%swap3A_2869, %swap3A_2870] {strides = array<i32>} : memref<256x128xf32, #tpu.memory_space<vmem>>, vector<16xf32>,
        tpu.vector_store %arg21[%swap3A_2869, %swap3A_2870], %mul3A_2866 {strides = array<i32>} : memref<256x128xf32, #tpu.memory_space<vmem>>, vector<16xf32>,
        %add3A_2872 = arith.constant 14 : i32
        %add3A_2873 = arith.addi %add3A_1413, %add3A_2872 : i32
        %get3A_2874 = arith.index_cast %add3A_2873 : i32 to index
        %get3A_2875 = arith.constant 112 : index
        %get3A_2876 = tpu.vector_load %arg21[%get3A_2874, %get3A_2875] {strides = array<i32>} : memref<256x128xf32, #tpu.memory_space<vmem>>, vector<16xf32>,
        %mul3A_2877 = vector.broadcast %squeeze3A_2787 : f32 to vector<16xf32>
        %mul3A_2878 = arith.mulf %get3A_2876, %mul3A_2877 : vector<16xf32>
        %add3A_2879 = arith.constant 14 : i32
        %add3A_2880 = arith.addi %add3A_1413, %add3A_2879 : i32
        %swap3A_2881 = arith.index_cast %add3A_2880 : i32 to index
        %swap3A_2882 = arith.constant 112 : index
        %swap3A_2883 = tpu.vector_load %arg21[%swap3A_2881, %swap3A_2882] {strides = array<i32>} : memref<256x128xf32, #tpu.memory_space<vmem>>, vector<16xf32>,
        tpu.vector_store %arg21[%swap3A_2881, %swap3A_2882], %mul3A_2878 {strides = array<i32>} : memref<256x128xf32, #tpu.memory_space<vmem>>, vector<16xf32>,
        %slice3A_2884 = vector.extract_strided_slice %exp3A_1407 {offsets = [15], sizes = [1], strides = [1]} : vector<16xf32> to vector<1xf32>
        %squeeze3A_2885 = vector.extract %slice3A_2884[0] : f32 from vector<1xf32>
        %add3A_2886 = arith.constant 15 : i32
        %add3A_2887 = arith.addi %add3A_1413, %add3A_2886 : i32
        %get3A_2888 = arith.index_cast %add3A_2887 : i32 to index
        %get3A_2889 = arith.constant 0 : index
        %get3A_2890 = tpu.vector_load %arg21[%get3A_2888, %get3A_2889] {strides = array<i32>} : memref<256x128xf32, #tpu.memory_space<vmem>>, vector<16xf32>,
        %mul3A_2891 = vector.broadcast %squeeze3A_2885 : f32 to vector<16xf32>
        %mul3A_2892 = arith.mulf %get3A_2890, %mul3A_2891 : vector<16xf32>
        %add3A_2893 = arith.constant 15 : i32
        %add3A_2894 = arith.addi %add3A_1413, %add3A_2893 : i32
        %swap3A_2895 = arith.index_cast %add3A_2894 : i32 to index
        %swap3A_2896 = arith.constant 0 : index
        %swap3A_2897 = tpu.vector_load %arg21[%swap3A_2895, %swap3A_2896] {strides = array<i32>} : memref<256x128xf32, #tpu.memory_space<vmem>>, vector<16xf32>,
        tpu.vector_store %arg21[%swap3A_2895, %swap3A_2896], %mul3A_2892 {strides = array<i32>} : memref<256x128xf32, #tpu.memory_space<vmem>>, vector<16xf32>,
        %add3A_2898 = arith.constant 15 : i32
        %add3A_2899 = arith.addi %add3A_1413, %add3A_2898 : i32
        %get3A_2900 = arith.index_cast %add3A_2899 : i32 to index
        %get3A_2901 = arith.constant 16 : index
        %get3A_2902 = tpu.vector_load %arg21[%get3A_2900, %get3A_2901] {strides = array<i32>} : memref<256x128xf32, #tpu.memory_space<vmem>>, vector<16xf32>,
        %mul3A_2903 = vector.broadcast %squeeze3A_2885 : f32 to vector<16xf32>
        %mul3A_2904 = arith.mulf %get3A_2902, %mul3A_2903 : vector<16xf32>
        %add3A_2905 = arith.constant 15 : i32
        %add3A_2906 = arith.addi %add3A_1413, %add3A_2905 : i32
        %swap3A_2907 = arith.index_cast %add3A_2906 : i32 to index
        %swap3A_2908 = arith.constant 16 : index
        %swap3A_2909 = tpu.vector_load %arg21[%swap3A_2907, %swap3A_2908] {strides = array<i32>} : memref<256x128xf32, #tpu.memory_space<vmem>>, vector<16xf32>,
        tpu.vector_store %arg21[%swap3A_2907, %swap3A_2908], %mul3A_2904 {strides = array<i32>} : memref<256x128xf32, #tpu.memory_space<vmem>>, vector<16xf32>,
        %add3A_2910 = arith.constant 15 : i32
        %add3A_2911 = arith.addi %add3A_1413, %add3A_2910 : i32
        %get3A_2912 = arith.index_cast %add3A_2911 : i32 to index
        %get3A_2913 = arith.constant 32 : index
        %get3A_2914 = tpu.vector_load %arg21[%get3A_2912, %get3A_2913] {strides = array<i32>} : memref<256x128xf32, #tpu.memory_space<vmem>>, vector<16xf32>,
        %mul3A_2915 = vector.broadcast %squeeze3A_2885 : f32 to vector<16xf32>
        %mul3A_2916 = arith.mulf %get3A_2914, %mul3A_2915 : vector<16xf32>
        %add3A_2917 = arith.constant 15 : i32
        %add3A_2918 = arith.addi %add3A_1413, %add3A_2917 : i32
        %swap3A_2919 = arith.index_cast %add3A_2918 : i32 to index
        %swap3A_2920 = arith.constant 32 : index
        %swap3A_2921 = tpu.vector_load %arg21[%swap3A_2919, %swap3A_2920] {strides = array<i32>} : memref<256x128xf32, #tpu.memory_space<vmem>>, vector<16xf32>,
        tpu.vector_store %arg21[%swap3A_2919, %swap3A_2920], %mul3A_2916 {strides = array<i32>} : memref<256x128xf32, #tpu.memory_space<vmem>>, vector<16xf32>,
        %add3A_2922 = arith.constant 15 : i32
        %add3A_2923 = arith.addi %add3A_1413, %add3A_2922 : i32
        %get3A_2924 = arith.index_cast %add3A_2923 : i32 to index
        %get3A_2925 = arith.constant 48 : index
        %get3A_2926 = tpu.vector_load %arg21[%get3A_2924, %get3A_2925] {strides = array<i32>} : memref<256x128xf32, #tpu.memory_space<vmem>>, vector<16xf32>,
        %mul3A_2927 = vector.broadcast %squeeze3A_2885 : f32 to vector<16xf32>
        %mul3A_2928 = arith.mulf %get3A_2926, %mul3A_2927 : vector<16xf32>
        %add3A_2929 = arith.constant 15 : i32
        %add3A_2930 = arith.addi %add3A_1413, %add3A_2929 : i32
        %swap3A_2931 = arith.index_cast %add3A_2930 : i32 to index
        %swap3A_2932 = arith.constant 48 : index
        %swap3A_2933 = tpu.vector_load %arg21[%swap3A_2931, %swap3A_2932] {strides = array<i32>} : memref<256x128xf32, #tpu.memory_space<vmem>>, vector<16xf32>,
        tpu.vector_store %arg21[%swap3A_2931, %swap3A_2932], %mul3A_2928 {strides = array<i32>} : memref<256x128xf32, #tpu.memory_space<vmem>>, vector<16xf32>,
        %add3A_2934 = arith.constant 15 : i32
        %add3A_2935 = arith.addi %add3A_1413, %add3A_2934 : i32
        %get3A_2936 = arith.index_cast %add3A_2935 : i32 to index
        %get3A_2937 = arith.constant 64 : index
        %get3A_2938 = tpu.vector_load %arg21[%get3A_2936, %get3A_2937] {strides = array<i32>} : memref<256x128xf32, #tpu.memory_space<vmem>>, vector<16xf32>,
        %mul3A_2939 = vector.broadcast %squeeze3A_2885 : f32 to vector<16xf32>
        %mul3A_2940 = arith.mulf %get3A_2938, %mul3A_2939 : vector<16xf32>
        %add3A_2941 = arith.constant 15 : i32
        %add3A_2942 = arith.addi %add3A_1413, %add3A_2941 : i32
        %swap3A_2943 = arith.index_cast %add3A_2942 : i32 to index
        %swap3A_2944 = arith.constant 64 : index
        %swap3A_2945 = tpu.vector_load %arg21[%swap3A_2943, %swap3A_2944] {strides = array<i32>} : memref<256x128xf32, #tpu.memory_space<vmem>>, vector<16xf32>,
        tpu.vector_store %arg21[%swap3A_2943, %swap3A_2944], %mul3A_2940 {strides = array<i32>} : memref<256x128xf32, #tpu.memory_space<vmem>>, vector<16xf32>,
        %add3A_2946 = arith.constant 15 : i32
        %add3A_2947 = arith.addi %add3A_1413, %add3A_2946 : i32
        %get3A_2948 = arith.index_cast %add3A_2947 : i32 to index
        %get3A_2949 = arith.constant 80 : index
        %get3A_2950 = tpu.vector_load %arg21[%get3A_2948, %get3A_2949] {strides = array<i32>} : memref<256x128xf32, #tpu.memory_space<vmem>>, vector<16xf32>,
        %mul3A_2951 = vector.broadcast %squeeze3A_2885 : f32 to vector<16xf32>
        %mul3A_2952 = arith.mulf %get3A_2950, %mul3A_2951 : vector<16xf32>
        %add3A_2953 = arith.constant 15 : i32
        %add3A_2954 = arith.addi %add3A_1413, %add3A_2953 : i32
        %swap3A_2955 = arith.index_cast %add3A_2954 : i32 to index
        %swap3A_2956 = arith.constant 80 : index
        %swap3A_2957 = tpu.vector_load %arg21[%swap3A_2955, %swap3A_2956] {strides = array<i32>} : memref<256x128xf32, #tpu.memory_space<vmem>>, vector<16xf32>,
        tpu.vector_store %arg21[%swap3A_2955, %swap3A_2956], %mul3A_2952 {strides = array<i32>} : memref<256x128xf32, #tpu.memory_space<vmem>>, vector<16xf32>,
        %add3A_2958 = arith.constant 15 : i32
        %add3A_2959 = arith.addi %add3A_1413, %add3A_2958 : i32
        %get3A_2960 = arith.index_cast %add3A_2959 : i32 to index
        %get3A_2961 = arith.constant 96 : index
        %get3A_2962 = tpu.vector_load %arg21[%get3A_2960, %get3A_2961] {strides = array<i32>} : memref<256x128xf32, #tpu.memory_space<vmem>>, vector<16xf32>,
        %mul3A_2963 = vector.broadcast %squeeze3A_2885 : f32 to vector<16xf32>
        %mul3A_2964 = arith.mulf %get3A_2962, %mul3A_2963 : vector<16xf32>
        %add3A_2965 = arith.constant 15 : i32
        %add3A_2966 = arith.addi %add3A_1413, %add3A_2965 : i32
        %swap3A_2967 = arith.index_cast %add3A_2966 : i32 to index
        %swap3A_2968 = arith.constant 96 : index
        %swap3A_2969 = tpu.vector_load %arg21[%swap3A_2967, %swap3A_2968] {strides = array<i32>} : memref<256x128xf32, #tpu.memory_space<vmem>>, vector<16xf32>,
        tpu.vector_store %arg21[%swap3A_2967, %swap3A_2968], %mul3A_2964 {strides = array<i32>} : memref<256x128xf32, #tpu.memory_space<vmem>>, vector<16xf32>,
        %add3A_2970 = arith.constant 15 : i32
        %add3A_2971 = arith.addi %add3A_1413, %add3A_2970 : i32
        %get3A_2972 = arith.index_cast %add3A_2971 : i32 to index
        %get3A_2973 = arith.constant 112 : index
        %get3A_2974 = tpu.vector_load %arg21[%get3A_2972, %get3A_2973] {strides = array<i32>} : memref<256x128xf32, #tpu.memory_space<vmem>>, vector<16xf32>,
        %mul3A_2975 = vector.broadcast %squeeze3A_2885 : f32 to vector<16xf32>
        %mul3A_2976 = arith.mulf %get3A_2974, %mul3A_2975 : vector<16xf32>
        %add3A_2977 = arith.constant 15 : i32
        %add3A_2978 = arith.addi %add3A_1413, %add3A_2977 : i32
        %swap3A_2979 = arith.index_cast %add3A_2978 : i32 to index
        %swap3A_2980 = arith.constant 112 : index
        %swap3A_2981 = tpu.vector_load %arg21[%swap3A_2979, %swap3A_2980] {strides = array<i32>} : memref<256x128xf32, #tpu.memory_space<vmem>>, vector<16xf32>,
        tpu.vector_store %arg21[%swap3A_2979, %swap3A_2980], %mul3A_2976 {strides = array<i32>} : memref<256x128xf32, #tpu.memory_space<vmem>>, vector<16xf32>,
      }
      %scan3A_1380 = arith.constant 8 : i32
      "tpu.region"() ({
        %run_scoped3A = tpu.sem_alloc : memref<!tpu.dma_semaphore, #tpu.memory_space<semaphore_mem>>
        %dma_start3A_1393 = arith.constant 0 : i32
        %dma_start3A_1394 = arith.constant 0 : i32
        %dma_start3A_1395 = tpu.memref_slice %arg21[%dma_start3A_1393, %dma_start3A_1394] : memref<256x128xf32, #tpu.memory_space<vmem>> -> memref<128x128xf32, #tpu.memory_space<vmem>>
        %dma_start3A_1396 = arith.constant 0 : i32
        %dma_start3A_1397 = arith.constant 0 : i32
        %dma_start3A_1398 = tpu.memref_slice %arg31[%dma_start3A_1396, %dma_start3A_1397] : memref<10112x128xf32, #tpu.memory_space<vmem_shared>> -> memref<10112x128xf32, #tpu.memory_space<vmem_shared>>
        tpu.enqueue_indirect_dma source(%dma_start3A_1395 : memref<128x128xf32, #tpu.memory_space<vmem>>) target(%dma_start3A_1398 : memref<10112x128xf32, #tpu.memory_space<vmem_shared>>) offsets(%arg15 : memref<128xi32, #tpu.memory_space<vmem>>) semaphore(%run_scoped3A : memref<!tpu.dma_semaphore, #tpu.memory_space<semaphore_mem>>) {add = true}
        %dma_wait3A_1399 = arith.constant 0 : i32
        %dma_wait3A_1400 = arith.constant 0 : i32
        %dma_wait3A_1401 = tpu.memref_slice %arg21[%dma_wait3A_1399, %dma_wait3A_1400] : memref<256x128xf32, #tpu.memory_space<vmem>> -> memref<128x128xf32, #tpu.memory_space<vmem>>
        %dma_wait3A_1402 = arith.constant 0 : i32
        %dma_wait3A_1403 = arith.constant 0 : i32
        %dma_wait3A_1404 = tpu.memref_slice %arg31[%dma_wait3A_1402, %dma_wait3A_1403] : memref<10112x128xf32, #tpu.memory_space<vmem_shared>> -> memref<10112x128xf32, #tpu.memory_space<vmem_shared>>
        tpu.wait_indirect_dma semaphore(%run_scoped3A : memref<!tpu.dma_semaphore, #tpu.memory_space<semaphore_mem>>) src(%dma_wait3A_1401 : memref<128x128xf32, #tpu.memory_space<vmem>>) dst(%dma_wait3A_1404 : memref<10112x128xf32, #tpu.memory_space<vmem_shared>>)
        tpu.yield
      }) : () -> ()
      "tpu.region"() ({
        %run_scoped3A = tpu.sem_alloc : memref<!tpu.dma_semaphore, #tpu.memory_space<semaphore_mem>>
        %dma_start3A_1393 = arith.constant 0 : i32
        %dma_start3A_1394 = tpu.memref_slice %arg20[%dma_start3A_1393] : memref<256xf32, #tpu.memory_space<vmem>> -> memref<128xf32, #tpu.memory_space<vmem>>
        %dma_start3A_1395 = arith.constant 0 : i32
        %dma_start3A_1396 = tpu.memref_slice %arg32[%dma_start3A_1395] : memref<10112xf32, #tpu.memory_space<vmem_shared>> -> memref<10112xf32, #tpu.memory_space<vmem_shared>>
        tpu.enqueue_indirect_dma source(%dma_start3A_1394 : memref<128xf32, #tpu.memory_space<vmem>>) target(%dma_start3A_1396 : memref<10112xf32, #tpu.memory_space<vmem_shared>>) offsets(%arg15 : memref<128xi32, #tpu.memory_space<vmem>>) semaphore(%run_scoped3A : memref<!tpu.dma_semaphore, #tpu.memory_space<semaphore_mem>>) {add = true}
        %dma_wait3A_1397 = arith.constant 0 : i32
        %dma_wait3A_1398 = tpu.memref_slice %arg20[%dma_wait3A_1397] : memref<256xf32, #tpu.memory_space<vmem>> -> memref<128xf32, #tpu.memory_space<vmem>>
        %dma_wait3A_1399 = arith.constant 0 : i32
        %dma_wait3A_1400 = tpu.memref_slice %arg32[%dma_wait3A_1399] : memref<10112xf32, #tpu.memory_space<vmem_shared>> -> memref<10112xf32, #tpu.memory_space<vmem_shared>>
        tpu.wait_indirect_dma semaphore(%run_scoped3A : memref<!tpu.dma_semaphore, #tpu.memory_space<semaphore_mem>>) src(%dma_wait3A_1398 : memref<128xf32, #tpu.memory_space<vmem>>) dst(%dma_wait3A_1400 : memref<10112xf32, #tpu.memory_space<vmem_shared>>)
        tpu.yield
      }) : () -> ()
      %dma_wait3A_1381 = arith.constant 128 : i32
      %dma_wait3A_1382 = arith.constant 0 : i32
      %dma_wait3A_1383 = tpu.memref_slice %arg21[%dma_wait3A_1381, %dma_wait3A_1382] : memref<256x128xf32, #tpu.memory_space<vmem>> -> memref<128x128xf32, #tpu.memory_space<vmem>>
      %dma_wait3A_1384 = arith.constant 0 : i32
      %dma_wait3A_1385 = arith.constant 0 : i32
      %dma_wait3A_1386 = tpu.memref_slice %arg2[%dma_wait3A_1384, %dma_wait3A_1385] : memref<10000x128xf32, #tpu.memory_space<hbm>> -> memref<10000x128xf32, #tpu.memory_space<hbm>>
      tpu.wait_indirect_dma semaphore(%arg34 : memref<!tpu.dma_semaphore, #tpu.memory_space<semaphore_mem>>) src(%dma_wait3A_1386 : memref<10000x128xf32, #tpu.memory_space<hbm>>) dst(%dma_wait3A_1383 : memref<128x128xf32, #tpu.memory_space<vmem>>)
      %scan3A_1387 = arith.constant 0 : i32
      %scan3A_1388 = arith.constant 0 : i32
      %scan3A_1389 = arith.constant 8 : i32
      %scan3A_1390 = arith.addi %scan3A_1388, %scan3A_1389 : i32
      %scan3A_1391 = arith.constant 1 : i32
      scf.for %scan3A_1393 = %scan3A_1388 to %scan3A_1390 step %scan3A_1391  : i32 {
        %mul3A_1394 = arith.constant 16 : i32
        %mul3A_1395 = arith.muli %scan3A_1393, %mul3A_1394 : i32
        %add3A_1396 = arith.constant 128 : i32
        %add3A_1397 = arith.addi %add3A_1396, %mul3A_1395 : i32
        %get3A_1398 = arith.index_cast %add3A_1397 : i32 to index
        %get3A_1399 = tpu.vector_load %arg17[%get3A_1398] {strides = array<i32>} : memref<256xi32, #tpu.memory_space<vmem>>, vector<16xi32>,
        %get3A_1400 = arith.index_cast %add3A_1397 : i32 to index
        %get3A_1401 = tpu.vector_load %arg18[%get3A_1400] {strides = array<i32>} : memref<256xf32, #tpu.memory_space<vmem>>, vector<16xf32>,
        %get3A_1402 = arith.index_cast %add3A_1397 : i32 to index
        %get3A_1403 = tpu.vector_load %arg19[%get3A_1402] {strides = array<i32>} : memref<256xf32, #tpu.memory_space<vmem>>, vector<16xf32>,
        %add3A_1404 = arith.addf %get3A_1401, %get3A_1403 : vector<16xf32>
        %gather3A_1405 = tpu.vector_load_idx %arg12[%get3A_1399] : memref<16xf32, #tpu.memory_space<vmem>>[vector<16xi32>], vector<16xf32>,
        %add3A_1406 = arith.addf %add3A_1404, %gather3A_1405 : vector<16xf32>
        %exp3A_1407 = math.exp %add3A_1406 : vector<16xf32>
        %swap3A_1408 = arith.index_cast %add3A_1397 : i32 to index
        %swap3A_1409 = tpu.vector_load %arg20[%swap3A_1408] {strides = array<i32>} : memref<256xf32, #tpu.memory_space<vmem>>, vector<16xf32>,
        tpu.vector_store %arg20[%swap3A_1408], %exp3A_1407 {strides = array<i32>} : memref<256xf32, #tpu.memory_space<vmem>>, vector<16xf32>,
        %mul3A_1410 = arith.constant 16 : i32
        %mul3A_1411 = arith.muli %scan3A_1393, %mul3A_1410 : i32
        %add3A_1412 = arith.constant 128 : i32
        %add3A_1413 = arith.addi %add3A_1412, %mul3A_1411 : i32
        %slice3A_1414 = vector.extract_strided_slice %exp3A_1407 {offsets = [0], sizes = [1], strides = [1]} : vector<16xf32> to vector<1xf32>
        %squeeze3A_1415 = vector.extract %slice3A_1414[0] : f32 from vector<1xf32>
        %add3A_1416 = arith.constant 0 : i32
        %add3A_1417 = arith.addi %add3A_1413, %add3A_1416 : i32
        %get3A_1418 = arith.index_cast %add3A_1417 : i32 to index
        %get3A_1419 = arith.constant 0 : index
        %get3A_1420 = tpu.vector_load %arg21[%get3A_1418, %get3A_1419] {strides = array<i32>} : memref<256x128xf32, #tpu.memory_space<vmem>>, vector<16xf32>,
        %mul3A_1421 = vector.broadcast %squeeze3A_1415 : f32 to vector<16xf32>
        %mul3A_1422 = arith.mulf %get3A_1420, %mul3A_1421 : vector<16xf32>
        %add3A_1423 = arith.constant 0 : i32
        %add3A_1424 = arith.addi %add3A_1413, %add3A_1423 : i32
        %swap3A_1425 = arith.index_cast %add3A_1424 : i32 to index
        %swap3A_1426 = arith.constant 0 : index
        %swap3A_1427 = tpu.vector_load %arg21[%swap3A_1425, %swap3A_1426] {strides = array<i32>} : memref<256x128xf32, #tpu.memory_space<vmem>>, vector<16xf32>,
        tpu.vector_store %arg21[%swap3A_1425, %swap3A_1426], %mul3A_1422 {strides = array<i32>} : memref<256x128xf32, #tpu.memory_space<vmem>>, vector<16xf32>,
        %add3A_1428 = arith.constant 0 : i32
        %add3A_1429 = arith.addi %add3A_1413, %add3A_1428 : i32
        %get3A_1430 = arith.index_cast %add3A_1429 : i32 to index
        %get3A_1431 = arith.constant 16 : index
        %get3A_1432 = tpu.vector_load %arg21[%get3A_1430, %get3A_1431] {strides = array<i32>} : memref<256x128xf32, #tpu.memory_space<vmem>>, vector<16xf32>,
        %mul3A_1433 = vector.broadcast %squeeze3A_1415 : f32 to vector<16xf32>
        %mul3A_1434 = arith.mulf %get3A_1432, %mul3A_1433 : vector<16xf32>
        %add3A_1435 = arith.constant 0 : i32
        %add3A_1436 = arith.addi %add3A_1413, %add3A_1435 : i32
        %swap3A_1437 = arith.index_cast %add3A_1436 : i32 to index
        %swap3A_1438 = arith.constant 16 : index
        %swap3A_1439 = tpu.vector_load %arg21[%swap3A_1437, %swap3A_1438] {strides = array<i32>} : memref<256x128xf32, #tpu.memory_space<vmem>>, vector<16xf32>,
        tpu.vector_store %arg21[%swap3A_1437, %swap3A_1438], %mul3A_1434 {strides = array<i32>} : memref<256x128xf32, #tpu.memory_space<vmem>>, vector<16xf32>,
        %add3A_1440 = arith.constant 0 : i32
        %add3A_1441 = arith.addi %add3A_1413, %add3A_1440 : i32
        %get3A_1442 = arith.index_cast %add3A_1441 : i32 to index
        %get3A_1443 = arith.constant 32 : index
        %get3A_1444 = tpu.vector_load %arg21[%get3A_1442, %get3A_1443] {strides = array<i32>} : memref<256x128xf32, #tpu.memory_space<vmem>>, vector<16xf32>,
        %mul3A_1445 = vector.broadcast %squeeze3A_1415 : f32 to vector<16xf32>
        %mul3A_1446 = arith.mulf %get3A_1444, %mul3A_1445 : vector<16xf32>
        %add3A_1447 = arith.constant 0 : i32
        %add3A_1448 = arith.addi %add3A_1413, %add3A_1447 : i32
        %swap3A_1449 = arith.index_cast %add3A_1448 : i32 to index
        %swap3A_1450 = arith.constant 32 : index
        %swap3A_1451 = tpu.vector_load %arg21[%swap3A_1449, %swap3A_1450] {strides = array<i32>} : memref<256x128xf32, #tpu.memory_space<vmem>>, vector<16xf32>,
        tpu.vector_store %arg21[%swap3A_1449, %swap3A_1450], %mul3A_1446 {strides = array<i32>} : memref<256x128xf32, #tpu.memory_space<vmem>>, vector<16xf32>,
        %add3A_1452 = arith.constant 0 : i32
        %add3A_1453 = arith.addi %add3A_1413, %add3A_1452 : i32
        %get3A_1454 = arith.index_cast %add3A_1453 : i32 to index
        %get3A_1455 = arith.constant 48 : index
        %get3A_1456 = tpu.vector_load %arg21[%get3A_1454, %get3A_1455] {strides = array<i32>} : memref<256x128xf32, #tpu.memory_space<vmem>>, vector<16xf32>,
        %mul3A_1457 = vector.broadcast %squeeze3A_1415 : f32 to vector<16xf32>
        %mul3A_1458 = arith.mulf %get3A_1456, %mul3A_1457 : vector<16xf32>
        %add3A_1459 = arith.constant 0 : i32
        %add3A_1460 = arith.addi %add3A_1413, %add3A_1459 : i32
        %swap3A_1461 = arith.index_cast %add3A_1460 : i32 to index
        %swap3A_1462 = arith.constant 48 : index
        %swap3A_1463 = tpu.vector_load %arg21[%swap3A_1461, %swap3A_1462] {strides = array<i32>} : memref<256x128xf32, #tpu.memory_space<vmem>>, vector<16xf32>,
        tpu.vector_store %arg21[%swap3A_1461, %swap3A_1462], %mul3A_1458 {strides = array<i32>} : memref<256x128xf32, #tpu.memory_space<vmem>>, vector<16xf32>,
        %add3A_1464 = arith.constant 0 : i32
        %add3A_1465 = arith.addi %add3A_1413, %add3A_1464 : i32
        %get3A_1466 = arith.index_cast %add3A_1465 : i32 to index
        %get3A_1467 = arith.constant 64 : index
        %get3A_1468 = tpu.vector_load %arg21[%get3A_1466, %get3A_1467] {strides = array<i32>} : memref<256x128xf32, #tpu.memory_space<vmem>>, vector<16xf32>,
        %mul3A_1469 = vector.broadcast %squeeze3A_1415 : f32 to vector<16xf32>
        %mul3A_1470 = arith.mulf %get3A_1468, %mul3A_1469 : vector<16xf32>
        %add3A_1471 = arith.constant 0 : i32
        %add3A_1472 = arith.addi %add3A_1413, %add3A_1471 : i32
        %swap3A_1473 = arith.index_cast %add3A_1472 : i32 to index
        %swap3A_1474 = arith.constant 64 : index
        %swap3A_1475 = tpu.vector_load %arg21[%swap3A_1473, %swap3A_1474] {strides = array<i32>} : memref<256x128xf32, #tpu.memory_space<vmem>>, vector<16xf32>,
        tpu.vector_store %arg21[%swap3A_1473, %swap3A_1474], %mul3A_1470 {strides = array<i32>} : memref<256x128xf32, #tpu.memory_space<vmem>>, vector<16xf32>,
        %add3A_1476 = arith.constant 0 : i32
        %add3A_1477 = arith.addi %add3A_1413, %add3A_1476 : i32
        %get3A_1478 = arith.index_cast %add3A_1477 : i32 to index
        %get3A_1479 = arith.constant 80 : index
        %get3A_1480 = tpu.vector_load %arg21[%get3A_1478, %get3A_1479] {strides = array<i32>} : memref<256x128xf32, #tpu.memory_space<vmem>>, vector<16xf32>,
        %mul3A_1481 = vector.broadcast %squeeze3A_1415 : f32 to vector<16xf32>
        %mul3A_1482 = arith.mulf %get3A_1480, %mul3A_1481 : vector<16xf32>
        %add3A_1483 = arith.constant 0 : i32
        %add3A_1484 = arith.addi %add3A_1413, %add3A_1483 : i32
        %swap3A_1485 = arith.index_cast %add3A_1484 : i32 to index
        %swap3A_1486 = arith.constant 80 : index
        %swap3A_1487 = tpu.vector_load %arg21[%swap3A_1485, %swap3A_1486] {strides = array<i32>} : memref<256x128xf32, #tpu.memory_space<vmem>>, vector<16xf32>,
        tpu.vector_store %arg21[%swap3A_1485, %swap3A_1486], %mul3A_1482 {strides = array<i32>} : memref<256x128xf32, #tpu.memory_space<vmem>>, vector<16xf32>,
        %add3A_1488 = arith.constant 0 : i32
        %add3A_1489 = arith.addi %add3A_1413, %add3A_1488 : i32
        %get3A_1490 = arith.index_cast %add3A_1489 : i32 to index
        %get3A_1491 = arith.constant 96 : index
        %get3A_1492 = tpu.vector_load %arg21[%get3A_1490, %get3A_1491] {strides = array<i32>} : memref<256x128xf32, #tpu.memory_space<vmem>>, vector<16xf32>,
        %mul3A_1493 = vector.broadcast %squeeze3A_1415 : f32 to vector<16xf32>
        %mul3A_1494 = arith.mulf %get3A_1492, %mul3A_1493 : vector<16xf32>
        %add3A_1495 = arith.constant 0 : i32
        %add3A_1496 = arith.addi %add3A_1413, %add3A_1495 : i32
        %swap3A_1497 = arith.index_cast %add3A_1496 : i32 to index
        %swap3A_1498 = arith.constant 96 : index
        %swap3A_1499 = tpu.vector_load %arg21[%swap3A_1497, %swap3A_1498] {strides = array<i32>} : memref<256x128xf32, #tpu.memory_space<vmem>>, vector<16xf32>,
        tpu.vector_store %arg21[%swap3A_1497, %swap3A_1498], %mul3A_1494 {strides = array<i32>} : memref<256x128xf32, #tpu.memory_space<vmem>>, vector<16xf32>,
        %add3A_1500 = arith.constant 0 : i32
        %add3A_1501 = arith.addi %add3A_1413, %add3A_1500 : i32
        %get3A_1502 = arith.index_cast %add3A_1501 : i32 to index
        %get3A_1503 = arith.constant 112 : index
        %get3A_1504 = tpu.vector_load %arg21[%get3A_1502, %get3A_1503] {strides = array<i32>} : memref<256x128xf32, #tpu.memory_space<vmem>>, vector<16xf32>,
        %mul3A_1505 = vector.broadcast %squeeze3A_1415 : f32 to vector<16xf32>
        %mul3A_1506 = arith.mulf %get3A_1504, %mul3A_1505 : vector<16xf32>
        %add3A_1507 = arith.constant 0 : i32
        %add3A_1508 = arith.addi %add3A_1413, %add3A_1507 : i32
        %swap3A_1509 = arith.index_cast %add3A_1508 : i32 to index
        %swap3A_1510 = arith.constant 112 : index
        %swap3A_1511 = tpu.vector_load %arg21[%swap3A_1509, %swap3A_1510] {strides = array<i32>} : memref<256x128xf32, #tpu.memory_space<vmem>>, vector<16xf32>,
        tpu.vector_store %arg21[%swap3A_1509, %swap3A_1510], %mul3A_1506 {strides = array<i32>} : memref<256x128xf32, #tpu.memory_space<vmem>>, vector<16xf32>,
        %slice3A_1512 = vector.extract_strided_slice %exp3A_1407 {offsets = [1], sizes = [1], strides = [1]} : vector<16xf32> to vector<1xf32>
        %squeeze3A_1513 = vector.extract %slice3A_1512[0] : f32 from vector<1xf32>
        %add3A_1514 = arith.constant 1 : i32
        %add3A_1515 = arith.addi %add3A_1413, %add3A_1514 : i32
        %get3A_1516 = arith.index_cast %add3A_1515 : i32 to index
        %get3A_1517 = arith.constant 0 : index
        %get3A_1518 = tpu.vector_load %arg21[%get3A_1516, %get3A_1517] {strides = array<i32>} : memref<256x128xf32, #tpu.memory_space<vmem>>, vector<16xf32>,
        %mul3A_1519 = vector.broadcast %squeeze3A_1513 : f32 to vector<16xf32>
        %mul3A_1520 = arith.mulf %get3A_1518, %mul3A_1519 : vector<16xf32>
        %add3A_1521 = arith.constant 1 : i32
        %add3A_1522 = arith.addi %add3A_1413, %add3A_1521 : i32
        %swap3A_1523 = arith.index_cast %add3A_1522 : i32 to index
        %swap3A_1524 = arith.constant 0 : index
        %swap3A_1525 = tpu.vector_load %arg21[%swap3A_1523, %swap3A_1524] {strides = array<i32>} : memref<256x128xf32, #tpu.memory_space<vmem>>, vector<16xf32>,
        tpu.vector_store %arg21[%swap3A_1523, %swap3A_1524], %mul3A_1520 {strides = array<i32>} : memref<256x128xf32, #tpu.memory_space<vmem>>, vector<16xf32>,
        %add3A_1526 = arith.constant 1 : i32
        %add3A_1527 = arith.addi %add3A_1413, %add3A_1526 : i32
        %get3A_1528 = arith.index_cast %add3A_1527 : i32 to index
        %get3A_1529 = arith.constant 16 : index
        %get3A_1530 = tpu.vector_load %arg21[%get3A_1528, %get3A_1529] {strides = array<i32>} : memref<256x128xf32, #tpu.memory_space<vmem>>, vector<16xf32>,
        %mul3A_1531 = vector.broadcast %squeeze3A_1513 : f32 to vector<16xf32>
        %mul3A_1532 = arith.mulf %get3A_1530, %mul3A_1531 : vector<16xf32>
        %add3A_1533 = arith.constant 1 : i32
        %add3A_1534 = arith.addi %add3A_1413, %add3A_1533 : i32
        %swap3A_1535 = arith.index_cast %add3A_1534 : i32 to index
        %swap3A_1536 = arith.constant 16 : index
        %swap3A_1537 = tpu.vector_load %arg21[%swap3A_1535, %swap3A_1536] {strides = array<i32>} : memref<256x128xf32, #tpu.memory_space<vmem>>, vector<16xf32>,
        tpu.vector_store %arg21[%swap3A_1535, %swap3A_1536], %mul3A_1532 {strides = array<i32>} : memref<256x128xf32, #tpu.memory_space<vmem>>, vector<16xf32>,
        %add3A_1538 = arith.constant 1 : i32
        %add3A_1539 = arith.addi %add3A_1413, %add3A_1538 : i32
        %get3A_1540 = arith.index_cast %add3A_1539 : i32 to index
        %get3A_1541 = arith.constant 32 : index
        %get3A_1542 = tpu.vector_load %arg21[%get3A_1540, %get3A_1541] {strides = array<i32>} : memref<256x128xf32, #tpu.memory_space<vmem>>, vector<16xf32>,
        %mul3A_1543 = vector.broadcast %squeeze3A_1513 : f32 to vector<16xf32>
        %mul3A_1544 = arith.mulf %get3A_1542, %mul3A_1543 : vector<16xf32>
        %add3A_1545 = arith.constant 1 : i32
        %add3A_1546 = arith.addi %add3A_1413, %add3A_1545 : i32
        %swap3A_1547 = arith.index_cast %add3A_1546 : i32 to index
        %swap3A_1548 = arith.constant 32 : index
        %swap3A_1549 = tpu.vector_load %arg21[%swap3A_1547, %swap3A_1548] {strides = array<i32>} : memref<256x128xf32, #tpu.memory_space<vmem>>, vector<16xf32>,
        tpu.vector_store %arg21[%swap3A_1547, %swap3A_1548], %mul3A_1544 {strides = array<i32>} : memref<256x128xf32, #tpu.memory_space<vmem>>, vector<16xf32>,
        %add3A_1550 = arith.constant 1 : i32
        %add3A_1551 = arith.addi %add3A_1413, %add3A_1550 : i32
        %get3A_1552 = arith.index_cast %add3A_1551 : i32 to index
        %get3A_1553 = arith.constant 48 : index
        %get3A_1554 = tpu.vector_load %arg21[%get3A_1552, %get3A_1553] {strides = array<i32>} : memref<256x128xf32, #tpu.memory_space<vmem>>, vector<16xf32>,
        %mul3A_1555 = vector.broadcast %squeeze3A_1513 : f32 to vector<16xf32>
        %mul3A_1556 = arith.mulf %get3A_1554, %mul3A_1555 : vector<16xf32>
        %add3A_1557 = arith.constant 1 : i32
        %add3A_1558 = arith.addi %add3A_1413, %add3A_1557 : i32
        %swap3A_1559 = arith.index_cast %add3A_1558 : i32 to index
        %swap3A_1560 = arith.constant 48 : index
        %swap3A_1561 = tpu.vector_load %arg21[%swap3A_1559, %swap3A_1560] {strides = array<i32>} : memref<256x128xf32, #tpu.memory_space<vmem>>, vector<16xf32>,
        tpu.vector_store %arg21[%swap3A_1559, %swap3A_1560], %mul3A_1556 {strides = array<i32>} : memref<256x128xf32, #tpu.memory_space<vmem>>, vector<16xf32>,
        %add3A_1562 = arith.constant 1 : i32
        %add3A_1563 = arith.addi %add3A_1413, %add3A_1562 : i32
        %get3A_1564 = arith.index_cast %add3A_1563 : i32 to index
        %get3A_1565 = arith.constant 64 : index
        %get3A_1566 = tpu.vector_load %arg21[%get3A_1564, %get3A_1565] {strides = array<i32>} : memref<256x128xf32, #tpu.memory_space<vmem>>, vector<16xf32>,
        %mul3A_1567 = vector.broadcast %squeeze3A_1513 : f32 to vector<16xf32>
        %mul3A_1568 = arith.mulf %get3A_1566, %mul3A_1567 : vector<16xf32>
        %add3A_1569 = arith.constant 1 : i32
        %add3A_1570 = arith.addi %add3A_1413, %add3A_1569 : i32
        %swap3A_1571 = arith.index_cast %add3A_1570 : i32 to index
        %swap3A_1572 = arith.constant 64 : index
        %swap3A_1573 = tpu.vector_load %arg21[%swap3A_1571, %swap3A_1572] {strides = array<i32>} : memref<256x128xf32, #tpu.memory_space<vmem>>, vector<16xf32>,
        tpu.vector_store %arg21[%swap3A_1571, %swap3A_1572], %mul3A_1568 {strides = array<i32>} : memref<256x128xf32, #tpu.memory_space<vmem>>, vector<16xf32>,
        %add3A_1574 = arith.constant 1 : i32
        %add3A_1575 = arith.addi %add3A_1413, %add3A_1574 : i32
        %get3A_1576 = arith.index_cast %add3A_1575 : i32 to index
        %get3A_1577 = arith.constant 80 : index
        %get3A_1578 = tpu.vector_load %arg21[%get3A_1576, %get3A_1577] {strides = array<i32>} : memref<256x128xf32, #tpu.memory_space<vmem>>, vector<16xf32>,
        %mul3A_1579 = vector.broadcast %squeeze3A_1513 : f32 to vector<16xf32>
        %mul3A_1580 = arith.mulf %get3A_1578, %mul3A_1579 : vector<16xf32>
        %add3A_1581 = arith.constant 1 : i32
        %add3A_1582 = arith.addi %add3A_1413, %add3A_1581 : i32
        %swap3A_1583 = arith.index_cast %add3A_1582 : i32 to index
        %swap3A_1584 = arith.constant 80 : index
        %swap3A_1585 = tpu.vector_load %arg21[%swap3A_1583, %swap3A_1584] {strides = array<i32>} : memref<256x128xf32, #tpu.memory_space<vmem>>, vector<16xf32>,
        tpu.vector_store %arg21[%swap3A_1583, %swap3A_1584], %mul3A_1580 {strides = array<i32>} : memref<256x128xf32, #tpu.memory_space<vmem>>, vector<16xf32>,
        %add3A_1586 = arith.constant 1 : i32
        %add3A_1587 = arith.addi %add3A_1413, %add3A_1586 : i32
        %get3A_1588 = arith.index_cast %add3A_1587 : i32 to index
        %get3A_1589 = arith.constant 96 : index
        %get3A_1590 = tpu.vector_load %arg21[%get3A_1588, %get3A_1589] {strides = array<i32>} : memref<256x128xf32, #tpu.memory_space<vmem>>, vector<16xf32>,
        %mul3A_1591 = vector.broadcast %squeeze3A_1513 : f32 to vector<16xf32>
        %mul3A_1592 = arith.mulf %get3A_1590, %mul3A_1591 : vector<16xf32>
        %add3A_1593 = arith.constant 1 : i32
        %add3A_1594 = arith.addi %add3A_1413, %add3A_1593 : i32
        %swap3A_1595 = arith.index_cast %add3A_1594 : i32 to index
        %swap3A_1596 = arith.constant 96 : index
        %swap3A_1597 = tpu.vector_load %arg21[%swap3A_1595, %swap3A_1596] {strides = array<i32>} : memref<256x128xf32, #tpu.memory_space<vmem>>, vector<16xf32>,
        tpu.vector_store %arg21[%swap3A_1595, %swap3A_1596], %mul3A_1592 {strides = array<i32>} : memref<256x128xf32, #tpu.memory_space<vmem>>, vector<16xf32>,
        %add3A_1598 = arith.constant 1 : i32
        %add3A_1599 = arith.addi %add3A_1413, %add3A_1598 : i32
        %get3A_1600 = arith.index_cast %add3A_1599 : i32 to index
        %get3A_1601 = arith.constant 112 : index
        %get3A_1602 = tpu.vector_load %arg21[%get3A_1600, %get3A_1601] {strides = array<i32>} : memref<256x128xf32, #tpu.memory_space<vmem>>, vector<16xf32>,
        %mul3A_1603 = vector.broadcast %squeeze3A_1513 : f32 to vector<16xf32>
        %mul3A_1604 = arith.mulf %get3A_1602, %mul3A_1603 : vector<16xf32>
        %add3A_1605 = arith.constant 1 : i32
        %add3A_1606 = arith.addi %add3A_1413, %add3A_1605 : i32
        %swap3A_1607 = arith.index_cast %add3A_1606 : i32 to index
        %swap3A_1608 = arith.constant 112 : index
        %swap3A_1609 = tpu.vector_load %arg21[%swap3A_1607, %swap3A_1608] {strides = array<i32>} : memref<256x128xf32, #tpu.memory_space<vmem>>, vector<16xf32>,
        tpu.vector_store %arg21[%swap3A_1607, %swap3A_1608], %mul3A_1604 {strides = array<i32>} : memref<256x128xf32, #tpu.memory_space<vmem>>, vector<16xf32>,
        %slice3A_1610 = vector.extract_strided_slice %exp3A_1407 {offsets = [2], sizes = [1], strides = [1]} : vector<16xf32> to vector<1xf32>
        %squeeze3A_1611 = vector.extract %slice3A_1610[0] : f32 from vector<1xf32>
        %add3A_1612 = arith.constant 2 : i32
        %add3A_1613 = arith.addi %add3A_1413, %add3A_1612 : i32
        %get3A_1614 = arith.index_cast %add3A_1613 : i32 to index
        %get3A_1615 = arith.constant 0 : index
        %get3A_1616 = tpu.vector_load %arg21[%get3A_1614, %get3A_1615] {strides = array<i32>} : memref<256x128xf32, #tpu.memory_space<vmem>>, vector<16xf32>,
        %mul3A_1617 = vector.broadcast %squeeze3A_1611 : f32 to vector<16xf32>
        %mul3A_1618 = arith.mulf %get3A_1616, %mul3A_1617 : vector<16xf32>
        %add3A_1619 = arith.constant 2 : i32
        %add3A_1620 = arith.addi %add3A_1413, %add3A_1619 : i32
        %swap3A_1621 = arith.index_cast %add3A_1620 : i32 to index
        %swap3A_1622 = arith.constant 0 : index
        %swap3A_1623 = tpu.vector_load %arg21[%swap3A_1621, %swap3A_1622] {strides = array<i32>} : memref<256x128xf32, #tpu.memory_space<vmem>>, vector<16xf32>,
        tpu.vector_store %arg21[%swap3A_1621, %swap3A_1622], %mul3A_1618 {strides = array<i32>} : memref<256x128xf32, #tpu.memory_space<vmem>>, vector<16xf32>,
        %add3A_1624 = arith.constant 2 : i32
        %add3A_1625 = arith.addi %add3A_1413, %add3A_1624 : i32
        %get3A_1626 = arith.index_cast %add3A_1625 : i32 to index
        %get3A_1627 = arith.constant 16 : index
        %get3A_1628 = tpu.vector_load %arg21[%get3A_1626, %get3A_1627] {strides = array<i32>} : memref<256x128xf32, #tpu.memory_space<vmem>>, vector<16xf32>,
        %mul3A_1629 = vector.broadcast %squeeze3A_1611 : f32 to vector<16xf32>
        %mul3A_1630 = arith.mulf %get3A_1628, %mul3A_1629 : vector<16xf32>
        %add3A_1631 = arith.constant 2 : i32
        %add3A_1632 = arith.addi %add3A_1413, %add3A_1631 : i32
        %swap3A_1633 = arith.index_cast %add3A_1632 : i32 to index
        %swap3A_1634 = arith.constant 16 : index
        %swap3A_1635 = tpu.vector_load %arg21[%swap3A_1633, %swap3A_1634] {strides = array<i32>} : memref<256x128xf32, #tpu.memory_space<vmem>>, vector<16xf32>,
        tpu.vector_store %arg21[%swap3A_1633, %swap3A_1634], %mul3A_1630 {strides = array<i32>} : memref<256x128xf32, #tpu.memory_space<vmem>>, vector<16xf32>,
        %add3A_1636 = arith.constant 2 : i32
        %add3A_1637 = arith.addi %add3A_1413, %add3A_1636 : i32
        %get3A_1638 = arith.index_cast %add3A_1637 : i32 to index
        %get3A_1639 = arith.constant 32 : index
        %get3A_1640 = tpu.vector_load %arg21[%get3A_1638, %get3A_1639] {strides = array<i32>} : memref<256x128xf32, #tpu.memory_space<vmem>>, vector<16xf32>,
        %mul3A_1641 = vector.broadcast %squeeze3A_1611 : f32 to vector<16xf32>
        %mul3A_1642 = arith.mulf %get3A_1640, %mul3A_1641 : vector<16xf32>
        %add3A_1643 = arith.constant 2 : i32
        %add3A_1644 = arith.addi %add3A_1413, %add3A_1643 : i32
        %swap3A_1645 = arith.index_cast %add3A_1644 : i32 to index
        %swap3A_1646 = arith.constant 32 : index
        %swap3A_1647 = tpu.vector_load %arg21[%swap3A_1645, %swap3A_1646] {strides = array<i32>} : memref<256x128xf32, #tpu.memory_space<vmem>>, vector<16xf32>,
        tpu.vector_store %arg21[%swap3A_1645, %swap3A_1646], %mul3A_1642 {strides = array<i32>} : memref<256x128xf32, #tpu.memory_space<vmem>>, vector<16xf32>,
        %add3A_1648 = arith.constant 2 : i32
        %add3A_1649 = arith.addi %add3A_1413, %add3A_1648 : i32
        %get3A_1650 = arith.index_cast %add3A_1649 : i32 to index
        %get3A_1651 = arith.constant 48 : index
        %get3A_1652 = tpu.vector_load %arg21[%get3A_1650, %get3A_1651] {strides = array<i32>} : memref<256x128xf32, #tpu.memory_space<vmem>>, vector<16xf32>,
        %mul3A_1653 = vector.broadcast %squeeze3A_1611 : f32 to vector<16xf32>
        %mul3A_1654 = arith.mulf %get3A_1652, %mul3A_1653 : vector<16xf32>
        %add3A_1655 = arith.constant 2 : i32
        %add3A_1656 = arith.addi %add3A_1413, %add3A_1655 : i32
        %swap3A_1657 = arith.index_cast %add3A_1656 : i32 to index
        %swap3A_1658 = arith.constant 48 : index
        %swap3A_1659 = tpu.vector_load %arg21[%swap3A_1657, %swap3A_1658] {strides = array<i32>} : memref<256x128xf32, #tpu.memory_space<vmem>>, vector<16xf32>,
        tpu.vector_store %arg21[%swap3A_1657, %swap3A_1658], %mul3A_1654 {strides = array<i32>} : memref<256x128xf32, #tpu.memory_space<vmem>>, vector<16xf32>,
        %add3A_1660 = arith.constant 2 : i32
        %add3A_1661 = arith.addi %add3A_1413, %add3A_1660 : i32
        %get3A_1662 = arith.index_cast %add3A_1661 : i32 to index
        %get3A_1663 = arith.constant 64 : index
        %get3A_1664 = tpu.vector_load %arg21[%get3A_1662, %get3A_1663] {strides = array<i32>} : memref<256x128xf32, #tpu.memory_space<vmem>>, vector<16xf32>,
        %mul3A_1665 = vector.broadcast %squeeze3A_1611 : f32 to vector<16xf32>
        %mul3A_1666 = arith.mulf %get3A_1664, %mul3A_1665 : vector<16xf32>
        %add3A_1667 = arith.constant 2 : i32
        %add3A_1668 = arith.addi %add3A_1413, %add3A_1667 : i32
        %swap3A_1669 = arith.index_cast %add3A_1668 : i32 to index
        %swap3A_1670 = arith.constant 64 : index
        %swap3A_1671 = tpu.vector_load %arg21[%swap3A_1669, %swap3A_1670] {strides = array<i32>} : memref<256x128xf32, #tpu.memory_space<vmem>>, vector<16xf32>,
        tpu.vector_store %arg21[%swap3A_1669, %swap3A_1670], %mul3A_1666 {strides = array<i32>} : memref<256x128xf32, #tpu.memory_space<vmem>>, vector<16xf32>,
        %add3A_1672 = arith.constant 2 : i32
        %add3A_1673 = arith.addi %add3A_1413, %add3A_1672 : i32
        %get3A_1674 = arith.index_cast %add3A_1673 : i32 to index
        %get3A_1675 = arith.constant 80 : index
        %get3A_1676 = tpu.vector_load %arg21[%get3A_1674, %get3A_1675] {strides = array<i32>} : memref<256x128xf32, #tpu.memory_space<vmem>>, vector<16xf32>,
        %mul3A_1677 = vector.broadcast %squeeze3A_1611 : f32 to vector<16xf32>
        %mul3A_1678 = arith.mulf %get3A_1676, %mul3A_1677 : vector<16xf32>
        %add3A_1679 = arith.constant 2 : i32
        %add3A_1680 = arith.addi %add3A_1413, %add3A_1679 : i32
        %swap3A_1681 = arith.index_cast %add3A_1680 : i32 to index
        %swap3A_1682 = arith.constant 80 : index
        %swap3A_1683 = tpu.vector_load %arg21[%swap3A_1681, %swap3A_1682] {strides = array<i32>} : memref<256x128xf32, #tpu.memory_space<vmem>>, vector<16xf32>,
        tpu.vector_store %arg21[%swap3A_1681, %swap3A_1682], %mul3A_1678 {strides = array<i32>} : memref<256x128xf32, #tpu.memory_space<vmem>>, vector<16xf32>,
        %add3A_1684 = arith.constant 2 : i32
        %add3A_1685 = arith.addi %add3A_1413, %add3A_1684 : i32
        %get3A_1686 = arith.index_cast %add3A_1685 : i32 to index
        %get3A_1687 = arith.constant 96 : index
        %get3A_1688 = tpu.vector_load %arg21[%get3A_1686, %get3A_1687] {strides = array<i32>} : memref<256x128xf32, #tpu.memory_space<vmem>>, vector<16xf32>,
        %mul3A_1689 = vector.broadcast %squeeze3A_1611 : f32 to vector<16xf32>
        %mul3A_1690 = arith.mulf %get3A_1688, %mul3A_1689 : vector<16xf32>
        %add3A_1691 = arith.constant 2 : i32
        %add3A_1692 = arith.addi %add3A_1413, %add3A_1691 : i32
        %swap3A_1693 = arith.index_cast %add3A_1692 : i32 to index
        %swap3A_1694 = arith.constant 96 : index
        %swap3A_1695 = tpu.vector_load %arg21[%swap3A_1693, %swap3A_1694] {strides = array<i32>} : memref<256x128xf32, #tpu.memory_space<vmem>>, vector<16xf32>,
        tpu.vector_store %arg21[%swap3A_1693, %swap3A_1694], %mul3A_1690 {strides = array<i32>} : memref<256x128xf32, #tpu.memory_space<vmem>>, vector<16xf32>,
        %add3A_1696 = arith.constant 2 : i32
        %add3A_1697 = arith.addi %add3A_1413, %add3A_1696 : i32
        %get3A_1698 = arith.index_cast %add3A_1697 : i32 to index
        %get3A_1699 = arith.constant 112 : index
        %get3A_1700 = tpu.vector_load %arg21[%get3A_1698, %get3A_1699] {strides = array<i32>} : memref<256x128xf32, #tpu.memory_space<vmem>>, vector<16xf32>,
        %mul3A_1701 = vector.broadcast %squeeze3A_1611 : f32 to vector<16xf32>
        %mul3A_1702 = arith.mulf %get3A_1700, %mul3A_1701 : vector<16xf32>
        %add3A_1703 = arith.constant 2 : i32
        %add3A_1704 = arith.addi %add3A_1413, %add3A_1703 : i32
        %swap3A_1705 = arith.index_cast %add3A_1704 : i32 to index
        %swap3A_1706 = arith.constant 112 : index
        %swap3A_1707 = tpu.vector_load %arg21[%swap3A_1705, %swap3A_1706] {strides = array<i32>} : memref<256x128xf32, #tpu.memory_space<vmem>>, vector<16xf32>,
        tpu.vector_store %arg21[%swap3A_1705, %swap3A_1706], %mul3A_1702 {strides = array<i32>} : memref<256x128xf32, #tpu.memory_space<vmem>>, vector<16xf32>,
        %slice3A_1708 = vector.extract_strided_slice %exp3A_1407 {offsets = [3], sizes = [1], strides = [1]} : vector<16xf32> to vector<1xf32>
        %squeeze3A_1709 = vector.extract %slice3A_1708[0] : f32 from vector<1xf32>
        %add3A_1710 = arith.constant 3 : i32
        %add3A_1711 = arith.addi %add3A_1413, %add3A_1710 : i32
        %get3A_1712 = arith.index_cast %add3A_1711 : i32 to index
        %get3A_1713 = arith.constant 0 : index
        %get3A_1714 = tpu.vector_load %arg21[%get3A_1712, %get3A_1713] {strides = array<i32>} : memref<256x128xf32, #tpu.memory_space<vmem>>, vector<16xf32>,
        %mul3A_1715 = vector.broadcast %squeeze3A_1709 : f32 to vector<16xf32>
        %mul3A_1716 = arith.mulf %get3A_1714, %mul3A_1715 : vector<16xf32>
        %add3A_1717 = arith.constant 3 : i32
        %add3A_1718 = arith.addi %add3A_1413, %add3A_1717 : i32
        %swap3A_1719 = arith.index_cast %add3A_1718 : i32 to index
        %swap3A_1720 = arith.constant 0 : index
        %swap3A_1721 = tpu.vector_load %arg21[%swap3A_1719, %swap3A_1720] {strides = array<i32>} : memref<256x128xf32, #tpu.memory_space<vmem>>, vector<16xf32>,
        tpu.vector_store %arg21[%swap3A_1719, %swap3A_1720], %mul3A_1716 {strides = array<i32>} : memref<256x128xf32, #tpu.memory_space<vmem>>, vector<16xf32>,
        %add3A_1722 = arith.constant 3 : i32
        %add3A_1723 = arith.addi %add3A_1413, %add3A_1722 : i32
        %get3A_1724 = arith.index_cast %add3A_1723 : i32 to index
        %get3A_1725 = arith.constant 16 : index
        %get3A_1726 = tpu.vector_load %arg21[%get3A_1724, %get3A_1725] {strides = array<i32>} : memref<256x128xf32, #tpu.memory_space<vmem>>, vector<16xf32>,
        %mul3A_1727 = vector.broadcast %squeeze3A_1709 : f32 to vector<16xf32>
        %mul3A_1728 = arith.mulf %get3A_1726, %mul3A_1727 : vector<16xf32>
        %add3A_1729 = arith.constant 3 : i32
        %add3A_1730 = arith.addi %add3A_1413, %add3A_1729 : i32
        %swap3A_1731 = arith.index_cast %add3A_1730 : i32 to index
        %swap3A_1732 = arith.constant 16 : index
        %swap3A_1733 = tpu.vector_load %arg21[%swap3A_1731, %swap3A_1732] {strides = array<i32>} : memref<256x128xf32, #tpu.memory_space<vmem>>, vector<16xf32>,
        tpu.vector_store %arg21[%swap3A_1731, %swap3A_1732], %mul3A_1728 {strides = array<i32>} : memref<256x128xf32, #tpu.memory_space<vmem>>, vector<16xf32>,
        %add3A_1734 = arith.constant 3 : i32
        %add3A_1735 = arith.addi %add3A_1413, %add3A_1734 : i32
        %get3A_1736 = arith.index_cast %add3A_1735 : i32 to index
        %get3A_1737 = arith.constant 32 : index
        %get3A_1738 = tpu.vector_load %arg21[%get3A_1736, %get3A_1737] {strides = array<i32>} : memref<256x128xf32, #tpu.memory_space<vmem>>, vector<16xf32>,
        %mul3A_1739 = vector.broadcast %squeeze3A_1709 : f32 to vector<16xf32>
        %mul3A_1740 = arith.mulf %get3A_1738, %mul3A_1739 : vector<16xf32>
        %add3A_1741 = arith.constant 3 : i32
        %add3A_1742 = arith.addi %add3A_1413, %add3A_1741 : i32
        %swap3A_1743 = arith.index_cast %add3A_1742 : i32 to index
        %swap3A_1744 = arith.constant 32 : index
        %swap3A_1745 = tpu.vector_load %arg21[%swap3A_1743, %swap3A_1744] {strides = array<i32>} : memref<256x128xf32, #tpu.memory_space<vmem>>, vector<16xf32>,
        tpu.vector_store %arg21[%swap3A_1743, %swap3A_1744], %mul3A_1740 {strides = array<i32>} : memref<256x128xf32, #tpu.memory_space<vmem>>, vector<16xf32>,
        %add3A_1746 = arith.constant 3 : i32
        %add3A_1747 = arith.addi %add3A_1413, %add3A_1746 : i32
        %get3A_1748 = arith.index_cast %add3A_1747 : i32 to index
        %get3A_1749 = arith.constant 48 : index
        %get3A_1750 = tpu.vector_load %arg21[%get3A_1748, %get3A_1749] {strides = array<i32>} : memref<256x128xf32, #tpu.memory_space<vmem>>, vector<16xf32>,
        %mul3A_1751 = vector.broadcast %squeeze3A_1709 : f32 to vector<16xf32>
        %mul3A_1752 = arith.mulf %get3A_1750, %mul3A_1751 : vector<16xf32>
        %add3A_1753 = arith.constant 3 : i32
        %add3A_1754 = arith.addi %add3A_1413, %add3A_1753 : i32
        %swap3A_1755 = arith.index_cast %add3A_1754 : i32 to index
        %swap3A_1756 = arith.constant 48 : index
        %swap3A_1757 = tpu.vector_load %arg21[%swap3A_1755, %swap3A_1756] {strides = array<i32>} : memref<256x128xf32, #tpu.memory_space<vmem>>, vector<16xf32>,
        tpu.vector_store %arg21[%swap3A_1755, %swap3A_1756], %mul3A_1752 {strides = array<i32>} : memref<256x128xf32, #tpu.memory_space<vmem>>, vector<16xf32>,
        %add3A_1758 = arith.constant 3 : i32
        %add3A_1759 = arith.addi %add3A_1413, %add3A_1758 : i32
        %get3A_1760 = arith.index_cast %add3A_1759 : i32 to index
        %get3A_1761 = arith.constant 64 : index
        %get3A_1762 = tpu.vector_load %arg21[%get3A_1760, %get3A_1761] {strides = array<i32>} : memref<256x128xf32, #tpu.memory_space<vmem>>, vector<16xf32>,
        %mul3A_1763 = vector.broadcast %squeeze3A_1709 : f32 to vector<16xf32>
        %mul3A_1764 = arith.mulf %get3A_1762, %mul3A_1763 : vector<16xf32>
        %add3A_1765 = arith.constant 3 : i32
        %add3A_1766 = arith.addi %add3A_1413, %add3A_1765 : i32
        %swap3A_1767 = arith.index_cast %add3A_1766 : i32 to index
        %swap3A_1768 = arith.constant 64 : index
        %swap3A_1769 = tpu.vector_load %arg21[%swap3A_1767, %swap3A_1768] {strides = array<i32>} : memref<256x128xf32, #tpu.memory_space<vmem>>, vector<16xf32>,
        tpu.vector_store %arg21[%swap3A_1767, %swap3A_1768], %mul3A_1764 {strides = array<i32>} : memref<256x128xf32, #tpu.memory_space<vmem>>, vector<16xf32>,
        %add3A_1770 = arith.constant 3 : i32
        %add3A_1771 = arith.addi %add3A_1413, %add3A_1770 : i32
        %get3A_1772 = arith.index_cast %add3A_1771 : i32 to index
        %get3A_1773 = arith.constant 80 : index
        %get3A_1774 = tpu.vector_load %arg21[%get3A_1772, %get3A_1773] {strides = array<i32>} : memref<256x128xf32, #tpu.memory_space<vmem>>, vector<16xf32>,
        %mul3A_1775 = vector.broadcast %squeeze3A_1709 : f32 to vector<16xf32>
        %mul3A_1776 = arith.mulf %get3A_1774, %mul3A_1775 : vector<16xf32>
        %add3A_1777 = arith.constant 3 : i32
        %add3A_1778 = arith.addi %add3A_1413, %add3A_1777 : i32
        %swap3A_1779 = arith.index_cast %add3A_1778 : i32 to index
        %swap3A_1780 = arith.constant 80 : index
        %swap3A_1781 = tpu.vector_load %arg21[%swap3A_1779, %swap3A_1780] {strides = array<i32>} : memref<256x128xf32, #tpu.memory_space<vmem>>, vector<16xf32>,
        tpu.vector_store %arg21[%swap3A_1779, %swap3A_1780], %mul3A_1776 {strides = array<i32>} : memref<256x128xf32, #tpu.memory_space<vmem>>, vector<16xf32>,
        %add3A_1782 = arith.constant 3 : i32
        %add3A_1783 = arith.addi %add3A_1413, %add3A_1782 : i32
        %get3A_1784 = arith.index_cast %add3A_1783 : i32 to index
        %get3A_1785 = arith.constant 96 : index
        %get3A_1786 = tpu.vector_load %arg21[%get3A_1784, %get3A_1785] {strides = array<i32>} : memref<256x128xf32, #tpu.memory_space<vmem>>, vector<16xf32>,
        %mul3A_1787 = vector.broadcast %squeeze3A_1709 : f32 to vector<16xf32>
        %mul3A_1788 = arith.mulf %get3A_1786, %mul3A_1787 : vector<16xf32>
        %add3A_1789 = arith.constant 3 : i32
        %add3A_1790 = arith.addi %add3A_1413, %add3A_1789 : i32
        %swap3A_1791 = arith.index_cast %add3A_1790 : i32 to index
        %swap3A_1792 = arith.constant 96 : index
        %swap3A_1793 = tpu.vector_load %arg21[%swap3A_1791, %swap3A_1792] {strides = array<i32>} : memref<256x128xf32, #tpu.memory_space<vmem>>, vector<16xf32>,
        tpu.vector_store %arg21[%swap3A_1791, %swap3A_1792], %mul3A_1788 {strides = array<i32>} : memref<256x128xf32, #tpu.memory_space<vmem>>, vector<16xf32>,
        %add3A_1794 = arith.constant 3 : i32
        %add3A_1795 = arith.addi %add3A_1413, %add3A_1794 : i32
        %get3A_1796 = arith.index_cast %add3A_1795 : i32 to index
        %get3A_1797 = arith.constant 112 : index
        %get3A_1798 = tpu.vector_load %arg21[%get3A_1796, %get3A_1797] {strides = array<i32>} : memref<256x128xf32, #tpu.memory_space<vmem>>, vector<16xf32>,
        %mul3A_1799 = vector.broadcast %squeeze3A_1709 : f32 to vector<16xf32>
        %mul3A_1800 = arith.mulf %get3A_1798, %mul3A_1799 : vector<16xf32>
        %add3A_1801 = arith.constant 3 : i32
        %add3A_1802 = arith.addi %add3A_1413, %add3A_1801 : i32
        %swap3A_1803 = arith.index_cast %add3A_1802 : i32 to index
        %swap3A_1804 = arith.constant 112 : index
        %swap3A_1805 = tpu.vector_load %arg21[%swap3A_1803, %swap3A_1804] {strides = array<i32>} : memref<256x128xf32, #tpu.memory_space<vmem>>, vector<16xf32>,
        tpu.vector_store %arg21[%swap3A_1803, %swap3A_1804], %mul3A_1800 {strides = array<i32>} : memref<256x128xf32, #tpu.memory_space<vmem>>, vector<16xf32>,
        %slice3A_1806 = vector.extract_strided_slice %exp3A_1407 {offsets = [4], sizes = [1], strides = [1]} : vector<16xf32> to vector<1xf32>
        %squeeze3A_1807 = vector.extract %slice3A_1806[0] : f32 from vector<1xf32>
        %add3A_1808 = arith.constant 4 : i32
        %add3A_1809 = arith.addi %add3A_1413, %add3A_1808 : i32
        %get3A_1810 = arith.index_cast %add3A_1809 : i32 to index
        %get3A_1811 = arith.constant 0 : index
        %get3A_1812 = tpu.vector_load %arg21[%get3A_1810, %get3A_1811] {strides = array<i32>} : memref<256x128xf32, #tpu.memory_space<vmem>>, vector<16xf32>,
        %mul3A_1813 = vector.broadcast %squeeze3A_1807 : f32 to vector<16xf32>
        %mul3A_1814 = arith.mulf %get3A_1812, %mul3A_1813 : vector<16xf32>
        %add3A_1815 = arith.constant 4 : i32
        %add3A_1816 = arith.addi %add3A_1413, %add3A_1815 : i32
        %swap3A_1817 = arith.index_cast %add3A_1816 : i32 to index
        %swap3A_1818 = arith.constant 0 : index
        %swap3A_1819 = tpu.vector_load %arg21[%swap3A_1817, %swap3A_1818] {strides = array<i32>} : memref<256x128xf32, #tpu.memory_space<vmem>>, vector<16xf32>,
        tpu.vector_store %arg21[%swap3A_1817, %swap3A_1818], %mul3A_1814 {strides = array<i32>} : memref<256x128xf32, #tpu.memory_space<vmem>>, vector<16xf32>,
        %add3A_1820 = arith.constant 4 : i32
        %add3A_1821 = arith.addi %add3A_1413, %add3A_1820 : i32
        %get3A_1822 = arith.index_cast %add3A_1821 : i32 to index
        %get3A_1823 = arith.constant 16 : index
        %get3A_1824 = tpu.vector_load %arg21[%get3A_1822, %get3A_1823] {strides = array<i32>} : memref<256x128xf32, #tpu.memory_space<vmem>>, vector<16xf32>,
        %mul3A_1825 = vector.broadcast %squeeze3A_1807 : f32 to vector<16xf32>
        %mul3A_1826 = arith.mulf %get3A_1824, %mul3A_1825 : vector<16xf32>
        %add3A_1827 = arith.constant 4 : i32
        %add3A_1828 = arith.addi %add3A_1413, %add3A_1827 : i32
        %swap3A_1829 = arith.index_cast %add3A_1828 : i32 to index
        %swap3A_1830 = arith.constant 16 : index
        %swap3A_1831 = tpu.vector_load %arg21[%swap3A_1829, %swap3A_1830] {strides = array<i32>} : memref<256x128xf32, #tpu.memory_space<vmem>>, vector<16xf32>,
        tpu.vector_store %arg21[%swap3A_1829, %swap3A_1830], %mul3A_1826 {strides = array<i32>} : memref<256x128xf32, #tpu.memory_space<vmem>>, vector<16xf32>,
        %add3A_1832 = arith.constant 4 : i32
        %add3A_1833 = arith.addi %add3A_1413, %add3A_1832 : i32
        %get3A_1834 = arith.index_cast %add3A_1833 : i32 to index
        %get3A_1835 = arith.constant 32 : index
        %get3A_1836 = tpu.vector_load %arg21[%get3A_1834, %get3A_1835] {strides = array<i32>} : memref<256x128xf32, #tpu.memory_space<vmem>>, vector<16xf32>,
        %mul3A_1837 = vector.broadcast %squeeze3A_1807 : f32 to vector<16xf32>
        %mul3A_1838 = arith.mulf %get3A_1836, %mul3A_1837 : vector<16xf32>
        %add3A_1839 = arith.constant 4 : i32
        %add3A_1840 = arith.addi %add3A_1413, %add3A_1839 : i32
        %swap3A_1841 = arith.index_cast %add3A_1840 : i32 to index
        %swap3A_1842 = arith.constant 32 : index
        %swap3A_1843 = tpu.vector_load %arg21[%swap3A_1841, %swap3A_1842] {strides = array<i32>} : memref<256x128xf32, #tpu.memory_space<vmem>>, vector<16xf32>,
        tpu.vector_store %arg21[%swap3A_1841, %swap3A_1842], %mul3A_1838 {strides = array<i32>} : memref<256x128xf32, #tpu.memory_space<vmem>>, vector<16xf32>,
        %add3A_1844 = arith.constant 4 : i32
        %add3A_1845 = arith.addi %add3A_1413, %add3A_1844 : i32
        %get3A_1846 = arith.index_cast %add3A_1845 : i32 to index
        %get3A_1847 = arith.constant 48 : index
        %get3A_1848 = tpu.vector_load %arg21[%get3A_1846, %get3A_1847] {strides = array<i32>} : memref<256x128xf32, #tpu.memory_space<vmem>>, vector<16xf32>,
        %mul3A_1849 = vector.broadcast %squeeze3A_1807 : f32 to vector<16xf32>
        %mul3A_1850 = arith.mulf %get3A_1848, %mul3A_1849 : vector<16xf32>
        %add3A_1851 = arith.constant 4 : i32
        %add3A_1852 = arith.addi %add3A_1413, %add3A_1851 : i32
        %swap3A_1853 = arith.index_cast %add3A_1852 : i32 to index
        %swap3A_1854 = arith.constant 48 : index
        %swap3A_1855 = tpu.vector_load %arg21[%swap3A_1853, %swap3A_1854] {strides = array<i32>} : memref<256x128xf32, #tpu.memory_space<vmem>>, vector<16xf32>,
        tpu.vector_store %arg21[%swap3A_1853, %swap3A_1854], %mul3A_1850 {strides = array<i32>} : memref<256x128xf32, #tpu.memory_space<vmem>>, vector<16xf32>,
        %add3A_1856 = arith.constant 4 : i32
        %add3A_1857 = arith.addi %add3A_1413, %add3A_1856 : i32
        %get3A_1858 = arith.index_cast %add3A_1857 : i32 to index
        %get3A_1859 = arith.constant 64 : index
        %get3A_1860 = tpu.vector_load %arg21[%get3A_1858, %get3A_1859] {strides = array<i32>} : memref<256x128xf32, #tpu.memory_space<vmem>>, vector<16xf32>,
        %mul3A_1861 = vector.broadcast %squeeze3A_1807 : f32 to vector<16xf32>
        %mul3A_1862 = arith.mulf %get3A_1860, %mul3A_1861 : vector<16xf32>
        %add3A_1863 = arith.constant 4 : i32
        %add3A_1864 = arith.addi %add3A_1413, %add3A_1863 : i32
        %swap3A_1865 = arith.index_cast %add3A_1864 : i32 to index
        %swap3A_1866 = arith.constant 64 : index
        %swap3A_1867 = tpu.vector_load %arg21[%swap3A_1865, %swap3A_1866] {strides = array<i32>} : memref<256x128xf32, #tpu.memory_space<vmem>>, vector<16xf32>,
        tpu.vector_store %arg21[%swap3A_1865, %swap3A_1866], %mul3A_1862 {strides = array<i32>} : memref<256x128xf32, #tpu.memory_space<vmem>>, vector<16xf32>,
        %add3A_1868 = arith.constant 4 : i32
        %add3A_1869 = arith.addi %add3A_1413, %add3A_1868 : i32
        %get3A_1870 = arith.index_cast %add3A_1869 : i32 to index
        %get3A_1871 = arith.constant 80 : index
        %get3A_1872 = tpu.vector_load %arg21[%get3A_1870, %get3A_1871] {strides = array<i32>} : memref<256x128xf32, #tpu.memory_space<vmem>>, vector<16xf32>,
        %mul3A_1873 = vector.broadcast %squeeze3A_1807 : f32 to vector<16xf32>
        %mul3A_1874 = arith.mulf %get3A_1872, %mul3A_1873 : vector<16xf32>
        %add3A_1875 = arith.constant 4 : i32
        %add3A_1876 = arith.addi %add3A_1413, %add3A_1875 : i32
        %swap3A_1877 = arith.index_cast %add3A_1876 : i32 to index
        %swap3A_1878 = arith.constant 80 : index
        %swap3A_1879 = tpu.vector_load %arg21[%swap3A_1877, %swap3A_1878] {strides = array<i32>} : memref<256x128xf32, #tpu.memory_space<vmem>>, vector<16xf32>,
        tpu.vector_store %arg21[%swap3A_1877, %swap3A_1878], %mul3A_1874 {strides = array<i32>} : memref<256x128xf32, #tpu.memory_space<vmem>>, vector<16xf32>,
        %add3A_1880 = arith.constant 4 : i32
        %add3A_1881 = arith.addi %add3A_1413, %add3A_1880 : i32
        %get3A_1882 = arith.index_cast %add3A_1881 : i32 to index
        %get3A_1883 = arith.constant 96 : index
        %get3A_1884 = tpu.vector_load %arg21[%get3A_1882, %get3A_1883] {strides = array<i32>} : memref<256x128xf32, #tpu.memory_space<vmem>>, vector<16xf32>,
        %mul3A_1885 = vector.broadcast %squeeze3A_1807 : f32 to vector<16xf32>
        %mul3A_1886 = arith.mulf %get3A_1884, %mul3A_1885 : vector<16xf32>
        %add3A_1887 = arith.constant 4 : i32
        %add3A_1888 = arith.addi %add3A_1413, %add3A_1887 : i32
        %swap3A_1889 = arith.index_cast %add3A_1888 : i32 to index
        %swap3A_1890 = arith.constant 96 : index
        %swap3A_1891 = tpu.vector_load %arg21[%swap3A_1889, %swap3A_1890] {strides = array<i32>} : memref<256x128xf32, #tpu.memory_space<vmem>>, vector<16xf32>,
        tpu.vector_store %arg21[%swap3A_1889, %swap3A_1890], %mul3A_1886 {strides = array<i32>} : memref<256x128xf32, #tpu.memory_space<vmem>>, vector<16xf32>,
        %add3A_1892 = arith.constant 4 : i32
        %add3A_1893 = arith.addi %add3A_1413, %add3A_1892 : i32
        %get3A_1894 = arith.index_cast %add3A_1893 : i32 to index
        %get3A_1895 = arith.constant 112 : index
        %get3A_1896 = tpu.vector_load %arg21[%get3A_1894, %get3A_1895] {strides = array<i32>} : memref<256x128xf32, #tpu.memory_space<vmem>>, vector<16xf32>,
        %mul3A_1897 = vector.broadcast %squeeze3A_1807 : f32 to vector<16xf32>
        %mul3A_1898 = arith.mulf %get3A_1896, %mul3A_1897 : vector<16xf32>
        %add3A_1899 = arith.constant 4 : i32
        %add3A_1900 = arith.addi %add3A_1413, %add3A_1899 : i32
        %swap3A_1901 = arith.index_cast %add3A_1900 : i32 to index
        %swap3A_1902 = arith.constant 112 : index
        %swap3A_1903 = tpu.vector_load %arg21[%swap3A_1901, %swap3A_1902] {strides = array<i32>} : memref<256x128xf32, #tpu.memory_space<vmem>>, vector<16xf32>,
        tpu.vector_store %arg21[%swap3A_1901, %swap3A_1902], %mul3A_1898 {strides = array<i32>} : memref<256x128xf32, #tpu.memory_space<vmem>>, vector<16xf32>,
        %slice3A_1904 = vector.extract_strided_slice %exp3A_1407 {offsets = [5], sizes = [1], strides = [1]} : vector<16xf32> to vector<1xf32>
        %squeeze3A_1905 = vector.extract %slice3A_1904[0] : f32 from vector<1xf32>
        %add3A_1906 = arith.constant 5 : i32
        %add3A_1907 = arith.addi %add3A_1413, %add3A_1906 : i32
        %get3A_1908 = arith.index_cast %add3A_1907 : i32 to index
        %get3A_1909 = arith.constant 0 : index
        %get3A_1910 = tpu.vector_load %arg21[%get3A_1908, %get3A_1909] {strides = array<i32>} : memref<256x128xf32, #tpu.memory_space<vmem>>, vector<16xf32>,
        %mul3A_1911 = vector.broadcast %squeeze3A_1905 : f32 to vector<16xf32>
        %mul3A_1912 = arith.mulf %get3A_1910, %mul3A_1911 : vector<16xf32>
        %add3A_1913 = arith.constant 5 : i32
        %add3A_1914 = arith.addi %add3A_1413, %add3A_1913 : i32
        %swap3A_1915 = arith.index_cast %add3A_1914 : i32 to index
        %swap3A_1916 = arith.constant 0 : index
        %swap3A_1917 = tpu.vector_load %arg21[%swap3A_1915, %swap3A_1916] {strides = array<i32>} : memref<256x128xf32, #tpu.memory_space<vmem>>, vector<16xf32>,
        tpu.vector_store %arg21[%swap3A_1915, %swap3A_1916], %mul3A_1912 {strides = array<i32>} : memref<256x128xf32, #tpu.memory_space<vmem>>, vector<16xf32>,
        %add3A_1918 = arith.constant 5 : i32
        %add3A_1919 = arith.addi %add3A_1413, %add3A_1918 : i32
        %get3A_1920 = arith.index_cast %add3A_1919 : i32 to index
        %get3A_1921 = arith.constant 16 : index
        %get3A_1922 = tpu.vector_load %arg21[%get3A_1920, %get3A_1921] {strides = array<i32>} : memref<256x128xf32, #tpu.memory_space<vmem>>, vector<16xf32>,
        %mul3A_1923 = vector.broadcast %squeeze3A_1905 : f32 to vector<16xf32>
        %mul3A_1924 = arith.mulf %get3A_1922, %mul3A_1923 : vector<16xf32>
        %add3A_1925 = arith.constant 5 : i32
        %add3A_1926 = arith.addi %add3A_1413, %add3A_1925 : i32
        %swap3A_1927 = arith.index_cast %add3A_1926 : i32 to index
        %swap3A_1928 = arith.constant 16 : index
        %swap3A_1929 = tpu.vector_load %arg21[%swap3A_1927, %swap3A_1928] {strides = array<i32>} : memref<256x128xf32, #tpu.memory_space<vmem>>, vector<16xf32>,
        tpu.vector_store %arg21[%swap3A_1927, %swap3A_1928], %mul3A_1924 {strides = array<i32>} : memref<256x128xf32, #tpu.memory_space<vmem>>, vector<16xf32>,
        %add3A_1930 = arith.constant 5 : i32
        %add3A_1931 = arith.addi %add3A_1413, %add3A_1930 : i32
        %get3A_1932 = arith.index_cast %add3A_1931 : i32 to index
        %get3A_1933 = arith.constant 32 : index
        %get3A_1934 = tpu.vector_load %arg21[%get3A_1932, %get3A_1933] {strides = array<i32>} : memref<256x128xf32, #tpu.memory_space<vmem>>, vector<16xf32>,
        %mul3A_1935 = vector.broadcast %squeeze3A_1905 : f32 to vector<16xf32>
        %mul3A_1936 = arith.mulf %get3A_1934, %mul3A_1935 : vector<16xf32>
        %add3A_1937 = arith.constant 5 : i32
        %add3A_1938 = arith.addi %add3A_1413, %add3A_1937 : i32
        %swap3A_1939 = arith.index_cast %add3A_1938 : i32 to index
        %swap3A_1940 = arith.constant 32 : index
        %swap3A_1941 = tpu.vector_load %arg21[%swap3A_1939, %swap3A_1940] {strides = array<i32>} : memref<256x128xf32, #tpu.memory_space<vmem>>, vector<16xf32>,
        tpu.vector_store %arg21[%swap3A_1939, %swap3A_1940], %mul3A_1936 {strides = array<i32>} : memref<256x128xf32, #tpu.memory_space<vmem>>, vector<16xf32>,
        %add3A_1942 = arith.constant 5 : i32
        %add3A_1943 = arith.addi %add3A_1413, %add3A_1942 : i32
        %get3A_1944 = arith.index_cast %add3A_1943 : i32 to index
        %get3A_1945 = arith.constant 48 : index
        %get3A_1946 = tpu.vector_load %arg21[%get3A_1944, %get3A_1945] {strides = array<i32>} : memref<256x128xf32, #tpu.memory_space<vmem>>, vector<16xf32>,
        %mul3A_1947 = vector.broadcast %squeeze3A_1905 : f32 to vector<16xf32>
        %mul3A_1948 = arith.mulf %get3A_1946, %mul3A_1947 : vector<16xf32>
        %add3A_1949 = arith.constant 5 : i32
        %add3A_1950 = arith.addi %add3A_1413, %add3A_1949 : i32
        %swap3A_1951 = arith.index_cast %add3A_1950 : i32 to index
        %swap3A_1952 = arith.constant 48 : index
        %swap3A_1953 = tpu.vector_load %arg21[%swap3A_1951, %swap3A_1952] {strides = array<i32>} : memref<256x128xf32, #tpu.memory_space<vmem>>, vector<16xf32>,
        tpu.vector_store %arg21[%swap3A_1951, %swap3A_1952], %mul3A_1948 {strides = array<i32>} : memref<256x128xf32, #tpu.memory_space<vmem>>, vector<16xf32>,
        %add3A_1954 = arith.constant 5 : i32
        %add3A_1955 = arith.addi %add3A_1413, %add3A_1954 : i32
        %get3A_1956 = arith.index_cast %add3A_1955 : i32 to index
        %get3A_1957 = arith.constant 64 : index
        %get3A_1958 = tpu.vector_load %arg21[%get3A_1956, %get3A_1957] {strides = array<i32>} : memref<256x128xf32, #tpu.memory_space<vmem>>, vector<16xf32>,
        %mul3A_1959 = vector.broadcast %squeeze3A_1905 : f32 to vector<16xf32>
        %mul3A_1960 = arith.mulf %get3A_1958, %mul3A_1959 : vector<16xf32>
        %add3A_1961 = arith.constant 5 : i32
        %add3A_1962 = arith.addi %add3A_1413, %add3A_1961 : i32
        %swap3A_1963 = arith.index_cast %add3A_1962 : i32 to index
        %swap3A_1964 = arith.constant 64 : index
        %swap3A_1965 = tpu.vector_load %arg21[%swap3A_1963, %swap3A_1964] {strides = array<i32>} : memref<256x128xf32, #tpu.memory_space<vmem>>, vector<16xf32>,
        tpu.vector_store %arg21[%swap3A_1963, %swap3A_1964], %mul3A_1960 {strides = array<i32>} : memref<256x128xf32, #tpu.memory_space<vmem>>, vector<16xf32>,
        %add3A_1966 = arith.constant 5 : i32
        %add3A_1967 = arith.addi %add3A_1413, %add3A_1966 : i32
        %get3A_1968 = arith.index_cast %add3A_1967 : i32 to index
        %get3A_1969 = arith.constant 80 : index
        %get3A_1970 = tpu.vector_load %arg21[%get3A_1968, %get3A_1969] {strides = array<i32>} : memref<256x128xf32, #tpu.memory_space<vmem>>, vector<16xf32>,
        %mul3A_1971 = vector.broadcast %squeeze3A_1905 : f32 to vector<16xf32>
        %mul3A_1972 = arith.mulf %get3A_1970, %mul3A_1971 : vector<16xf32>
        %add3A_1973 = arith.constant 5 : i32
        %add3A_1974 = arith.addi %add3A_1413, %add3A_1973 : i32
        %swap3A_1975 = arith.index_cast %add3A_1974 : i32 to index
        %swap3A_1976 = arith.constant 80 : index
        %swap3A_1977 = tpu.vector_load %arg21[%swap3A_1975, %swap3A_1976] {strides = array<i32>} : memref<256x128xf32, #tpu.memory_space<vmem>>, vector<16xf32>,
        tpu.vector_store %arg21[%swap3A_1975, %swap3A_1976], %mul3A_1972 {strides = array<i32>} : memref<256x128xf32, #tpu.memory_space<vmem>>, vector<16xf32>,
        %add3A_1978 = arith.constant 5 : i32
        %add3A_1979 = arith.addi %add3A_1413, %add3A_1978 : i32
        %get3A_1980 = arith.index_cast %add3A_1979 : i32 to index
        %get3A_1981 = arith.constant 96 : index
        %get3A_1982 = tpu.vector_load %arg21[%get3A_1980, %get3A_1981] {strides = array<i32>} : memref<256x128xf32, #tpu.memory_space<vmem>>, vector<16xf32>,
        %mul3A_1983 = vector.broadcast %squeeze3A_1905 : f32 to vector<16xf32>
        %mul3A_1984 = arith.mulf %get3A_1982, %mul3A_1983 : vector<16xf32>
        %add3A_1985 = arith.constant 5 : i32
        %add3A_1986 = arith.addi %add3A_1413, %add3A_1985 : i32
        %swap3A_1987 = arith.index_cast %add3A_1986 : i32 to index
        %swap3A_1988 = arith.constant 96 : index
        %swap3A_1989 = tpu.vector_load %arg21[%swap3A_1987, %swap3A_1988] {strides = array<i32>} : memref<256x128xf32, #tpu.memory_space<vmem>>, vector<16xf32>,
        tpu.vector_store %arg21[%swap3A_1987, %swap3A_1988], %mul3A_1984 {strides = array<i32>} : memref<256x128xf32, #tpu.memory_space<vmem>>, vector<16xf32>,
        %add3A_1990 = arith.constant 5 : i32
        %add3A_1991 = arith.addi %add3A_1413, %add3A_1990 : i32
        %get3A_1992 = arith.index_cast %add3A_1991 : i32 to index
        %get3A_1993 = arith.constant 112 : index
        %get3A_1994 = tpu.vector_load %arg21[%get3A_1992, %get3A_1993] {strides = array<i32>} : memref<256x128xf32, #tpu.memory_space<vmem>>, vector<16xf32>,
        %mul3A_1995 = vector.broadcast %squeeze3A_1905 : f32 to vector<16xf32>
        %mul3A_1996 = arith.mulf %get3A_1994, %mul3A_1995 : vector<16xf32>
        %add3A_1997 = arith.constant 5 : i32
        %add3A_1998 = arith.addi %add3A_1413, %add3A_1997 : i32
        %swap3A_1999 = arith.index_cast %add3A_1998 : i32 to index
        %swap3A_2000 = arith.constant 112 : index
        %swap3A_2001 = tpu.vector_load %arg21[%swap3A_1999, %swap3A_2000] {strides = array<i32>} : memref<256x128xf32, #tpu.memory_space<vmem>>, vector<16xf32>,
        tpu.vector_store %arg21[%swap3A_1999, %swap3A_2000], %mul3A_1996 {strides = array<i32>} : memref<256x128xf32, #tpu.memory_space<vmem>>, vector<16xf32>,
        %slice3A_2002 = vector.extract_strided_slice %exp3A_1407 {offsets = [6], sizes = [1], strides = [1]} : vector<16xf32> to vector<1xf32>
        %squeeze3A_2003 = vector.extract %slice3A_2002[0] : f32 from vector<1xf32>
        %add3A_2004 = arith.constant 6 : i32
        %add3A_2005 = arith.addi %add3A_1413, %add3A_2004 : i32
        %get3A_2006 = arith.index_cast %add3A_2005 : i32 to index
        %get3A_2007 = arith.constant 0 : index
        %get3A_2008 = tpu.vector_load %arg21[%get3A_2006, %get3A_2007] {strides = array<i32>} : memref<256x128xf32, #tpu.memory_space<vmem>>, vector<16xf32>,
        %mul3A_2009 = vector.broadcast %squeeze3A_2003 : f32 to vector<16xf32>
        %mul3A_2010 = arith.mulf %get3A_2008, %mul3A_2009 : vector<16xf32>
        %add3A_2011 = arith.constant 6 : i32
        %add3A_2012 = arith.addi %add3A_1413, %add3A_2011 : i32
        %swap3A_2013 = arith.index_cast %add3A_2012 : i32 to index
        %swap3A_2014 = arith.constant 0 : index
        %swap3A_2015 = tpu.vector_load %arg21[%swap3A_2013, %swap3A_2014] {strides = array<i32>} : memref<256x128xf32, #tpu.memory_space<vmem>>, vector<16xf32>,
        tpu.vector_store %arg21[%swap3A_2013, %swap3A_2014], %mul3A_2010 {strides = array<i32>} : memref<256x128xf32, #tpu.memory_space<vmem>>, vector<16xf32>,
        %add3A_2016 = arith.constant 6 : i32
        %add3A_2017 = arith.addi %add3A_1413, %add3A_2016 : i32
        %get3A_2018 = arith.index_cast %add3A_2017 : i32 to index
        %get3A_2019 = arith.constant 16 : index
        %get3A_2020 = tpu.vector_load %arg21[%get3A_2018, %get3A_2019] {strides = array<i32>} : memref<256x128xf32, #tpu.memory_space<vmem>>, vector<16xf32>,
        %mul3A_2021 = vector.broadcast %squeeze3A_2003 : f32 to vector<16xf32>
        %mul3A_2022 = arith.mulf %get3A_2020, %mul3A_2021 : vector<16xf32>
        %add3A_2023 = arith.constant 6 : i32
        %add3A_2024 = arith.addi %add3A_1413, %add3A_2023 : i32
        %swap3A_2025 = arith.index_cast %add3A_2024 : i32 to index
        %swap3A_2026 = arith.constant 16 : index
        %swap3A_2027 = tpu.vector_load %arg21[%swap3A_2025, %swap3A_2026] {strides = array<i32>} : memref<256x128xf32, #tpu.memory_space<vmem>>, vector<16xf32>,
        tpu.vector_store %arg21[%swap3A_2025, %swap3A_2026], %mul3A_2022 {strides = array<i32>} : memref<256x128xf32, #tpu.memory_space<vmem>>, vector<16xf32>,
        %add3A_2028 = arith.constant 6 : i32
        %add3A_2029 = arith.addi %add3A_1413, %add3A_2028 : i32
        %get3A_2030 = arith.index_cast %add3A_2029 : i32 to index
        %get3A_2031 = arith.constant 32 : index
        %get3A_2032 = tpu.vector_load %arg21[%get3A_2030, %get3A_2031] {strides = array<i32>} : memref<256x128xf32, #tpu.memory_space<vmem>>, vector<16xf32>,
        %mul3A_2033 = vector.broadcast %squeeze3A_2003 : f32 to vector<16xf32>
        %mul3A_2034 = arith.mulf %get3A_2032, %mul3A_2033 : vector<16xf32>
        %add3A_2035 = arith.constant 6 : i32
        %add3A_2036 = arith.addi %add3A_1413, %add3A_2035 : i32
        %swap3A_2037 = arith.index_cast %add3A_2036 : i32 to index
        %swap3A_2038 = arith.constant 32 : index
        %swap3A_2039 = tpu.vector_load %arg21[%swap3A_2037, %swap3A_2038] {strides = array<i32>} : memref<256x128xf32, #tpu.memory_space<vmem>>, vector<16xf32>,
        tpu.vector_store %arg21[%swap3A_2037, %swap3A_2038], %mul3A_2034 {strides = array<i32>} : memref<256x128xf32, #tpu.memory_space<vmem>>, vector<16xf32>,
        %add3A_2040 = arith.constant 6 : i32
        %add3A_2041 = arith.addi %add3A_1413, %add3A_2040 : i32
        %get3A_2042 = arith.index_cast %add3A_2041 : i32 to index
        %get3A_2043 = arith.constant 48 : index
        %get3A_2044 = tpu.vector_load %arg21[%get3A_2042, %get3A_2043] {strides = array<i32>} : memref<256x128xf32, #tpu.memory_space<vmem>>, vector<16xf32>,
        %mul3A_2045 = vector.broadcast %squeeze3A_2003 : f32 to vector<16xf32>
        %mul3A_2046 = arith.mulf %get3A_2044, %mul3A_2045 : vector<16xf32>
        %add3A_2047 = arith.constant 6 : i32
        %add3A_2048 = arith.addi %add3A_1413, %add3A_2047 : i32
        %swap3A_2049 = arith.index_cast %add3A_2048 : i32 to index
        %swap3A_2050 = arith.constant 48 : index
        %swap3A_2051 = tpu.vector_load %arg21[%swap3A_2049, %swap3A_2050] {strides = array<i32>} : memref<256x128xf32, #tpu.memory_space<vmem>>, vector<16xf32>,
        tpu.vector_store %arg21[%swap3A_2049, %swap3A_2050], %mul3A_2046 {strides = array<i32>} : memref<256x128xf32, #tpu.memory_space<vmem>>, vector<16xf32>,
        %add3A_2052 = arith.constant 6 : i32
        %add3A_2053 = arith.addi %add3A_1413, %add3A_2052 : i32
        %get3A_2054 = arith.index_cast %add3A_2053 : i32 to index
        %get3A_2055 = arith.constant 64 : index
        %get3A_2056 = tpu.vector_load %arg21[%get3A_2054, %get3A_2055] {strides = array<i32>} : memref<256x128xf32, #tpu.memory_space<vmem>>, vector<16xf32>,
        %mul3A_2057 = vector.broadcast %squeeze3A_2003 : f32 to vector<16xf32>
        %mul3A_2058 = arith.mulf %get3A_2056, %mul3A_2057 : vector<16xf32>
        %add3A_2059 = arith.constant 6 : i32
        %add3A_2060 = arith.addi %add3A_1413, %add3A_2059 : i32
        %swap3A_2061 = arith.index_cast %add3A_2060 : i32 to index
        %swap3A_2062 = arith.constant 64 : index
        %swap3A_2063 = tpu.vector_load %arg21[%swap3A_2061, %swap3A_2062] {strides = array<i32>} : memref<256x128xf32, #tpu.memory_space<vmem>>, vector<16xf32>,
        tpu.vector_store %arg21[%swap3A_2061, %swap3A_2062], %mul3A_2058 {strides = array<i32>} : memref<256x128xf32, #tpu.memory_space<vmem>>, vector<16xf32>,
        %add3A_2064 = arith.constant 6 : i32
        %add3A_2065 = arith.addi %add3A_1413, %add3A_2064 : i32
        %get3A_2066 = arith.index_cast %add3A_2065 : i32 to index
        %get3A_2067 = arith.constant 80 : index
        %get3A_2068 = tpu.vector_load %arg21[%get3A_2066, %get3A_2067] {strides = array<i32>} : memref<256x128xf32, #tpu.memory_space<vmem>>, vector<16xf32>,
        %mul3A_2069 = vector.broadcast %squeeze3A_2003 : f32 to vector<16xf32>
        %mul3A_2070 = arith.mulf %get3A_2068, %mul3A_2069 : vector<16xf32>
        %add3A_2071 = arith.constant 6 : i32
        %add3A_2072 = arith.addi %add3A_1413, %add3A_2071 : i32
        %swap3A_2073 = arith.index_cast %add3A_2072 : i32 to index
        %swap3A_2074 = arith.constant 80 : index
        %swap3A_2075 = tpu.vector_load %arg21[%swap3A_2073, %swap3A_2074] {strides = array<i32>} : memref<256x128xf32, #tpu.memory_space<vmem>>, vector<16xf32>,
        tpu.vector_store %arg21[%swap3A_2073, %swap3A_2074], %mul3A_2070 {strides = array<i32>} : memref<256x128xf32, #tpu.memory_space<vmem>>, vector<16xf32>,
        %add3A_2076 = arith.constant 6 : i32
        %add3A_2077 = arith.addi %add3A_1413, %add3A_2076 : i32
        %get3A_2078 = arith.index_cast %add3A_2077 : i32 to index
        %get3A_2079 = arith.constant 96 : index
        %get3A_2080 = tpu.vector_load %arg21[%get3A_2078, %get3A_2079] {strides = array<i32>} : memref<256x128xf32, #tpu.memory_space<vmem>>, vector<16xf32>,
        %mul3A_2081 = vector.broadcast %squeeze3A_2003 : f32 to vector<16xf32>
        %mul3A_2082 = arith.mulf %get3A_2080, %mul3A_2081 : vector<16xf32>
        %add3A_2083 = arith.constant 6 : i32
        %add3A_2084 = arith.addi %add3A_1413, %add3A_2083 : i32
        %swap3A_2085 = arith.index_cast %add3A_2084 : i32 to index
        %swap3A_2086 = arith.constant 96 : index
        %swap3A_2087 = tpu.vector_load %arg21[%swap3A_2085, %swap3A_2086] {strides = array<i32>} : memref<256x128xf32, #tpu.memory_space<vmem>>, vector<16xf32>,
        tpu.vector_store %arg21[%swap3A_2085, %swap3A_2086], %mul3A_2082 {strides = array<i32>} : memref<256x128xf32, #tpu.memory_space<vmem>>, vector<16xf32>,
        %add3A_2088 = arith.constant 6 : i32
        %add3A_2089 = arith.addi %add3A_1413, %add3A_2088 : i32
        %get3A_2090 = arith.index_cast %add3A_2089 : i32 to index
        %get3A_2091 = arith.constant 112 : index
        %get3A_2092 = tpu.vector_load %arg21[%get3A_2090, %get3A_2091] {strides = array<i32>} : memref<256x128xf32, #tpu.memory_space<vmem>>, vector<16xf32>,
        %mul3A_2093 = vector.broadcast %squeeze3A_2003 : f32 to vector<16xf32>
        %mul3A_2094 = arith.mulf %get3A_2092, %mul3A_2093 : vector<16xf32>
        %add3A_2095 = arith.constant 6 : i32
        %add3A_2096 = arith.addi %add3A_1413, %add3A_2095 : i32
        %swap3A_2097 = arith.index_cast %add3A_2096 : i32 to index
        %swap3A_2098 = arith.constant 112 : index
        %swap3A_2099 = tpu.vector_load %arg21[%swap3A_2097, %swap3A_2098] {strides = array<i32>} : memref<256x128xf32, #tpu.memory_space<vmem>>, vector<16xf32>,
        tpu.vector_store %arg21[%swap3A_2097, %swap3A_2098], %mul3A_2094 {strides = array<i32>} : memref<256x128xf32, #tpu.memory_space<vmem>>, vector<16xf32>,
        %slice3A_2100 = vector.extract_strided_slice %exp3A_1407 {offsets = [7], sizes = [1], strides = [1]} : vector<16xf32> to vector<1xf32>
        %squeeze3A_2101 = vector.extract %slice3A_2100[0] : f32 from vector<1xf32>
        %add3A_2102 = arith.constant 7 : i32
        %add3A_2103 = arith.addi %add3A_1413, %add3A_2102 : i32
        %get3A_2104 = arith.index_cast %add3A_2103 : i32 to index
        %get3A_2105 = arith.constant 0 : index
        %get3A_2106 = tpu.vector_load %arg21[%get3A_2104, %get3A_2105] {strides = array<i32>} : memref<256x128xf32, #tpu.memory_space<vmem>>, vector<16xf32>,
        %mul3A_2107 = vector.broadcast %squeeze3A_2101 : f32 to vector<16xf32>
        %mul3A_2108 = arith.mulf %get3A_2106, %mul3A_2107 : vector<16xf32>
        %add3A_2109 = arith.constant 7 : i32
        %add3A_2110 = arith.addi %add3A_1413, %add3A_2109 : i32
        %swap3A_2111 = arith.index_cast %add3A_2110 : i32 to index
        %swap3A_2112 = arith.constant 0 : index
        %swap3A_2113 = tpu.vector_load %arg21[%swap3A_2111, %swap3A_2112] {strides = array<i32>} : memref<256x128xf32, #tpu.memory_space<vmem>>, vector<16xf32>,
        tpu.vector_store %arg21[%swap3A_2111, %swap3A_2112], %mul3A_2108 {strides = array<i32>} : memref<256x128xf32, #tpu.memory_space<vmem>>, vector<16xf32>,
        %add3A_2114 = arith.constant 7 : i32
        %add3A_2115 = arith.addi %add3A_1413, %add3A_2114 : i32
        %get3A_2116 = arith.index_cast %add3A_2115 : i32 to index
        %get3A_2117 = arith.constant 16 : index
        %get3A_2118 = tpu.vector_load %arg21[%get3A_2116, %get3A_2117] {strides = array<i32>} : memref<256x128xf32, #tpu.memory_space<vmem>>, vector<16xf32>,
        %mul3A_2119 = vector.broadcast %squeeze3A_2101 : f32 to vector<16xf32>
        %mul3A_2120 = arith.mulf %get3A_2118, %mul3A_2119 : vector<16xf32>
        %add3A_2121 = arith.constant 7 : i32
        %add3A_2122 = arith.addi %add3A_1413, %add3A_2121 : i32
        %swap3A_2123 = arith.index_cast %add3A_2122 : i32 to index
        %swap3A_2124 = arith.constant 16 : index
        %swap3A_2125 = tpu.vector_load %arg21[%swap3A_2123, %swap3A_2124] {strides = array<i32>} : memref<256x128xf32, #tpu.memory_space<vmem>>, vector<16xf32>,
        tpu.vector_store %arg21[%swap3A_2123, %swap3A_2124], %mul3A_2120 {strides = array<i32>} : memref<256x128xf32, #tpu.memory_space<vmem>>, vector<16xf32>,
        %add3A_2126 = arith.constant 7 : i32
        %add3A_2127 = arith.addi %add3A_1413, %add3A_2126 : i32
        %get3A_2128 = arith.index_cast %add3A_2127 : i32 to index
        %get3A_2129 = arith.constant 32 : index
        %get3A_2130 = tpu.vector_load %arg21[%get3A_2128, %get3A_2129] {strides = array<i32>} : memref<256x128xf32, #tpu.memory_space<vmem>>, vector<16xf32>,
        %mul3A_2131 = vector.broadcast %squeeze3A_2101 : f32 to vector<16xf32>
        %mul3A_2132 = arith.mulf %get3A_2130, %mul3A_2131 : vector<16xf32>
        %add3A_2133 = arith.constant 7 : i32
        %add3A_2134 = arith.addi %add3A_1413, %add3A_2133 : i32
        %swap3A_2135 = arith.index_cast %add3A_2134 : i32 to index
        %swap3A_2136 = arith.constant 32 : index
        %swap3A_2137 = tpu.vector_load %arg21[%swap3A_2135, %swap3A_2136] {strides = array<i32>} : memref<256x128xf32, #tpu.memory_space<vmem>>, vector<16xf32>,
        tpu.vector_store %arg21[%swap3A_2135, %swap3A_2136], %mul3A_2132 {strides = array<i32>} : memref<256x128xf32, #tpu.memory_space<vmem>>, vector<16xf32>,
        %add3A_2138 = arith.constant 7 : i32
        %add3A_2139 = arith.addi %add3A_1413, %add3A_2138 : i32
        %get3A_2140 = arith.index_cast %add3A_2139 : i32 to index
        %get3A_2141 = arith.constant 48 : index
        %get3A_2142 = tpu.vector_load %arg21[%get3A_2140, %get3A_2141] {strides = array<i32>} : memref<256x128xf32, #tpu.memory_space<vmem>>, vector<16xf32>,
        %mul3A_2143 = vector.broadcast %squeeze3A_2101 : f32 to vector<16xf32>
        %mul3A_2144 = arith.mulf %get3A_2142, %mul3A_2143 : vector<16xf32>
        %add3A_2145 = arith.constant 7 : i32
        %add3A_2146 = arith.addi %add3A_1413, %add3A_2145 : i32
        %swap3A_2147 = arith.index_cast %add3A_2146 : i32 to index
        %swap3A_2148 = arith.constant 48 : index
        %swap3A_2149 = tpu.vector_load %arg21[%swap3A_2147, %swap3A_2148] {strides = array<i32>} : memref<256x128xf32, #tpu.memory_space<vmem>>, vector<16xf32>,
        tpu.vector_store %arg21[%swap3A_2147, %swap3A_2148], %mul3A_2144 {strides = array<i32>} : memref<256x128xf32, #tpu.memory_space<vmem>>, vector<16xf32>,
        %add3A_2150 = arith.constant 7 : i32
        %add3A_2151 = arith.addi %add3A_1413, %add3A_2150 : i32
        %get3A_2152 = arith.index_cast %add3A_2151 : i32 to index
        %get3A_2153 = arith.constant 64 : index
        %get3A_2154 = tpu.vector_load %arg21[%get3A_2152, %get3A_2153] {strides = array<i32>} : memref<256x128xf32, #tpu.memory_space<vmem>>, vector<16xf32>,
        %mul3A_2155 = vector.broadcast %squeeze3A_2101 : f32 to vector<16xf32>
        %mul3A_2156 = arith.mulf %get3A_2154, %mul3A_2155 : vector<16xf32>
        %add3A_2157 = arith.constant 7 : i32
        %add3A_2158 = arith.addi %add3A_1413, %add3A_2157 : i32
        %swap3A_2159 = arith.index_cast %add3A_2158 : i32 to index
        %swap3A_2160 = arith.constant 64 : index
        %swap3A_2161 = tpu.vector_load %arg21[%swap3A_2159, %swap3A_2160] {strides = array<i32>} : memref<256x128xf32, #tpu.memory_space<vmem>>, vector<16xf32>,
        tpu.vector_store %arg21[%swap3A_2159, %swap3A_2160], %mul3A_2156 {strides = array<i32>} : memref<256x128xf32, #tpu.memory_space<vmem>>, vector<16xf32>,
        %add3A_2162 = arith.constant 7 : i32
        %add3A_2163 = arith.addi %add3A_1413, %add3A_2162 : i32
        %get3A_2164 = arith.index_cast %add3A_2163 : i32 to index
        %get3A_2165 = arith.constant 80 : index
        %get3A_2166 = tpu.vector_load %arg21[%get3A_2164, %get3A_2165] {strides = array<i32>} : memref<256x128xf32, #tpu.memory_space<vmem>>, vector<16xf32>,
        %mul3A_2167 = vector.broadcast %squeeze3A_2101 : f32 to vector<16xf32>
        %mul3A_2168 = arith.mulf %get3A_2166, %mul3A_2167 : vector<16xf32>
        %add3A_2169 = arith.constant 7 : i32
        %add3A_2170 = arith.addi %add3A_1413, %add3A_2169 : i32
        %swap3A_2171 = arith.index_cast %add3A_2170 : i32 to index
        %swap3A_2172 = arith.constant 80 : index
        %swap3A_2173 = tpu.vector_load %arg21[%swap3A_2171, %swap3A_2172] {strides = array<i32>} : memref<256x128xf32, #tpu.memory_space<vmem>>, vector<16xf32>,
        tpu.vector_store %arg21[%swap3A_2171, %swap3A_2172], %mul3A_2168 {strides = array<i32>} : memref<256x128xf32, #tpu.memory_space<vmem>>, vector<16xf32>,
        %add3A_2174 = arith.constant 7 : i32
        %add3A_2175 = arith.addi %add3A_1413, %add3A_2174 : i32
        %get3A_2176 = arith.index_cast %add3A_2175 : i32 to index
        %get3A_2177 = arith.constant 96 : index
        %get3A_2178 = tpu.vector_load %arg21[%get3A_2176, %get3A_2177] {strides = array<i32>} : memref<256x128xf32, #tpu.memory_space<vmem>>, vector<16xf32>,
        %mul3A_2179 = vector.broadcast %squeeze3A_2101 : f32 to vector<16xf32>
        %mul3A_2180 = arith.mulf %get3A_2178, %mul3A_2179 : vector<16xf32>
        %add3A_2181 = arith.constant 7 : i32
        %add3A_2182 = arith.addi %add3A_1413, %add3A_2181 : i32
        %swap3A_2183 = arith.index_cast %add3A_2182 : i32 to index
        %swap3A_2184 = arith.constant 96 : index
        %swap3A_2185 = tpu.vector_load %arg21[%swap3A_2183, %swap3A_2184] {strides = array<i32>} : memref<256x128xf32, #tpu.memory_space<vmem>>, vector<16xf32>,
        tpu.vector_store %arg21[%swap3A_2183, %swap3A_2184], %mul3A_2180 {strides = array<i32>} : memref<256x128xf32, #tpu.memory_space<vmem>>, vector<16xf32>,
        %add3A_2186 = arith.constant 7 : i32
        %add3A_2187 = arith.addi %add3A_1413, %add3A_2186 : i32
        %get3A_2188 = arith.index_cast %add3A_2187 : i32 to index
        %get3A_2189 = arith.constant 112 : index
        %get3A_2190 = tpu.vector_load %arg21[%get3A_2188, %get3A_2189] {strides = array<i32>} : memref<256x128xf32, #tpu.memory_space<vmem>>, vector<16xf32>,
        %mul3A_2191 = vector.broadcast %squeeze3A_2101 : f32 to vector<16xf32>
        %mul3A_2192 = arith.mulf %get3A_2190, %mul3A_2191 : vector<16xf32>
        %add3A_2193 = arith.constant 7 : i32
        %add3A_2194 = arith.addi %add3A_1413, %add3A_2193 : i32
        %swap3A_2195 = arith.index_cast %add3A_2194 : i32 to index
        %swap3A_2196 = arith.constant 112 : index
        %swap3A_2197 = tpu.vector_load %arg21[%swap3A_2195, %swap3A_2196] {strides = array<i32>} : memref<256x128xf32, #tpu.memory_space<vmem>>, vector<16xf32>,
        tpu.vector_store %arg21[%swap3A_2195, %swap3A_2196], %mul3A_2192 {strides = array<i32>} : memref<256x128xf32, #tpu.memory_space<vmem>>, vector<16xf32>,
        %slice3A_2198 = vector.extract_strided_slice %exp3A_1407 {offsets = [8], sizes = [1], strides = [1]} : vector<16xf32> to vector<1xf32>
        %squeeze3A_2199 = vector.extract %slice3A_2198[0] : f32 from vector<1xf32>
        %add3A_2200 = arith.constant 8 : i32
        %add3A_2201 = arith.addi %add3A_1413, %add3A_2200 : i32
        %get3A_2202 = arith.index_cast %add3A_2201 : i32 to index
        %get3A_2203 = arith.constant 0 : index
        %get3A_2204 = tpu.vector_load %arg21[%get3A_2202, %get3A_2203] {strides = array<i32>} : memref<256x128xf32, #tpu.memory_space<vmem>>, vector<16xf32>,
        %mul3A_2205 = vector.broadcast %squeeze3A_2199 : f32 to vector<16xf32>
        %mul3A_2206 = arith.mulf %get3A_2204, %mul3A_2205 : vector<16xf32>
        %add3A_2207 = arith.constant 8 : i32
        %add3A_2208 = arith.addi %add3A_1413, %add3A_2207 : i32
        %swap3A_2209 = arith.index_cast %add3A_2208 : i32 to index
        %swap3A_2210 = arith.constant 0 : index
        %swap3A_2211 = tpu.vector_load %arg21[%swap3A_2209, %swap3A_2210] {strides = array<i32>} : memref<256x128xf32, #tpu.memory_space<vmem>>, vector<16xf32>,
        tpu.vector_store %arg21[%swap3A_2209, %swap3A_2210], %mul3A_2206 {strides = array<i32>} : memref<256x128xf32, #tpu.memory_space<vmem>>, vector<16xf32>,
        %add3A_2212 = arith.constant 8 : i32
        %add3A_2213 = arith.addi %add3A_1413, %add3A_2212 : i32
        %get3A_2214 = arith.index_cast %add3A_2213 : i32 to index
        %get3A_2215 = arith.constant 16 : index
        %get3A_2216 = tpu.vector_load %arg21[%get3A_2214, %get3A_2215] {strides = array<i32>} : memref<256x128xf32, #tpu.memory_space<vmem>>, vector<16xf32>,
        %mul3A_2217 = vector.broadcast %squeeze3A_2199 : f32 to vector<16xf32>
        %mul3A_2218 = arith.mulf %get3A_2216, %mul3A_2217 : vector<16xf32>
        %add3A_2219 = arith.constant 8 : i32
        %add3A_2220 = arith.addi %add3A_1413, %add3A_2219 : i32
        %swap3A_2221 = arith.index_cast %add3A_2220 : i32 to index
        %swap3A_2222 = arith.constant 16 : index
        %swap3A_2223 = tpu.vector_load %arg21[%swap3A_2221, %swap3A_2222] {strides = array<i32>} : memref<256x128xf32, #tpu.memory_space<vmem>>, vector<16xf32>,
        tpu.vector_store %arg21[%swap3A_2221, %swap3A_2222], %mul3A_2218 {strides = array<i32>} : memref<256x128xf32, #tpu.memory_space<vmem>>, vector<16xf32>,
        %add3A_2224 = arith.constant 8 : i32
        %add3A_2225 = arith.addi %add3A_1413, %add3A_2224 : i32
        %get3A_2226 = arith.index_cast %add3A_2225 : i32 to index
        %get3A_2227 = arith.constant 32 : index
        %get3A_2228 = tpu.vector_load %arg21[%get3A_2226, %get3A_2227] {strides = array<i32>} : memref<256x128xf32, #tpu.memory_space<vmem>>, vector<16xf32>,
        %mul3A_2229 = vector.broadcast %squeeze3A_2199 : f32 to vector<16xf32>
        %mul3A_2230 = arith.mulf %get3A_2228, %mul3A_2229 : vector<16xf32>
        %add3A_2231 = arith.constant 8 : i32
        %add3A_2232 = arith.addi %add3A_1413, %add3A_2231 : i32
        %swap3A_2233 = arith.index_cast %add3A_2232 : i32 to index
        %swap3A_2234 = arith.constant 32 : index
        %swap3A_2235 = tpu.vector_load %arg21[%swap3A_2233, %swap3A_2234] {strides = array<i32>} : memref<256x128xf32, #tpu.memory_space<vmem>>, vector<16xf32>,
        tpu.vector_store %arg21[%swap3A_2233, %swap3A_2234], %mul3A_2230 {strides = array<i32>} : memref<256x128xf32, #tpu.memory_space<vmem>>, vector<16xf32>,
        %add3A_2236 = arith.constant 8 : i32
        %add3A_2237 = arith.addi %add3A_1413, %add3A_2236 : i32
        %get3A_2238 = arith.index_cast %add3A_2237 : i32 to index
        %get3A_2239 = arith.constant 48 : index
        %get3A_2240 = tpu.vector_load %arg21[%get3A_2238, %get3A_2239] {strides = array<i32>} : memref<256x128xf32, #tpu.memory_space<vmem>>, vector<16xf32>,
        %mul3A_2241 = vector.broadcast %squeeze3A_2199 : f32 to vector<16xf32>
        %mul3A_2242 = arith.mulf %get3A_2240, %mul3A_2241 : vector<16xf32>
        %add3A_2243 = arith.constant 8 : i32
        %add3A_2244 = arith.addi %add3A_1413, %add3A_2243 : i32
        %swap3A_2245 = arith.index_cast %add3A_2244 : i32 to index
        %swap3A_2246 = arith.constant 48 : index
        %swap3A_2247 = tpu.vector_load %arg21[%swap3A_2245, %swap3A_2246] {strides = array<i32>} : memref<256x128xf32, #tpu.memory_space<vmem>>, vector<16xf32>,
        tpu.vector_store %arg21[%swap3A_2245, %swap3A_2246], %mul3A_2242 {strides = array<i32>} : memref<256x128xf32, #tpu.memory_space<vmem>>, vector<16xf32>,
        %add3A_2248 = arith.constant 8 : i32
        %add3A_2249 = arith.addi %add3A_1413, %add3A_2248 : i32
        %get3A_2250 = arith.index_cast %add3A_2249 : i32 to index
        %get3A_2251 = arith.constant 64 : index
        %get3A_2252 = tpu.vector_load %arg21[%get3A_2250, %get3A_2251] {strides = array<i32>} : memref<256x128xf32, #tpu.memory_space<vmem>>, vector<16xf32>,
        %mul3A_2253 = vector.broadcast %squeeze3A_2199 : f32 to vector<16xf32>
        %mul3A_2254 = arith.mulf %get3A_2252, %mul3A_2253 : vector<16xf32>
        %add3A_2255 = arith.constant 8 : i32
        %add3A_2256 = arith.addi %add3A_1413, %add3A_2255 : i32
        %swap3A_2257 = arith.index_cast %add3A_2256 : i32 to index
        %swap3A_2258 = arith.constant 64 : index
        %swap3A_2259 = tpu.vector_load %arg21[%swap3A_2257, %swap3A_2258] {strides = array<i32>} : memref<256x128xf32, #tpu.memory_space<vmem>>, vector<16xf32>,
        tpu.vector_store %arg21[%swap3A_2257, %swap3A_2258], %mul3A_2254 {strides = array<i32>} : memref<256x128xf32, #tpu.memory_space<vmem>>, vector<16xf32>,
        %add3A_2260 = arith.constant 8 : i32
        %add3A_2261 = arith.addi %add3A_1413, %add3A_2260 : i32
        %get3A_2262 = arith.index_cast %add3A_2261 : i32 to index
        %get3A_2263 = arith.constant 80 : index
        %get3A_2264 = tpu.vector_load %arg21[%get3A_2262, %get3A_2263] {strides = array<i32>} : memref<256x128xf32, #tpu.memory_space<vmem>>, vector<16xf32>,
        %mul3A_2265 = vector.broadcast %squeeze3A_2199 : f32 to vector<16xf32>
        %mul3A_2266 = arith.mulf %get3A_2264, %mul3A_2265 : vector<16xf32>
        %add3A_2267 = arith.constant 8 : i32
        %add3A_2268 = arith.addi %add3A_1413, %add3A_2267 : i32
        %swap3A_2269 = arith.index_cast %add3A_2268 : i32 to index
        %swap3A_2270 = arith.constant 80 : index
        %swap3A_2271 = tpu.vector_load %arg21[%swap3A_2269, %swap3A_2270] {strides = array<i32>} : memref<256x128xf32, #tpu.memory_space<vmem>>, vector<16xf32>,
        tpu.vector_store %arg21[%swap3A_2269, %swap3A_2270], %mul3A_2266 {strides = array<i32>} : memref<256x128xf32, #tpu.memory_space<vmem>>, vector<16xf32>,
        %add3A_2272 = arith.constant 8 : i32
        %add3A_2273 = arith.addi %add3A_1413, %add3A_2272 : i32
        %get3A_2274 = arith.index_cast %add3A_2273 : i32 to index
        %get3A_2275 = arith.constant 96 : index
        %get3A_2276 = tpu.vector_load %arg21[%get3A_2274, %get3A_2275] {strides = array<i32>} : memref<256x128xf32, #tpu.memory_space<vmem>>, vector<16xf32>,
        %mul3A_2277 = vector.broadcast %squeeze3A_2199 : f32 to vector<16xf32>
        %mul3A_2278 = arith.mulf %get3A_2276, %mul3A_2277 : vector<16xf32>
        %add3A_2279 = arith.constant 8 : i32
        %add3A_2280 = arith.addi %add3A_1413, %add3A_2279 : i32
        %swap3A_2281 = arith.index_cast %add3A_2280 : i32 to index
        %swap3A_2282 = arith.constant 96 : index
        %swap3A_2283 = tpu.vector_load %arg21[%swap3A_2281, %swap3A_2282] {strides = array<i32>} : memref<256x128xf32, #tpu.memory_space<vmem>>, vector<16xf32>,
        tpu.vector_store %arg21[%swap3A_2281, %swap3A_2282], %mul3A_2278 {strides = array<i32>} : memref<256x128xf32, #tpu.memory_space<vmem>>, vector<16xf32>,
        %add3A_2284 = arith.constant 8 : i32
        %add3A_2285 = arith.addi %add3A_1413, %add3A_2284 : i32
        %get3A_2286 = arith.index_cast %add3A_2285 : i32 to index
        %get3A_2287 = arith.constant 112 : index
        %get3A_2288 = tpu.vector_load %arg21[%get3A_2286, %get3A_2287] {strides = array<i32>} : memref<256x128xf32, #tpu.memory_space<vmem>>, vector<16xf32>,
        %mul3A_2289 = vector.broadcast %squeeze3A_2199 : f32 to vector<16xf32>
        %mul3A_2290 = arith.mulf %get3A_2288, %mul3A_2289 : vector<16xf32>
        %add3A_2291 = arith.constant 8 : i32
        %add3A_2292 = arith.addi %add3A_1413, %add3A_2291 : i32
        %swap3A_2293 = arith.index_cast %add3A_2292 : i32 to index
        %swap3A_2294 = arith.constant 112 : index
        %swap3A_2295 = tpu.vector_load %arg21[%swap3A_2293, %swap3A_2294] {strides = array<i32>} : memref<256x128xf32, #tpu.memory_space<vmem>>, vector<16xf32>,
        tpu.vector_store %arg21[%swap3A_2293, %swap3A_2294], %mul3A_2290 {strides = array<i32>} : memref<256x128xf32, #tpu.memory_space<vmem>>, vector<16xf32>,
        %slice3A_2296 = vector.extract_strided_slice %exp3A_1407 {offsets = [9], sizes = [1], strides = [1]} : vector<16xf32> to vector<1xf32>
        %squeeze3A_2297 = vector.extract %slice3A_2296[0] : f32 from vector<1xf32>
        %add3A_2298 = arith.constant 9 : i32
        %add3A_2299 = arith.addi %add3A_1413, %add3A_2298 : i32
        %get3A_2300 = arith.index_cast %add3A_2299 : i32 to index
        %get3A_2301 = arith.constant 0 : index
        %get3A_2302 = tpu.vector_load %arg21[%get3A_2300, %get3A_2301] {strides = array<i32>} : memref<256x128xf32, #tpu.memory_space<vmem>>, vector<16xf32>,
        %mul3A_2303 = vector.broadcast %squeeze3A_2297 : f32 to vector<16xf32>
        %mul3A_2304 = arith.mulf %get3A_2302, %mul3A_2303 : vector<16xf32>
        %add3A_2305 = arith.constant 9 : i32
        %add3A_2306 = arith.addi %add3A_1413, %add3A_2305 : i32
        %swap3A_2307 = arith.index_cast %add3A_2306 : i32 to index
        %swap3A_2308 = arith.constant 0 : index
        %swap3A_2309 = tpu.vector_load %arg21[%swap3A_2307, %swap3A_2308] {strides = array<i32>} : memref<256x128xf32, #tpu.memory_space<vmem>>, vector<16xf32>,
        tpu.vector_store %arg21[%swap3A_2307, %swap3A_2308], %mul3A_2304 {strides = array<i32>} : memref<256x128xf32, #tpu.memory_space<vmem>>, vector<16xf32>,
        %add3A_2310 = arith.constant 9 : i32
        %add3A_2311 = arith.addi %add3A_1413, %add3A_2310 : i32
        %get3A_2312 = arith.index_cast %add3A_2311 : i32 to index
        %get3A_2313 = arith.constant 16 : index
        %get3A_2314 = tpu.vector_load %arg21[%get3A_2312, %get3A_2313] {strides = array<i32>} : memref<256x128xf32, #tpu.memory_space<vmem>>, vector<16xf32>,
        %mul3A_2315 = vector.broadcast %squeeze3A_2297 : f32 to vector<16xf32>
        %mul3A_2316 = arith.mulf %get3A_2314, %mul3A_2315 : vector<16xf32>
        %add3A_2317 = arith.constant 9 : i32
        %add3A_2318 = arith.addi %add3A_1413, %add3A_2317 : i32
        %swap3A_2319 = arith.index_cast %add3A_2318 : i32 to index
        %swap3A_2320 = arith.constant 16 : index
        %swap3A_2321 = tpu.vector_load %arg21[%swap3A_2319, %swap3A_2320] {strides = array<i32>} : memref<256x128xf32, #tpu.memory_space<vmem>>, vector<16xf32>,
        tpu.vector_store %arg21[%swap3A_2319, %swap3A_2320], %mul3A_2316 {strides = array<i32>} : memref<256x128xf32, #tpu.memory_space<vmem>>, vector<16xf32>,
        %add3A_2322 = arith.constant 9 : i32
        %add3A_2323 = arith.addi %add3A_1413, %add3A_2322 : i32
        %get3A_2324 = arith.index_cast %add3A_2323 : i32 to index
        %get3A_2325 = arith.constant 32 : index
        %get3A_2326 = tpu.vector_load %arg21[%get3A_2324, %get3A_2325] {strides = array<i32>} : memref<256x128xf32, #tpu.memory_space<vmem>>, vector<16xf32>,
        %mul3A_2327 = vector.broadcast %squeeze3A_2297 : f32 to vector<16xf32>
        %mul3A_2328 = arith.mulf %get3A_2326, %mul3A_2327 : vector<16xf32>
        %add3A_2329 = arith.constant 9 : i32
        %add3A_2330 = arith.addi %add3A_1413, %add3A_2329 : i32
        %swap3A_2331 = arith.index_cast %add3A_2330 : i32 to index
        %swap3A_2332 = arith.constant 32 : index
        %swap3A_2333 = tpu.vector_load %arg21[%swap3A_2331, %swap3A_2332] {strides = array<i32>} : memref<256x128xf32, #tpu.memory_space<vmem>>, vector<16xf32>,
        tpu.vector_store %arg21[%swap3A_2331, %swap3A_2332], %mul3A_2328 {strides = array<i32>} : memref<256x128xf32, #tpu.memory_space<vmem>>, vector<16xf32>,
        %add3A_2334 = arith.constant 9 : i32
        %add3A_2335 = arith.addi %add3A_1413, %add3A_2334 : i32
        %get3A_2336 = arith.index_cast %add3A_2335 : i32 to index
        %get3A_2337 = arith.constant 48 : index
        %get3A_2338 = tpu.vector_load %arg21[%get3A_2336, %get3A_2337] {strides = array<i32>} : memref<256x128xf32, #tpu.memory_space<vmem>>, vector<16xf32>,
        %mul3A_2339 = vector.broadcast %squeeze3A_2297 : f32 to vector<16xf32>
        %mul3A_2340 = arith.mulf %get3A_2338, %mul3A_2339 : vector<16xf32>
        %add3A_2341 = arith.constant 9 : i32
        %add3A_2342 = arith.addi %add3A_1413, %add3A_2341 : i32
        %swap3A_2343 = arith.index_cast %add3A_2342 : i32 to index
        %swap3A_2344 = arith.constant 48 : index
        %swap3A_2345 = tpu.vector_load %arg21[%swap3A_2343, %swap3A_2344] {strides = array<i32>} : memref<256x128xf32, #tpu.memory_space<vmem>>, vector<16xf32>,
        tpu.vector_store %arg21[%swap3A_2343, %swap3A_2344], %mul3A_2340 {strides = array<i32>} : memref<256x128xf32, #tpu.memory_space<vmem>>, vector<16xf32>,
        %add3A_2346 = arith.constant 9 : i32
        %add3A_2347 = arith.addi %add3A_1413, %add3A_2346 : i32
        %get3A_2348 = arith.index_cast %add3A_2347 : i32 to index
        %get3A_2349 = arith.constant 64 : index
        %get3A_2350 = tpu.vector_load %arg21[%get3A_2348, %get3A_2349] {strides = array<i32>} : memref<256x128xf32, #tpu.memory_space<vmem>>, vector<16xf32>,
        %mul3A_2351 = vector.broadcast %squeeze3A_2297 : f32 to vector<16xf32>
        %mul3A_2352 = arith.mulf %get3A_2350, %mul3A_2351 : vector<16xf32>
        %add3A_2353 = arith.constant 9 : i32
        %add3A_2354 = arith.addi %add3A_1413, %add3A_2353 : i32
        %swap3A_2355 = arith.index_cast %add3A_2354 : i32 to index
        %swap3A_2356 = arith.constant 64 : index
        %swap3A_2357 = tpu.vector_load %arg21[%swap3A_2355, %swap3A_2356] {strides = array<i32>} : memref<256x128xf32, #tpu.memory_space<vmem>>, vector<16xf32>,
        tpu.vector_store %arg21[%swap3A_2355, %swap3A_2356], %mul3A_2352 {strides = array<i32>} : memref<256x128xf32, #tpu.memory_space<vmem>>, vector<16xf32>,
        %add3A_2358 = arith.constant 9 : i32
        %add3A_2359 = arith.addi %add3A_1413, %add3A_2358 : i32
        %get3A_2360 = arith.index_cast %add3A_2359 : i32 to index
        %get3A_2361 = arith.constant 80 : index
        %get3A_2362 = tpu.vector_load %arg21[%get3A_2360, %get3A_2361] {strides = array<i32>} : memref<256x128xf32, #tpu.memory_space<vmem>>, vector<16xf32>,
        %mul3A_2363 = vector.broadcast %squeeze3A_2297 : f32 to vector<16xf32>
        %mul3A_2364 = arith.mulf %get3A_2362, %mul3A_2363 : vector<16xf32>
        %add3A_2365 = arith.constant 9 : i32
        %add3A_2366 = arith.addi %add3A_1413, %add3A_2365 : i32
        %swap3A_2367 = arith.index_cast %add3A_2366 : i32 to index
        %swap3A_2368 = arith.constant 80 : index
        %swap3A_2369 = tpu.vector_load %arg21[%swap3A_2367, %swap3A_2368] {strides = array<i32>} : memref<256x128xf32, #tpu.memory_space<vmem>>, vector<16xf32>,
        tpu.vector_store %arg21[%swap3A_2367, %swap3A_2368], %mul3A_2364 {strides = array<i32>} : memref<256x128xf32, #tpu.memory_space<vmem>>, vector<16xf32>,
        %add3A_2370 = arith.constant 9 : i32
        %add3A_2371 = arith.addi %add3A_1413, %add3A_2370 : i32
        %get3A_2372 = arith.index_cast %add3A_2371 : i32 to index
        %get3A_2373 = arith.constant 96 : index
        %get3A_2374 = tpu.vector_load %arg21[%get3A_2372, %get3A_2373] {strides = array<i32>} : memref<256x128xf32, #tpu.memory_space<vmem>>, vector<16xf32>,
        %mul3A_2375 = vector.broadcast %squeeze3A_2297 : f32 to vector<16xf32>
        %mul3A_2376 = arith.mulf %get3A_2374, %mul3A_2375 : vector<16xf32>
        %add3A_2377 = arith.constant 9 : i32
        %add3A_2378 = arith.addi %add3A_1413, %add3A_2377 : i32
        %swap3A_2379 = arith.index_cast %add3A_2378 : i32 to index
        %swap3A_2380 = arith.constant 96 : index
        %swap3A_2381 = tpu.vector_load %arg21[%swap3A_2379, %swap3A_2380] {strides = array<i32>} : memref<256x128xf32, #tpu.memory_space<vmem>>, vector<16xf32>,
        tpu.vector_store %arg21[%swap3A_2379, %swap3A_2380], %mul3A_2376 {strides = array<i32>} : memref<256x128xf32, #tpu.memory_space<vmem>>, vector<16xf32>,
        %add3A_2382 = arith.constant 9 : i32
        %add3A_2383 = arith.addi %add3A_1413, %add3A_2382 : i32
        %get3A_2384 = arith.index_cast %add3A_2383 : i32 to index
        %get3A_2385 = arith.constant 112 : index
        %get3A_2386 = tpu.vector_load %arg21[%get3A_2384, %get3A_2385] {strides = array<i32>} : memref<256x128xf32, #tpu.memory_space<vmem>>, vector<16xf32>,
        %mul3A_2387 = vector.broadcast %squeeze3A_2297 : f32 to vector<16xf32>
        %mul3A_2388 = arith.mulf %get3A_2386, %mul3A_2387 : vector<16xf32>
        %add3A_2389 = arith.constant 9 : i32
        %add3A_2390 = arith.addi %add3A_1413, %add3A_2389 : i32
        %swap3A_2391 = arith.index_cast %add3A_2390 : i32 to index
        %swap3A_2392 = arith.constant 112 : index
        %swap3A_2393 = tpu.vector_load %arg21[%swap3A_2391, %swap3A_2392] {strides = array<i32>} : memref<256x128xf32, #tpu.memory_space<vmem>>, vector<16xf32>,
        tpu.vector_store %arg21[%swap3A_2391, %swap3A_2392], %mul3A_2388 {strides = array<i32>} : memref<256x128xf32, #tpu.memory_space<vmem>>, vector<16xf32>,
        %slice3A_2394 = vector.extract_strided_slice %exp3A_1407 {offsets = [10], sizes = [1], strides = [1]} : vector<16xf32> to vector<1xf32>
        %squeeze3A_2395 = vector.extract %slice3A_2394[0] : f32 from vector<1xf32>
        %add3A_2396 = arith.constant 10 : i32
        %add3A_2397 = arith.addi %add3A_1413, %add3A_2396 : i32
        %get3A_2398 = arith.index_cast %add3A_2397 : i32 to index
        %get3A_2399 = arith.constant 0 : index
        %get3A_2400 = tpu.vector_load %arg21[%get3A_2398, %get3A_2399] {strides = array<i32>} : memref<256x128xf32, #tpu.memory_space<vmem>>, vector<16xf32>,
        %mul3A_2401 = vector.broadcast %squeeze3A_2395 : f32 to vector<16xf32>
        %mul3A_2402 = arith.mulf %get3A_2400, %mul3A_2401 : vector<16xf32>
        %add3A_2403 = arith.constant 10 : i32
        %add3A_2404 = arith.addi %add3A_1413, %add3A_2403 : i32
        %swap3A_2405 = arith.index_cast %add3A_2404 : i32 to index
        %swap3A_2406 = arith.constant 0 : index
        %swap3A_2407 = tpu.vector_load %arg21[%swap3A_2405, %swap3A_2406] {strides = array<i32>} : memref<256x128xf32, #tpu.memory_space<vmem>>, vector<16xf32>,
        tpu.vector_store %arg21[%swap3A_2405, %swap3A_2406], %mul3A_2402 {strides = array<i32>} : memref<256x128xf32, #tpu.memory_space<vmem>>, vector<16xf32>,
        %add3A_2408 = arith.constant 10 : i32
        %add3A_2409 = arith.addi %add3A_1413, %add3A_2408 : i32
        %get3A_2410 = arith.index_cast %add3A_2409 : i32 to index
        %get3A_2411 = arith.constant 16 : index
        %get3A_2412 = tpu.vector_load %arg21[%get3A_2410, %get3A_2411] {strides = array<i32>} : memref<256x128xf32, #tpu.memory_space<vmem>>, vector<16xf32>,
        %mul3A_2413 = vector.broadcast %squeeze3A_2395 : f32 to vector<16xf32>
        %mul3A_2414 = arith.mulf %get3A_2412, %mul3A_2413 : vector<16xf32>
        %add3A_2415 = arith.constant 10 : i32
        %add3A_2416 = arith.addi %add3A_1413, %add3A_2415 : i32
        %swap3A_2417 = arith.index_cast %add3A_2416 : i32 to index
        %swap3A_2418 = arith.constant 16 : index
        %swap3A_2419 = tpu.vector_load %arg21[%swap3A_2417, %swap3A_2418] {strides = array<i32>} : memref<256x128xf32, #tpu.memory_space<vmem>>, vector<16xf32>,
        tpu.vector_store %arg21[%swap3A_2417, %swap3A_2418], %mul3A_2414 {strides = array<i32>} : memref<256x128xf32, #tpu.memory_space<vmem>>, vector<16xf32>,
        %add3A_2420 = arith.constant 10 : i32
        %add3A_2421 = arith.addi %add3A_1413, %add3A_2420 : i32
        %get3A_2422 = arith.index_cast %add3A_2421 : i32 to index
        %get3A_2423 = arith.constant 32 : index
        %get3A_2424 = tpu.vector_load %arg21[%get3A_2422, %get3A_2423] {strides = array<i32>} : memref<256x128xf32, #tpu.memory_space<vmem>>, vector<16xf32>,
        %mul3A_2425 = vector.broadcast %squeeze3A_2395 : f32 to vector<16xf32>
        %mul3A_2426 = arith.mulf %get3A_2424, %mul3A_2425 : vector<16xf32>
        %add3A_2427 = arith.constant 10 : i32
        %add3A_2428 = arith.addi %add3A_1413, %add3A_2427 : i32
        %swap3A_2429 = arith.index_cast %add3A_2428 : i32 to index
        %swap3A_2430 = arith.constant 32 : index
        %swap3A_2431 = tpu.vector_load %arg21[%swap3A_2429, %swap3A_2430] {strides = array<i32>} : memref<256x128xf32, #tpu.memory_space<vmem>>, vector<16xf32>,
        tpu.vector_store %arg21[%swap3A_2429, %swap3A_2430], %mul3A_2426 {strides = array<i32>} : memref<256x128xf32, #tpu.memory_space<vmem>>, vector<16xf32>,
        %add3A_2432 = arith.constant 10 : i32
        %add3A_2433 = arith.addi %add3A_1413, %add3A_2432 : i32
        %get3A_2434 = arith.index_cast %add3A_2433 : i32 to index
        %get3A_2435 = arith.constant 48 : index
        %get3A_2436 = tpu.vector_load %arg21[%get3A_2434, %get3A_2435] {strides = array<i32>} : memref<256x128xf32, #tpu.memory_space<vmem>>, vector<16xf32>,
        %mul3A_2437 = vector.broadcast %squeeze3A_2395 : f32 to vector<16xf32>
        %mul3A_2438 = arith.mulf %get3A_2436, %mul3A_2437 : vector<16xf32>
        %add3A_2439 = arith.constant 10 : i32
        %add3A_2440 = arith.addi %add3A_1413, %add3A_2439 : i32
        %swap3A_2441 = arith.index_cast %add3A_2440 : i32 to index
        %swap3A_2442 = arith.constant 48 : index
        %swap3A_2443 = tpu.vector_load %arg21[%swap3A_2441, %swap3A_2442] {strides = array<i32>} : memref<256x128xf32, #tpu.memory_space<vmem>>, vector<16xf32>,
        tpu.vector_store %arg21[%swap3A_2441, %swap3A_2442], %mul3A_2438 {strides = array<i32>} : memref<256x128xf32, #tpu.memory_space<vmem>>, vector<16xf32>,
        %add3A_2444 = arith.constant 10 : i32
        %add3A_2445 = arith.addi %add3A_1413, %add3A_2444 : i32
        %get3A_2446 = arith.index_cast %add3A_2445 : i32 to index
        %get3A_2447 = arith.constant 64 : index
        %get3A_2448 = tpu.vector_load %arg21[%get3A_2446, %get3A_2447] {strides = array<i32>} : memref<256x128xf32, #tpu.memory_space<vmem>>, vector<16xf32>,
        %mul3A_2449 = vector.broadcast %squeeze3A_2395 : f32 to vector<16xf32>
        %mul3A_2450 = arith.mulf %get3A_2448, %mul3A_2449 : vector<16xf32>
        %add3A_2451 = arith.constant 10 : i32
        %add3A_2452 = arith.addi %add3A_1413, %add3A_2451 : i32
        %swap3A_2453 = arith.index_cast %add3A_2452 : i32 to index
        %swap3A_2454 = arith.constant 64 : index
        %swap3A_2455 = tpu.vector_load %arg21[%swap3A_2453, %swap3A_2454] {strides = array<i32>} : memref<256x128xf32, #tpu.memory_space<vmem>>, vector<16xf32>,
        tpu.vector_store %arg21[%swap3A_2453, %swap3A_2454], %mul3A_2450 {strides = array<i32>} : memref<256x128xf32, #tpu.memory_space<vmem>>, vector<16xf32>,
        %add3A_2456 = arith.constant 10 : i32
        %add3A_2457 = arith.addi %add3A_1413, %add3A_2456 : i32
        %get3A_2458 = arith.index_cast %add3A_2457 : i32 to index
        %get3A_2459 = arith.constant 80 : index
        %get3A_2460 = tpu.vector_load %arg21[%get3A_2458, %get3A_2459] {strides = array<i32>} : memref<256x128xf32, #tpu.memory_space<vmem>>, vector<16xf32>,
        %mul3A_2461 = vector.broadcast %squeeze3A_2395 : f32 to vector<16xf32>
        %mul3A_2462 = arith.mulf %get3A_2460, %mul3A_2461 : vector<16xf32>
        %add3A_2463 = arith.constant 10 : i32
        %add3A_2464 = arith.addi %add3A_1413, %add3A_2463 : i32
        %swap3A_2465 = arith.index_cast %add3A_2464 : i32 to index
        %swap3A_2466 = arith.constant 80 : index
        %swap3A_2467 = tpu.vector_load %arg21[%swap3A_2465, %swap3A_2466] {strides = array<i32>} : memref<256x128xf32, #tpu.memory_space<vmem>>, vector<16xf32>,
        tpu.vector_store %arg21[%swap3A_2465, %swap3A_2466], %mul3A_2462 {strides = array<i32>} : memref<256x128xf32, #tpu.memory_space<vmem>>, vector<16xf32>,
        %add3A_2468 = arith.constant 10 : i32
        %add3A_2469 = arith.addi %add3A_1413, %add3A_2468 : i32
        %get3A_2470 = arith.index_cast %add3A_2469 : i32 to index
        %get3A_2471 = arith.constant 96 : index
        %get3A_2472 = tpu.vector_load %arg21[%get3A_2470, %get3A_2471] {strides = array<i32>} : memref<256x128xf32, #tpu.memory_space<vmem>>, vector<16xf32>,
        %mul3A_2473 = vector.broadcast %squeeze3A_2395 : f32 to vector<16xf32>
        %mul3A_2474 = arith.mulf %get3A_2472, %mul3A_2473 : vector<16xf32>
        %add3A_2475 = arith.constant 10 : i32
        %add3A_2476 = arith.addi %add3A_1413, %add3A_2475 : i32
        %swap3A_2477 = arith.index_cast %add3A_2476 : i32 to index
        %swap3A_2478 = arith.constant 96 : index
        %swap3A_2479 = tpu.vector_load %arg21[%swap3A_2477, %swap3A_2478] {strides = array<i32>} : memref<256x128xf32, #tpu.memory_space<vmem>>, vector<16xf32>,
        tpu.vector_store %arg21[%swap3A_2477, %swap3A_2478], %mul3A_2474 {strides = array<i32>} : memref<256x128xf32, #tpu.memory_space<vmem>>, vector<16xf32>,
        %add3A_2480 = arith.constant 10 : i32
        %add3A_2481 = arith.addi %add3A_1413, %add3A_2480 : i32
        %get3A_2482 = arith.index_cast %add3A_2481 : i32 to index
        %get3A_2483 = arith.constant 112 : index
        %get3A_2484 = tpu.vector_load %arg21[%get3A_2482, %get3A_2483] {strides = array<i32>} : memref<256x128xf32, #tpu.memory_space<vmem>>, vector<16xf32>,
        %mul3A_2485 = vector.broadcast %squeeze3A_2395 : f32 to vector<16xf32>
        %mul3A_2486 = arith.mulf %get3A_2484, %mul3A_2485 : vector<16xf32>
        %add3A_2487 = arith.constant 10 : i32
        %add3A_2488 = arith.addi %add3A_1413, %add3A_2487 : i32
        %swap3A_2489 = arith.index_cast %add3A_2488 : i32 to index
        %swap3A_2490 = arith.constant 112 : index
        %swap3A_2491 = tpu.vector_load %arg21[%swap3A_2489, %swap3A_2490] {strides = array<i32>} : memref<256x128xf32, #tpu.memory_space<vmem>>, vector<16xf32>,
        tpu.vector_store %arg21[%swap3A_2489, %swap3A_2490], %mul3A_2486 {strides = array<i32>} : memref<256x128xf32, #tpu.memory_space<vmem>>, vector<16xf32>,
        %slice3A_2492 = vector.extract_strided_slice %exp3A_1407 {offsets = [11], sizes = [1], strides = [1]} : vector<16xf32> to vector<1xf32>
        %squeeze3A_2493 = vector.extract %slice3A_2492[0] : f32 from vector<1xf32>
        %add3A_2494 = arith.constant 11 : i32
        %add3A_2495 = arith.addi %add3A_1413, %add3A_2494 : i32
        %get3A_2496 = arith.index_cast %add3A_2495 : i32 to index
        %get3A_2497 = arith.constant 0 : index
        %get3A_2498 = tpu.vector_load %arg21[%get3A_2496, %get3A_2497] {strides = array<i32>} : memref<256x128xf32, #tpu.memory_space<vmem>>, vector<16xf32>,
        %mul3A_2499 = vector.broadcast %squeeze3A_2493 : f32 to vector<16xf32>
        %mul3A_2500 = arith.mulf %get3A_2498, %mul3A_2499 : vector<16xf32>
        %add3A_2501 = arith.constant 11 : i32
        %add3A_2502 = arith.addi %add3A_1413, %add3A_2501 : i32
        %swap3A_2503 = arith.index_cast %add3A_2502 : i32 to index
        %swap3A_2504 = arith.constant 0 : index
        %swap3A_2505 = tpu.vector_load %arg21[%swap3A_2503, %swap3A_2504] {strides = array<i32>} : memref<256x128xf32, #tpu.memory_space<vmem>>, vector<16xf32>,
        tpu.vector_store %arg21[%swap3A_2503, %swap3A_2504], %mul3A_2500 {strides = array<i32>} : memref<256x128xf32, #tpu.memory_space<vmem>>, vector<16xf32>,
        %add3A_2506 = arith.constant 11 : i32
        %add3A_2507 = arith.addi %add3A_1413, %add3A_2506 : i32
        %get3A_2508 = arith.index_cast %add3A_2507 : i32 to index
        %get3A_2509 = arith.constant 16 : index
        %get3A_2510 = tpu.vector_load %arg21[%get3A_2508, %get3A_2509] {strides = array<i32>} : memref<256x128xf32, #tpu.memory_space<vmem>>, vector<16xf32>,
        %mul3A_2511 = vector.broadcast %squeeze3A_2493 : f32 to vector<16xf32>
        %mul3A_2512 = arith.mulf %get3A_2510, %mul3A_2511 : vector<16xf32>
        %add3A_2513 = arith.constant 11 : i32
        %add3A_2514 = arith.addi %add3A_1413, %add3A_2513 : i32
        %swap3A_2515 = arith.index_cast %add3A_2514 : i32 to index
        %swap3A_2516 = arith.constant 16 : index
        %swap3A_2517 = tpu.vector_load %arg21[%swap3A_2515, %swap3A_2516] {strides = array<i32>} : memref<256x128xf32, #tpu.memory_space<vmem>>, vector<16xf32>,
        tpu.vector_store %arg21[%swap3A_2515, %swap3A_2516], %mul3A_2512 {strides = array<i32>} : memref<256x128xf32, #tpu.memory_space<vmem>>, vector<16xf32>,
        %add3A_2518 = arith.constant 11 : i32
        %add3A_2519 = arith.addi %add3A_1413, %add3A_2518 : i32
        %get3A_2520 = arith.index_cast %add3A_2519 : i32 to index
        %get3A_2521 = arith.constant 32 : index
        %get3A_2522 = tpu.vector_load %arg21[%get3A_2520, %get3A_2521] {strides = array<i32>} : memref<256x128xf32, #tpu.memory_space<vmem>>, vector<16xf32>,
        %mul3A_2523 = vector.broadcast %squeeze3A_2493 : f32 to vector<16xf32>
        %mul3A_2524 = arith.mulf %get3A_2522, %mul3A_2523 : vector<16xf32>
        %add3A_2525 = arith.constant 11 : i32
        %add3A_2526 = arith.addi %add3A_1413, %add3A_2525 : i32
        %swap3A_2527 = arith.index_cast %add3A_2526 : i32 to index
        %swap3A_2528 = arith.constant 32 : index
        %swap3A_2529 = tpu.vector_load %arg21[%swap3A_2527, %swap3A_2528] {strides = array<i32>} : memref<256x128xf32, #tpu.memory_space<vmem>>, vector<16xf32>,
        tpu.vector_store %arg21[%swap3A_2527, %swap3A_2528], %mul3A_2524 {strides = array<i32>} : memref<256x128xf32, #tpu.memory_space<vmem>>, vector<16xf32>,
        %add3A_2530 = arith.constant 11 : i32
        %add3A_2531 = arith.addi %add3A_1413, %add3A_2530 : i32
        %get3A_2532 = arith.index_cast %add3A_2531 : i32 to index
        %get3A_2533 = arith.constant 48 : index
        %get3A_2534 = tpu.vector_load %arg21[%get3A_2532, %get3A_2533] {strides = array<i32>} : memref<256x128xf32, #tpu.memory_space<vmem>>, vector<16xf32>,
        %mul3A_2535 = vector.broadcast %squeeze3A_2493 : f32 to vector<16xf32>
        %mul3A_2536 = arith.mulf %get3A_2534, %mul3A_2535 : vector<16xf32>
        %add3A_2537 = arith.constant 11 : i32
        %add3A_2538 = arith.addi %add3A_1413, %add3A_2537 : i32
        %swap3A_2539 = arith.index_cast %add3A_2538 : i32 to index
        %swap3A_2540 = arith.constant 48 : index
        %swap3A_2541 = tpu.vector_load %arg21[%swap3A_2539, %swap3A_2540] {strides = array<i32>} : memref<256x128xf32, #tpu.memory_space<vmem>>, vector<16xf32>,
        tpu.vector_store %arg21[%swap3A_2539, %swap3A_2540], %mul3A_2536 {strides = array<i32>} : memref<256x128xf32, #tpu.memory_space<vmem>>, vector<16xf32>,
        %add3A_2542 = arith.constant 11 : i32
        %add3A_2543 = arith.addi %add3A_1413, %add3A_2542 : i32
        %get3A_2544 = arith.index_cast %add3A_2543 : i32 to index
        %get3A_2545 = arith.constant 64 : index
        %get3A_2546 = tpu.vector_load %arg21[%get3A_2544, %get3A_2545] {strides = array<i32>} : memref<256x128xf32, #tpu.memory_space<vmem>>, vector<16xf32>,
        %mul3A_2547 = vector.broadcast %squeeze3A_2493 : f32 to vector<16xf32>
        %mul3A_2548 = arith.mulf %get3A_2546, %mul3A_2547 : vector<16xf32>
        %add3A_2549 = arith.constant 11 : i32
        %add3A_2550 = arith.addi %add3A_1413, %add3A_2549 : i32
        %swap3A_2551 = arith.index_cast %add3A_2550 : i32 to index
        %swap3A_2552 = arith.constant 64 : index
        %swap3A_2553 = tpu.vector_load %arg21[%swap3A_2551, %swap3A_2552] {strides = array<i32>} : memref<256x128xf32, #tpu.memory_space<vmem>>, vector<16xf32>,
        tpu.vector_store %arg21[%swap3A_2551, %swap3A_2552], %mul3A_2548 {strides = array<i32>} : memref<256x128xf32, #tpu.memory_space<vmem>>, vector<16xf32>,
        %add3A_2554 = arith.constant 11 : i32
        %add3A_2555 = arith.addi %add3A_1413, %add3A_2554 : i32
        %get3A_2556 = arith.index_cast %add3A_2555 : i32 to index
        %get3A_2557 = arith.constant 80 : index
        %get3A_2558 = tpu.vector_load %arg21[%get3A_2556, %get3A_2557] {strides = array<i32>} : memref<256x128xf32, #tpu.memory_space<vmem>>, vector<16xf32>,
        %mul3A_2559 = vector.broadcast %squeeze3A_2493 : f32 to vector<16xf32>
        %mul3A_2560 = arith.mulf %get3A_2558, %mul3A_2559 : vector<16xf32>
        %add3A_2561 = arith.constant 11 : i32
        %add3A_2562 = arith.addi %add3A_1413, %add3A_2561 : i32
        %swap3A_2563 = arith.index_cast %add3A_2562 : i32 to index
        %swap3A_2564 = arith.constant 80 : index
        %swap3A_2565 = tpu.vector_load %arg21[%swap3A_2563, %swap3A_2564] {strides = array<i32>} : memref<256x128xf32, #tpu.memory_space<vmem>>, vector<16xf32>,
        tpu.vector_store %arg21[%swap3A_2563, %swap3A_2564], %mul3A_2560 {strides = array<i32>} : memref<256x128xf32, #tpu.memory_space<vmem>>, vector<16xf32>,
        %add3A_2566 = arith.constant 11 : i32
        %add3A_2567 = arith.addi %add3A_1413, %add3A_2566 : i32
        %get3A_2568 = arith.index_cast %add3A_2567 : i32 to index
        %get3A_2569 = arith.constant 96 : index
        %get3A_2570 = tpu.vector_load %arg21[%get3A_2568, %get3A_2569] {strides = array<i32>} : memref<256x128xf32, #tpu.memory_space<vmem>>, vector<16xf32>,
        %mul3A_2571 = vector.broadcast %squeeze3A_2493 : f32 to vector<16xf32>
        %mul3A_2572 = arith.mulf %get3A_2570, %mul3A_2571 : vector<16xf32>
        %add3A_2573 = arith.constant 11 : i32
        %add3A_2574 = arith.addi %add3A_1413, %add3A_2573 : i32
        %swap3A_2575 = arith.index_cast %add3A_2574 : i32 to index
        %swap3A_2576 = arith.constant 96 : index
        %swap3A_2577 = tpu.vector_load %arg21[%swap3A_2575, %swap3A_2576] {strides = array<i32>} : memref<256x128xf32, #tpu.memory_space<vmem>>, vector<16xf32>,
        tpu.vector_store %arg21[%swap3A_2575, %swap3A_2576], %mul3A_2572 {strides = array<i32>} : memref<256x128xf32, #tpu.memory_space<vmem>>, vector<16xf32>,
        %add3A_2578 = arith.constant 11 : i32
        %add3A_2579 = arith.addi %add3A_1413, %add3A_2578 : i32
        %get3A_2580 = arith.index_cast %add3A_2579 : i32 to index
        %get3A_2581 = arith.constant 112 : index
        %get3A_2582 = tpu.vector_load %arg21[%get3A_2580, %get3A_2581] {strides = array<i32>} : memref<256x128xf32, #tpu.memory_space<vmem>>, vector<16xf32>,
        %mul3A_2583 = vector.broadcast %squeeze3A_2493 : f32 to vector<16xf32>
        %mul3A_2584 = arith.mulf %get3A_2582, %mul3A_2583 : vector<16xf32>
        %add3A_2585 = arith.constant 11 : i32
        %add3A_2586 = arith.addi %add3A_1413, %add3A_2585 : i32
        %swap3A_2587 = arith.index_cast %add3A_2586 : i32 to index
        %swap3A_2588 = arith.constant 112 : index
        %swap3A_2589 = tpu.vector_load %arg21[%swap3A_2587, %swap3A_2588] {strides = array<i32>} : memref<256x128xf32, #tpu.memory_space<vmem>>, vector<16xf32>,
        tpu.vector_store %arg21[%swap3A_2587, %swap3A_2588], %mul3A_2584 {strides = array<i32>} : memref<256x128xf32, #tpu.memory_space<vmem>>, vector<16xf32>,
        %slice3A_2590 = vector.extract_strided_slice %exp3A_1407 {offsets = [12], sizes = [1], strides = [1]} : vector<16xf32> to vector<1xf32>
        %squeeze3A_2591 = vector.extract %slice3A_2590[0] : f32 from vector<1xf32>
        %add3A_2592 = arith.constant 12 : i32
        %add3A_2593 = arith.addi %add3A_1413, %add3A_2592 : i32
        %get3A_2594 = arith.index_cast %add3A_2593 : i32 to index
        %get3A_2595 = arith.constant 0 : index
        %get3A_2596 = tpu.vector_load %arg21[%get3A_2594, %get3A_2595] {strides = array<i32>} : memref<256x128xf32, #tpu.memory_space<vmem>>, vector<16xf32>,
        %mul3A_2597 = vector.broadcast %squeeze3A_2591 : f32 to vector<16xf32>
        %mul3A_2598 = arith.mulf %get3A_2596, %mul3A_2597 : vector<16xf32>
        %add3A_2599 = arith.constant 12 : i32
        %add3A_2600 = arith.addi %add3A_1413, %add3A_2599 : i32
        %swap3A_2601 = arith.index_cast %add3A_2600 : i32 to index
        %swap3A_2602 = arith.constant 0 : index
        %swap3A_2603 = tpu.vector_load %arg21[%swap3A_2601, %swap3A_2602] {strides = array<i32>} : memref<256x128xf32, #tpu.memory_space<vmem>>, vector<16xf32>,
        tpu.vector_store %arg21[%swap3A_2601, %swap3A_2602], %mul3A_2598 {strides = array<i32>} : memref<256x128xf32, #tpu.memory_space<vmem>>, vector<16xf32>,
        %add3A_2604 = arith.constant 12 : i32
        %add3A_2605 = arith.addi %add3A_1413, %add3A_2604 : i32
        %get3A_2606 = arith.index_cast %add3A_2605 : i32 to index
        %get3A_2607 = arith.constant 16 : index
        %get3A_2608 = tpu.vector_load %arg21[%get3A_2606, %get3A_2607] {strides = array<i32>} : memref<256x128xf32, #tpu.memory_space<vmem>>, vector<16xf32>,
        %mul3A_2609 = vector.broadcast %squeeze3A_2591 : f32 to vector<16xf32>
        %mul3A_2610 = arith.mulf %get3A_2608, %mul3A_2609 : vector<16xf32>
        %add3A_2611 = arith.constant 12 : i32
        %add3A_2612 = arith.addi %add3A_1413, %add3A_2611 : i32
        %swap3A_2613 = arith.index_cast %add3A_2612 : i32 to index
        %swap3A_2614 = arith.constant 16 : index
        %swap3A_2615 = tpu.vector_load %arg21[%swap3A_2613, %swap3A_2614] {strides = array<i32>} : memref<256x128xf32, #tpu.memory_space<vmem>>, vector<16xf32>,
        tpu.vector_store %arg21[%swap3A_2613, %swap3A_2614], %mul3A_2610 {strides = array<i32>} : memref<256x128xf32, #tpu.memory_space<vmem>>, vector<16xf32>,
        %add3A_2616 = arith.constant 12 : i32
        %add3A_2617 = arith.addi %add3A_1413, %add3A_2616 : i32
        %get3A_2618 = arith.index_cast %add3A_2617 : i32 to index
        %get3A_2619 = arith.constant 32 : index
        %get3A_2620 = tpu.vector_load %arg21[%get3A_2618, %get3A_2619] {strides = array<i32>} : memref<256x128xf32, #tpu.memory_space<vmem>>, vector<16xf32>,
        %mul3A_2621 = vector.broadcast %squeeze3A_2591 : f32 to vector<16xf32>
        %mul3A_2622 = arith.mulf %get3A_2620, %mul3A_2621 : vector<16xf32>
        %add3A_2623 = arith.constant 12 : i32
        %add3A_2624 = arith.addi %add3A_1413, %add3A_2623 : i32
        %swap3A_2625 = arith.index_cast %add3A_2624 : i32 to index
        %swap3A_2626 = arith.constant 32 : index
        %swap3A_2627 = tpu.vector_load %arg21[%swap3A_2625, %swap3A_2626] {strides = array<i32>} : memref<256x128xf32, #tpu.memory_space<vmem>>, vector<16xf32>,
        tpu.vector_store %arg21[%swap3A_2625, %swap3A_2626], %mul3A_2622 {strides = array<i32>} : memref<256x128xf32, #tpu.memory_space<vmem>>, vector<16xf32>,
        %add3A_2628 = arith.constant 12 : i32
        %add3A_2629 = arith.addi %add3A_1413, %add3A_2628 : i32
        %get3A_2630 = arith.index_cast %add3A_2629 : i32 to index
        %get3A_2631 = arith.constant 48 : index
        %get3A_2632 = tpu.vector_load %arg21[%get3A_2630, %get3A_2631] {strides = array<i32>} : memref<256x128xf32, #tpu.memory_space<vmem>>, vector<16xf32>,
        %mul3A_2633 = vector.broadcast %squeeze3A_2591 : f32 to vector<16xf32>
        %mul3A_2634 = arith.mulf %get3A_2632, %mul3A_2633 : vector<16xf32>
        %add3A_2635 = arith.constant 12 : i32
        %add3A_2636 = arith.addi %add3A_1413, %add3A_2635 : i32
        %swap3A_2637 = arith.index_cast %add3A_2636 : i32 to index
        %swap3A_2638 = arith.constant 48 : index
        %swap3A_2639 = tpu.vector_load %arg21[%swap3A_2637, %swap3A_2638] {strides = array<i32>} : memref<256x128xf32, #tpu.memory_space<vmem>>, vector<16xf32>,
        tpu.vector_store %arg21[%swap3A_2637, %swap3A_2638], %mul3A_2634 {strides = array<i32>} : memref<256x128xf32, #tpu.memory_space<vmem>>, vector<16xf32>,
        %add3A_2640 = arith.constant 12 : i32
        %add3A_2641 = arith.addi %add3A_1413, %add3A_2640 : i32
        %get3A_2642 = arith.index_cast %add3A_2641 : i32 to index
        %get3A_2643 = arith.constant 64 : index
        %get3A_2644 = tpu.vector_load %arg21[%get3A_2642, %get3A_2643] {strides = array<i32>} : memref<256x128xf32, #tpu.memory_space<vmem>>, vector<16xf32>,
        %mul3A_2645 = vector.broadcast %squeeze3A_2591 : f32 to vector<16xf32>
        %mul3A_2646 = arith.mulf %get3A_2644, %mul3A_2645 : vector<16xf32>
        %add3A_2647 = arith.constant 12 : i32
        %add3A_2648 = arith.addi %add3A_1413, %add3A_2647 : i32
        %swap3A_2649 = arith.index_cast %add3A_2648 : i32 to index
        %swap3A_2650 = arith.constant 64 : index
        %swap3A_2651 = tpu.vector_load %arg21[%swap3A_2649, %swap3A_2650] {strides = array<i32>} : memref<256x128xf32, #tpu.memory_space<vmem>>, vector<16xf32>,
        tpu.vector_store %arg21[%swap3A_2649, %swap3A_2650], %mul3A_2646 {strides = array<i32>} : memref<256x128xf32, #tpu.memory_space<vmem>>, vector<16xf32>,
        %add3A_2652 = arith.constant 12 : i32
        %add3A_2653 = arith.addi %add3A_1413, %add3A_2652 : i32
        %get3A_2654 = arith.index_cast %add3A_2653 : i32 to index
        %get3A_2655 = arith.constant 80 : index
        %get3A_2656 = tpu.vector_load %arg21[%get3A_2654, %get3A_2655] {strides = array<i32>} : memref<256x128xf32, #tpu.memory_space<vmem>>, vector<16xf32>,
        %mul3A_2657 = vector.broadcast %squeeze3A_2591 : f32 to vector<16xf32>
        %mul3A_2658 = arith.mulf %get3A_2656, %mul3A_2657 : vector<16xf32>
        %add3A_2659 = arith.constant 12 : i32
        %add3A_2660 = arith.addi %add3A_1413, %add3A_2659 : i32
        %swap3A_2661 = arith.index_cast %add3A_2660 : i32 to index
        %swap3A_2662 = arith.constant 80 : index
        %swap3A_2663 = tpu.vector_load %arg21[%swap3A_2661, %swap3A_2662] {strides = array<i32>} : memref<256x128xf32, #tpu.memory_space<vmem>>, vector<16xf32>,
        tpu.vector_store %arg21[%swap3A_2661, %swap3A_2662], %mul3A_2658 {strides = array<i32>} : memref<256x128xf32, #tpu.memory_space<vmem>>, vector<16xf32>,
        %add3A_2664 = arith.constant 12 : i32
        %add3A_2665 = arith.addi %add3A_1413, %add3A_2664 : i32
        %get3A_2666 = arith.index_cast %add3A_2665 : i32 to index
        %get3A_2667 = arith.constant 96 : index
        %get3A_2668 = tpu.vector_load %arg21[%get3A_2666, %get3A_2667] {strides = array<i32>} : memref<256x128xf32, #tpu.memory_space<vmem>>, vector<16xf32>,
        %mul3A_2669 = vector.broadcast %squeeze3A_2591 : f32 to vector<16xf32>
        %mul3A_2670 = arith.mulf %get3A_2668, %mul3A_2669 : vector<16xf32>
        %add3A_2671 = arith.constant 12 : i32
        %add3A_2672 = arith.addi %add3A_1413, %add3A_2671 : i32
        %swap3A_2673 = arith.index_cast %add3A_2672 : i32 to index
        %swap3A_2674 = arith.constant 96 : index
        %swap3A_2675 = tpu.vector_load %arg21[%swap3A_2673, %swap3A_2674] {strides = array<i32>} : memref<256x128xf32, #tpu.memory_space<vmem>>, vector<16xf32>,
        tpu.vector_store %arg21[%swap3A_2673, %swap3A_2674], %mul3A_2670 {strides = array<i32>} : memref<256x128xf32, #tpu.memory_space<vmem>>, vector<16xf32>,
        %add3A_2676 = arith.constant 12 : i32
        %add3A_2677 = arith.addi %add3A_1413, %add3A_2676 : i32
        %get3A_2678 = arith.index_cast %add3A_2677 : i32 to index
        %get3A_2679 = arith.constant 112 : index
        %get3A_2680 = tpu.vector_load %arg21[%get3A_2678, %get3A_2679] {strides = array<i32>} : memref<256x128xf32, #tpu.memory_space<vmem>>, vector<16xf32>,
        %mul3A_2681 = vector.broadcast %squeeze3A_2591 : f32 to vector<16xf32>
        %mul3A_2682 = arith.mulf %get3A_2680, %mul3A_2681 : vector<16xf32>
        %add3A_2683 = arith.constant 12 : i32
        %add3A_2684 = arith.addi %add3A_1413, %add3A_2683 : i32
        %swap3A_2685 = arith.index_cast %add3A_2684 : i32 to index
        %swap3A_2686 = arith.constant 112 : index
        %swap3A_2687 = tpu.vector_load %arg21[%swap3A_2685, %swap3A_2686] {strides = array<i32>} : memref<256x128xf32, #tpu.memory_space<vmem>>, vector<16xf32>,
        tpu.vector_store %arg21[%swap3A_2685, %swap3A_2686], %mul3A_2682 {strides = array<i32>} : memref<256x128xf32, #tpu.memory_space<vmem>>, vector<16xf32>,
        %slice3A_2688 = vector.extract_strided_slice %exp3A_1407 {offsets = [13], sizes = [1], strides = [1]} : vector<16xf32> to vector<1xf32>
        %squeeze3A_2689 = vector.extract %slice3A_2688[0] : f32 from vector<1xf32>
        %add3A_2690 = arith.constant 13 : i32
        %add3A_2691 = arith.addi %add3A_1413, %add3A_2690 : i32
        %get3A_2692 = arith.index_cast %add3A_2691 : i32 to index
        %get3A_2693 = arith.constant 0 : index
        %get3A_2694 = tpu.vector_load %arg21[%get3A_2692, %get3A_2693] {strides = array<i32>} : memref<256x128xf32, #tpu.memory_space<vmem>>, vector<16xf32>,
        %mul3A_2695 = vector.broadcast %squeeze3A_2689 : f32 to vector<16xf32>
        %mul3A_2696 = arith.mulf %get3A_2694, %mul3A_2695 : vector<16xf32>
        %add3A_2697 = arith.constant 13 : i32
        %add3A_2698 = arith.addi %add3A_1413, %add3A_2697 : i32
        %swap3A_2699 = arith.index_cast %add3A_2698 : i32 to index
        %swap3A_2700 = arith.constant 0 : index
        %swap3A_2701 = tpu.vector_load %arg21[%swap3A_2699, %swap3A_2700] {strides = array<i32>} : memref<256x128xf32, #tpu.memory_space<vmem>>, vector<16xf32>,
        tpu.vector_store %arg21[%swap3A_2699, %swap3A_2700], %mul3A_2696 {strides = array<i32>} : memref<256x128xf32, #tpu.memory_space<vmem>>, vector<16xf32>,
        %add3A_2702 = arith.constant 13 : i32
        %add3A_2703 = arith.addi %add3A_1413, %add3A_2702 : i32
        %get3A_2704 = arith.index_cast %add3A_2703 : i32 to index
        %get3A_2705 = arith.constant 16 : index
        %get3A_2706 = tpu.vector_load %arg21[%get3A_2704, %get3A_2705] {strides = array<i32>} : memref<256x128xf32, #tpu.memory_space<vmem>>, vector<16xf32>,
        %mul3A_2707 = vector.broadcast %squeeze3A_2689 : f32 to vector<16xf32>
        %mul3A_2708 = arith.mulf %get3A_2706, %mul3A_2707 : vector<16xf32>
        %add3A_2709 = arith.constant 13 : i32
        %add3A_2710 = arith.addi %add3A_1413, %add3A_2709 : i32
        %swap3A_2711 = arith.index_cast %add3A_2710 : i32 to index
        %swap3A_2712 = arith.constant 16 : index
        %swap3A_2713 = tpu.vector_load %arg21[%swap3A_2711, %swap3A_2712] {strides = array<i32>} : memref<256x128xf32, #tpu.memory_space<vmem>>, vector<16xf32>,
        tpu.vector_store %arg21[%swap3A_2711, %swap3A_2712], %mul3A_2708 {strides = array<i32>} : memref<256x128xf32, #tpu.memory_space<vmem>>, vector<16xf32>,
        %add3A_2714 = arith.constant 13 : i32
        %add3A_2715 = arith.addi %add3A_1413, %add3A_2714 : i32
        %get3A_2716 = arith.index_cast %add3A_2715 : i32 to index
        %get3A_2717 = arith.constant 32 : index
        %get3A_2718 = tpu.vector_load %arg21[%get3A_2716, %get3A_2717] {strides = array<i32>} : memref<256x128xf32, #tpu.memory_space<vmem>>, vector<16xf32>,
        %mul3A_2719 = vector.broadcast %squeeze3A_2689 : f32 to vector<16xf32>
        %mul3A_2720 = arith.mulf %get3A_2718, %mul3A_2719 : vector<16xf32>
        %add3A_2721 = arith.constant 13 : i32
        %add3A_2722 = arith.addi %add3A_1413, %add3A_2721 : i32
        %swap3A_2723 = arith.index_cast %add3A_2722 : i32 to index
        %swap3A_2724 = arith.constant 32 : index
        %swap3A_2725 = tpu.vector_load %arg21[%swap3A_2723, %swap3A_2724] {strides = array<i32>} : memref<256x128xf32, #tpu.memory_space<vmem>>, vector<16xf32>,
        tpu.vector_store %arg21[%swap3A_2723, %swap3A_2724], %mul3A_2720 {strides = array<i32>} : memref<256x128xf32, #tpu.memory_space<vmem>>, vector<16xf32>,
        %add3A_2726 = arith.constant 13 : i32
        %add3A_2727 = arith.addi %add3A_1413, %add3A_2726 : i32
        %get3A_2728 = arith.index_cast %add3A_2727 : i32 to index
        %get3A_2729 = arith.constant 48 : index
        %get3A_2730 = tpu.vector_load %arg21[%get3A_2728, %get3A_2729] {strides = array<i32>} : memref<256x128xf32, #tpu.memory_space<vmem>>, vector<16xf32>,
        %mul3A_2731 = vector.broadcast %squeeze3A_2689 : f32 to vector<16xf32>
        %mul3A_2732 = arith.mulf %get3A_2730, %mul3A_2731 : vector<16xf32>
        %add3A_2733 = arith.constant 13 : i32
        %add3A_2734 = arith.addi %add3A_1413, %add3A_2733 : i32
        %swap3A_2735 = arith.index_cast %add3A_2734 : i32 to index
        %swap3A_2736 = arith.constant 48 : index
        %swap3A_2737 = tpu.vector_load %arg21[%swap3A_2735, %swap3A_2736] {strides = array<i32>} : memref<256x128xf32, #tpu.memory_space<vmem>>, vector<16xf32>,
        tpu.vector_store %arg21[%swap3A_2735, %swap3A_2736], %mul3A_2732 {strides = array<i32>} : memref<256x128xf32, #tpu.memory_space<vmem>>, vector<16xf32>,
        %add3A_2738 = arith.constant 13 : i32
        %add3A_2739 = arith.addi %add3A_1413, %add3A_2738 : i32
        %get3A_2740 = arith.index_cast %add3A_2739 : i32 to index
        %get3A_2741 = arith.constant 64 : index
        %get3A_2742 = tpu.vector_load %arg21[%get3A_2740, %get3A_2741] {strides = array<i32>} : memref<256x128xf32, #tpu.memory_space<vmem>>, vector<16xf32>,
        %mul3A_2743 = vector.broadcast %squeeze3A_2689 : f32 to vector<16xf32>
        %mul3A_2744 = arith.mulf %get3A_2742, %mul3A_2743 : vector<16xf32>
        %add3A_2745 = arith.constant 13 : i32
        %add3A_2746 = arith.addi %add3A_1413, %add3A_2745 : i32
        %swap3A_2747 = arith.index_cast %add3A_2746 : i32 to index
        %swap3A_2748 = arith.constant 64 : index
        %swap3A_2749 = tpu.vector_load %arg21[%swap3A_2747, %swap3A_2748] {strides = array<i32>} : memref<256x128xf32, #tpu.memory_space<vmem>>, vector<16xf32>,
        tpu.vector_store %arg21[%swap3A_2747, %swap3A_2748], %mul3A_2744 {strides = array<i32>} : memref<256x128xf32, #tpu.memory_space<vmem>>, vector<16xf32>,
        %add3A_2750 = arith.constant 13 : i32
        %add3A_2751 = arith.addi %add3A_1413, %add3A_2750 : i32
        %get3A_2752 = arith.index_cast %add3A_2751 : i32 to index
        %get3A_2753 = arith.constant 80 : index
        %get3A_2754 = tpu.vector_load %arg21[%get3A_2752, %get3A_2753] {strides = array<i32>} : memref<256x128xf32, #tpu.memory_space<vmem>>, vector<16xf32>,
        %mul3A_2755 = vector.broadcast %squeeze3A_2689 : f32 to vector<16xf32>
        %mul3A_2756 = arith.mulf %get3A_2754, %mul3A_2755 : vector<16xf32>
        %add3A_2757 = arith.constant 13 : i32
        %add3A_2758 = arith.addi %add3A_1413, %add3A_2757 : i32
        %swap3A_2759 = arith.index_cast %add3A_2758 : i32 to index
        %swap3A_2760 = arith.constant 80 : index
        %swap3A_2761 = tpu.vector_load %arg21[%swap3A_2759, %swap3A_2760] {strides = array<i32>} : memref<256x128xf32, #tpu.memory_space<vmem>>, vector<16xf32>,
        tpu.vector_store %arg21[%swap3A_2759, %swap3A_2760], %mul3A_2756 {strides = array<i32>} : memref<256x128xf32, #tpu.memory_space<vmem>>, vector<16xf32>,
        %add3A_2762 = arith.constant 13 : i32
        %add3A_2763 = arith.addi %add3A_1413, %add3A_2762 : i32
        %get3A_2764 = arith.index_cast %add3A_2763 : i32 to index
        %get3A_2765 = arith.constant 96 : index
        %get3A_2766 = tpu.vector_load %arg21[%get3A_2764, %get3A_2765] {strides = array<i32>} : memref<256x128xf32, #tpu.memory_space<vmem>>, vector<16xf32>,
        %mul3A_2767 = vector.broadcast %squeeze3A_2689 : f32 to vector<16xf32>
        %mul3A_2768 = arith.mulf %get3A_2766, %mul3A_2767 : vector<16xf32>
        %add3A_2769 = arith.constant 13 : i32
        %add3A_2770 = arith.addi %add3A_1413, %add3A_2769 : i32
        %swap3A_2771 = arith.index_cast %add3A_2770 : i32 to index
        %swap3A_2772 = arith.constant 96 : index
        %swap3A_2773 = tpu.vector_load %arg21[%swap3A_2771, %swap3A_2772] {strides = array<i32>} : memref<256x128xf32, #tpu.memory_space<vmem>>, vector<16xf32>,
        tpu.vector_store %arg21[%swap3A_2771, %swap3A_2772], %mul3A_2768 {strides = array<i32>} : memref<256x128xf32, #tpu.memory_space<vmem>>, vector<16xf32>,
        %add3A_2774 = arith.constant 13 : i32
        %add3A_2775 = arith.addi %add3A_1413, %add3A_2774 : i32
        %get3A_2776 = arith.index_cast %add3A_2775 : i32 to index
        %get3A_2777 = arith.constant 112 : index
        %get3A_2778 = tpu.vector_load %arg21[%get3A_2776, %get3A_2777] {strides = array<i32>} : memref<256x128xf32, #tpu.memory_space<vmem>>, vector<16xf32>,
        %mul3A_2779 = vector.broadcast %squeeze3A_2689 : f32 to vector<16xf32>
        %mul3A_2780 = arith.mulf %get3A_2778, %mul3A_2779 : vector<16xf32>
        %add3A_2781 = arith.constant 13 : i32
        %add3A_2782 = arith.addi %add3A_1413, %add3A_2781 : i32
        %swap3A_2783 = arith.index_cast %add3A_2782 : i32 to index
        %swap3A_2784 = arith.constant 112 : index
        %swap3A_2785 = tpu.vector_load %arg21[%swap3A_2783, %swap3A_2784] {strides = array<i32>} : memref<256x128xf32, #tpu.memory_space<vmem>>, vector<16xf32>,
        tpu.vector_store %arg21[%swap3A_2783, %swap3A_2784], %mul3A_2780 {strides = array<i32>} : memref<256x128xf32, #tpu.memory_space<vmem>>, vector<16xf32>,
        %slice3A_2786 = vector.extract_strided_slice %exp3A_1407 {offsets = [14], sizes = [1], strides = [1]} : vector<16xf32> to vector<1xf32>
        %squeeze3A_2787 = vector.extract %slice3A_2786[0] : f32 from vector<1xf32>
        %add3A_2788 = arith.constant 14 : i32
        %add3A_2789 = arith.addi %add3A_1413, %add3A_2788 : i32
        %get3A_2790 = arith.index_cast %add3A_2789 : i32 to index
        %get3A_2791 = arith.constant 0 : index
        %get3A_2792 = tpu.vector_load %arg21[%get3A_2790, %get3A_2791] {strides = array<i32>} : memref<256x128xf32, #tpu.memory_space<vmem>>, vector<16xf32>,
        %mul3A_2793 = vector.broadcast %squeeze3A_2787 : f32 to vector<16xf32>
        %mul3A_2794 = arith.mulf %get3A_2792, %mul3A_2793 : vector<16xf32>
        %add3A_2795 = arith.constant 14 : i32
        %add3A_2796 = arith.addi %add3A_1413, %add3A_2795 : i32
        %swap3A_2797 = arith.index_cast %add3A_2796 : i32 to index
        %swap3A_2798 = arith.constant 0 : index
        %swap3A_2799 = tpu.vector_load %arg21[%swap3A_2797, %swap3A_2798] {strides = array<i32>} : memref<256x128xf32, #tpu.memory_space<vmem>>, vector<16xf32>,
        tpu.vector_store %arg21[%swap3A_2797, %swap3A_2798], %mul3A_2794 {strides = array<i32>} : memref<256x128xf32, #tpu.memory_space<vmem>>, vector<16xf32>,
        %add3A_2800 = arith.constant 14 : i32
        %add3A_2801 = arith.addi %add3A_1413, %add3A_2800 : i32
        %get3A_2802 = arith.index_cast %add3A_2801 : i32 to index
        %get3A_2803 = arith.constant 16 : index
        %get3A_2804 = tpu.vector_load %arg21[%get3A_2802, %get3A_2803] {strides = array<i32>} : memref<256x128xf32, #tpu.memory_space<vmem>>, vector<16xf32>,
        %mul3A_2805 = vector.broadcast %squeeze3A_2787 : f32 to vector<16xf32>
        %mul3A_2806 = arith.mulf %get3A_2804, %mul3A_2805 : vector<16xf32>
        %add3A_2807 = arith.constant 14 : i32
        %add3A_2808 = arith.addi %add3A_1413, %add3A_2807 : i32
        %swap3A_2809 = arith.index_cast %add3A_2808 : i32 to index
        %swap3A_2810 = arith.constant 16 : index
        %swap3A_2811 = tpu.vector_load %arg21[%swap3A_2809, %swap3A_2810] {strides = array<i32>} : memref<256x128xf32, #tpu.memory_space<vmem>>, vector<16xf32>,
        tpu.vector_store %arg21[%swap3A_2809, %swap3A_2810], %mul3A_2806 {strides = array<i32>} : memref<256x128xf32, #tpu.memory_space<vmem>>, vector<16xf32>,
        %add3A_2812 = arith.constant 14 : i32
        %add3A_2813 = arith.addi %add3A_1413, %add3A_2812 : i32
        %get3A_2814 = arith.index_cast %add3A_2813 : i32 to index
        %get3A_2815 = arith.constant 32 : index
        %get3A_2816 = tpu.vector_load %arg21[%get3A_2814, %get3A_2815] {strides = array<i32>} : memref<256x128xf32, #tpu.memory_space<vmem>>, vector<16xf32>,
        %mul3A_2817 = vector.broadcast %squeeze3A_2787 : f32 to vector<16xf32>
        %mul3A_2818 = arith.mulf %get3A_2816, %mul3A_2817 : vector<16xf32>
        %add3A_2819 = arith.constant 14 : i32
        %add3A_2820 = arith.addi %add3A_1413, %add3A_2819 : i32
        %swap3A_2821 = arith.index_cast %add3A_2820 : i32 to index
        %swap3A_2822 = arith.constant 32 : index
        %swap3A_2823 = tpu.vector_load %arg21[%swap3A_2821, %swap3A_2822] {strides = array<i32>} : memref<256x128xf32, #tpu.memory_space<vmem>>, vector<16xf32>,
        tpu.vector_store %arg21[%swap3A_2821, %swap3A_2822], %mul3A_2818 {strides = array<i32>} : memref<256x128xf32, #tpu.memory_space<vmem>>, vector<16xf32>,
        %add3A_2824 = arith.constant 14 : i32
        %add3A_2825 = arith.addi %add3A_1413, %add3A_2824 : i32
        %get3A_2826 = arith.index_cast %add3A_2825 : i32 to index
        %get3A_2827 = arith.constant 48 : index
        %get3A_2828 = tpu.vector_load %arg21[%get3A_2826, %get3A_2827] {strides = array<i32>} : memref<256x128xf32, #tpu.memory_space<vmem>>, vector<16xf32>,
        %mul3A_2829 = vector.broadcast %squeeze3A_2787 : f32 to vector<16xf32>
        %mul3A_2830 = arith.mulf %get3A_2828, %mul3A_2829 : vector<16xf32>
        %add3A_2831 = arith.constant 14 : i32
        %add3A_2832 = arith.addi %add3A_1413, %add3A_2831 : i32
        %swap3A_2833 = arith.index_cast %add3A_2832 : i32 to index
        %swap3A_2834 = arith.constant 48 : index
        %swap3A_2835 = tpu.vector_load %arg21[%swap3A_2833, %swap3A_2834] {strides = array<i32>} : memref<256x128xf32, #tpu.memory_space<vmem>>, vector<16xf32>,
        tpu.vector_store %arg21[%swap3A_2833, %swap3A_2834], %mul3A_2830 {strides = array<i32>} : memref<256x128xf32, #tpu.memory_space<vmem>>, vector<16xf32>,
        %add3A_2836 = arith.constant 14 : i32
        %add3A_2837 = arith.addi %add3A_1413, %add3A_2836 : i32
        %get3A_2838 = arith.index_cast %add3A_2837 : i32 to index
        %get3A_2839 = arith.constant 64 : index
        %get3A_2840 = tpu.vector_load %arg21[%get3A_2838, %get3A_2839] {strides = array<i32>} : memref<256x128xf32, #tpu.memory_space<vmem>>, vector<16xf32>,
        %mul3A_2841 = vector.broadcast %squeeze3A_2787 : f32 to vector<16xf32>
        %mul3A_2842 = arith.mulf %get3A_2840, %mul3A_2841 : vector<16xf32>
        %add3A_2843 = arith.constant 14 : i32
        %add3A_2844 = arith.addi %add3A_1413, %add3A_2843 : i32
        %swap3A_2845 = arith.index_cast %add3A_2844 : i32 to index
        %swap3A_2846 = arith.constant 64 : index
        %swap3A_2847 = tpu.vector_load %arg21[%swap3A_2845, %swap3A_2846] {strides = array<i32>} : memref<256x128xf32, #tpu.memory_space<vmem>>, vector<16xf32>,
        tpu.vector_store %arg21[%swap3A_2845, %swap3A_2846], %mul3A_2842 {strides = array<i32>} : memref<256x128xf32, #tpu.memory_space<vmem>>, vector<16xf32>,
        %add3A_2848 = arith.constant 14 : i32
        %add3A_2849 = arith.addi %add3A_1413, %add3A_2848 : i32
        %get3A_2850 = arith.index_cast %add3A_2849 : i32 to index
        %get3A_2851 = arith.constant 80 : index
        %get3A_2852 = tpu.vector_load %arg21[%get3A_2850, %get3A_2851] {strides = array<i32>} : memref<256x128xf32, #tpu.memory_space<vmem>>, vector<16xf32>,
        %mul3A_2853 = vector.broadcast %squeeze3A_2787 : f32 to vector<16xf32>
        %mul3A_2854 = arith.mulf %get3A_2852, %mul3A_2853 : vector<16xf32>
        %add3A_2855 = arith.constant 14 : i32
        %add3A_2856 = arith.addi %add3A_1413, %add3A_2855 : i32
        %swap3A_2857 = arith.index_cast %add3A_2856 : i32 to index
        %swap3A_2858 = arith.constant 80 : index
        %swap3A_2859 = tpu.vector_load %arg21[%swap3A_2857, %swap3A_2858] {strides = array<i32>} : memref<256x128xf32, #tpu.memory_space<vmem>>, vector<16xf32>,
        tpu.vector_store %arg21[%swap3A_2857, %swap3A_2858], %mul3A_2854 {strides = array<i32>} : memref<256x128xf32, #tpu.memory_space<vmem>>, vector<16xf32>,
        %add3A_2860 = arith.constant 14 : i32
        %add3A_2861 = arith.addi %add3A_1413, %add3A_2860 : i32
        %get3A_2862 = arith.index_cast %add3A_2861 : i32 to index
        %get3A_2863 = arith.constant 96 : index
        %get3A_2864 = tpu.vector_load %arg21[%get3A_2862, %get3A_2863] {strides = array<i32>} : memref<256x128xf32, #tpu.memory_space<vmem>>, vector<16xf32>,
        %mul3A_2865 = vector.broadcast %squeeze3A_2787 : f32 to vector<16xf32>
        %mul3A_2866 = arith.mulf %get3A_2864, %mul3A_2865 : vector<16xf32>
        %add3A_2867 = arith.constant 14 : i32
        %add3A_2868 = arith.addi %add3A_1413, %add3A_2867 : i32
        %swap3A_2869 = arith.index_cast %add3A_2868 : i32 to index
        %swap3A_2870 = arith.constant 96 : index
        %swap3A_2871 = tpu.vector_load %arg21[%swap3A_2869, %swap3A_2870] {strides = array<i32>} : memref<256x128xf32, #tpu.memory_space<vmem>>, vector<16xf32>,
        tpu.vector_store %arg21[%swap3A_2869, %swap3A_2870], %mul3A_2866 {strides = array<i32>} : memref<256x128xf32, #tpu.memory_space<vmem>>, vector<16xf32>,
        %add3A_2872 = arith.constant 14 : i32
        %add3A_2873 = arith.addi %add3A_1413, %add3A_2872 : i32
        %get3A_2874 = arith.index_cast %add3A_2873 : i32 to index
        %get3A_2875 = arith.constant 112 : index
        %get3A_2876 = tpu.vector_load %arg21[%get3A_2874, %get3A_2875] {strides = array<i32>} : memref<256x128xf32, #tpu.memory_space<vmem>>, vector<16xf32>,
        %mul3A_2877 = vector.broadcast %squeeze3A_2787 : f32 to vector<16xf32>
        %mul3A_2878 = arith.mulf %get3A_2876, %mul3A_2877 : vector<16xf32>
        %add3A_2879 = arith.constant 14 : i32
        %add3A_2880 = arith.addi %add3A_1413, %add3A_2879 : i32
        %swap3A_2881 = arith.index_cast %add3A_2880 : i32 to index
        %swap3A_2882 = arith.constant 112 : index
        %swap3A_2883 = tpu.vector_load %arg21[%swap3A_2881, %swap3A_2882] {strides = array<i32>} : memref<256x128xf32, #tpu.memory_space<vmem>>, vector<16xf32>,
        tpu.vector_store %arg21[%swap3A_2881, %swap3A_2882], %mul3A_2878 {strides = array<i32>} : memref<256x128xf32, #tpu.memory_space<vmem>>, vector<16xf32>,
        %slice3A_2884 = vector.extract_strided_slice %exp3A_1407 {offsets = [15], sizes = [1], strides = [1]} : vector<16xf32> to vector<1xf32>
        %squeeze3A_2885 = vector.extract %slice3A_2884[0] : f32 from vector<1xf32>
        %add3A_2886 = arith.constant 15 : i32
        %add3A_2887 = arith.addi %add3A_1413, %add3A_2886 : i32
        %get3A_2888 = arith.index_cast %add3A_2887 : i32 to index
        %get3A_2889 = arith.constant 0 : index
        %get3A_2890 = tpu.vector_load %arg21[%get3A_2888, %get3A_2889] {strides = array<i32>} : memref<256x128xf32, #tpu.memory_space<vmem>>, vector<16xf32>,
        %mul3A_2891 = vector.broadcast %squeeze3A_2885 : f32 to vector<16xf32>
        %mul3A_2892 = arith.mulf %get3A_2890, %mul3A_2891 : vector<16xf32>
        %add3A_2893 = arith.constant 15 : i32
        %add3A_2894 = arith.addi %add3A_1413, %add3A_2893 : i32
        %swap3A_2895 = arith.index_cast %add3A_2894 : i32 to index
        %swap3A_2896 = arith.constant 0 : index
        %swap3A_2897 = tpu.vector_load %arg21[%swap3A_2895, %swap3A_2896] {strides = array<i32>} : memref<256x128xf32, #tpu.memory_space<vmem>>, vector<16xf32>,
        tpu.vector_store %arg21[%swap3A_2895, %swap3A_2896], %mul3A_2892 {strides = array<i32>} : memref<256x128xf32, #tpu.memory_space<vmem>>, vector<16xf32>,
        %add3A_2898 = arith.constant 15 : i32
        %add3A_2899 = arith.addi %add3A_1413, %add3A_2898 : i32
        %get3A_2900 = arith.index_cast %add3A_2899 : i32 to index
        %get3A_2901 = arith.constant 16 : index
        %get3A_2902 = tpu.vector_load %arg21[%get3A_2900, %get3A_2901] {strides = array<i32>} : memref<256x128xf32, #tpu.memory_space<vmem>>, vector<16xf32>,
        %mul3A_2903 = vector.broadcast %squeeze3A_2885 : f32 to vector<16xf32>
        %mul3A_2904 = arith.mulf %get3A_2902, %mul3A_2903 : vector<16xf32>
        %add3A_2905 = arith.constant 15 : i32
        %add3A_2906 = arith.addi %add3A_1413, %add3A_2905 : i32
        %swap3A_2907 = arith.index_cast %add3A_2906 : i32 to index
        %swap3A_2908 = arith.constant 16 : index
        %swap3A_2909 = tpu.vector_load %arg21[%swap3A_2907, %swap3A_2908] {strides = array<i32>} : memref<256x128xf32, #tpu.memory_space<vmem>>, vector<16xf32>,
        tpu.vector_store %arg21[%swap3A_2907, %swap3A_2908], %mul3A_2904 {strides = array<i32>} : memref<256x128xf32, #tpu.memory_space<vmem>>, vector<16xf32>,
        %add3A_2910 = arith.constant 15 : i32
        %add3A_2911 = arith.addi %add3A_1413, %add3A_2910 : i32
        %get3A_2912 = arith.index_cast %add3A_2911 : i32 to index
        %get3A_2913 = arith.constant 32 : index
        %get3A_2914 = tpu.vector_load %arg21[%get3A_2912, %get3A_2913] {strides = array<i32>} : memref<256x128xf32, #tpu.memory_space<vmem>>, vector<16xf32>,
        %mul3A_2915 = vector.broadcast %squeeze3A_2885 : f32 to vector<16xf32>
        %mul3A_2916 = arith.mulf %get3A_2914, %mul3A_2915 : vector<16xf32>
        %add3A_2917 = arith.constant 15 : i32
        %add3A_2918 = arith.addi %add3A_1413, %add3A_2917 : i32
        %swap3A_2919 = arith.index_cast %add3A_2918 : i32 to index
        %swap3A_2920 = arith.constant 32 : index
        %swap3A_2921 = tpu.vector_load %arg21[%swap3A_2919, %swap3A_2920] {strides = array<i32>} : memref<256x128xf32, #tpu.memory_space<vmem>>, vector<16xf32>,
        tpu.vector_store %arg21[%swap3A_2919, %swap3A_2920], %mul3A_2916 {strides = array<i32>} : memref<256x128xf32, #tpu.memory_space<vmem>>, vector<16xf32>,
        %add3A_2922 = arith.constant 15 : i32
        %add3A_2923 = arith.addi %add3A_1413, %add3A_2922 : i32
        %get3A_2924 = arith.index_cast %add3A_2923 : i32 to index
        %get3A_2925 = arith.constant 48 : index
        %get3A_2926 = tpu.vector_load %arg21[%get3A_2924, %get3A_2925] {strides = array<i32>} : memref<256x128xf32, #tpu.memory_space<vmem>>, vector<16xf32>,
        %mul3A_2927 = vector.broadcast %squeeze3A_2885 : f32 to vector<16xf32>
        %mul3A_2928 = arith.mulf %get3A_2926, %mul3A_2927 : vector<16xf32>
        %add3A_2929 = arith.constant 15 : i32
        %add3A_2930 = arith.addi %add3A_1413, %add3A_2929 : i32
        %swap3A_2931 = arith.index_cast %add3A_2930 : i32 to index
        %swap3A_2932 = arith.constant 48 : index
        %swap3A_2933 = tpu.vector_load %arg21[%swap3A_2931, %swap3A_2932] {strides = array<i32>} : memref<256x128xf32, #tpu.memory_space<vmem>>, vector<16xf32>,
        tpu.vector_store %arg21[%swap3A_2931, %swap3A_2932], %mul3A_2928 {strides = array<i32>} : memref<256x128xf32, #tpu.memory_space<vmem>>, vector<16xf32>,
        %add3A_2934 = arith.constant 15 : i32
        %add3A_2935 = arith.addi %add3A_1413, %add3A_2934 : i32
        %get3A_2936 = arith.index_cast %add3A_2935 : i32 to index
        %get3A_2937 = arith.constant 64 : index
        %get3A_2938 = tpu.vector_load %arg21[%get3A_2936, %get3A_2937] {strides = array<i32>} : memref<256x128xf32, #tpu.memory_space<vmem>>, vector<16xf32>,
        %mul3A_2939 = vector.broadcast %squeeze3A_2885 : f32 to vector<16xf32>
        %mul3A_2940 = arith.mulf %get3A_2938, %mul3A_2939 : vector<16xf32>
        %add3A_2941 = arith.constant 15 : i32
        %add3A_2942 = arith.addi %add3A_1413, %add3A_2941 : i32
        %swap3A_2943 = arith.index_cast %add3A_2942 : i32 to index
        %swap3A_2944 = arith.constant 64 : index
        %swap3A_2945 = tpu.vector_load %arg21[%swap3A_2943, %swap3A_2944] {strides = array<i32>} : memref<256x128xf32, #tpu.memory_space<vmem>>, vector<16xf32>,
        tpu.vector_store %arg21[%swap3A_2943, %swap3A_2944], %mul3A_2940 {strides = array<i32>} : memref<256x128xf32, #tpu.memory_space<vmem>>, vector<16xf32>,
        %add3A_2946 = arith.constant 15 : i32
        %add3A_2947 = arith.addi %add3A_1413, %add3A_2946 : i32
        %get3A_2948 = arith.index_cast %add3A_2947 : i32 to index
        %get3A_2949 = arith.constant 80 : index
        %get3A_2950 = tpu.vector_load %arg21[%get3A_2948, %get3A_2949] {strides = array<i32>} : memref<256x128xf32, #tpu.memory_space<vmem>>, vector<16xf32>,
        %mul3A_2951 = vector.broadcast %squeeze3A_2885 : f32 to vector<16xf32>
        %mul3A_2952 = arith.mulf %get3A_2950, %mul3A_2951 : vector<16xf32>
        %add3A_2953 = arith.constant 15 : i32
        %add3A_2954 = arith.addi %add3A_1413, %add3A_2953 : i32
        %swap3A_2955 = arith.index_cast %add3A_2954 : i32 to index
        %swap3A_2956 = arith.constant 80 : index
        %swap3A_2957 = tpu.vector_load %arg21[%swap3A_2955, %swap3A_2956] {strides = array<i32>} : memref<256x128xf32, #tpu.memory_space<vmem>>, vector<16xf32>,
        tpu.vector_store %arg21[%swap3A_2955, %swap3A_2956], %mul3A_2952 {strides = array<i32>} : memref<256x128xf32, #tpu.memory_space<vmem>>, vector<16xf32>,
        %add3A_2958 = arith.constant 15 : i32
        %add3A_2959 = arith.addi %add3A_1413, %add3A_2958 : i32
        %get3A_2960 = arith.index_cast %add3A_2959 : i32 to index
        %get3A_2961 = arith.constant 96 : index
        %get3A_2962 = tpu.vector_load %arg21[%get3A_2960, %get3A_2961] {strides = array<i32>} : memref<256x128xf32, #tpu.memory_space<vmem>>, vector<16xf32>,
        %mul3A_2963 = vector.broadcast %squeeze3A_2885 : f32 to vector<16xf32>
        %mul3A_2964 = arith.mulf %get3A_2962, %mul3A_2963 : vector<16xf32>
        %add3A_2965 = arith.constant 15 : i32
        %add3A_2966 = arith.addi %add3A_1413, %add3A_2965 : i32
        %swap3A_2967 = arith.index_cast %add3A_2966 : i32 to index
        %swap3A_2968 = arith.constant 96 : index
        %swap3A_2969 = tpu.vector_load %arg21[%swap3A_2967, %swap3A_2968] {strides = array<i32>} : memref<256x128xf32, #tpu.memory_space<vmem>>, vector<16xf32>,
        tpu.vector_store %arg21[%swap3A_2967, %swap3A_2968], %mul3A_2964 {strides = array<i32>} : memref<256x128xf32, #tpu.memory_space<vmem>>, vector<16xf32>,
        %add3A_2970 = arith.constant 15 : i32
        %add3A_2971 = arith.addi %add3A_1413, %add3A_2970 : i32
        %get3A_2972 = arith.index_cast %add3A_2971 : i32 to index
        %get3A_2973 = arith.constant 112 : index
        %get3A_2974 = tpu.vector_load %arg21[%get3A_2972, %get3A_2973] {strides = array<i32>} : memref<256x128xf32, #tpu.memory_space<vmem>>, vector<16xf32>,
        %mul3A_2975 = vector.broadcast %squeeze3A_2885 : f32 to vector<16xf32>
        %mul3A_2976 = arith.mulf %get3A_2974, %mul3A_2975 : vector<16xf32>
        %add3A_2977 = arith.constant 15 : i32
        %add3A_2978 = arith.addi %add3A_1413, %add3A_2977 : i32
        %swap3A_2979 = arith.index_cast %add3A_2978 : i32 to index
        %swap3A_2980 = arith.constant 112 : index
        %swap3A_2981 = tpu.vector_load %arg21[%swap3A_2979, %swap3A_2980] {strides = array<i32>} : memref<256x128xf32, #tpu.memory_space<vmem>>, vector<16xf32>,
        tpu.vector_store %arg21[%swap3A_2979, %swap3A_2980], %mul3A_2976 {strides = array<i32>} : memref<256x128xf32, #tpu.memory_space<vmem>>, vector<16xf32>,
      }
      %scan3A_1392 = arith.constant 8 : i32
      "tpu.region"() ({
        %run_scoped3A = tpu.sem_alloc : memref<!tpu.dma_semaphore, #tpu.memory_space<semaphore_mem>>
        %dma_start3A_1393 = arith.constant 128 : i32
        %dma_start3A_1394 = arith.constant 0 : i32
        %dma_start3A_1395 = tpu.memref_slice %arg21[%dma_start3A_1393, %dma_start3A_1394] : memref<256x128xf32, #tpu.memory_space<vmem>> -> memref<128x128xf32, #tpu.memory_space<vmem>>
        %dma_start3A_1396 = arith.constant 0 : i32
        %dma_start3A_1397 = arith.constant 0 : i32
        %dma_start3A_1398 = tpu.memref_slice %arg31[%dma_start3A_1396, %dma_start3A_1397] : memref<10112x128xf32, #tpu.memory_space<vmem_shared>> -> memref<10112x128xf32, #tpu.memory_space<vmem_shared>>
        tpu.enqueue_indirect_dma source(%dma_start3A_1395 : memref<128x128xf32, #tpu.memory_space<vmem>>) target(%dma_start3A_1398 : memref<10112x128xf32, #tpu.memory_space<vmem_shared>>) offsets(%arg16 : memref<128xi32, #tpu.memory_space<vmem>>) semaphore(%run_scoped3A : memref<!tpu.dma_semaphore, #tpu.memory_space<semaphore_mem>>) {add = true}
        %dma_wait3A_1399 = arith.constant 128 : i32
        %dma_wait3A_1400 = arith.constant 0 : i32
        %dma_wait3A_1401 = tpu.memref_slice %arg21[%dma_wait3A_1399, %dma_wait3A_1400] : memref<256x128xf32, #tpu.memory_space<vmem>> -> memref<128x128xf32, #tpu.memory_space<vmem>>
        %dma_wait3A_1402 = arith.constant 0 : i32
        %dma_wait3A_1403 = arith.constant 0 : i32
        %dma_wait3A_1404 = tpu.memref_slice %arg31[%dma_wait3A_1402, %dma_wait3A_1403] : memref<10112x128xf32, #tpu.memory_space<vmem_shared>> -> memref<10112x128xf32, #tpu.memory_space<vmem_shared>>
        tpu.wait_indirect_dma semaphore(%run_scoped3A : memref<!tpu.dma_semaphore, #tpu.memory_space<semaphore_mem>>) src(%dma_wait3A_1401 : memref<128x128xf32, #tpu.memory_space<vmem>>) dst(%dma_wait3A_1404 : memref<10112x128xf32, #tpu.memory_space<vmem_shared>>)
        tpu.yield
      }) : () -> ()
      "tpu.region"() ({
        %run_scoped3A = tpu.sem_alloc : memref<!tpu.dma_semaphore, #tpu.memory_space<semaphore_mem>>
        %dma_start3A_1393 = arith.constant 128 : i32
        %dma_start3A_1394 = tpu.memref_slice %arg20[%dma_start3A_1393] : memref<256xf32, #tpu.memory_space<vmem>> -> memref<128xf32, #tpu.memory_space<vmem>>
        %dma_start3A_1395 = arith.constant 0 : i32
        %dma_start3A_1396 = tpu.memref_slice %arg32[%dma_start3A_1395] : memref<10112xf32, #tpu.memory_space<vmem_shared>> -> memref<10112xf32, #tpu.memory_space<vmem_shared>>
        tpu.enqueue_indirect_dma source(%dma_start3A_1394 : memref<128xf32, #tpu.memory_space<vmem>>) target(%dma_start3A_1396 : memref<10112xf32, #tpu.memory_space<vmem_shared>>) offsets(%arg16 : memref<128xi32, #tpu.memory_space<vmem>>) semaphore(%run_scoped3A : memref<!tpu.dma_semaphore, #tpu.memory_space<semaphore_mem>>) {add = true}
        %dma_wait3A_1397 = arith.constant 128 : i32
        %dma_wait3A_1398 = tpu.memref_slice %arg20[%dma_wait3A_1397] : memref<256xf32, #tpu.memory_space<vmem>> -> memref<128xf32, #tpu.memory_space<vmem>>
        %dma_wait3A_1399 = arith.constant 0 : i32
        %dma_wait3A_1400 = tpu.memref_slice %arg32[%dma_wait3A_1399] : memref<10112xf32, #tpu.memory_space<vmem_shared>> -> memref<10112xf32, #tpu.memory_space<vmem_shared>>
        tpu.wait_indirect_dma semaphore(%run_scoped3A : memref<!tpu.dma_semaphore, #tpu.memory_space<semaphore_mem>>) src(%dma_wait3A_1398 : memref<128xf32, #tpu.memory_space<vmem>>) dst(%dma_wait3A_1400 : memref<10112xf32, #tpu.memory_space<vmem_shared>>)
        tpu.yield
      }) : () -> ()
    }
    %scan3A_13 = arith.constant 39 : i32
    %add3A_14 = arith.constant 9984 : i32
    %add3A_15 = arith.addi %mul3A_4, %add3A_14 : i32
    "tpu.region"() ({
      %run_scoped3A = tpu.sem_alloc : memref<!tpu.dma_semaphore, #tpu.memory_space<semaphore_mem>>
      %dma_start3A = tpu.memref_slice %arg3[%add3A_15] : memref<640000xi32, #tpu.memory_space<hbm>> -> memref<16xi32, #tpu.memory_space<hbm>>
      %dma_start3A_1342 = tpu.memref_slice %arg3[%add3A_15] : memref<640000xi32, #tpu.memory_space<hbm>> -> memref<16xi32, #tpu.memory_space<hbm>>
      tpu.enqueue_dma source(%dma_start3A_1342 : memref<16xi32, #tpu.memory_space<hbm>>) target(%arg22 : memref<16xi32, #tpu.memory_space<vmem>>) target_semaphore(%run_scoped3A : memref<!tpu.dma_semaphore, #tpu.memory_space<semaphore_mem>>)
      %dma_wait3A = tpu.memref_slice %arg3[%add3A_15] : memref<640000xi32, #tpu.memory_space<hbm>> -> memref<16xi32, #tpu.memory_space<hbm>>
      %dma_wait3A_1343 = tpu.memref_slice %arg3[%add3A_15] : memref<640000xi32, #tpu.memory_space<hbm>> -> memref<16xi32, #tpu.memory_space<hbm>>
      tpu.wait_dma2 semaphore(%run_scoped3A : memref<!tpu.dma_semaphore, #tpu.memory_space<semaphore_mem>>) src(%dma_wait3A_1343 : memref<16xi32, #tpu.memory_space<hbm>>) dst(%arg22 : memref<16xi32, #tpu.memory_space<vmem>>)
      tpu.yield
    }) : () -> ()
    %add3A_16 = arith.constant 320000 : i32
    %add3A_17 = arith.addi %add3A_16, %add3A_15 : i32
    "tpu.region"() ({
      %run_scoped3A = tpu.sem_alloc : memref<!tpu.dma_semaphore, #tpu.memory_space<semaphore_mem>>
      %dma_start3A = tpu.memref_slice %arg3[%add3A_17] : memref<640000xi32, #tpu.memory_space<hbm>> -> memref<16xi32, #tpu.memory_space<hbm>>
      %dma_start3A_1342 = tpu.memref_slice %arg3[%add3A_17] : memref<640000xi32, #tpu.memory_space<hbm>> -> memref<16xi32, #tpu.memory_space<hbm>>
      tpu.enqueue_dma source(%dma_start3A_1342 : memref<16xi32, #tpu.memory_space<hbm>>) target(%arg23 : memref<16xi32, #tpu.memory_space<vmem>>) target_semaphore(%run_scoped3A : memref<!tpu.dma_semaphore, #tpu.memory_space<semaphore_mem>>)
      %dma_wait3A = tpu.memref_slice %arg3[%add3A_17] : memref<640000xi32, #tpu.memory_space<hbm>> -> memref<16xi32, #tpu.memory_space<hbm>>
      %dma_wait3A_1343 = tpu.memref_slice %arg3[%add3A_17] : memref<640000xi32, #tpu.memory_space<hbm>> -> memref<16xi32, #tpu.memory_space<hbm>>
      tpu.wait_dma2 semaphore(%run_scoped3A : memref<!tpu.dma_semaphore, #tpu.memory_space<semaphore_mem>>) src(%dma_wait3A_1343 : memref<16xi32, #tpu.memory_space<hbm>>) dst(%arg23 : memref<16xi32, #tpu.memory_space<vmem>>)
      tpu.yield
    }) : () -> ()
    "tpu.region"() ({
      %run_scoped3A = tpu.sem_alloc : memref<!tpu.dma_semaphore, #tpu.memory_space<semaphore_mem>>
      %dma_start3A = tpu.memref_slice %arg4[%add3A_15] : memref<320000xi32, #tpu.memory_space<hbm>> -> memref<16xi32, #tpu.memory_space<hbm>>
      %dma_start3A_1342 = tpu.memref_slice %arg4[%add3A_15] : memref<320000xi32, #tpu.memory_space<hbm>> -> memref<16xi32, #tpu.memory_space<hbm>>
      tpu.enqueue_dma source(%dma_start3A_1342 : memref<16xi32, #tpu.memory_space<hbm>>) target(%arg24 : memref<16xi32, #tpu.memory_space<vmem>>) target_semaphore(%run_scoped3A : memref<!tpu.dma_semaphore, #tpu.memory_space<semaphore_mem>>)
      %dma_wait3A = tpu.memref_slice %arg4[%add3A_15] : memref<320000xi32, #tpu.memory_space<hbm>> -> memref<16xi32, #tpu.memory_space<hbm>>
      %dma_wait3A_1343 = tpu.memref_slice %arg4[%add3A_15] : memref<320000xi32, #tpu.memory_space<hbm>> -> memref<16xi32, #tpu.memory_space<hbm>>
      tpu.wait_dma2 semaphore(%run_scoped3A : memref<!tpu.dma_semaphore, #tpu.memory_space<semaphore_mem>>) src(%dma_wait3A_1343 : memref<16xi32, #tpu.memory_space<hbm>>) dst(%arg24 : memref<16xi32, #tpu.memory_space<vmem>>)
      tpu.yield
    }) : () -> ()
    "tpu.region"() ({
      %run_scoped3A = tpu.sem_alloc : memref<!tpu.dma_semaphore, #tpu.memory_space<semaphore_mem>>
      %dma_start3A = arith.constant 0 : i32
      %dma_start3A_1342 = arith.constant 0 : i32
      %dma_start3A_1343 = tpu.memref_slice %arg2[%dma_start3A, %dma_start3A_1342] : memref<10000x128xf32, #tpu.memory_space<hbm>> -> memref<10000x128xf32, #tpu.memory_space<hbm>>
      tpu.enqueue_indirect_dma source(%dma_start3A_1343 : memref<10000x128xf32, #tpu.memory_space<hbm>>) target(%arg25 : memref<16x128xf32, #tpu.memory_space<vmem>>) offsets(%arg22 : memref<16xi32, #tpu.memory_space<vmem>>) semaphore(%run_scoped3A : memref<!tpu.dma_semaphore, #tpu.memory_space<semaphore_mem>>)
      %dma_wait3A = arith.constant 0 : i32
      %dma_wait3A_1344 = arith.constant 0 : i32
      %dma_wait3A_1345 = tpu.memref_slice %arg2[%dma_wait3A, %dma_wait3A_1344] : memref<10000x128xf32, #tpu.memory_space<hbm>> -> memref<10000x128xf32, #tpu.memory_space<hbm>>
      tpu.wait_indirect_dma semaphore(%run_scoped3A : memref<!tpu.dma_semaphore, #tpu.memory_space<semaphore_mem>>) src(%dma_wait3A_1345 : memref<10000x128xf32, #tpu.memory_space<hbm>>) dst(%arg25 : memref<16x128xf32, #tpu.memory_space<vmem>>)
      tpu.yield
    }) : () -> ()
    %get3A = arith.constant 0 : index
    %get3A_18 = tpu.vector_load %arg24[%get3A] {strides = array<i32>} : memref<16xi32, #tpu.memory_space<vmem>>, vector<16xi32>,
    "tpu.region"() ({
      %run_scoped3A = tpu.sem_alloc : memref<!tpu.dma_semaphore, #tpu.memory_space<semaphore_mem>>
      %dma_start3A = arith.constant 0 : i32
      %dma_start3A_1342 = tpu.memref_slice %arg29[%dma_start3A] : memref<10112xf32, #tpu.memory_space<vmem_shared>> -> memref<10112xf32, #tpu.memory_space<vmem_shared>>
      tpu.enqueue_indirect_dma source(%dma_start3A_1342 : memref<10112xf32, #tpu.memory_space<vmem_shared>>) target(%arg27 : memref<16xf32, #tpu.memory_space<vmem>>) offsets(%arg22 : memref<16xi32, #tpu.memory_space<vmem>>) semaphore(%run_scoped3A : memref<!tpu.dma_semaphore, #tpu.memory_space<semaphore_mem>>)
      %dma_wait3A = arith.constant 0 : i32
      %dma_wait3A_1343 = tpu.memref_slice %arg29[%dma_wait3A] : memref<10112xf32, #tpu.memory_space<vmem_shared>> -> memref<10112xf32, #tpu.memory_space<vmem_shared>>
      tpu.wait_indirect_dma semaphore(%run_scoped3A : memref<!tpu.dma_semaphore, #tpu.memory_space<semaphore_mem>>) src(%dma_wait3A_1343 : memref<10112xf32, #tpu.memory_space<vmem_shared>>) dst(%arg27 : memref<16xf32, #tpu.memory_space<vmem>>)
      tpu.yield
    }) : () -> ()
    "tpu.region"() ({
      %run_scoped3A = tpu.sem_alloc : memref<!tpu.dma_semaphore, #tpu.memory_space<semaphore_mem>>
      %dma_start3A = arith.constant 0 : i32
      %dma_start3A_1342 = tpu.memref_slice %arg30[%dma_start3A] : memref<10112xf32, #tpu.memory_space<vmem_shared>> -> memref<10112xf32, #tpu.memory_space<vmem_shared>>
      tpu.enqueue_indirect_dma source(%dma_start3A_1342 : memref<10112xf32, #tpu.memory_space<vmem_shared>>) target(%arg28 : memref<16xf32, #tpu.memory_space<vmem>>) offsets(%arg23 : memref<16xi32, #tpu.memory_space<vmem>>) semaphore(%run_scoped3A : memref<!tpu.dma_semaphore, #tpu.memory_space<semaphore_mem>>)
      %dma_wait3A = arith.constant 0 : i32
      %dma_wait3A_1343 = tpu.memref_slice %arg30[%dma_wait3A] : memref<10112xf32, #tpu.memory_space<vmem_shared>> -> memref<10112xf32, #tpu.memory_space<vmem_shared>>
      tpu.wait_indirect_dma semaphore(%run_scoped3A : memref<!tpu.dma_semaphore, #tpu.memory_space<semaphore_mem>>) src(%dma_wait3A_1343 : memref<10112xf32, #tpu.memory_space<vmem_shared>>) dst(%arg28 : memref<16xf32, #tpu.memory_space<vmem>>)
      tpu.yield
    }) : () -> ()
    %get3A_19 = arith.constant 0 : index
    %get3A_20 = tpu.vector_load %arg27[%get3A_19] {strides = array<i32>} : memref<16xf32, #tpu.memory_space<vmem>>, vector<16xf32>,
    %get3A_21 = arith.constant 0 : index
    %get3A_22 = tpu.vector_load %arg28[%get3A_21] {strides = array<i32>} : memref<16xf32, #tpu.memory_space<vmem>>, vector<16xf32>,
    %add3A_23 = arith.addf %get3A_20, %get3A_22 : vector<16xf32>
    %gather3A = tpu.vector_load_idx %arg12[%get3A_18] : memref<16xf32, #tpu.memory_space<vmem>>[vector<16xi32>], vector<16xf32>,
    %add3A_24 = arith.addf %add3A_23, %gather3A : vector<16xf32>
    %exp3A = math.exp %add3A_24 : vector<16xf32>
    %swap3A = arith.constant 0 : index
    %swap3A_25 = tpu.vector_load %arg26[%swap3A] {strides = array<i32>} : memref<16xf32, #tpu.memory_space<vmem>>, vector<16xf32>,
    tpu.vector_store %arg26[%swap3A], %exp3A {strides = array<i32>} : memref<16xf32, #tpu.memory_space<vmem>>, vector<16xf32>,
    %slice3A = vector.extract_strided_slice %exp3A {offsets = [0], sizes = [1], strides = [1]} : vector<16xf32> to vector<1xf32>
    %squeeze3A = vector.extract %slice3A[0] : f32 from vector<1xf32>
    %get3A_26 = arith.constant 0 : i32
    %get3A_27 = arith.index_cast %get3A_26 : i32 to index
    %get3A_28 = arith.constant 0 : index
    %get3A_29 = tpu.vector_load %arg25[%get3A_27, %get3A_28] {strides = array<i32>} : memref<16x128xf32, #tpu.memory_space<vmem>>, vector<16xf32>,
    %mul3A_30 = vector.broadcast %squeeze3A : f32 to vector<16xf32>
    %mul3A_31 = arith.mulf %get3A_29, %mul3A_30 : vector<16xf32>
    %swap3A_32 = arith.constant 0 : i32
    %swap3A_33 = arith.index_cast %swap3A_32 : i32 to index
    %swap3A_34 = arith.constant 0 : index
    %swap3A_35 = tpu.vector_load %arg25[%swap3A_33, %swap3A_34] {strides = array<i32>} : memref<16x128xf32, #tpu.memory_space<vmem>>, vector<16xf32>,
    tpu.vector_store %arg25[%swap3A_33, %swap3A_34], %mul3A_31 {strides = array<i32>} : memref<16x128xf32, #tpu.memory_space<vmem>>, vector<16xf32>,
    %get3A_36 = arith.constant 0 : i32
    %get3A_37 = arith.index_cast %get3A_36 : i32 to index
    %get3A_38 = arith.constant 16 : index
    %get3A_39 = tpu.vector_load %arg25[%get3A_37, %get3A_38] {strides = array<i32>} : memref<16x128xf32, #tpu.memory_space<vmem>>, vector<16xf32>,
    %mul3A_40 = vector.broadcast %squeeze3A : f32 to vector<16xf32>
    %mul3A_41 = arith.mulf %get3A_39, %mul3A_40 : vector<16xf32>
    %swap3A_42 = arith.constant 0 : i32
    %swap3A_43 = arith.index_cast %swap3A_42 : i32 to index
    %swap3A_44 = arith.constant 16 : index
    %swap3A_45 = tpu.vector_load %arg25[%swap3A_43, %swap3A_44] {strides = array<i32>} : memref<16x128xf32, #tpu.memory_space<vmem>>, vector<16xf32>,
    tpu.vector_store %arg25[%swap3A_43, %swap3A_44], %mul3A_41 {strides = array<i32>} : memref<16x128xf32, #tpu.memory_space<vmem>>, vector<16xf32>,
    %get3A_46 = arith.constant 0 : i32
    %get3A_47 = arith.index_cast %get3A_46 : i32 to index
    %get3A_48 = arith.constant 32 : index
    %get3A_49 = tpu.vector_load %arg25[%get3A_47, %get3A_48] {strides = array<i32>} : memref<16x128xf32, #tpu.memory_space<vmem>>, vector<16xf32>,
    %mul3A_50 = vector.broadcast %squeeze3A : f32 to vector<16xf32>
    %mul3A_51 = arith.mulf %get3A_49, %mul3A_50 : vector<16xf32>
    %swap3A_52 = arith.constant 0 : i32
    %swap3A_53 = arith.index_cast %swap3A_52 : i32 to index
    %swap3A_54 = arith.constant 32 : index
    %swap3A_55 = tpu.vector_load %arg25[%swap3A_53, %swap3A_54] {strides = array<i32>} : memref<16x128xf32, #tpu.memory_space<vmem>>, vector<16xf32>,
    tpu.vector_store %arg25[%swap3A_53, %swap3A_54], %mul3A_51 {strides = array<i32>} : memref<16x128xf32, #tpu.memory_space<vmem>>, vector<16xf32>,
    %get3A_56 = arith.constant 0 : i32
    %get3A_57 = arith.index_cast %get3A_56 : i32 to index
    %get3A_58 = arith.constant 48 : index
    %get3A_59 = tpu.vector_load %arg25[%get3A_57, %get3A_58] {strides = array<i32>} : memref<16x128xf32, #tpu.memory_space<vmem>>, vector<16xf32>,
    %mul3A_60 = vector.broadcast %squeeze3A : f32 to vector<16xf32>
    %mul3A_61 = arith.mulf %get3A_59, %mul3A_60 : vector<16xf32>
    %swap3A_62 = arith.constant 0 : i32
    %swap3A_63 = arith.index_cast %swap3A_62 : i32 to index
    %swap3A_64 = arith.constant 48 : index
    %swap3A_65 = tpu.vector_load %arg25[%swap3A_63, %swap3A_64] {strides = array<i32>} : memref<16x128xf32, #tpu.memory_space<vmem>>, vector<16xf32>,
    tpu.vector_store %arg25[%swap3A_63, %swap3A_64], %mul3A_61 {strides = array<i32>} : memref<16x128xf32, #tpu.memory_space<vmem>>, vector<16xf32>,
    %get3A_66 = arith.constant 0 : i32
    %get3A_67 = arith.index_cast %get3A_66 : i32 to index
    %get3A_68 = arith.constant 64 : index
    %get3A_69 = tpu.vector_load %arg25[%get3A_67, %get3A_68] {strides = array<i32>} : memref<16x128xf32, #tpu.memory_space<vmem>>, vector<16xf32>,
    %mul3A_70 = vector.broadcast %squeeze3A : f32 to vector<16xf32>
    %mul3A_71 = arith.mulf %get3A_69, %mul3A_70 : vector<16xf32>
    %swap3A_72 = arith.constant 0 : i32
    %swap3A_73 = arith.index_cast %swap3A_72 : i32 to index
    %swap3A_74 = arith.constant 64 : index
    %swap3A_75 = tpu.vector_load %arg25[%swap3A_73, %swap3A_74] {strides = array<i32>} : memref<16x128xf32, #tpu.memory_space<vmem>>, vector<16xf32>,
    tpu.vector_store %arg25[%swap3A_73, %swap3A_74], %mul3A_71 {strides = array<i32>} : memref<16x128xf32, #tpu.memory_space<vmem>>, vector<16xf32>,
    %get3A_76 = arith.constant 0 : i32
    %get3A_77 = arith.index_cast %get3A_76 : i32 to index
    %get3A_78 = arith.constant 80 : index
    %get3A_79 = tpu.vector_load %arg25[%get3A_77, %get3A_78] {strides = array<i32>} : memref<16x128xf32, #tpu.memory_space<vmem>>, vector<16xf32>,
    %mul3A_80 = vector.broadcast %squeeze3A : f32 to vector<16xf32>
    %mul3A_81 = arith.mulf %get3A_79, %mul3A_80 : vector<16xf32>
    %swap3A_82 = arith.constant 0 : i32
    %swap3A_83 = arith.index_cast %swap3A_82 : i32 to index
    %swap3A_84 = arith.constant 80 : index
    %swap3A_85 = tpu.vector_load %arg25[%swap3A_83, %swap3A_84] {strides = array<i32>} : memref<16x128xf32, #tpu.memory_space<vmem>>, vector<16xf32>,
    tpu.vector_store %arg25[%swap3A_83, %swap3A_84], %mul3A_81 {strides = array<i32>} : memref<16x128xf32, #tpu.memory_space<vmem>>, vector<16xf32>,
    %get3A_86 = arith.constant 0 : i32
    %get3A_87 = arith.index_cast %get3A_86 : i32 to index
    %get3A_88 = arith.constant 96 : index
    %get3A_89 = tpu.vector_load %arg25[%get3A_87, %get3A_88] {strides = array<i32>} : memref<16x128xf32, #tpu.memory_space<vmem>>, vector<16xf32>,
    %mul3A_90 = vector.broadcast %squeeze3A : f32 to vector<16xf32>
    %mul3A_91 = arith.mulf %get3A_89, %mul3A_90 : vector<16xf32>
    %swap3A_92 = arith.constant 0 : i32
    %swap3A_93 = arith.index_cast %swap3A_92 : i32 to index
    %swap3A_94 = arith.constant 96 : index
    %swap3A_95 = tpu.vector_load %arg25[%swap3A_93, %swap3A_94] {strides = array<i32>} : memref<16x128xf32, #tpu.memory_space<vmem>>, vector<16xf32>,
    tpu.vector_store %arg25[%swap3A_93, %swap3A_94], %mul3A_91 {strides = array<i32>} : memref<16x128xf32, #tpu.memory_space<vmem>>, vector<16xf32>,
    %get3A_96 = arith.constant 0 : i32
    %get3A_97 = arith.index_cast %get3A_96 : i32 to index
    %get3A_98 = arith.constant 112 : index
    %get3A_99 = tpu.vector_load %arg25[%get3A_97, %get3A_98] {strides = array<i32>} : memref<16x128xf32, #tpu.memory_space<vmem>>, vector<16xf32>,
    %mul3A_100 = vector.broadcast %squeeze3A : f32 to vector<16xf32>
    %mul3A_101 = arith.mulf %get3A_99, %mul3A_100 : vector<16xf32>
    %swap3A_102 = arith.constant 0 : i32
    %swap3A_103 = arith.index_cast %swap3A_102 : i32 to index
    %swap3A_104 = arith.constant 112 : index
    %swap3A_105 = tpu.vector_load %arg25[%swap3A_103, %swap3A_104] {strides = array<i32>} : memref<16x128xf32, #tpu.memory_space<vmem>>, vector<16xf32>,
    tpu.vector_store %arg25[%swap3A_103, %swap3A_104], %mul3A_101 {strides = array<i32>} : memref<16x128xf32, #tpu.memory_space<vmem>>, vector<16xf32>,
    %slice3A_106 = vector.extract_strided_slice %exp3A {offsets = [1], sizes = [1], strides = [1]} : vector<16xf32> to vector<1xf32>
    %squeeze3A_107 = vector.extract %slice3A_106[0] : f32 from vector<1xf32>
    %get3A_108 = arith.constant 1 : i32
    %get3A_109 = arith.index_cast %get3A_108 : i32 to index
    %get3A_110 = arith.constant 0 : index
    %get3A_111 = tpu.vector_load %arg25[%get3A_109, %get3A_110] {strides = array<i32>} : memref<16x128xf32, #tpu.memory_space<vmem>>, vector<16xf32>,
    %mul3A_112 = vector.broadcast %squeeze3A_107 : f32 to vector<16xf32>
    %mul3A_113 = arith.mulf %get3A_111, %mul3A_112 : vector<16xf32>
    %swap3A_114 = arith.constant 1 : i32
    %swap3A_115 = arith.index_cast %swap3A_114 : i32 to index
    %swap3A_116 = arith.constant 0 : index
    %swap3A_117 = tpu.vector_load %arg25[%swap3A_115, %swap3A_116] {strides = array<i32>} : memref<16x128xf32, #tpu.memory_space<vmem>>, vector<16xf32>,
    tpu.vector_store %arg25[%swap3A_115, %swap3A_116], %mul3A_113 {strides = array<i32>} : memref<16x128xf32, #tpu.memory_space<vmem>>, vector<16xf32>,
    %get3A_118 = arith.constant 1 : i32
    %get3A_119 = arith.index_cast %get3A_118 : i32 to index
    %get3A_120 = arith.constant 16 : index
    %get3A_121 = tpu.vector_load %arg25[%get3A_119, %get3A_120] {strides = array<i32>} : memref<16x128xf32, #tpu.memory_space<vmem>>, vector<16xf32>,
    %mul3A_122 = vector.broadcast %squeeze3A_107 : f32 to vector<16xf32>
    %mul3A_123 = arith.mulf %get3A_121, %mul3A_122 : vector<16xf32>
    %swap3A_124 = arith.constant 1 : i32
    %swap3A_125 = arith.index_cast %swap3A_124 : i32 to index
    %swap3A_126 = arith.constant 16 : index
    %swap3A_127 = tpu.vector_load %arg25[%swap3A_125, %swap3A_126] {strides = array<i32>} : memref<16x128xf32, #tpu.memory_space<vmem>>, vector<16xf32>,
    tpu.vector_store %arg25[%swap3A_125, %swap3A_126], %mul3A_123 {strides = array<i32>} : memref<16x128xf32, #tpu.memory_space<vmem>>, vector<16xf32>,
    %get3A_128 = arith.constant 1 : i32
    %get3A_129 = arith.index_cast %get3A_128 : i32 to index
    %get3A_130 = arith.constant 32 : index
    %get3A_131 = tpu.vector_load %arg25[%get3A_129, %get3A_130] {strides = array<i32>} : memref<16x128xf32, #tpu.memory_space<vmem>>, vector<16xf32>,
    %mul3A_132 = vector.broadcast %squeeze3A_107 : f32 to vector<16xf32>
    %mul3A_133 = arith.mulf %get3A_131, %mul3A_132 : vector<16xf32>
    %swap3A_134 = arith.constant 1 : i32
    %swap3A_135 = arith.index_cast %swap3A_134 : i32 to index
    %swap3A_136 = arith.constant 32 : index
    %swap3A_137 = tpu.vector_load %arg25[%swap3A_135, %swap3A_136] {strides = array<i32>} : memref<16x128xf32, #tpu.memory_space<vmem>>, vector<16xf32>,
    tpu.vector_store %arg25[%swap3A_135, %swap3A_136], %mul3A_133 {strides = array<i32>} : memref<16x128xf32, #tpu.memory_space<vmem>>, vector<16xf32>,
    %get3A_138 = arith.constant 1 : i32
    %get3A_139 = arith.index_cast %get3A_138 : i32 to index
    %get3A_140 = arith.constant 48 : index
    %get3A_141 = tpu.vector_load %arg25[%get3A_139, %get3A_140] {strides = array<i32>} : memref<16x128xf32, #tpu.memory_space<vmem>>, vector<16xf32>,
    %mul3A_142 = vector.broadcast %squeeze3A_107 : f32 to vector<16xf32>
    %mul3A_143 = arith.mulf %get3A_141, %mul3A_142 : vector<16xf32>
    %swap3A_144 = arith.constant 1 : i32
    %swap3A_145 = arith.index_cast %swap3A_144 : i32 to index
    %swap3A_146 = arith.constant 48 : index
    %swap3A_147 = tpu.vector_load %arg25[%swap3A_145, %swap3A_146] {strides = array<i32>} : memref<16x128xf32, #tpu.memory_space<vmem>>, vector<16xf32>,
    tpu.vector_store %arg25[%swap3A_145, %swap3A_146], %mul3A_143 {strides = array<i32>} : memref<16x128xf32, #tpu.memory_space<vmem>>, vector<16xf32>,
    %get3A_148 = arith.constant 1 : i32
    %get3A_149 = arith.index_cast %get3A_148 : i32 to index
    %get3A_150 = arith.constant 64 : index
    %get3A_151 = tpu.vector_load %arg25[%get3A_149, %get3A_150] {strides = array<i32>} : memref<16x128xf32, #tpu.memory_space<vmem>>, vector<16xf32>,
    %mul3A_152 = vector.broadcast %squeeze3A_107 : f32 to vector<16xf32>
    %mul3A_153 = arith.mulf %get3A_151, %mul3A_152 : vector<16xf32>
    %swap3A_154 = arith.constant 1 : i32
    %swap3A_155 = arith.index_cast %swap3A_154 : i32 to index
    %swap3A_156 = arith.constant 64 : index
    %swap3A_157 = tpu.vector_load %arg25[%swap3A_155, %swap3A_156] {strides = array<i32>} : memref<16x128xf32, #tpu.memory_space<vmem>>, vector<16xf32>,
    tpu.vector_store %arg25[%swap3A_155, %swap3A_156], %mul3A_153 {strides = array<i32>} : memref<16x128xf32, #tpu.memory_space<vmem>>, vector<16xf32>,
    %get3A_158 = arith.constant 1 : i32
    %get3A_159 = arith.index_cast %get3A_158 : i32 to index
    %get3A_160 = arith.constant 80 : index
    %get3A_161 = tpu.vector_load %arg25[%get3A_159, %get3A_160] {strides = array<i32>} : memref<16x128xf32, #tpu.memory_space<vmem>>, vector<16xf32>,
    %mul3A_162 = vector.broadcast %squeeze3A_107 : f32 to vector<16xf32>
    %mul3A_163 = arith.mulf %get3A_161, %mul3A_162 : vector<16xf32>
    %swap3A_164 = arith.constant 1 : i32
    %swap3A_165 = arith.index_cast %swap3A_164 : i32 to index
    %swap3A_166 = arith.constant 80 : index
    %swap3A_167 = tpu.vector_load %arg25[%swap3A_165, %swap3A_166] {strides = array<i32>} : memref<16x128xf32, #tpu.memory_space<vmem>>, vector<16xf32>,
    tpu.vector_store %arg25[%swap3A_165, %swap3A_166], %mul3A_163 {strides = array<i32>} : memref<16x128xf32, #tpu.memory_space<vmem>>, vector<16xf32>,
    %get3A_168 = arith.constant 1 : i32
    %get3A_169 = arith.index_cast %get3A_168 : i32 to index
    %get3A_170 = arith.constant 96 : index
    %get3A_171 = tpu.vector_load %arg25[%get3A_169, %get3A_170] {strides = array<i32>} : memref<16x128xf32, #tpu.memory_space<vmem>>, vector<16xf32>,
    %mul3A_172 = vector.broadcast %squeeze3A_107 : f32 to vector<16xf32>
    %mul3A_173 = arith.mulf %get3A_171, %mul3A_172 : vector<16xf32>
    %swap3A_174 = arith.constant 1 : i32
    %swap3A_175 = arith.index_cast %swap3A_174 : i32 to index
    %swap3A_176 = arith.constant 96 : index
    %swap3A_177 = tpu.vector_load %arg25[%swap3A_175, %swap3A_176] {strides = array<i32>} : memref<16x128xf32, #tpu.memory_space<vmem>>, vector<16xf32>,
    tpu.vector_store %arg25[%swap3A_175, %swap3A_176], %mul3A_173 {strides = array<i32>} : memref<16x128xf32, #tpu.memory_space<vmem>>, vector<16xf32>,
    %get3A_178 = arith.constant 1 : i32
    %get3A_179 = arith.index_cast %get3A_178 : i32 to index
    %get3A_180 = arith.constant 112 : index
    %get3A_181 = tpu.vector_load %arg25[%get3A_179, %get3A_180] {strides = array<i32>} : memref<16x128xf32, #tpu.memory_space<vmem>>, vector<16xf32>,
    %mul3A_182 = vector.broadcast %squeeze3A_107 : f32 to vector<16xf32>
    %mul3A_183 = arith.mulf %get3A_181, %mul3A_182 : vector<16xf32>
    %swap3A_184 = arith.constant 1 : i32
    %swap3A_185 = arith.index_cast %swap3A_184 : i32 to index
    %swap3A_186 = arith.constant 112 : index
    %swap3A_187 = tpu.vector_load %arg25[%swap3A_185, %swap3A_186] {strides = array<i32>} : memref<16x128xf32, #tpu.memory_space<vmem>>, vector<16xf32>,
    tpu.vector_store %arg25[%swap3A_185, %swap3A_186], %mul3A_183 {strides = array<i32>} : memref<16x128xf32, #tpu.memory_space<vmem>>, vector<16xf32>,
    %slice3A_188 = vector.extract_strided_slice %exp3A {offsets = [2], sizes = [1], strides = [1]} : vector<16xf32> to vector<1xf32>
    %squeeze3A_189 = vector.extract %slice3A_188[0] : f32 from vector<1xf32>
    %get3A_190 = arith.constant 2 : i32
    %get3A_191 = arith.index_cast %get3A_190 : i32 to index
    %get3A_192 = arith.constant 0 : index
    %get3A_193 = tpu.vector_load %arg25[%get3A_191, %get3A_192] {strides = array<i32>} : memref<16x128xf32, #tpu.memory_space<vmem>>, vector<16xf32>,
    %mul3A_194 = vector.broadcast %squeeze3A_189 : f32 to vector<16xf32>
    %mul3A_195 = arith.mulf %get3A_193, %mul3A_194 : vector<16xf32>
    %swap3A_196 = arith.constant 2 : i32
    %swap3A_197 = arith.index_cast %swap3A_196 : i32 to index
    %swap3A_198 = arith.constant 0 : index
    %swap3A_199 = tpu.vector_load %arg25[%swap3A_197, %swap3A_198] {strides = array<i32>} : memref<16x128xf32, #tpu.memory_space<vmem>>, vector<16xf32>,
    tpu.vector_store %arg25[%swap3A_197, %swap3A_198], %mul3A_195 {strides = array<i32>} : memref<16x128xf32, #tpu.memory_space<vmem>>, vector<16xf32>,
    %get3A_200 = arith.constant 2 : i32
    %get3A_201 = arith.index_cast %get3A_200 : i32 to index
    %get3A_202 = arith.constant 16 : index
    %get3A_203 = tpu.vector_load %arg25[%get3A_201, %get3A_202] {strides = array<i32>} : memref<16x128xf32, #tpu.memory_space<vmem>>, vector<16xf32>,
    %mul3A_204 = vector.broadcast %squeeze3A_189 : f32 to vector<16xf32>
    %mul3A_205 = arith.mulf %get3A_203, %mul3A_204 : vector<16xf32>
    %swap3A_206 = arith.constant 2 : i32
    %swap3A_207 = arith.index_cast %swap3A_206 : i32 to index
    %swap3A_208 = arith.constant 16 : index
    %swap3A_209 = tpu.vector_load %arg25[%swap3A_207, %swap3A_208] {strides = array<i32>} : memref<16x128xf32, #tpu.memory_space<vmem>>, vector<16xf32>,
    tpu.vector_store %arg25[%swap3A_207, %swap3A_208], %mul3A_205 {strides = array<i32>} : memref<16x128xf32, #tpu.memory_space<vmem>>, vector<16xf32>,
    %get3A_210 = arith.constant 2 : i32
    %get3A_211 = arith.index_cast %get3A_210 : i32 to index
    %get3A_212 = arith.constant 32 : index
    %get3A_213 = tpu.vector_load %arg25[%get3A_211, %get3A_212] {strides = array<i32>} : memref<16x128xf32, #tpu.memory_space<vmem>>, vector<16xf32>,
    %mul3A_214 = vector.broadcast %squeeze3A_189 : f32 to vector<16xf32>
    %mul3A_215 = arith.mulf %get3A_213, %mul3A_214 : vector<16xf32>
    %swap3A_216 = arith.constant 2 : i32
    %swap3A_217 = arith.index_cast %swap3A_216 : i32 to index
    %swap3A_218 = arith.constant 32 : index
    %swap3A_219 = tpu.vector_load %arg25[%swap3A_217, %swap3A_218] {strides = array<i32>} : memref<16x128xf32, #tpu.memory_space<vmem>>, vector<16xf32>,
    tpu.vector_store %arg25[%swap3A_217, %swap3A_218], %mul3A_215 {strides = array<i32>} : memref<16x128xf32, #tpu.memory_space<vmem>>, vector<16xf32>,
    %get3A_220 = arith.constant 2 : i32
    %get3A_221 = arith.index_cast %get3A_220 : i32 to index
    %get3A_222 = arith.constant 48 : index
    %get3A_223 = tpu.vector_load %arg25[%get3A_221, %get3A_222] {strides = array<i32>} : memref<16x128xf32, #tpu.memory_space<vmem>>, vector<16xf32>,
    %mul3A_224 = vector.broadcast %squeeze3A_189 : f32 to vector<16xf32>
    %mul3A_225 = arith.mulf %get3A_223, %mul3A_224 : vector<16xf32>
    %swap3A_226 = arith.constant 2 : i32
    %swap3A_227 = arith.index_cast %swap3A_226 : i32 to index
    %swap3A_228 = arith.constant 48 : index
    %swap3A_229 = tpu.vector_load %arg25[%swap3A_227, %swap3A_228] {strides = array<i32>} : memref<16x128xf32, #tpu.memory_space<vmem>>, vector<16xf32>,
    tpu.vector_store %arg25[%swap3A_227, %swap3A_228], %mul3A_225 {strides = array<i32>} : memref<16x128xf32, #tpu.memory_space<vmem>>, vector<16xf32>,
    %get3A_230 = arith.constant 2 : i32
    %get3A_231 = arith.index_cast %get3A_230 : i32 to index
    %get3A_232 = arith.constant 64 : index
    %get3A_233 = tpu.vector_load %arg25[%get3A_231, %get3A_232] {strides = array<i32>} : memref<16x128xf32, #tpu.memory_space<vmem>>, vector<16xf32>,
    %mul3A_234 = vector.broadcast %squeeze3A_189 : f32 to vector<16xf32>
    %mul3A_235 = arith.mulf %get3A_233, %mul3A_234 : vector<16xf32>
    %swap3A_236 = arith.constant 2 : i32
    %swap3A_237 = arith.index_cast %swap3A_236 : i32 to index
    %swap3A_238 = arith.constant 64 : index
    %swap3A_239 = tpu.vector_load %arg25[%swap3A_237, %swap3A_238] {strides = array<i32>} : memref<16x128xf32, #tpu.memory_space<vmem>>, vector<16xf32>,
    tpu.vector_store %arg25[%swap3A_237, %swap3A_238], %mul3A_235 {strides = array<i32>} : memref<16x128xf32, #tpu.memory_space<vmem>>, vector<16xf32>,
    %get3A_240 = arith.constant 2 : i32
    %get3A_241 = arith.index_cast %get3A_240 : i32 to index
    %get3A_242 = arith.constant 80 : index
    %get3A_243 = tpu.vector_load %arg25[%get3A_241, %get3A_242] {strides = array<i32>} : memref<16x128xf32, #tpu.memory_space<vmem>>, vector<16xf32>,
    %mul3A_244 = vector.broadcast %squeeze3A_189 : f32 to vector<16xf32>
    %mul3A_245 = arith.mulf %get3A_243, %mul3A_244 : vector<16xf32>
    %swap3A_246 = arith.constant 2 : i32
    %swap3A_247 = arith.index_cast %swap3A_246 : i32 to index
    %swap3A_248 = arith.constant 80 : index
    %swap3A_249 = tpu.vector_load %arg25[%swap3A_247, %swap3A_248] {strides = array<i32>} : memref<16x128xf32, #tpu.memory_space<vmem>>, vector<16xf32>,
    tpu.vector_store %arg25[%swap3A_247, %swap3A_248], %mul3A_245 {strides = array<i32>} : memref<16x128xf32, #tpu.memory_space<vmem>>, vector<16xf32>,
    %get3A_250 = arith.constant 2 : i32
    %get3A_251 = arith.index_cast %get3A_250 : i32 to index
    %get3A_252 = arith.constant 96 : index
    %get3A_253 = tpu.vector_load %arg25[%get3A_251, %get3A_252] {strides = array<i32>} : memref<16x128xf32, #tpu.memory_space<vmem>>, vector<16xf32>,
    %mul3A_254 = vector.broadcast %squeeze3A_189 : f32 to vector<16xf32>
    %mul3A_255 = arith.mulf %get3A_253, %mul3A_254 : vector<16xf32>
    %swap3A_256 = arith.constant 2 : i32
    %swap3A_257 = arith.index_cast %swap3A_256 : i32 to index
    %swap3A_258 = arith.constant 96 : index
    %swap3A_259 = tpu.vector_load %arg25[%swap3A_257, %swap3A_258] {strides = array<i32>} : memref<16x128xf32, #tpu.memory_space<vmem>>, vector<16xf32>,
    tpu.vector_store %arg25[%swap3A_257, %swap3A_258], %mul3A_255 {strides = array<i32>} : memref<16x128xf32, #tpu.memory_space<vmem>>, vector<16xf32>,
    %get3A_260 = arith.constant 2 : i32
    %get3A_261 = arith.index_cast %get3A_260 : i32 to index
    %get3A_262 = arith.constant 112 : index
    %get3A_263 = tpu.vector_load %arg25[%get3A_261, %get3A_262] {strides = array<i32>} : memref<16x128xf32, #tpu.memory_space<vmem>>, vector<16xf32>,
    %mul3A_264 = vector.broadcast %squeeze3A_189 : f32 to vector<16xf32>
    %mul3A_265 = arith.mulf %get3A_263, %mul3A_264 : vector<16xf32>
    %swap3A_266 = arith.constant 2 : i32
    %swap3A_267 = arith.index_cast %swap3A_266 : i32 to index
    %swap3A_268 = arith.constant 112 : index
    %swap3A_269 = tpu.vector_load %arg25[%swap3A_267, %swap3A_268] {strides = array<i32>} : memref<16x128xf32, #tpu.memory_space<vmem>>, vector<16xf32>,
    tpu.vector_store %arg25[%swap3A_267, %swap3A_268], %mul3A_265 {strides = array<i32>} : memref<16x128xf32, #tpu.memory_space<vmem>>, vector<16xf32>,
    %slice3A_270 = vector.extract_strided_slice %exp3A {offsets = [3], sizes = [1], strides = [1]} : vector<16xf32> to vector<1xf32>
    %squeeze3A_271 = vector.extract %slice3A_270[0] : f32 from vector<1xf32>
    %get3A_272 = arith.constant 3 : i32
    %get3A_273 = arith.index_cast %get3A_272 : i32 to index
    %get3A_274 = arith.constant 0 : index
    %get3A_275 = tpu.vector_load %arg25[%get3A_273, %get3A_274] {strides = array<i32>} : memref<16x128xf32, #tpu.memory_space<vmem>>, vector<16xf32>,
    %mul3A_276 = vector.broadcast %squeeze3A_271 : f32 to vector<16xf32>
    %mul3A_277 = arith.mulf %get3A_275, %mul3A_276 : vector<16xf32>
    %swap3A_278 = arith.constant 3 : i32
    %swap3A_279 = arith.index_cast %swap3A_278 : i32 to index
    %swap3A_280 = arith.constant 0 : index
    %swap3A_281 = tpu.vector_load %arg25[%swap3A_279, %swap3A_280] {strides = array<i32>} : memref<16x128xf32, #tpu.memory_space<vmem>>, vector<16xf32>,
    tpu.vector_store %arg25[%swap3A_279, %swap3A_280], %mul3A_277 {strides = array<i32>} : memref<16x128xf32, #tpu.memory_space<vmem>>, vector<16xf32>,
    %get3A_282 = arith.constant 3 : i32
    %get3A_283 = arith.index_cast %get3A_282 : i32 to index
    %get3A_284 = arith.constant 16 : index
    %get3A_285 = tpu.vector_load %arg25[%get3A_283, %get3A_284] {strides = array<i32>} : memref<16x128xf32, #tpu.memory_space<vmem>>, vector<16xf32>,
    %mul3A_286 = vector.broadcast %squeeze3A_271 : f32 to vector<16xf32>
    %mul3A_287 = arith.mulf %get3A_285, %mul3A_286 : vector<16xf32>
    %swap3A_288 = arith.constant 3 : i32
    %swap3A_289 = arith.index_cast %swap3A_288 : i32 to index
    %swap3A_290 = arith.constant 16 : index
    %swap3A_291 = tpu.vector_load %arg25[%swap3A_289, %swap3A_290] {strides = array<i32>} : memref<16x128xf32, #tpu.memory_space<vmem>>, vector<16xf32>,
    tpu.vector_store %arg25[%swap3A_289, %swap3A_290], %mul3A_287 {strides = array<i32>} : memref<16x128xf32, #tpu.memory_space<vmem>>, vector<16xf32>,
    %get3A_292 = arith.constant 3 : i32
    %get3A_293 = arith.index_cast %get3A_292 : i32 to index
    %get3A_294 = arith.constant 32 : index
    %get3A_295 = tpu.vector_load %arg25[%get3A_293, %get3A_294] {strides = array<i32>} : memref<16x128xf32, #tpu.memory_space<vmem>>, vector<16xf32>,
    %mul3A_296 = vector.broadcast %squeeze3A_271 : f32 to vector<16xf32>
    %mul3A_297 = arith.mulf %get3A_295, %mul3A_296 : vector<16xf32>
    %swap3A_298 = arith.constant 3 : i32
    %swap3A_299 = arith.index_cast %swap3A_298 : i32 to index
    %swap3A_300 = arith.constant 32 : index
    %swap3A_301 = tpu.vector_load %arg25[%swap3A_299, %swap3A_300] {strides = array<i32>} : memref<16x128xf32, #tpu.memory_space<vmem>>, vector<16xf32>,
    tpu.vector_store %arg25[%swap3A_299, %swap3A_300], %mul3A_297 {strides = array<i32>} : memref<16x128xf32, #tpu.memory_space<vmem>>, vector<16xf32>,
    %get3A_302 = arith.constant 3 : i32
    %get3A_303 = arith.index_cast %get3A_302 : i32 to index
    %get3A_304 = arith.constant 48 : index
    %get3A_305 = tpu.vector_load %arg25[%get3A_303, %get3A_304] {strides = array<i32>} : memref<16x128xf32, #tpu.memory_space<vmem>>, vector<16xf32>,
    %mul3A_306 = vector.broadcast %squeeze3A_271 : f32 to vector<16xf32>
    %mul3A_307 = arith.mulf %get3A_305, %mul3A_306 : vector<16xf32>
    %swap3A_308 = arith.constant 3 : i32
    %swap3A_309 = arith.index_cast %swap3A_308 : i32 to index
    %swap3A_310 = arith.constant 48 : index
    %swap3A_311 = tpu.vector_load %arg25[%swap3A_309, %swap3A_310] {strides = array<i32>} : memref<16x128xf32, #tpu.memory_space<vmem>>, vector<16xf32>,
    tpu.vector_store %arg25[%swap3A_309, %swap3A_310], %mul3A_307 {strides = array<i32>} : memref<16x128xf32, #tpu.memory_space<vmem>>, vector<16xf32>,
    %get3A_312 = arith.constant 3 : i32
    %get3A_313 = arith.index_cast %get3A_312 : i32 to index
    %get3A_314 = arith.constant 64 : index
    %get3A_315 = tpu.vector_load %arg25[%get3A_313, %get3A_314] {strides = array<i32>} : memref<16x128xf32, #tpu.memory_space<vmem>>, vector<16xf32>,
    %mul3A_316 = vector.broadcast %squeeze3A_271 : f32 to vector<16xf32>
    %mul3A_317 = arith.mulf %get3A_315, %mul3A_316 : vector<16xf32>
    %swap3A_318 = arith.constant 3 : i32
    %swap3A_319 = arith.index_cast %swap3A_318 : i32 to index
    %swap3A_320 = arith.constant 64 : index
    %swap3A_321 = tpu.vector_load %arg25[%swap3A_319, %swap3A_320] {strides = array<i32>} : memref<16x128xf32, #tpu.memory_space<vmem>>, vector<16xf32>,
    tpu.vector_store %arg25[%swap3A_319, %swap3A_320], %mul3A_317 {strides = array<i32>} : memref<16x128xf32, #tpu.memory_space<vmem>>, vector<16xf32>,
    %get3A_322 = arith.constant 3 : i32
    %get3A_323 = arith.index_cast %get3A_322 : i32 to index
    %get3A_324 = arith.constant 80 : index
    %get3A_325 = tpu.vector_load %arg25[%get3A_323, %get3A_324] {strides = array<i32>} : memref<16x128xf32, #tpu.memory_space<vmem>>, vector<16xf32>,
    %mul3A_326 = vector.broadcast %squeeze3A_271 : f32 to vector<16xf32>
    %mul3A_327 = arith.mulf %get3A_325, %mul3A_326 : vector<16xf32>
    %swap3A_328 = arith.constant 3 : i32
    %swap3A_329 = arith.index_cast %swap3A_328 : i32 to index
    %swap3A_330 = arith.constant 80 : index
    %swap3A_331 = tpu.vector_load %arg25[%swap3A_329, %swap3A_330] {strides = array<i32>} : memref<16x128xf32, #tpu.memory_space<vmem>>, vector<16xf32>,
    tpu.vector_store %arg25[%swap3A_329, %swap3A_330], %mul3A_327 {strides = array<i32>} : memref<16x128xf32, #tpu.memory_space<vmem>>, vector<16xf32>,
    %get3A_332 = arith.constant 3 : i32
    %get3A_333 = arith.index_cast %get3A_332 : i32 to index
    %get3A_334 = arith.constant 96 : index
    %get3A_335 = tpu.vector_load %arg25[%get3A_333, %get3A_334] {strides = array<i32>} : memref<16x128xf32, #tpu.memory_space<vmem>>, vector<16xf32>,
    %mul3A_336 = vector.broadcast %squeeze3A_271 : f32 to vector<16xf32>
    %mul3A_337 = arith.mulf %get3A_335, %mul3A_336 : vector<16xf32>
    %swap3A_338 = arith.constant 3 : i32
    %swap3A_339 = arith.index_cast %swap3A_338 : i32 to index
    %swap3A_340 = arith.constant 96 : index
    %swap3A_341 = tpu.vector_load %arg25[%swap3A_339, %swap3A_340] {strides = array<i32>} : memref<16x128xf32, #tpu.memory_space<vmem>>, vector<16xf32>,
    tpu.vector_store %arg25[%swap3A_339, %swap3A_340], %mul3A_337 {strides = array<i32>} : memref<16x128xf32, #tpu.memory_space<vmem>>, vector<16xf32>,
    %get3A_342 = arith.constant 3 : i32
    %get3A_343 = arith.index_cast %get3A_342 : i32 to index
    %get3A_344 = arith.constant 112 : index
    %get3A_345 = tpu.vector_load %arg25[%get3A_343, %get3A_344] {strides = array<i32>} : memref<16x128xf32, #tpu.memory_space<vmem>>, vector<16xf32>,
    %mul3A_346 = vector.broadcast %squeeze3A_271 : f32 to vector<16xf32>
    %mul3A_347 = arith.mulf %get3A_345, %mul3A_346 : vector<16xf32>
    %swap3A_348 = arith.constant 3 : i32
    %swap3A_349 = arith.index_cast %swap3A_348 : i32 to index
    %swap3A_350 = arith.constant 112 : index
    %swap3A_351 = tpu.vector_load %arg25[%swap3A_349, %swap3A_350] {strides = array<i32>} : memref<16x128xf32, #tpu.memory_space<vmem>>, vector<16xf32>,
    tpu.vector_store %arg25[%swap3A_349, %swap3A_350], %mul3A_347 {strides = array<i32>} : memref<16x128xf32, #tpu.memory_space<vmem>>, vector<16xf32>,
    %slice3A_352 = vector.extract_strided_slice %exp3A {offsets = [4], sizes = [1], strides = [1]} : vector<16xf32> to vector<1xf32>
    %squeeze3A_353 = vector.extract %slice3A_352[0] : f32 from vector<1xf32>
    %get3A_354 = arith.constant 4 : i32
    %get3A_355 = arith.index_cast %get3A_354 : i32 to index
    %get3A_356 = arith.constant 0 : index
    %get3A_357 = tpu.vector_load %arg25[%get3A_355, %get3A_356] {strides = array<i32>} : memref<16x128xf32, #tpu.memory_space<vmem>>, vector<16xf32>,
    %mul3A_358 = vector.broadcast %squeeze3A_353 : f32 to vector<16xf32>
    %mul3A_359 = arith.mulf %get3A_357, %mul3A_358 : vector<16xf32>
    %swap3A_360 = arith.constant 4 : i32
    %swap3A_361 = arith.index_cast %swap3A_360 : i32 to index
    %swap3A_362 = arith.constant 0 : index
    %swap3A_363 = tpu.vector_load %arg25[%swap3A_361, %swap3A_362] {strides = array<i32>} : memref<16x128xf32, #tpu.memory_space<vmem>>, vector<16xf32>,
    tpu.vector_store %arg25[%swap3A_361, %swap3A_362], %mul3A_359 {strides = array<i32>} : memref<16x128xf32, #tpu.memory_space<vmem>>, vector<16xf32>,
    %get3A_364 = arith.constant 4 : i32
    %get3A_365 = arith.index_cast %get3A_364 : i32 to index
    %get3A_366 = arith.constant 16 : index
    %get3A_367 = tpu.vector_load %arg25[%get3A_365, %get3A_366] {strides = array<i32>} : memref<16x128xf32, #tpu.memory_space<vmem>>, vector<16xf32>,
    %mul3A_368 = vector.broadcast %squeeze3A_353 : f32 to vector<16xf32>
    %mul3A_369 = arith.mulf %get3A_367, %mul3A_368 : vector<16xf32>
    %swap3A_370 = arith.constant 4 : i32
    %swap3A_371 = arith.index_cast %swap3A_370 : i32 to index
    %swap3A_372 = arith.constant 16 : index
    %swap3A_373 = tpu.vector_load %arg25[%swap3A_371, %swap3A_372] {strides = array<i32>} : memref<16x128xf32, #tpu.memory_space<vmem>>, vector<16xf32>,
    tpu.vector_store %arg25[%swap3A_371, %swap3A_372], %mul3A_369 {strides = array<i32>} : memref<16x128xf32, #tpu.memory_space<vmem>>, vector<16xf32>,
    %get3A_374 = arith.constant 4 : i32
    %get3A_375 = arith.index_cast %get3A_374 : i32 to index
    %get3A_376 = arith.constant 32 : index
    %get3A_377 = tpu.vector_load %arg25[%get3A_375, %get3A_376] {strides = array<i32>} : memref<16x128xf32, #tpu.memory_space<vmem>>, vector<16xf32>,
    %mul3A_378 = vector.broadcast %squeeze3A_353 : f32 to vector<16xf32>
    %mul3A_379 = arith.mulf %get3A_377, %mul3A_378 : vector<16xf32>
    %swap3A_380 = arith.constant 4 : i32
    %swap3A_381 = arith.index_cast %swap3A_380 : i32 to index
    %swap3A_382 = arith.constant 32 : index
    %swap3A_383 = tpu.vector_load %arg25[%swap3A_381, %swap3A_382] {strides = array<i32>} : memref<16x128xf32, #tpu.memory_space<vmem>>, vector<16xf32>,
    tpu.vector_store %arg25[%swap3A_381, %swap3A_382], %mul3A_379 {strides = array<i32>} : memref<16x128xf32, #tpu.memory_space<vmem>>, vector<16xf32>,
    %get3A_384 = arith.constant 4 : i32
    %get3A_385 = arith.index_cast %get3A_384 : i32 to index
    %get3A_386 = arith.constant 48 : index
    %get3A_387 = tpu.vector_load %arg25[%get3A_385, %get3A_386] {strides = array<i32>} : memref<16x128xf32, #tpu.memory_space<vmem>>, vector<16xf32>,
    %mul3A_388 = vector.broadcast %squeeze3A_353 : f32 to vector<16xf32>
    %mul3A_389 = arith.mulf %get3A_387, %mul3A_388 : vector<16xf32>
    %swap3A_390 = arith.constant 4 : i32
    %swap3A_391 = arith.index_cast %swap3A_390 : i32 to index
    %swap3A_392 = arith.constant 48 : index
    %swap3A_393 = tpu.vector_load %arg25[%swap3A_391, %swap3A_392] {strides = array<i32>} : memref<16x128xf32, #tpu.memory_space<vmem>>, vector<16xf32>,
    tpu.vector_store %arg25[%swap3A_391, %swap3A_392], %mul3A_389 {strides = array<i32>} : memref<16x128xf32, #tpu.memory_space<vmem>>, vector<16xf32>,
    %get3A_394 = arith.constant 4 : i32
    %get3A_395 = arith.index_cast %get3A_394 : i32 to index
    %get3A_396 = arith.constant 64 : index
    %get3A_397 = tpu.vector_load %arg25[%get3A_395, %get3A_396] {strides = array<i32>} : memref<16x128xf32, #tpu.memory_space<vmem>>, vector<16xf32>,
    %mul3A_398 = vector.broadcast %squeeze3A_353 : f32 to vector<16xf32>
    %mul3A_399 = arith.mulf %get3A_397, %mul3A_398 : vector<16xf32>
    %swap3A_400 = arith.constant 4 : i32
    %swap3A_401 = arith.index_cast %swap3A_400 : i32 to index
    %swap3A_402 = arith.constant 64 : index
    %swap3A_403 = tpu.vector_load %arg25[%swap3A_401, %swap3A_402] {strides = array<i32>} : memref<16x128xf32, #tpu.memory_space<vmem>>, vector<16xf32>,
    tpu.vector_store %arg25[%swap3A_401, %swap3A_402], %mul3A_399 {strides = array<i32>} : memref<16x128xf32, #tpu.memory_space<vmem>>, vector<16xf32>,
    %get3A_404 = arith.constant 4 : i32
    %get3A_405 = arith.index_cast %get3A_404 : i32 to index
    %get3A_406 = arith.constant 80 : index
    %get3A_407 = tpu.vector_load %arg25[%get3A_405, %get3A_406] {strides = array<i32>} : memref<16x128xf32, #tpu.memory_space<vmem>>, vector<16xf32>,
    %mul3A_408 = vector.broadcast %squeeze3A_353 : f32 to vector<16xf32>
    %mul3A_409 = arith.mulf %get3A_407, %mul3A_408 : vector<16xf32>
    %swap3A_410 = arith.constant 4 : i32
    %swap3A_411 = arith.index_cast %swap3A_410 : i32 to index
    %swap3A_412 = arith.constant 80 : index
    %swap3A_413 = tpu.vector_load %arg25[%swap3A_411, %swap3A_412] {strides = array<i32>} : memref<16x128xf32, #tpu.memory_space<vmem>>, vector<16xf32>,
    tpu.vector_store %arg25[%swap3A_411, %swap3A_412], %mul3A_409 {strides = array<i32>} : memref<16x128xf32, #tpu.memory_space<vmem>>, vector<16xf32>,
    %get3A_414 = arith.constant 4 : i32
    %get3A_415 = arith.index_cast %get3A_414 : i32 to index
    %get3A_416 = arith.constant 96 : index
    %get3A_417 = tpu.vector_load %arg25[%get3A_415, %get3A_416] {strides = array<i32>} : memref<16x128xf32, #tpu.memory_space<vmem>>, vector<16xf32>,
    %mul3A_418 = vector.broadcast %squeeze3A_353 : f32 to vector<16xf32>
    %mul3A_419 = arith.mulf %get3A_417, %mul3A_418 : vector<16xf32>
    %swap3A_420 = arith.constant 4 : i32
    %swap3A_421 = arith.index_cast %swap3A_420 : i32 to index
    %swap3A_422 = arith.constant 96 : index
    %swap3A_423 = tpu.vector_load %arg25[%swap3A_421, %swap3A_422] {strides = array<i32>} : memref<16x128xf32, #tpu.memory_space<vmem>>, vector<16xf32>,
    tpu.vector_store %arg25[%swap3A_421, %swap3A_422], %mul3A_419 {strides = array<i32>} : memref<16x128xf32, #tpu.memory_space<vmem>>, vector<16xf32>,
    %get3A_424 = arith.constant 4 : i32
    %get3A_425 = arith.index_cast %get3A_424 : i32 to index
    %get3A_426 = arith.constant 112 : index
    %get3A_427 = tpu.vector_load %arg25[%get3A_425, %get3A_426] {strides = array<i32>} : memref<16x128xf32, #tpu.memory_space<vmem>>, vector<16xf32>,
    %mul3A_428 = vector.broadcast %squeeze3A_353 : f32 to vector<16xf32>
    %mul3A_429 = arith.mulf %get3A_427, %mul3A_428 : vector<16xf32>
    %swap3A_430 = arith.constant 4 : i32
    %swap3A_431 = arith.index_cast %swap3A_430 : i32 to index
    %swap3A_432 = arith.constant 112 : index
    %swap3A_433 = tpu.vector_load %arg25[%swap3A_431, %swap3A_432] {strides = array<i32>} : memref<16x128xf32, #tpu.memory_space<vmem>>, vector<16xf32>,
    tpu.vector_store %arg25[%swap3A_431, %swap3A_432], %mul3A_429 {strides = array<i32>} : memref<16x128xf32, #tpu.memory_space<vmem>>, vector<16xf32>,
    %slice3A_434 = vector.extract_strided_slice %exp3A {offsets = [5], sizes = [1], strides = [1]} : vector<16xf32> to vector<1xf32>
    %squeeze3A_435 = vector.extract %slice3A_434[0] : f32 from vector<1xf32>
    %get3A_436 = arith.constant 5 : i32
    %get3A_437 = arith.index_cast %get3A_436 : i32 to index
    %get3A_438 = arith.constant 0 : index
    %get3A_439 = tpu.vector_load %arg25[%get3A_437, %get3A_438] {strides = array<i32>} : memref<16x128xf32, #tpu.memory_space<vmem>>, vector<16xf32>,
    %mul3A_440 = vector.broadcast %squeeze3A_435 : f32 to vector<16xf32>
    %mul3A_441 = arith.mulf %get3A_439, %mul3A_440 : vector<16xf32>
    %swap3A_442 = arith.constant 5 : i32
    %swap3A_443 = arith.index_cast %swap3A_442 : i32 to index
    %swap3A_444 = arith.constant 0 : index
    %swap3A_445 = tpu.vector_load %arg25[%swap3A_443, %swap3A_444] {strides = array<i32>} : memref<16x128xf32, #tpu.memory_space<vmem>>, vector<16xf32>,
    tpu.vector_store %arg25[%swap3A_443, %swap3A_444], %mul3A_441 {strides = array<i32>} : memref<16x128xf32, #tpu.memory_space<vmem>>, vector<16xf32>,
    %get3A_446 = arith.constant 5 : i32
    %get3A_447 = arith.index_cast %get3A_446 : i32 to index
    %get3A_448 = arith.constant 16 : index
    %get3A_449 = tpu.vector_load %arg25[%get3A_447, %get3A_448] {strides = array<i32>} : memref<16x128xf32, #tpu.memory_space<vmem>>, vector<16xf32>,
    %mul3A_450 = vector.broadcast %squeeze3A_435 : f32 to vector<16xf32>
    %mul3A_451 = arith.mulf %get3A_449, %mul3A_450 : vector<16xf32>
    %swap3A_452 = arith.constant 5 : i32
    %swap3A_453 = arith.index_cast %swap3A_452 : i32 to index
    %swap3A_454 = arith.constant 16 : index
    %swap3A_455 = tpu.vector_load %arg25[%swap3A_453, %swap3A_454] {strides = array<i32>} : memref<16x128xf32, #tpu.memory_space<vmem>>, vector<16xf32>,
    tpu.vector_store %arg25[%swap3A_453, %swap3A_454], %mul3A_451 {strides = array<i32>} : memref<16x128xf32, #tpu.memory_space<vmem>>, vector<16xf32>,
    %get3A_456 = arith.constant 5 : i32
    %get3A_457 = arith.index_cast %get3A_456 : i32 to index
    %get3A_458 = arith.constant 32 : index
    %get3A_459 = tpu.vector_load %arg25[%get3A_457, %get3A_458] {strides = array<i32>} : memref<16x128xf32, #tpu.memory_space<vmem>>, vector<16xf32>,
    %mul3A_460 = vector.broadcast %squeeze3A_435 : f32 to vector<16xf32>
    %mul3A_461 = arith.mulf %get3A_459, %mul3A_460 : vector<16xf32>
    %swap3A_462 = arith.constant 5 : i32
    %swap3A_463 = arith.index_cast %swap3A_462 : i32 to index
    %swap3A_464 = arith.constant 32 : index
    %swap3A_465 = tpu.vector_load %arg25[%swap3A_463, %swap3A_464] {strides = array<i32>} : memref<16x128xf32, #tpu.memory_space<vmem>>, vector<16xf32>,
    tpu.vector_store %arg25[%swap3A_463, %swap3A_464], %mul3A_461 {strides = array<i32>} : memref<16x128xf32, #tpu.memory_space<vmem>>, vector<16xf32>,
    %get3A_466 = arith.constant 5 : i32
    %get3A_467 = arith.index_cast %get3A_466 : i32 to index
    %get3A_468 = arith.constant 48 : index
    %get3A_469 = tpu.vector_load %arg25[%get3A_467, %get3A_468] {strides = array<i32>} : memref<16x128xf32, #tpu.memory_space<vmem>>, vector<16xf32>,
    %mul3A_470 = vector.broadcast %squeeze3A_435 : f32 to vector<16xf32>
    %mul3A_471 = arith.mulf %get3A_469, %mul3A_470 : vector<16xf32>
    %swap3A_472 = arith.constant 5 : i32
    %swap3A_473 = arith.index_cast %swap3A_472 : i32 to index
    %swap3A_474 = arith.constant 48 : index
    %swap3A_475 = tpu.vector_load %arg25[%swap3A_473, %swap3A_474] {strides = array<i32>} : memref<16x128xf32, #tpu.memory_space<vmem>>, vector<16xf32>,
    tpu.vector_store %arg25[%swap3A_473, %swap3A_474], %mul3A_471 {strides = array<i32>} : memref<16x128xf32, #tpu.memory_space<vmem>>, vector<16xf32>,
    %get3A_476 = arith.constant 5 : i32
    %get3A_477 = arith.index_cast %get3A_476 : i32 to index
    %get3A_478 = arith.constant 64 : index
    %get3A_479 = tpu.vector_load %arg25[%get3A_477, %get3A_478] {strides = array<i32>} : memref<16x128xf32, #tpu.memory_space<vmem>>, vector<16xf32>,
    %mul3A_480 = vector.broadcast %squeeze3A_435 : f32 to vector<16xf32>
    %mul3A_481 = arith.mulf %get3A_479, %mul3A_480 : vector<16xf32>
    %swap3A_482 = arith.constant 5 : i32
    %swap3A_483 = arith.index_cast %swap3A_482 : i32 to index
    %swap3A_484 = arith.constant 64 : index
    %swap3A_485 = tpu.vector_load %arg25[%swap3A_483, %swap3A_484] {strides = array<i32>} : memref<16x128xf32, #tpu.memory_space<vmem>>, vector<16xf32>,
    tpu.vector_store %arg25[%swap3A_483, %swap3A_484], %mul3A_481 {strides = array<i32>} : memref<16x128xf32, #tpu.memory_space<vmem>>, vector<16xf32>,
    %get3A_486 = arith.constant 5 : i32
    %get3A_487 = arith.index_cast %get3A_486 : i32 to index
    %get3A_488 = arith.constant 80 : index
    %get3A_489 = tpu.vector_load %arg25[%get3A_487, %get3A_488] {strides = array<i32>} : memref<16x128xf32, #tpu.memory_space<vmem>>, vector<16xf32>,
    %mul3A_490 = vector.broadcast %squeeze3A_435 : f32 to vector<16xf32>
    %mul3A_491 = arith.mulf %get3A_489, %mul3A_490 : vector<16xf32>
    %swap3A_492 = arith.constant 5 : i32
    %swap3A_493 = arith.index_cast %swap3A_492 : i32 to index
    %swap3A_494 = arith.constant 80 : index
    %swap3A_495 = tpu.vector_load %arg25[%swap3A_493, %swap3A_494] {strides = array<i32>} : memref<16x128xf32, #tpu.memory_space<vmem>>, vector<16xf32>,
    tpu.vector_store %arg25[%swap3A_493, %swap3A_494], %mul3A_491 {strides = array<i32>} : memref<16x128xf32, #tpu.memory_space<vmem>>, vector<16xf32>,
    %get3A_496 = arith.constant 5 : i32
    %get3A_497 = arith.index_cast %get3A_496 : i32 to index
    %get3A_498 = arith.constant 96 : index
    %get3A_499 = tpu.vector_load %arg25[%get3A_497, %get3A_498] {strides = array<i32>} : memref<16x128xf32, #tpu.memory_space<vmem>>, vector<16xf32>,
    %mul3A_500 = vector.broadcast %squeeze3A_435 : f32 to vector<16xf32>
    %mul3A_501 = arith.mulf %get3A_499, %mul3A_500 : vector<16xf32>
    %swap3A_502 = arith.constant 5 : i32
    %swap3A_503 = arith.index_cast %swap3A_502 : i32 to index
    %swap3A_504 = arith.constant 96 : index
    %swap3A_505 = tpu.vector_load %arg25[%swap3A_503, %swap3A_504] {strides = array<i32>} : memref<16x128xf32, #tpu.memory_space<vmem>>, vector<16xf32>,
    tpu.vector_store %arg25[%swap3A_503, %swap3A_504], %mul3A_501 {strides = array<i32>} : memref<16x128xf32, #tpu.memory_space<vmem>>, vector<16xf32>,
    %get3A_506 = arith.constant 5 : i32
    %get3A_507 = arith.index_cast %get3A_506 : i32 to index
    %get3A_508 = arith.constant 112 : index
    %get3A_509 = tpu.vector_load %arg25[%get3A_507, %get3A_508] {strides = array<i32>} : memref<16x128xf32, #tpu.memory_space<vmem>>, vector<16xf32>,
    %mul3A_510 = vector.broadcast %squeeze3A_435 : f32 to vector<16xf32>
    %mul3A_511 = arith.mulf %get3A_509, %mul3A_510 : vector<16xf32>
    %swap3A_512 = arith.constant 5 : i32
    %swap3A_513 = arith.index_cast %swap3A_512 : i32 to index
    %swap3A_514 = arith.constant 112 : index
    %swap3A_515 = tpu.vector_load %arg25[%swap3A_513, %swap3A_514] {strides = array<i32>} : memref<16x128xf32, #tpu.memory_space<vmem>>, vector<16xf32>,
    tpu.vector_store %arg25[%swap3A_513, %swap3A_514], %mul3A_511 {strides = array<i32>} : memref<16x128xf32, #tpu.memory_space<vmem>>, vector<16xf32>,
    %slice3A_516 = vector.extract_strided_slice %exp3A {offsets = [6], sizes = [1], strides = [1]} : vector<16xf32> to vector<1xf32>
    %squeeze3A_517 = vector.extract %slice3A_516[0] : f32 from vector<1xf32>
    %get3A_518 = arith.constant 6 : i32
    %get3A_519 = arith.index_cast %get3A_518 : i32 to index
    %get3A_520 = arith.constant 0 : index
    %get3A_521 = tpu.vector_load %arg25[%get3A_519, %get3A_520] {strides = array<i32>} : memref<16x128xf32, #tpu.memory_space<vmem>>, vector<16xf32>,
    %mul3A_522 = vector.broadcast %squeeze3A_517 : f32 to vector<16xf32>
    %mul3A_523 = arith.mulf %get3A_521, %mul3A_522 : vector<16xf32>
    %swap3A_524 = arith.constant 6 : i32
    %swap3A_525 = arith.index_cast %swap3A_524 : i32 to index
    %swap3A_526 = arith.constant 0 : index
    %swap3A_527 = tpu.vector_load %arg25[%swap3A_525, %swap3A_526] {strides = array<i32>} : memref<16x128xf32, #tpu.memory_space<vmem>>, vector<16xf32>,
    tpu.vector_store %arg25[%swap3A_525, %swap3A_526], %mul3A_523 {strides = array<i32>} : memref<16x128xf32, #tpu.memory_space<vmem>>, vector<16xf32>,
    %get3A_528 = arith.constant 6 : i32
    %get3A_529 = arith.index_cast %get3A_528 : i32 to index
    %get3A_530 = arith.constant 16 : index
    %get3A_531 = tpu.vector_load %arg25[%get3A_529, %get3A_530] {strides = array<i32>} : memref<16x128xf32, #tpu.memory_space<vmem>>, vector<16xf32>,
    %mul3A_532 = vector.broadcast %squeeze3A_517 : f32 to vector<16xf32>
    %mul3A_533 = arith.mulf %get3A_531, %mul3A_532 : vector<16xf32>
    %swap3A_534 = arith.constant 6 : i32
    %swap3A_535 = arith.index_cast %swap3A_534 : i32 to index
    %swap3A_536 = arith.constant 16 : index
    %swap3A_537 = tpu.vector_load %arg25[%swap3A_535, %swap3A_536] {strides = array<i32>} : memref<16x128xf32, #tpu.memory_space<vmem>>, vector<16xf32>,
    tpu.vector_store %arg25[%swap3A_535, %swap3A_536], %mul3A_533 {strides = array<i32>} : memref<16x128xf32, #tpu.memory_space<vmem>>, vector<16xf32>,
    %get3A_538 = arith.constant 6 : i32
    %get3A_539 = arith.index_cast %get3A_538 : i32 to index
    %get3A_540 = arith.constant 32 : index
    %get3A_541 = tpu.vector_load %arg25[%get3A_539, %get3A_540] {strides = array<i32>} : memref<16x128xf32, #tpu.memory_space<vmem>>, vector<16xf32>,
    %mul3A_542 = vector.broadcast %squeeze3A_517 : f32 to vector<16xf32>
    %mul3A_543 = arith.mulf %get3A_541, %mul3A_542 : vector<16xf32>
    %swap3A_544 = arith.constant 6 : i32
    %swap3A_545 = arith.index_cast %swap3A_544 : i32 to index
    %swap3A_546 = arith.constant 32 : index
    %swap3A_547 = tpu.vector_load %arg25[%swap3A_545, %swap3A_546] {strides = array<i32>} : memref<16x128xf32, #tpu.memory_space<vmem>>, vector<16xf32>,
    tpu.vector_store %arg25[%swap3A_545, %swap3A_546], %mul3A_543 {strides = array<i32>} : memref<16x128xf32, #tpu.memory_space<vmem>>, vector<16xf32>,
    %get3A_548 = arith.constant 6 : i32
    %get3A_549 = arith.index_cast %get3A_548 : i32 to index
    %get3A_550 = arith.constant 48 : index
    %get3A_551 = tpu.vector_load %arg25[%get3A_549, %get3A_550] {strides = array<i32>} : memref<16x128xf32, #tpu.memory_space<vmem>>, vector<16xf32>,
    %mul3A_552 = vector.broadcast %squeeze3A_517 : f32 to vector<16xf32>
    %mul3A_553 = arith.mulf %get3A_551, %mul3A_552 : vector<16xf32>
    %swap3A_554 = arith.constant 6 : i32
    %swap3A_555 = arith.index_cast %swap3A_554 : i32 to index
    %swap3A_556 = arith.constant 48 : index
    %swap3A_557 = tpu.vector_load %arg25[%swap3A_555, %swap3A_556] {strides = array<i32>} : memref<16x128xf32, #tpu.memory_space<vmem>>, vector<16xf32>,
    tpu.vector_store %arg25[%swap3A_555, %swap3A_556], %mul3A_553 {strides = array<i32>} : memref<16x128xf32, #tpu.memory_space<vmem>>, vector<16xf32>,
    %get3A_558 = arith.constant 6 : i32
    %get3A_559 = arith.index_cast %get3A_558 : i32 to index
    %get3A_560 = arith.constant 64 : index
    %get3A_561 = tpu.vector_load %arg25[%get3A_559, %get3A_560] {strides = array<i32>} : memref<16x128xf32, #tpu.memory_space<vmem>>, vector<16xf32>,
    %mul3A_562 = vector.broadcast %squeeze3A_517 : f32 to vector<16xf32>
    %mul3A_563 = arith.mulf %get3A_561, %mul3A_562 : vector<16xf32>
    %swap3A_564 = arith.constant 6 : i32
    %swap3A_565 = arith.index_cast %swap3A_564 : i32 to index
    %swap3A_566 = arith.constant 64 : index
    %swap3A_567 = tpu.vector_load %arg25[%swap3A_565, %swap3A_566] {strides = array<i32>} : memref<16x128xf32, #tpu.memory_space<vmem>>, vector<16xf32>,
    tpu.vector_store %arg25[%swap3A_565, %swap3A_566], %mul3A_563 {strides = array<i32>} : memref<16x128xf32, #tpu.memory_space<vmem>>, vector<16xf32>,
    %get3A_568 = arith.constant 6 : i32
    %get3A_569 = arith.index_cast %get3A_568 : i32 to index
    %get3A_570 = arith.constant 80 : index
    %get3A_571 = tpu.vector_load %arg25[%get3A_569, %get3A_570] {strides = array<i32>} : memref<16x128xf32, #tpu.memory_space<vmem>>, vector<16xf32>,
    %mul3A_572 = vector.broadcast %squeeze3A_517 : f32 to vector<16xf32>
    %mul3A_573 = arith.mulf %get3A_571, %mul3A_572 : vector<16xf32>
    %swap3A_574 = arith.constant 6 : i32
    %swap3A_575 = arith.index_cast %swap3A_574 : i32 to index
    %swap3A_576 = arith.constant 80 : index
    %swap3A_577 = tpu.vector_load %arg25[%swap3A_575, %swap3A_576] {strides = array<i32>} : memref<16x128xf32, #tpu.memory_space<vmem>>, vector<16xf32>,
    tpu.vector_store %arg25[%swap3A_575, %swap3A_576], %mul3A_573 {strides = array<i32>} : memref<16x128xf32, #tpu.memory_space<vmem>>, vector<16xf32>,
    %get3A_578 = arith.constant 6 : i32
    %get3A_579 = arith.index_cast %get3A_578 : i32 to index
    %get3A_580 = arith.constant 96 : index
    %get3A_581 = tpu.vector_load %arg25[%get3A_579, %get3A_580] {strides = array<i32>} : memref<16x128xf32, #tpu.memory_space<vmem>>, vector<16xf32>,
    %mul3A_582 = vector.broadcast %squeeze3A_517 : f32 to vector<16xf32>
    %mul3A_583 = arith.mulf %get3A_581, %mul3A_582 : vector<16xf32>
    %swap3A_584 = arith.constant 6 : i32
    %swap3A_585 = arith.index_cast %swap3A_584 : i32 to index
    %swap3A_586 = arith.constant 96 : index
    %swap3A_587 = tpu.vector_load %arg25[%swap3A_585, %swap3A_586] {strides = array<i32>} : memref<16x128xf32, #tpu.memory_space<vmem>>, vector<16xf32>,
    tpu.vector_store %arg25[%swap3A_585, %swap3A_586], %mul3A_583 {strides = array<i32>} : memref<16x128xf32, #tpu.memory_space<vmem>>, vector<16xf32>,
    %get3A_588 = arith.constant 6 : i32
    %get3A_589 = arith.index_cast %get3A_588 : i32 to index
    %get3A_590 = arith.constant 112 : index
    %get3A_591 = tpu.vector_load %arg25[%get3A_589, %get3A_590] {strides = array<i32>} : memref<16x128xf32, #tpu.memory_space<vmem>>, vector<16xf32>,
    %mul3A_592 = vector.broadcast %squeeze3A_517 : f32 to vector<16xf32>
    %mul3A_593 = arith.mulf %get3A_591, %mul3A_592 : vector<16xf32>
    %swap3A_594 = arith.constant 6 : i32
    %swap3A_595 = arith.index_cast %swap3A_594 : i32 to index
    %swap3A_596 = arith.constant 112 : index
    %swap3A_597 = tpu.vector_load %arg25[%swap3A_595, %swap3A_596] {strides = array<i32>} : memref<16x128xf32, #tpu.memory_space<vmem>>, vector<16xf32>,
    tpu.vector_store %arg25[%swap3A_595, %swap3A_596], %mul3A_593 {strides = array<i32>} : memref<16x128xf32, #tpu.memory_space<vmem>>, vector<16xf32>,
    %slice3A_598 = vector.extract_strided_slice %exp3A {offsets = [7], sizes = [1], strides = [1]} : vector<16xf32> to vector<1xf32>
    %squeeze3A_599 = vector.extract %slice3A_598[0] : f32 from vector<1xf32>
    %get3A_600 = arith.constant 7 : i32
    %get3A_601 = arith.index_cast %get3A_600 : i32 to index
    %get3A_602 = arith.constant 0 : index
    %get3A_603 = tpu.vector_load %arg25[%get3A_601, %get3A_602] {strides = array<i32>} : memref<16x128xf32, #tpu.memory_space<vmem>>, vector<16xf32>,
    %mul3A_604 = vector.broadcast %squeeze3A_599 : f32 to vector<16xf32>
    %mul3A_605 = arith.mulf %get3A_603, %mul3A_604 : vector<16xf32>
    %swap3A_606 = arith.constant 7 : i32
    %swap3A_607 = arith.index_cast %swap3A_606 : i32 to index
    %swap3A_608 = arith.constant 0 : index
    %swap3A_609 = tpu.vector_load %arg25[%swap3A_607, %swap3A_608] {strides = array<i32>} : memref<16x128xf32, #tpu.memory_space<vmem>>, vector<16xf32>,
    tpu.vector_store %arg25[%swap3A_607, %swap3A_608], %mul3A_605 {strides = array<i32>} : memref<16x128xf32, #tpu.memory_space<vmem>>, vector<16xf32>,
    %get3A_610 = arith.constant 7 : i32
    %get3A_611 = arith.index_cast %get3A_610 : i32 to index
    %get3A_612 = arith.constant 16 : index
    %get3A_613 = tpu.vector_load %arg25[%get3A_611, %get3A_612] {strides = array<i32>} : memref<16x128xf32, #tpu.memory_space<vmem>>, vector<16xf32>,
    %mul3A_614 = vector.broadcast %squeeze3A_599 : f32 to vector<16xf32>
    %mul3A_615 = arith.mulf %get3A_613, %mul3A_614 : vector<16xf32>
    %swap3A_616 = arith.constant 7 : i32
    %swap3A_617 = arith.index_cast %swap3A_616 : i32 to index
    %swap3A_618 = arith.constant 16 : index
    %swap3A_619 = tpu.vector_load %arg25[%swap3A_617, %swap3A_618] {strides = array<i32>} : memref<16x128xf32, #tpu.memory_space<vmem>>, vector<16xf32>,
    tpu.vector_store %arg25[%swap3A_617, %swap3A_618], %mul3A_615 {strides = array<i32>} : memref<16x128xf32, #tpu.memory_space<vmem>>, vector<16xf32>,
    %get3A_620 = arith.constant 7 : i32
    %get3A_621 = arith.index_cast %get3A_620 : i32 to index
    %get3A_622 = arith.constant 32 : index
    %get3A_623 = tpu.vector_load %arg25[%get3A_621, %get3A_622] {strides = array<i32>} : memref<16x128xf32, #tpu.memory_space<vmem>>, vector<16xf32>,
    %mul3A_624 = vector.broadcast %squeeze3A_599 : f32 to vector<16xf32>
    %mul3A_625 = arith.mulf %get3A_623, %mul3A_624 : vector<16xf32>
    %swap3A_626 = arith.constant 7 : i32
    %swap3A_627 = arith.index_cast %swap3A_626 : i32 to index
    %swap3A_628 = arith.constant 32 : index
    %swap3A_629 = tpu.vector_load %arg25[%swap3A_627, %swap3A_628] {strides = array<i32>} : memref<16x128xf32, #tpu.memory_space<vmem>>, vector<16xf32>,
    tpu.vector_store %arg25[%swap3A_627, %swap3A_628], %mul3A_625 {strides = array<i32>} : memref<16x128xf32, #tpu.memory_space<vmem>>, vector<16xf32>,
    %get3A_630 = arith.constant 7 : i32
    %get3A_631 = arith.index_cast %get3A_630 : i32 to index
    %get3A_632 = arith.constant 48 : index
    %get3A_633 = tpu.vector_load %arg25[%get3A_631, %get3A_632] {strides = array<i32>} : memref<16x128xf32, #tpu.memory_space<vmem>>, vector<16xf32>,
    %mul3A_634 = vector.broadcast %squeeze3A_599 : f32 to vector<16xf32>
    %mul3A_635 = arith.mulf %get3A_633, %mul3A_634 : vector<16xf32>
    %swap3A_636 = arith.constant 7 : i32
    %swap3A_637 = arith.index_cast %swap3A_636 : i32 to index
    %swap3A_638 = arith.constant 48 : index
    %swap3A_639 = tpu.vector_load %arg25[%swap3A_637, %swap3A_638] {strides = array<i32>} : memref<16x128xf32, #tpu.memory_space<vmem>>, vector<16xf32>,
    tpu.vector_store %arg25[%swap3A_637, %swap3A_638], %mul3A_635 {strides = array<i32>} : memref<16x128xf32, #tpu.memory_space<vmem>>, vector<16xf32>,
    %get3A_640 = arith.constant 7 : i32
    %get3A_641 = arith.index_cast %get3A_640 : i32 to index
    %get3A_642 = arith.constant 64 : index
    %get3A_643 = tpu.vector_load %arg25[%get3A_641, %get3A_642] {strides = array<i32>} : memref<16x128xf32, #tpu.memory_space<vmem>>, vector<16xf32>,
    %mul3A_644 = vector.broadcast %squeeze3A_599 : f32 to vector<16xf32>
    %mul3A_645 = arith.mulf %get3A_643, %mul3A_644 : vector<16xf32>
    %swap3A_646 = arith.constant 7 : i32
    %swap3A_647 = arith.index_cast %swap3A_646 : i32 to index
    %swap3A_648 = arith.constant 64 : index
    %swap3A_649 = tpu.vector_load %arg25[%swap3A_647, %swap3A_648] {strides = array<i32>} : memref<16x128xf32, #tpu.memory_space<vmem>>, vector<16xf32>,
    tpu.vector_store %arg25[%swap3A_647, %swap3A_648], %mul3A_645 {strides = array<i32>} : memref<16x128xf32, #tpu.memory_space<vmem>>, vector<16xf32>,
    %get3A_650 = arith.constant 7 : i32
    %get3A_651 = arith.index_cast %get3A_650 : i32 to index
    %get3A_652 = arith.constant 80 : index
    %get3A_653 = tpu.vector_load %arg25[%get3A_651, %get3A_652] {strides = array<i32>} : memref<16x128xf32, #tpu.memory_space<vmem>>, vector<16xf32>,
    %mul3A_654 = vector.broadcast %squeeze3A_599 : f32 to vector<16xf32>
    %mul3A_655 = arith.mulf %get3A_653, %mul3A_654 : vector<16xf32>
    %swap3A_656 = arith.constant 7 : i32
    %swap3A_657 = arith.index_cast %swap3A_656 : i32 to index
    %swap3A_658 = arith.constant 80 : index
    %swap3A_659 = tpu.vector_load %arg25[%swap3A_657, %swap3A_658] {strides = array<i32>} : memref<16x128xf32, #tpu.memory_space<vmem>>, vector<16xf32>,
    tpu.vector_store %arg25[%swap3A_657, %swap3A_658], %mul3A_655 {strides = array<i32>} : memref<16x128xf32, #tpu.memory_space<vmem>>, vector<16xf32>,
    %get3A_660 = arith.constant 7 : i32
    %get3A_661 = arith.index_cast %get3A_660 : i32 to index
    %get3A_662 = arith.constant 96 : index
    %get3A_663 = tpu.vector_load %arg25[%get3A_661, %get3A_662] {strides = array<i32>} : memref<16x128xf32, #tpu.memory_space<vmem>>, vector<16xf32>,
    %mul3A_664 = vector.broadcast %squeeze3A_599 : f32 to vector<16xf32>
    %mul3A_665 = arith.mulf %get3A_663, %mul3A_664 : vector<16xf32>
    %swap3A_666 = arith.constant 7 : i32
    %swap3A_667 = arith.index_cast %swap3A_666 : i32 to index
    %swap3A_668 = arith.constant 96 : index
    %swap3A_669 = tpu.vector_load %arg25[%swap3A_667, %swap3A_668] {strides = array<i32>} : memref<16x128xf32, #tpu.memory_space<vmem>>, vector<16xf32>,
    tpu.vector_store %arg25[%swap3A_667, %swap3A_668], %mul3A_665 {strides = array<i32>} : memref<16x128xf32, #tpu.memory_space<vmem>>, vector<16xf32>,
    %get3A_670 = arith.constant 7 : i32
    %get3A_671 = arith.index_cast %get3A_670 : i32 to index
    %get3A_672 = arith.constant 112 : index
    %get3A_673 = tpu.vector_load %arg25[%get3A_671, %get3A_672] {strides = array<i32>} : memref<16x128xf32, #tpu.memory_space<vmem>>, vector<16xf32>,
    %mul3A_674 = vector.broadcast %squeeze3A_599 : f32 to vector<16xf32>
    %mul3A_675 = arith.mulf %get3A_673, %mul3A_674 : vector<16xf32>
    %swap3A_676 = arith.constant 7 : i32
    %swap3A_677 = arith.index_cast %swap3A_676 : i32 to index
    %swap3A_678 = arith.constant 112 : index
    %swap3A_679 = tpu.vector_load %arg25[%swap3A_677, %swap3A_678] {strides = array<i32>} : memref<16x128xf32, #tpu.memory_space<vmem>>, vector<16xf32>,
    tpu.vector_store %arg25[%swap3A_677, %swap3A_678], %mul3A_675 {strides = array<i32>} : memref<16x128xf32, #tpu.memory_space<vmem>>, vector<16xf32>,
    %slice3A_680 = vector.extract_strided_slice %exp3A {offsets = [8], sizes = [1], strides = [1]} : vector<16xf32> to vector<1xf32>
    %squeeze3A_681 = vector.extract %slice3A_680[0] : f32 from vector<1xf32>
    %get3A_682 = arith.constant 8 : i32
    %get3A_683 = arith.index_cast %get3A_682 : i32 to index
    %get3A_684 = arith.constant 0 : index
    %get3A_685 = tpu.vector_load %arg25[%get3A_683, %get3A_684] {strides = array<i32>} : memref<16x128xf32, #tpu.memory_space<vmem>>, vector<16xf32>,
    %mul3A_686 = vector.broadcast %squeeze3A_681 : f32 to vector<16xf32>
    %mul3A_687 = arith.mulf %get3A_685, %mul3A_686 : vector<16xf32>
    %swap3A_688 = arith.constant 8 : i32
    %swap3A_689 = arith.index_cast %swap3A_688 : i32 to index
    %swap3A_690 = arith.constant 0 : index
    %swap3A_691 = tpu.vector_load %arg25[%swap3A_689, %swap3A_690] {strides = array<i32>} : memref<16x128xf32, #tpu.memory_space<vmem>>, vector<16xf32>,
    tpu.vector_store %arg25[%swap3A_689, %swap3A_690], %mul3A_687 {strides = array<i32>} : memref<16x128xf32, #tpu.memory_space<vmem>>, vector<16xf32>,
    %get3A_692 = arith.constant 8 : i32
    %get3A_693 = arith.index_cast %get3A_692 : i32 to index
    %get3A_694 = arith.constant 16 : index
    %get3A_695 = tpu.vector_load %arg25[%get3A_693, %get3A_694] {strides = array<i32>} : memref<16x128xf32, #tpu.memory_space<vmem>>, vector<16xf32>,
    %mul3A_696 = vector.broadcast %squeeze3A_681 : f32 to vector<16xf32>
    %mul3A_697 = arith.mulf %get3A_695, %mul3A_696 : vector<16xf32>
    %swap3A_698 = arith.constant 8 : i32
    %swap3A_699 = arith.index_cast %swap3A_698 : i32 to index
    %swap3A_700 = arith.constant 16 : index
    %swap3A_701 = tpu.vector_load %arg25[%swap3A_699, %swap3A_700] {strides = array<i32>} : memref<16x128xf32, #tpu.memory_space<vmem>>, vector<16xf32>,
    tpu.vector_store %arg25[%swap3A_699, %swap3A_700], %mul3A_697 {strides = array<i32>} : memref<16x128xf32, #tpu.memory_space<vmem>>, vector<16xf32>,
    %get3A_702 = arith.constant 8 : i32
    %get3A_703 = arith.index_cast %get3A_702 : i32 to index
    %get3A_704 = arith.constant 32 : index
    %get3A_705 = tpu.vector_load %arg25[%get3A_703, %get3A_704] {strides = array<i32>} : memref<16x128xf32, #tpu.memory_space<vmem>>, vector<16xf32>,
    %mul3A_706 = vector.broadcast %squeeze3A_681 : f32 to vector<16xf32>
    %mul3A_707 = arith.mulf %get3A_705, %mul3A_706 : vector<16xf32>
    %swap3A_708 = arith.constant 8 : i32
    %swap3A_709 = arith.index_cast %swap3A_708 : i32 to index
    %swap3A_710 = arith.constant 32 : index
    %swap3A_711 = tpu.vector_load %arg25[%swap3A_709, %swap3A_710] {strides = array<i32>} : memref<16x128xf32, #tpu.memory_space<vmem>>, vector<16xf32>,
    tpu.vector_store %arg25[%swap3A_709, %swap3A_710], %mul3A_707 {strides = array<i32>} : memref<16x128xf32, #tpu.memory_space<vmem>>, vector<16xf32>,
    %get3A_712 = arith.constant 8 : i32
    %get3A_713 = arith.index_cast %get3A_712 : i32 to index
    %get3A_714 = arith.constant 48 : index
    %get3A_715 = tpu.vector_load %arg25[%get3A_713, %get3A_714] {strides = array<i32>} : memref<16x128xf32, #tpu.memory_space<vmem>>, vector<16xf32>,
    %mul3A_716 = vector.broadcast %squeeze3A_681 : f32 to vector<16xf32>
    %mul3A_717 = arith.mulf %get3A_715, %mul3A_716 : vector<16xf32>
    %swap3A_718 = arith.constant 8 : i32
    %swap3A_719 = arith.index_cast %swap3A_718 : i32 to index
    %swap3A_720 = arith.constant 48 : index
    %swap3A_721 = tpu.vector_load %arg25[%swap3A_719, %swap3A_720] {strides = array<i32>} : memref<16x128xf32, #tpu.memory_space<vmem>>, vector<16xf32>,
    tpu.vector_store %arg25[%swap3A_719, %swap3A_720], %mul3A_717 {strides = array<i32>} : memref<16x128xf32, #tpu.memory_space<vmem>>, vector<16xf32>,
    %get3A_722 = arith.constant 8 : i32
    %get3A_723 = arith.index_cast %get3A_722 : i32 to index
    %get3A_724 = arith.constant 64 : index
    %get3A_725 = tpu.vector_load %arg25[%get3A_723, %get3A_724] {strides = array<i32>} : memref<16x128xf32, #tpu.memory_space<vmem>>, vector<16xf32>,
    %mul3A_726 = vector.broadcast %squeeze3A_681 : f32 to vector<16xf32>
    %mul3A_727 = arith.mulf %get3A_725, %mul3A_726 : vector<16xf32>
    %swap3A_728 = arith.constant 8 : i32
    %swap3A_729 = arith.index_cast %swap3A_728 : i32 to index
    %swap3A_730 = arith.constant 64 : index
    %swap3A_731 = tpu.vector_load %arg25[%swap3A_729, %swap3A_730] {strides = array<i32>} : memref<16x128xf32, #tpu.memory_space<vmem>>, vector<16xf32>,
    tpu.vector_store %arg25[%swap3A_729, %swap3A_730], %mul3A_727 {strides = array<i32>} : memref<16x128xf32, #tpu.memory_space<vmem>>, vector<16xf32>,
    %get3A_732 = arith.constant 8 : i32
    %get3A_733 = arith.index_cast %get3A_732 : i32 to index
    %get3A_734 = arith.constant 80 : index
    %get3A_735 = tpu.vector_load %arg25[%get3A_733, %get3A_734] {strides = array<i32>} : memref<16x128xf32, #tpu.memory_space<vmem>>, vector<16xf32>,
    %mul3A_736 = vector.broadcast %squeeze3A_681 : f32 to vector<16xf32>
    %mul3A_737 = arith.mulf %get3A_735, %mul3A_736 : vector<16xf32>
    %swap3A_738 = arith.constant 8 : i32
    %swap3A_739 = arith.index_cast %swap3A_738 : i32 to index
    %swap3A_740 = arith.constant 80 : index
    %swap3A_741 = tpu.vector_load %arg25[%swap3A_739, %swap3A_740] {strides = array<i32>} : memref<16x128xf32, #tpu.memory_space<vmem>>, vector<16xf32>,
    tpu.vector_store %arg25[%swap3A_739, %swap3A_740], %mul3A_737 {strides = array<i32>} : memref<16x128xf32, #tpu.memory_space<vmem>>, vector<16xf32>,
    %get3A_742 = arith.constant 8 : i32
    %get3A_743 = arith.index_cast %get3A_742 : i32 to index
    %get3A_744 = arith.constant 96 : index
    %get3A_745 = tpu.vector_load %arg25[%get3A_743, %get3A_744] {strides = array<i32>} : memref<16x128xf32, #tpu.memory_space<vmem>>, vector<16xf32>,
    %mul3A_746 = vector.broadcast %squeeze3A_681 : f32 to vector<16xf32>
    %mul3A_747 = arith.mulf %get3A_745, %mul3A_746 : vector<16xf32>
    %swap3A_748 = arith.constant 8 : i32
    %swap3A_749 = arith.index_cast %swap3A_748 : i32 to index
    %swap3A_750 = arith.constant 96 : index
    %swap3A_751 = tpu.vector_load %arg25[%swap3A_749, %swap3A_750] {strides = array<i32>} : memref<16x128xf32, #tpu.memory_space<vmem>>, vector<16xf32>,
    tpu.vector_store %arg25[%swap3A_749, %swap3A_750], %mul3A_747 {strides = array<i32>} : memref<16x128xf32, #tpu.memory_space<vmem>>, vector<16xf32>,
    %get3A_752 = arith.constant 8 : i32
    %get3A_753 = arith.index_cast %get3A_752 : i32 to index
    %get3A_754 = arith.constant 112 : index
    %get3A_755 = tpu.vector_load %arg25[%get3A_753, %get3A_754] {strides = array<i32>} : memref<16x128xf32, #tpu.memory_space<vmem>>, vector<16xf32>,
    %mul3A_756 = vector.broadcast %squeeze3A_681 : f32 to vector<16xf32>
    %mul3A_757 = arith.mulf %get3A_755, %mul3A_756 : vector<16xf32>
    %swap3A_758 = arith.constant 8 : i32
    %swap3A_759 = arith.index_cast %swap3A_758 : i32 to index
    %swap3A_760 = arith.constant 112 : index
    %swap3A_761 = tpu.vector_load %arg25[%swap3A_759, %swap3A_760] {strides = array<i32>} : memref<16x128xf32, #tpu.memory_space<vmem>>, vector<16xf32>,
    tpu.vector_store %arg25[%swap3A_759, %swap3A_760], %mul3A_757 {strides = array<i32>} : memref<16x128xf32, #tpu.memory_space<vmem>>, vector<16xf32>,
    %slice3A_762 = vector.extract_strided_slice %exp3A {offsets = [9], sizes = [1], strides = [1]} : vector<16xf32> to vector<1xf32>
    %squeeze3A_763 = vector.extract %slice3A_762[0] : f32 from vector<1xf32>
    %get3A_764 = arith.constant 9 : i32
    %get3A_765 = arith.index_cast %get3A_764 : i32 to index
    %get3A_766 = arith.constant 0 : index
    %get3A_767 = tpu.vector_load %arg25[%get3A_765, %get3A_766] {strides = array<i32>} : memref<16x128xf32, #tpu.memory_space<vmem>>, vector<16xf32>,
    %mul3A_768 = vector.broadcast %squeeze3A_763 : f32 to vector<16xf32>
    %mul3A_769 = arith.mulf %get3A_767, %mul3A_768 : vector<16xf32>
    %swap3A_770 = arith.constant 9 : i32
    %swap3A_771 = arith.index_cast %swap3A_770 : i32 to index
    %swap3A_772 = arith.constant 0 : index
    %swap3A_773 = tpu.vector_load %arg25[%swap3A_771, %swap3A_772] {strides = array<i32>} : memref<16x128xf32, #tpu.memory_space<vmem>>, vector<16xf32>,
    tpu.vector_store %arg25[%swap3A_771, %swap3A_772], %mul3A_769 {strides = array<i32>} : memref<16x128xf32, #tpu.memory_space<vmem>>, vector<16xf32>,
    %get3A_774 = arith.constant 9 : i32
    %get3A_775 = arith.index_cast %get3A_774 : i32 to index
    %get3A_776 = arith.constant 16 : index
    %get3A_777 = tpu.vector_load %arg25[%get3A_775, %get3A_776] {strides = array<i32>} : memref<16x128xf32, #tpu.memory_space<vmem>>, vector<16xf32>,
    %mul3A_778 = vector.broadcast %squeeze3A_763 : f32 to vector<16xf32>
    %mul3A_779 = arith.mulf %get3A_777, %mul3A_778 : vector<16xf32>
    %swap3A_780 = arith.constant 9 : i32
    %swap3A_781 = arith.index_cast %swap3A_780 : i32 to index
    %swap3A_782 = arith.constant 16 : index
    %swap3A_783 = tpu.vector_load %arg25[%swap3A_781, %swap3A_782] {strides = array<i32>} : memref<16x128xf32, #tpu.memory_space<vmem>>, vector<16xf32>,
    tpu.vector_store %arg25[%swap3A_781, %swap3A_782], %mul3A_779 {strides = array<i32>} : memref<16x128xf32, #tpu.memory_space<vmem>>, vector<16xf32>,
    %get3A_784 = arith.constant 9 : i32
    %get3A_785 = arith.index_cast %get3A_784 : i32 to index
    %get3A_786 = arith.constant 32 : index
    %get3A_787 = tpu.vector_load %arg25[%get3A_785, %get3A_786] {strides = array<i32>} : memref<16x128xf32, #tpu.memory_space<vmem>>, vector<16xf32>,
    %mul3A_788 = vector.broadcast %squeeze3A_763 : f32 to vector<16xf32>
    %mul3A_789 = arith.mulf %get3A_787, %mul3A_788 : vector<16xf32>
    %swap3A_790 = arith.constant 9 : i32
    %swap3A_791 = arith.index_cast %swap3A_790 : i32 to index
    %swap3A_792 = arith.constant 32 : index
    %swap3A_793 = tpu.vector_load %arg25[%swap3A_791, %swap3A_792] {strides = array<i32>} : memref<16x128xf32, #tpu.memory_space<vmem>>, vector<16xf32>,
    tpu.vector_store %arg25[%swap3A_791, %swap3A_792], %mul3A_789 {strides = array<i32>} : memref<16x128xf32, #tpu.memory_space<vmem>>, vector<16xf32>,
    %get3A_794 = arith.constant 9 : i32
    %get3A_795 = arith.index_cast %get3A_794 : i32 to index
    %get3A_796 = arith.constant 48 : index
    %get3A_797 = tpu.vector_load %arg25[%get3A_795, %get3A_796] {strides = array<i32>} : memref<16x128xf32, #tpu.memory_space<vmem>>, vector<16xf32>,
    %mul3A_798 = vector.broadcast %squeeze3A_763 : f32 to vector<16xf32>
    %mul3A_799 = arith.mulf %get3A_797, %mul3A_798 : vector<16xf32>
    %swap3A_800 = arith.constant 9 : i32
    %swap3A_801 = arith.index_cast %swap3A_800 : i32 to index
    %swap3A_802 = arith.constant 48 : index
    %swap3A_803 = tpu.vector_load %arg25[%swap3A_801, %swap3A_802] {strides = array<i32>} : memref<16x128xf32, #tpu.memory_space<vmem>>, vector<16xf32>,
    tpu.vector_store %arg25[%swap3A_801, %swap3A_802], %mul3A_799 {strides = array<i32>} : memref<16x128xf32, #tpu.memory_space<vmem>>, vector<16xf32>,
    %get3A_804 = arith.constant 9 : i32
    %get3A_805 = arith.index_cast %get3A_804 : i32 to index
    %get3A_806 = arith.constant 64 : index
    %get3A_807 = tpu.vector_load %arg25[%get3A_805, %get3A_806] {strides = array<i32>} : memref<16x128xf32, #tpu.memory_space<vmem>>, vector<16xf32>,
    %mul3A_808 = vector.broadcast %squeeze3A_763 : f32 to vector<16xf32>
    %mul3A_809 = arith.mulf %get3A_807, %mul3A_808 : vector<16xf32>
    %swap3A_810 = arith.constant 9 : i32
    %swap3A_811 = arith.index_cast %swap3A_810 : i32 to index
    %swap3A_812 = arith.constant 64 : index
    %swap3A_813 = tpu.vector_load %arg25[%swap3A_811, %swap3A_812] {strides = array<i32>} : memref<16x128xf32, #tpu.memory_space<vmem>>, vector<16xf32>,
    tpu.vector_store %arg25[%swap3A_811, %swap3A_812], %mul3A_809 {strides = array<i32>} : memref<16x128xf32, #tpu.memory_space<vmem>>, vector<16xf32>,
    %get3A_814 = arith.constant 9 : i32
    %get3A_815 = arith.index_cast %get3A_814 : i32 to index
    %get3A_816 = arith.constant 80 : index
    %get3A_817 = tpu.vector_load %arg25[%get3A_815, %get3A_816] {strides = array<i32>} : memref<16x128xf32, #tpu.memory_space<vmem>>, vector<16xf32>,
    %mul3A_818 = vector.broadcast %squeeze3A_763 : f32 to vector<16xf32>
    %mul3A_819 = arith.mulf %get3A_817, %mul3A_818 : vector<16xf32>
    %swap3A_820 = arith.constant 9 : i32
    %swap3A_821 = arith.index_cast %swap3A_820 : i32 to index
    %swap3A_822 = arith.constant 80 : index
    %swap3A_823 = tpu.vector_load %arg25[%swap3A_821, %swap3A_822] {strides = array<i32>} : memref<16x128xf32, #tpu.memory_space<vmem>>, vector<16xf32>,
    tpu.vector_store %arg25[%swap3A_821, %swap3A_822], %mul3A_819 {strides = array<i32>} : memref<16x128xf32, #tpu.memory_space<vmem>>, vector<16xf32>,
    %get3A_824 = arith.constant 9 : i32
    %get3A_825 = arith.index_cast %get3A_824 : i32 to index
    %get3A_826 = arith.constant 96 : index
    %get3A_827 = tpu.vector_load %arg25[%get3A_825, %get3A_826] {strides = array<i32>} : memref<16x128xf32, #tpu.memory_space<vmem>>, vector<16xf32>,
    %mul3A_828 = vector.broadcast %squeeze3A_763 : f32 to vector<16xf32>
    %mul3A_829 = arith.mulf %get3A_827, %mul3A_828 : vector<16xf32>
    %swap3A_830 = arith.constant 9 : i32
    %swap3A_831 = arith.index_cast %swap3A_830 : i32 to index
    %swap3A_832 = arith.constant 96 : index
    %swap3A_833 = tpu.vector_load %arg25[%swap3A_831, %swap3A_832] {strides = array<i32>} : memref<16x128xf32, #tpu.memory_space<vmem>>, vector<16xf32>,
    tpu.vector_store %arg25[%swap3A_831, %swap3A_832], %mul3A_829 {strides = array<i32>} : memref<16x128xf32, #tpu.memory_space<vmem>>, vector<16xf32>,
    %get3A_834 = arith.constant 9 : i32
    %get3A_835 = arith.index_cast %get3A_834 : i32 to index
    %get3A_836 = arith.constant 112 : index
    %get3A_837 = tpu.vector_load %arg25[%get3A_835, %get3A_836] {strides = array<i32>} : memref<16x128xf32, #tpu.memory_space<vmem>>, vector<16xf32>,
    %mul3A_838 = vector.broadcast %squeeze3A_763 : f32 to vector<16xf32>
    %mul3A_839 = arith.mulf %get3A_837, %mul3A_838 : vector<16xf32>
    %swap3A_840 = arith.constant 9 : i32
    %swap3A_841 = arith.index_cast %swap3A_840 : i32 to index
    %swap3A_842 = arith.constant 112 : index
    %swap3A_843 = tpu.vector_load %arg25[%swap3A_841, %swap3A_842] {strides = array<i32>} : memref<16x128xf32, #tpu.memory_space<vmem>>, vector<16xf32>,
    tpu.vector_store %arg25[%swap3A_841, %swap3A_842], %mul3A_839 {strides = array<i32>} : memref<16x128xf32, #tpu.memory_space<vmem>>, vector<16xf32>,
    %slice3A_844 = vector.extract_strided_slice %exp3A {offsets = [10], sizes = [1], strides = [1]} : vector<16xf32> to vector<1xf32>
    %squeeze3A_845 = vector.extract %slice3A_844[0] : f32 from vector<1xf32>
    %get3A_846 = arith.constant 10 : i32
    %get3A_847 = arith.index_cast %get3A_846 : i32 to index
    %get3A_848 = arith.constant 0 : index
    %get3A_849 = tpu.vector_load %arg25[%get3A_847, %get3A_848] {strides = array<i32>} : memref<16x128xf32, #tpu.memory_space<vmem>>, vector<16xf32>,
    %mul3A_850 = vector.broadcast %squeeze3A_845 : f32 to vector<16xf32>
    %mul3A_851 = arith.mulf %get3A_849, %mul3A_850 : vector<16xf32>
    %swap3A_852 = arith.constant 10 : i32
    %swap3A_853 = arith.index_cast %swap3A_852 : i32 to index
    %swap3A_854 = arith.constant 0 : index
    %swap3A_855 = tpu.vector_load %arg25[%swap3A_853, %swap3A_854] {strides = array<i32>} : memref<16x128xf32, #tpu.memory_space<vmem>>, vector<16xf32>,
    tpu.vector_store %arg25[%swap3A_853, %swap3A_854], %mul3A_851 {strides = array<i32>} : memref<16x128xf32, #tpu.memory_space<vmem>>, vector<16xf32>,
    %get3A_856 = arith.constant 10 : i32
    %get3A_857 = arith.index_cast %get3A_856 : i32 to index
    %get3A_858 = arith.constant 16 : index
    %get3A_859 = tpu.vector_load %arg25[%get3A_857, %get3A_858] {strides = array<i32>} : memref<16x128xf32, #tpu.memory_space<vmem>>, vector<16xf32>,
    %mul3A_860 = vector.broadcast %squeeze3A_845 : f32 to vector<16xf32>
    %mul3A_861 = arith.mulf %get3A_859, %mul3A_860 : vector<16xf32>
    %swap3A_862 = arith.constant 10 : i32
    %swap3A_863 = arith.index_cast %swap3A_862 : i32 to index
    %swap3A_864 = arith.constant 16 : index
    %swap3A_865 = tpu.vector_load %arg25[%swap3A_863, %swap3A_864] {strides = array<i32>} : memref<16x128xf32, #tpu.memory_space<vmem>>, vector<16xf32>,
    tpu.vector_store %arg25[%swap3A_863, %swap3A_864], %mul3A_861 {strides = array<i32>} : memref<16x128xf32, #tpu.memory_space<vmem>>, vector<16xf32>,
    %get3A_866 = arith.constant 10 : i32
    %get3A_867 = arith.index_cast %get3A_866 : i32 to index
    %get3A_868 = arith.constant 32 : index
    %get3A_869 = tpu.vector_load %arg25[%get3A_867, %get3A_868] {strides = array<i32>} : memref<16x128xf32, #tpu.memory_space<vmem>>, vector<16xf32>,
    %mul3A_870 = vector.broadcast %squeeze3A_845 : f32 to vector<16xf32>
    %mul3A_871 = arith.mulf %get3A_869, %mul3A_870 : vector<16xf32>
    %swap3A_872 = arith.constant 10 : i32
    %swap3A_873 = arith.index_cast %swap3A_872 : i32 to index
    %swap3A_874 = arith.constant 32 : index
    %swap3A_875 = tpu.vector_load %arg25[%swap3A_873, %swap3A_874] {strides = array<i32>} : memref<16x128xf32, #tpu.memory_space<vmem>>, vector<16xf32>,
    tpu.vector_store %arg25[%swap3A_873, %swap3A_874], %mul3A_871 {strides = array<i32>} : memref<16x128xf32, #tpu.memory_space<vmem>>, vector<16xf32>,
    %get3A_876 = arith.constant 10 : i32
    %get3A_877 = arith.index_cast %get3A_876 : i32 to index
    %get3A_878 = arith.constant 48 : index
    %get3A_879 = tpu.vector_load %arg25[%get3A_877, %get3A_878] {strides = array<i32>} : memref<16x128xf32, #tpu.memory_space<vmem>>, vector<16xf32>,
    %mul3A_880 = vector.broadcast %squeeze3A_845 : f32 to vector<16xf32>
    %mul3A_881 = arith.mulf %get3A_879, %mul3A_880 : vector<16xf32>
    %swap3A_882 = arith.constant 10 : i32
    %swap3A_883 = arith.index_cast %swap3A_882 : i32 to index
    %swap3A_884 = arith.constant 48 : index
    %swap3A_885 = tpu.vector_load %arg25[%swap3A_883, %swap3A_884] {strides = array<i32>} : memref<16x128xf32, #tpu.memory_space<vmem>>, vector<16xf32>,
    tpu.vector_store %arg25[%swap3A_883, %swap3A_884], %mul3A_881 {strides = array<i32>} : memref<16x128xf32, #tpu.memory_space<vmem>>, vector<16xf32>,
    %get3A_886 = arith.constant 10 : i32
    %get3A_887 = arith.index_cast %get3A_886 : i32 to index
    %get3A_888 = arith.constant 64 : index
    %get3A_889 = tpu.vector_load %arg25[%get3A_887, %get3A_888] {strides = array<i32>} : memref<16x128xf32, #tpu.memory_space<vmem>>, vector<16xf32>,
    %mul3A_890 = vector.broadcast %squeeze3A_845 : f32 to vector<16xf32>
    %mul3A_891 = arith.mulf %get3A_889, %mul3A_890 : vector<16xf32>
    %swap3A_892 = arith.constant 10 : i32
    %swap3A_893 = arith.index_cast %swap3A_892 : i32 to index
    %swap3A_894 = arith.constant 64 : index
    %swap3A_895 = tpu.vector_load %arg25[%swap3A_893, %swap3A_894] {strides = array<i32>} : memref<16x128xf32, #tpu.memory_space<vmem>>, vector<16xf32>,
    tpu.vector_store %arg25[%swap3A_893, %swap3A_894], %mul3A_891 {strides = array<i32>} : memref<16x128xf32, #tpu.memory_space<vmem>>, vector<16xf32>,
    %get3A_896 = arith.constant 10 : i32
    %get3A_897 = arith.index_cast %get3A_896 : i32 to index
    %get3A_898 = arith.constant 80 : index
    %get3A_899 = tpu.vector_load %arg25[%get3A_897, %get3A_898] {strides = array<i32>} : memref<16x128xf32, #tpu.memory_space<vmem>>, vector<16xf32>,
    %mul3A_900 = vector.broadcast %squeeze3A_845 : f32 to vector<16xf32>
    %mul3A_901 = arith.mulf %get3A_899, %mul3A_900 : vector<16xf32>
    %swap3A_902 = arith.constant 10 : i32
    %swap3A_903 = arith.index_cast %swap3A_902 : i32 to index
    %swap3A_904 = arith.constant 80 : index
    %swap3A_905 = tpu.vector_load %arg25[%swap3A_903, %swap3A_904] {strides = array<i32>} : memref<16x128xf32, #tpu.memory_space<vmem>>, vector<16xf32>,
    tpu.vector_store %arg25[%swap3A_903, %swap3A_904], %mul3A_901 {strides = array<i32>} : memref<16x128xf32, #tpu.memory_space<vmem>>, vector<16xf32>,
    %get3A_906 = arith.constant 10 : i32
    %get3A_907 = arith.index_cast %get3A_906 : i32 to index
    %get3A_908 = arith.constant 96 : index
    %get3A_909 = tpu.vector_load %arg25[%get3A_907, %get3A_908] {strides = array<i32>} : memref<16x128xf32, #tpu.memory_space<vmem>>, vector<16xf32>,
    %mul3A_910 = vector.broadcast %squeeze3A_845 : f32 to vector<16xf32>
    %mul3A_911 = arith.mulf %get3A_909, %mul3A_910 : vector<16xf32>
    %swap3A_912 = arith.constant 10 : i32
    %swap3A_913 = arith.index_cast %swap3A_912 : i32 to index
    %swap3A_914 = arith.constant 96 : index
    %swap3A_915 = tpu.vector_load %arg25[%swap3A_913, %swap3A_914] {strides = array<i32>} : memref<16x128xf32, #tpu.memory_space<vmem>>, vector<16xf32>,
    tpu.vector_store %arg25[%swap3A_913, %swap3A_914], %mul3A_911 {strides = array<i32>} : memref<16x128xf32, #tpu.memory_space<vmem>>, vector<16xf32>,
    %get3A_916 = arith.constant 10 : i32
    %get3A_917 = arith.index_cast %get3A_916 : i32 to index
    %get3A_918 = arith.constant 112 : index
    %get3A_919 = tpu.vector_load %arg25[%get3A_917, %get3A_918] {strides = array<i32>} : memref<16x128xf32, #tpu.memory_space<vmem>>, vector<16xf32>,
    %mul3A_920 = vector.broadcast %squeeze3A_845 : f32 to vector<16xf32>
    %mul3A_921 = arith.mulf %get3A_919, %mul3A_920 : vector<16xf32>
    %swap3A_922 = arith.constant 10 : i32
    %swap3A_923 = arith.index_cast %swap3A_922 : i32 to index
    %swap3A_924 = arith.constant 112 : index
    %swap3A_925 = tpu.vector_load %arg25[%swap3A_923, %swap3A_924] {strides = array<i32>} : memref<16x128xf32, #tpu.memory_space<vmem>>, vector<16xf32>,
    tpu.vector_store %arg25[%swap3A_923, %swap3A_924], %mul3A_921 {strides = array<i32>} : memref<16x128xf32, #tpu.memory_space<vmem>>, vector<16xf32>,
    %slice3A_926 = vector.extract_strided_slice %exp3A {offsets = [11], sizes = [1], strides = [1]} : vector<16xf32> to vector<1xf32>
    %squeeze3A_927 = vector.extract %slice3A_926[0] : f32 from vector<1xf32>
    %get3A_928 = arith.constant 11 : i32
    %get3A_929 = arith.index_cast %get3A_928 : i32 to index
    %get3A_930 = arith.constant 0 : index
    %get3A_931 = tpu.vector_load %arg25[%get3A_929, %get3A_930] {strides = array<i32>} : memref<16x128xf32, #tpu.memory_space<vmem>>, vector<16xf32>,
    %mul3A_932 = vector.broadcast %squeeze3A_927 : f32 to vector<16xf32>
    %mul3A_933 = arith.mulf %get3A_931, %mul3A_932 : vector<16xf32>
    %swap3A_934 = arith.constant 11 : i32
    %swap3A_935 = arith.index_cast %swap3A_934 : i32 to index
    %swap3A_936 = arith.constant 0 : index
    %swap3A_937 = tpu.vector_load %arg25[%swap3A_935, %swap3A_936] {strides = array<i32>} : memref<16x128xf32, #tpu.memory_space<vmem>>, vector<16xf32>,
    tpu.vector_store %arg25[%swap3A_935, %swap3A_936], %mul3A_933 {strides = array<i32>} : memref<16x128xf32, #tpu.memory_space<vmem>>, vector<16xf32>,
    %get3A_938 = arith.constant 11 : i32
    %get3A_939 = arith.index_cast %get3A_938 : i32 to index
    %get3A_940 = arith.constant 16 : index
    %get3A_941 = tpu.vector_load %arg25[%get3A_939, %get3A_940] {strides = array<i32>} : memref<16x128xf32, #tpu.memory_space<vmem>>, vector<16xf32>,
    %mul3A_942 = vector.broadcast %squeeze3A_927 : f32 to vector<16xf32>
    %mul3A_943 = arith.mulf %get3A_941, %mul3A_942 : vector<16xf32>
    %swap3A_944 = arith.constant 11 : i32
    %swap3A_945 = arith.index_cast %swap3A_944 : i32 to index
    %swap3A_946 = arith.constant 16 : index
    %swap3A_947 = tpu.vector_load %arg25[%swap3A_945, %swap3A_946] {strides = array<i32>} : memref<16x128xf32, #tpu.memory_space<vmem>>, vector<16xf32>,
    tpu.vector_store %arg25[%swap3A_945, %swap3A_946], %mul3A_943 {strides = array<i32>} : memref<16x128xf32, #tpu.memory_space<vmem>>, vector<16xf32>,
    %get3A_948 = arith.constant 11 : i32
    %get3A_949 = arith.index_cast %get3A_948 : i32 to index
    %get3A_950 = arith.constant 32 : index
    %get3A_951 = tpu.vector_load %arg25[%get3A_949, %get3A_950] {strides = array<i32>} : memref<16x128xf32, #tpu.memory_space<vmem>>, vector<16xf32>,
    %mul3A_952 = vector.broadcast %squeeze3A_927 : f32 to vector<16xf32>
    %mul3A_953 = arith.mulf %get3A_951, %mul3A_952 : vector<16xf32>
    %swap3A_954 = arith.constant 11 : i32
    %swap3A_955 = arith.index_cast %swap3A_954 : i32 to index
    %swap3A_956 = arith.constant 32 : index
    %swap3A_957 = tpu.vector_load %arg25[%swap3A_955, %swap3A_956] {strides = array<i32>} : memref<16x128xf32, #tpu.memory_space<vmem>>, vector<16xf32>,
    tpu.vector_store %arg25[%swap3A_955, %swap3A_956], %mul3A_953 {strides = array<i32>} : memref<16x128xf32, #tpu.memory_space<vmem>>, vector<16xf32>,
    %get3A_958 = arith.constant 11 : i32
    %get3A_959 = arith.index_cast %get3A_958 : i32 to index
    %get3A_960 = arith.constant 48 : index
    %get3A_961 = tpu.vector_load %arg25[%get3A_959, %get3A_960] {strides = array<i32>} : memref<16x128xf32, #tpu.memory_space<vmem>>, vector<16xf32>,
    %mul3A_962 = vector.broadcast %squeeze3A_927 : f32 to vector<16xf32>
    %mul3A_963 = arith.mulf %get3A_961, %mul3A_962 : vector<16xf32>
    %swap3A_964 = arith.constant 11 : i32
    %swap3A_965 = arith.index_cast %swap3A_964 : i32 to index
    %swap3A_966 = arith.constant 48 : index
    %swap3A_967 = tpu.vector_load %arg25[%swap3A_965, %swap3A_966] {strides = array<i32>} : memref<16x128xf32, #tpu.memory_space<vmem>>, vector<16xf32>,
    tpu.vector_store %arg25[%swap3A_965, %swap3A_966], %mul3A_963 {strides = array<i32>} : memref<16x128xf32, #tpu.memory_space<vmem>>, vector<16xf32>,
    %get3A_968 = arith.constant 11 : i32
    %get3A_969 = arith.index_cast %get3A_968 : i32 to index
    %get3A_970 = arith.constant 64 : index
    %get3A_971 = tpu.vector_load %arg25[%get3A_969, %get3A_970] {strides = array<i32>} : memref<16x128xf32, #tpu.memory_space<vmem>>, vector<16xf32>,
    %mul3A_972 = vector.broadcast %squeeze3A_927 : f32 to vector<16xf32>
    %mul3A_973 = arith.mulf %get3A_971, %mul3A_972 : vector<16xf32>
    %swap3A_974 = arith.constant 11 : i32
    %swap3A_975 = arith.index_cast %swap3A_974 : i32 to index
    %swap3A_976 = arith.constant 64 : index
    %swap3A_977 = tpu.vector_load %arg25[%swap3A_975, %swap3A_976] {strides = array<i32>} : memref<16x128xf32, #tpu.memory_space<vmem>>, vector<16xf32>,
    tpu.vector_store %arg25[%swap3A_975, %swap3A_976], %mul3A_973 {strides = array<i32>} : memref<16x128xf32, #tpu.memory_space<vmem>>, vector<16xf32>,
    %get3A_978 = arith.constant 11 : i32
    %get3A_979 = arith.index_cast %get3A_978 : i32 to index
    %get3A_980 = arith.constant 80 : index
    %get3A_981 = tpu.vector_load %arg25[%get3A_979, %get3A_980] {strides = array<i32>} : memref<16x128xf32, #tpu.memory_space<vmem>>, vector<16xf32>,
    %mul3A_982 = vector.broadcast %squeeze3A_927 : f32 to vector<16xf32>
    %mul3A_983 = arith.mulf %get3A_981, %mul3A_982 : vector<16xf32>
    %swap3A_984 = arith.constant 11 : i32
    %swap3A_985 = arith.index_cast %swap3A_984 : i32 to index
    %swap3A_986 = arith.constant 80 : index
    %swap3A_987 = tpu.vector_load %arg25[%swap3A_985, %swap3A_986] {strides = array<i32>} : memref<16x128xf32, #tpu.memory_space<vmem>>, vector<16xf32>,
    tpu.vector_store %arg25[%swap3A_985, %swap3A_986], %mul3A_983 {strides = array<i32>} : memref<16x128xf32, #tpu.memory_space<vmem>>, vector<16xf32>,
    %get3A_988 = arith.constant 11 : i32
    %get3A_989 = arith.index_cast %get3A_988 : i32 to index
    %get3A_990 = arith.constant 96 : index
    %get3A_991 = tpu.vector_load %arg25[%get3A_989, %get3A_990] {strides = array<i32>} : memref<16x128xf32, #tpu.memory_space<vmem>>, vector<16xf32>,
    %mul3A_992 = vector.broadcast %squeeze3A_927 : f32 to vector<16xf32>
    %mul3A_993 = arith.mulf %get3A_991, %mul3A_992 : vector<16xf32>
    %swap3A_994 = arith.constant 11 : i32
    %swap3A_995 = arith.index_cast %swap3A_994 : i32 to index
    %swap3A_996 = arith.constant 96 : index
    %swap3A_997 = tpu.vector_load %arg25[%swap3A_995, %swap3A_996] {strides = array<i32>} : memref<16x128xf32, #tpu.memory_space<vmem>>, vector<16xf32>,
    tpu.vector_store %arg25[%swap3A_995, %swap3A_996], %mul3A_993 {strides = array<i32>} : memref<16x128xf32, #tpu.memory_space<vmem>>, vector<16xf32>,
    %get3A_998 = arith.constant 11 : i32
    %get3A_999 = arith.index_cast %get3A_998 : i32 to index
    %get3A_1000 = arith.constant 112 : index
    %get3A_1001 = tpu.vector_load %arg25[%get3A_999, %get3A_1000] {strides = array<i32>} : memref<16x128xf32, #tpu.memory_space<vmem>>, vector<16xf32>,
    %mul3A_1002 = vector.broadcast %squeeze3A_927 : f32 to vector<16xf32>
    %mul3A_1003 = arith.mulf %get3A_1001, %mul3A_1002 : vector<16xf32>
    %swap3A_1004 = arith.constant 11 : i32
    %swap3A_1005 = arith.index_cast %swap3A_1004 : i32 to index
    %swap3A_1006 = arith.constant 112 : index
    %swap3A_1007 = tpu.vector_load %arg25[%swap3A_1005, %swap3A_1006] {strides = array<i32>} : memref<16x128xf32, #tpu.memory_space<vmem>>, vector<16xf32>,
    tpu.vector_store %arg25[%swap3A_1005, %swap3A_1006], %mul3A_1003 {strides = array<i32>} : memref<16x128xf32, #tpu.memory_space<vmem>>, vector<16xf32>,
    %slice3A_1008 = vector.extract_strided_slice %exp3A {offsets = [12], sizes = [1], strides = [1]} : vector<16xf32> to vector<1xf32>
    %squeeze3A_1009 = vector.extract %slice3A_1008[0] : f32 from vector<1xf32>
    %get3A_1010 = arith.constant 12 : i32
    %get3A_1011 = arith.index_cast %get3A_1010 : i32 to index
    %get3A_1012 = arith.constant 0 : index
    %get3A_1013 = tpu.vector_load %arg25[%get3A_1011, %get3A_1012] {strides = array<i32>} : memref<16x128xf32, #tpu.memory_space<vmem>>, vector<16xf32>,
    %mul3A_1014 = vector.broadcast %squeeze3A_1009 : f32 to vector<16xf32>
    %mul3A_1015 = arith.mulf %get3A_1013, %mul3A_1014 : vector<16xf32>
    %swap3A_1016 = arith.constant 12 : i32
    %swap3A_1017 = arith.index_cast %swap3A_1016 : i32 to index
    %swap3A_1018 = arith.constant 0 : index
    %swap3A_1019 = tpu.vector_load %arg25[%swap3A_1017, %swap3A_1018] {strides = array<i32>} : memref<16x128xf32, #tpu.memory_space<vmem>>, vector<16xf32>,
    tpu.vector_store %arg25[%swap3A_1017, %swap3A_1018], %mul3A_1015 {strides = array<i32>} : memref<16x128xf32, #tpu.memory_space<vmem>>, vector<16xf32>,
    %get3A_1020 = arith.constant 12 : i32
    %get3A_1021 = arith.index_cast %get3A_1020 : i32 to index
    %get3A_1022 = arith.constant 16 : index
    %get3A_1023 = tpu.vector_load %arg25[%get3A_1021, %get3A_1022] {strides = array<i32>} : memref<16x128xf32, #tpu.memory_space<vmem>>, vector<16xf32>,
    %mul3A_1024 = vector.broadcast %squeeze3A_1009 : f32 to vector<16xf32>
    %mul3A_1025 = arith.mulf %get3A_1023, %mul3A_1024 : vector<16xf32>
    %swap3A_1026 = arith.constant 12 : i32
    %swap3A_1027 = arith.index_cast %swap3A_1026 : i32 to index
    %swap3A_1028 = arith.constant 16 : index
    %swap3A_1029 = tpu.vector_load %arg25[%swap3A_1027, %swap3A_1028] {strides = array<i32>} : memref<16x128xf32, #tpu.memory_space<vmem>>, vector<16xf32>,
    tpu.vector_store %arg25[%swap3A_1027, %swap3A_1028], %mul3A_1025 {strides = array<i32>} : memref<16x128xf32, #tpu.memory_space<vmem>>, vector<16xf32>,
    %get3A_1030 = arith.constant 12 : i32
    %get3A_1031 = arith.index_cast %get3A_1030 : i32 to index
    %get3A_1032 = arith.constant 32 : index
    %get3A_1033 = tpu.vector_load %arg25[%get3A_1031, %get3A_1032] {strides = array<i32>} : memref<16x128xf32, #tpu.memory_space<vmem>>, vector<16xf32>,
    %mul3A_1034 = vector.broadcast %squeeze3A_1009 : f32 to vector<16xf32>
    %mul3A_1035 = arith.mulf %get3A_1033, %mul3A_1034 : vector<16xf32>
    %swap3A_1036 = arith.constant 12 : i32
    %swap3A_1037 = arith.index_cast %swap3A_1036 : i32 to index
    %swap3A_1038 = arith.constant 32 : index
    %swap3A_1039 = tpu.vector_load %arg25[%swap3A_1037, %swap3A_1038] {strides = array<i32>} : memref<16x128xf32, #tpu.memory_space<vmem>>, vector<16xf32>,
    tpu.vector_store %arg25[%swap3A_1037, %swap3A_1038], %mul3A_1035 {strides = array<i32>} : memref<16x128xf32, #tpu.memory_space<vmem>>, vector<16xf32>,
    %get3A_1040 = arith.constant 12 : i32
    %get3A_1041 = arith.index_cast %get3A_1040 : i32 to index
    %get3A_1042 = arith.constant 48 : index
    %get3A_1043 = tpu.vector_load %arg25[%get3A_1041, %get3A_1042] {strides = array<i32>} : memref<16x128xf32, #tpu.memory_space<vmem>>, vector<16xf32>,
    %mul3A_1044 = vector.broadcast %squeeze3A_1009 : f32 to vector<16xf32>
    %mul3A_1045 = arith.mulf %get3A_1043, %mul3A_1044 : vector<16xf32>
    %swap3A_1046 = arith.constant 12 : i32
    %swap3A_1047 = arith.index_cast %swap3A_1046 : i32 to index
    %swap3A_1048 = arith.constant 48 : index
    %swap3A_1049 = tpu.vector_load %arg25[%swap3A_1047, %swap3A_1048] {strides = array<i32>} : memref<16x128xf32, #tpu.memory_space<vmem>>, vector<16xf32>,
    tpu.vector_store %arg25[%swap3A_1047, %swap3A_1048], %mul3A_1045 {strides = array<i32>} : memref<16x128xf32, #tpu.memory_space<vmem>>, vector<16xf32>,
    %get3A_1050 = arith.constant 12 : i32
    %get3A_1051 = arith.index_cast %get3A_1050 : i32 to index
    %get3A_1052 = arith.constant 64 : index
    %get3A_1053 = tpu.vector_load %arg25[%get3A_1051, %get3A_1052] {strides = array<i32>} : memref<16x128xf32, #tpu.memory_space<vmem>>, vector<16xf32>,
    %mul3A_1054 = vector.broadcast %squeeze3A_1009 : f32 to vector<16xf32>
    %mul3A_1055 = arith.mulf %get3A_1053, %mul3A_1054 : vector<16xf32>
    %swap3A_1056 = arith.constant 12 : i32
    %swap3A_1057 = arith.index_cast %swap3A_1056 : i32 to index
    %swap3A_1058 = arith.constant 64 : index
    %swap3A_1059 = tpu.vector_load %arg25[%swap3A_1057, %swap3A_1058] {strides = array<i32>} : memref<16x128xf32, #tpu.memory_space<vmem>>, vector<16xf32>,
    tpu.vector_store %arg25[%swap3A_1057, %swap3A_1058], %mul3A_1055 {strides = array<i32>} : memref<16x128xf32, #tpu.memory_space<vmem>>, vector<16xf32>,
    %get3A_1060 = arith.constant 12 : i32
    %get3A_1061 = arith.index_cast %get3A_1060 : i32 to index
    %get3A_1062 = arith.constant 80 : index
    %get3A_1063 = tpu.vector_load %arg25[%get3A_1061, %get3A_1062] {strides = array<i32>} : memref<16x128xf32, #tpu.memory_space<vmem>>, vector<16xf32>,
    %mul3A_1064 = vector.broadcast %squeeze3A_1009 : f32 to vector<16xf32>
    %mul3A_1065 = arith.mulf %get3A_1063, %mul3A_1064 : vector<16xf32>
    %swap3A_1066 = arith.constant 12 : i32
    %swap3A_1067 = arith.index_cast %swap3A_1066 : i32 to index
    %swap3A_1068 = arith.constant 80 : index
    %swap3A_1069 = tpu.vector_load %arg25[%swap3A_1067, %swap3A_1068] {strides = array<i32>} : memref<16x128xf32, #tpu.memory_space<vmem>>, vector<16xf32>,
    tpu.vector_store %arg25[%swap3A_1067, %swap3A_1068], %mul3A_1065 {strides = array<i32>} : memref<16x128xf32, #tpu.memory_space<vmem>>, vector<16xf32>,
    %get3A_1070 = arith.constant 12 : i32
    %get3A_1071 = arith.index_cast %get3A_1070 : i32 to index
    %get3A_1072 = arith.constant 96 : index
    %get3A_1073 = tpu.vector_load %arg25[%get3A_1071, %get3A_1072] {strides = array<i32>} : memref<16x128xf32, #tpu.memory_space<vmem>>, vector<16xf32>,
    %mul3A_1074 = vector.broadcast %squeeze3A_1009 : f32 to vector<16xf32>
    %mul3A_1075 = arith.mulf %get3A_1073, %mul3A_1074 : vector<16xf32>
    %swap3A_1076 = arith.constant 12 : i32
    %swap3A_1077 = arith.index_cast %swap3A_1076 : i32 to index
    %swap3A_1078 = arith.constant 96 : index
    %swap3A_1079 = tpu.vector_load %arg25[%swap3A_1077, %swap3A_1078] {strides = array<i32>} : memref<16x128xf32, #tpu.memory_space<vmem>>, vector<16xf32>,
    tpu.vector_store %arg25[%swap3A_1077, %swap3A_1078], %mul3A_1075 {strides = array<i32>} : memref<16x128xf32, #tpu.memory_space<vmem>>, vector<16xf32>,
    %get3A_1080 = arith.constant 12 : i32
    %get3A_1081 = arith.index_cast %get3A_1080 : i32 to index
    %get3A_1082 = arith.constant 112 : index
    %get3A_1083 = tpu.vector_load %arg25[%get3A_1081, %get3A_1082] {strides = array<i32>} : memref<16x128xf32, #tpu.memory_space<vmem>>, vector<16xf32>,
    %mul3A_1084 = vector.broadcast %squeeze3A_1009 : f32 to vector<16xf32>
    %mul3A_1085 = arith.mulf %get3A_1083, %mul3A_1084 : vector<16xf32>
    %swap3A_1086 = arith.constant 12 : i32
    %swap3A_1087 = arith.index_cast %swap3A_1086 : i32 to index
    %swap3A_1088 = arith.constant 112 : index
    %swap3A_1089 = tpu.vector_load %arg25[%swap3A_1087, %swap3A_1088] {strides = array<i32>} : memref<16x128xf32, #tpu.memory_space<vmem>>, vector<16xf32>,
    tpu.vector_store %arg25[%swap3A_1087, %swap3A_1088], %mul3A_1085 {strides = array<i32>} : memref<16x128xf32, #tpu.memory_space<vmem>>, vector<16xf32>,
    %slice3A_1090 = vector.extract_strided_slice %exp3A {offsets = [13], sizes = [1], strides = [1]} : vector<16xf32> to vector<1xf32>
    %squeeze3A_1091 = vector.extract %slice3A_1090[0] : f32 from vector<1xf32>
    %get3A_1092 = arith.constant 13 : i32
    %get3A_1093 = arith.index_cast %get3A_1092 : i32 to index
    %get3A_1094 = arith.constant 0 : index
    %get3A_1095 = tpu.vector_load %arg25[%get3A_1093, %get3A_1094] {strides = array<i32>} : memref<16x128xf32, #tpu.memory_space<vmem>>, vector<16xf32>,
    %mul3A_1096 = vector.broadcast %squeeze3A_1091 : f32 to vector<16xf32>
    %mul3A_1097 = arith.mulf %get3A_1095, %mul3A_1096 : vector<16xf32>
    %swap3A_1098 = arith.constant 13 : i32
    %swap3A_1099 = arith.index_cast %swap3A_1098 : i32 to index
    %swap3A_1100 = arith.constant 0 : index
    %swap3A_1101 = tpu.vector_load %arg25[%swap3A_1099, %swap3A_1100] {strides = array<i32>} : memref<16x128xf32, #tpu.memory_space<vmem>>, vector<16xf32>,
    tpu.vector_store %arg25[%swap3A_1099, %swap3A_1100], %mul3A_1097 {strides = array<i32>} : memref<16x128xf32, #tpu.memory_space<vmem>>, vector<16xf32>,
    %get3A_1102 = arith.constant 13 : i32
    %get3A_1103 = arith.index_cast %get3A_1102 : i32 to index
    %get3A_1104 = arith.constant 16 : index
    %get3A_1105 = tpu.vector_load %arg25[%get3A_1103, %get3A_1104] {strides = array<i32>} : memref<16x128xf32, #tpu.memory_space<vmem>>, vector<16xf32>,
    %mul3A_1106 = vector.broadcast %squeeze3A_1091 : f32 to vector<16xf32>
    %mul3A_1107 = arith.mulf %get3A_1105, %mul3A_1106 : vector<16xf32>
    %swap3A_1108 = arith.constant 13 : i32
    %swap3A_1109 = arith.index_cast %swap3A_1108 : i32 to index
    %swap3A_1110 = arith.constant 16 : index
    %swap3A_1111 = tpu.vector_load %arg25[%swap3A_1109, %swap3A_1110] {strides = array<i32>} : memref<16x128xf32, #tpu.memory_space<vmem>>, vector<16xf32>,
    tpu.vector_store %arg25[%swap3A_1109, %swap3A_1110], %mul3A_1107 {strides = array<i32>} : memref<16x128xf32, #tpu.memory_space<vmem>>, vector<16xf32>,
    %get3A_1112 = arith.constant 13 : i32
    %get3A_1113 = arith.index_cast %get3A_1112 : i32 to index
    %get3A_1114 = arith.constant 32 : index
    %get3A_1115 = tpu.vector_load %arg25[%get3A_1113, %get3A_1114] {strides = array<i32>} : memref<16x128xf32, #tpu.memory_space<vmem>>, vector<16xf32>,
    %mul3A_1116 = vector.broadcast %squeeze3A_1091 : f32 to vector<16xf32>
    %mul3A_1117 = arith.mulf %get3A_1115, %mul3A_1116 : vector<16xf32>
    %swap3A_1118 = arith.constant 13 : i32
    %swap3A_1119 = arith.index_cast %swap3A_1118 : i32 to index
    %swap3A_1120 = arith.constant 32 : index
    %swap3A_1121 = tpu.vector_load %arg25[%swap3A_1119, %swap3A_1120] {strides = array<i32>} : memref<16x128xf32, #tpu.memory_space<vmem>>, vector<16xf32>,
    tpu.vector_store %arg25[%swap3A_1119, %swap3A_1120], %mul3A_1117 {strides = array<i32>} : memref<16x128xf32, #tpu.memory_space<vmem>>, vector<16xf32>,
    %get3A_1122 = arith.constant 13 : i32
    %get3A_1123 = arith.index_cast %get3A_1122 : i32 to index
    %get3A_1124 = arith.constant 48 : index
    %get3A_1125 = tpu.vector_load %arg25[%get3A_1123, %get3A_1124] {strides = array<i32>} : memref<16x128xf32, #tpu.memory_space<vmem>>, vector<16xf32>,
    %mul3A_1126 = vector.broadcast %squeeze3A_1091 : f32 to vector<16xf32>
    %mul3A_1127 = arith.mulf %get3A_1125, %mul3A_1126 : vector<16xf32>
    %swap3A_1128 = arith.constant 13 : i32
    %swap3A_1129 = arith.index_cast %swap3A_1128 : i32 to index
    %swap3A_1130 = arith.constant 48 : index
    %swap3A_1131 = tpu.vector_load %arg25[%swap3A_1129, %swap3A_1130] {strides = array<i32>} : memref<16x128xf32, #tpu.memory_space<vmem>>, vector<16xf32>,
    tpu.vector_store %arg25[%swap3A_1129, %swap3A_1130], %mul3A_1127 {strides = array<i32>} : memref<16x128xf32, #tpu.memory_space<vmem>>, vector<16xf32>,
    %get3A_1132 = arith.constant 13 : i32
    %get3A_1133 = arith.index_cast %get3A_1132 : i32 to index
    %get3A_1134 = arith.constant 64 : index
    %get3A_1135 = tpu.vector_load %arg25[%get3A_1133, %get3A_1134] {strides = array<i32>} : memref<16x128xf32, #tpu.memory_space<vmem>>, vector<16xf32>,
    %mul3A_1136 = vector.broadcast %squeeze3A_1091 : f32 to vector<16xf32>
    %mul3A_1137 = arith.mulf %get3A_1135, %mul3A_1136 : vector<16xf32>
    %swap3A_1138 = arith.constant 13 : i32
    %swap3A_1139 = arith.index_cast %swap3A_1138 : i32 to index
    %swap3A_1140 = arith.constant 64 : index
    %swap3A_1141 = tpu.vector_load %arg25[%swap3A_1139, %swap3A_1140] {strides = array<i32>} : memref<16x128xf32, #tpu.memory_space<vmem>>, vector<16xf32>,
    tpu.vector_store %arg25[%swap3A_1139, %swap3A_1140], %mul3A_1137 {strides = array<i32>} : memref<16x128xf32, #tpu.memory_space<vmem>>, vector<16xf32>,
    %get3A_1142 = arith.constant 13 : i32
    %get3A_1143 = arith.index_cast %get3A_1142 : i32 to index
    %get3A_1144 = arith.constant 80 : index
    %get3A_1145 = tpu.vector_load %arg25[%get3A_1143, %get3A_1144] {strides = array<i32>} : memref<16x128xf32, #tpu.memory_space<vmem>>, vector<16xf32>,
    %mul3A_1146 = vector.broadcast %squeeze3A_1091 : f32 to vector<16xf32>
    %mul3A_1147 = arith.mulf %get3A_1145, %mul3A_1146 : vector<16xf32>
    %swap3A_1148 = arith.constant 13 : i32
    %swap3A_1149 = arith.index_cast %swap3A_1148 : i32 to index
    %swap3A_1150 = arith.constant 80 : index
    %swap3A_1151 = tpu.vector_load %arg25[%swap3A_1149, %swap3A_1150] {strides = array<i32>} : memref<16x128xf32, #tpu.memory_space<vmem>>, vector<16xf32>,
    tpu.vector_store %arg25[%swap3A_1149, %swap3A_1150], %mul3A_1147 {strides = array<i32>} : memref<16x128xf32, #tpu.memory_space<vmem>>, vector<16xf32>,
    %get3A_1152 = arith.constant 13 : i32
    %get3A_1153 = arith.index_cast %get3A_1152 : i32 to index
    %get3A_1154 = arith.constant 96 : index
    %get3A_1155 = tpu.vector_load %arg25[%get3A_1153, %get3A_1154] {strides = array<i32>} : memref<16x128xf32, #tpu.memory_space<vmem>>, vector<16xf32>,
    %mul3A_1156 = vector.broadcast %squeeze3A_1091 : f32 to vector<16xf32>
    %mul3A_1157 = arith.mulf %get3A_1155, %mul3A_1156 : vector<16xf32>
    %swap3A_1158 = arith.constant 13 : i32
    %swap3A_1159 = arith.index_cast %swap3A_1158 : i32 to index
    %swap3A_1160 = arith.constant 96 : index
    %swap3A_1161 = tpu.vector_load %arg25[%swap3A_1159, %swap3A_1160] {strides = array<i32>} : memref<16x128xf32, #tpu.memory_space<vmem>>, vector<16xf32>,
    tpu.vector_store %arg25[%swap3A_1159, %swap3A_1160], %mul3A_1157 {strides = array<i32>} : memref<16x128xf32, #tpu.memory_space<vmem>>, vector<16xf32>,
    %get3A_1162 = arith.constant 13 : i32
    %get3A_1163 = arith.index_cast %get3A_1162 : i32 to index
    %get3A_1164 = arith.constant 112 : index
    %get3A_1165 = tpu.vector_load %arg25[%get3A_1163, %get3A_1164] {strides = array<i32>} : memref<16x128xf32, #tpu.memory_space<vmem>>, vector<16xf32>,
    %mul3A_1166 = vector.broadcast %squeeze3A_1091 : f32 to vector<16xf32>
    %mul3A_1167 = arith.mulf %get3A_1165, %mul3A_1166 : vector<16xf32>
    %swap3A_1168 = arith.constant 13 : i32
    %swap3A_1169 = arith.index_cast %swap3A_1168 : i32 to index
    %swap3A_1170 = arith.constant 112 : index
    %swap3A_1171 = tpu.vector_load %arg25[%swap3A_1169, %swap3A_1170] {strides = array<i32>} : memref<16x128xf32, #tpu.memory_space<vmem>>, vector<16xf32>,
    tpu.vector_store %arg25[%swap3A_1169, %swap3A_1170], %mul3A_1167 {strides = array<i32>} : memref<16x128xf32, #tpu.memory_space<vmem>>, vector<16xf32>,
    %slice3A_1172 = vector.extract_strided_slice %exp3A {offsets = [14], sizes = [1], strides = [1]} : vector<16xf32> to vector<1xf32>
    %squeeze3A_1173 = vector.extract %slice3A_1172[0] : f32 from vector<1xf32>
    %get3A_1174 = arith.constant 14 : i32
    %get3A_1175 = arith.index_cast %get3A_1174 : i32 to index
    %get3A_1176 = arith.constant 0 : index
    %get3A_1177 = tpu.vector_load %arg25[%get3A_1175, %get3A_1176] {strides = array<i32>} : memref<16x128xf32, #tpu.memory_space<vmem>>, vector<16xf32>,
    %mul3A_1178 = vector.broadcast %squeeze3A_1173 : f32 to vector<16xf32>
    %mul3A_1179 = arith.mulf %get3A_1177, %mul3A_1178 : vector<16xf32>
    %swap3A_1180 = arith.constant 14 : i32
    %swap3A_1181 = arith.index_cast %swap3A_1180 : i32 to index
    %swap3A_1182 = arith.constant 0 : index
    %swap3A_1183 = tpu.vector_load %arg25[%swap3A_1181, %swap3A_1182] {strides = array<i32>} : memref<16x128xf32, #tpu.memory_space<vmem>>, vector<16xf32>,
    tpu.vector_store %arg25[%swap3A_1181, %swap3A_1182], %mul3A_1179 {strides = array<i32>} : memref<16x128xf32, #tpu.memory_space<vmem>>, vector<16xf32>,
    %get3A_1184 = arith.constant 14 : i32
    %get3A_1185 = arith.index_cast %get3A_1184 : i32 to index
    %get3A_1186 = arith.constant 16 : index
    %get3A_1187 = tpu.vector_load %arg25[%get3A_1185, %get3A_1186] {strides = array<i32>} : memref<16x128xf32, #tpu.memory_space<vmem>>, vector<16xf32>,
    %mul3A_1188 = vector.broadcast %squeeze3A_1173 : f32 to vector<16xf32>
    %mul3A_1189 = arith.mulf %get3A_1187, %mul3A_1188 : vector<16xf32>
    %swap3A_1190 = arith.constant 14 : i32
    %swap3A_1191 = arith.index_cast %swap3A_1190 : i32 to index
    %swap3A_1192 = arith.constant 16 : index
    %swap3A_1193 = tpu.vector_load %arg25[%swap3A_1191, %swap3A_1192] {strides = array<i32>} : memref<16x128xf32, #tpu.memory_space<vmem>>, vector<16xf32>,
    tpu.vector_store %arg25[%swap3A_1191, %swap3A_1192], %mul3A_1189 {strides = array<i32>} : memref<16x128xf32, #tpu.memory_space<vmem>>, vector<16xf32>,
    %get3A_1194 = arith.constant 14 : i32
    %get3A_1195 = arith.index_cast %get3A_1194 : i32 to index
    %get3A_1196 = arith.constant 32 : index
    %get3A_1197 = tpu.vector_load %arg25[%get3A_1195, %get3A_1196] {strides = array<i32>} : memref<16x128xf32, #tpu.memory_space<vmem>>, vector<16xf32>,
    %mul3A_1198 = vector.broadcast %squeeze3A_1173 : f32 to vector<16xf32>
    %mul3A_1199 = arith.mulf %get3A_1197, %mul3A_1198 : vector<16xf32>
    %swap3A_1200 = arith.constant 14 : i32
    %swap3A_1201 = arith.index_cast %swap3A_1200 : i32 to index
    %swap3A_1202 = arith.constant 32 : index
    %swap3A_1203 = tpu.vector_load %arg25[%swap3A_1201, %swap3A_1202] {strides = array<i32>} : memref<16x128xf32, #tpu.memory_space<vmem>>, vector<16xf32>,
    tpu.vector_store %arg25[%swap3A_1201, %swap3A_1202], %mul3A_1199 {strides = array<i32>} : memref<16x128xf32, #tpu.memory_space<vmem>>, vector<16xf32>,
    %get3A_1204 = arith.constant 14 : i32
    %get3A_1205 = arith.index_cast %get3A_1204 : i32 to index
    %get3A_1206 = arith.constant 48 : index
    %get3A_1207 = tpu.vector_load %arg25[%get3A_1205, %get3A_1206] {strides = array<i32>} : memref<16x128xf32, #tpu.memory_space<vmem>>, vector<16xf32>,
    %mul3A_1208 = vector.broadcast %squeeze3A_1173 : f32 to vector<16xf32>
    %mul3A_1209 = arith.mulf %get3A_1207, %mul3A_1208 : vector<16xf32>
    %swap3A_1210 = arith.constant 14 : i32
    %swap3A_1211 = arith.index_cast %swap3A_1210 : i32 to index
    %swap3A_1212 = arith.constant 48 : index
    %swap3A_1213 = tpu.vector_load %arg25[%swap3A_1211, %swap3A_1212] {strides = array<i32>} : memref<16x128xf32, #tpu.memory_space<vmem>>, vector<16xf32>,
    tpu.vector_store %arg25[%swap3A_1211, %swap3A_1212], %mul3A_1209 {strides = array<i32>} : memref<16x128xf32, #tpu.memory_space<vmem>>, vector<16xf32>,
    %get3A_1214 = arith.constant 14 : i32
    %get3A_1215 = arith.index_cast %get3A_1214 : i32 to index
    %get3A_1216 = arith.constant 64 : index
    %get3A_1217 = tpu.vector_load %arg25[%get3A_1215, %get3A_1216] {strides = array<i32>} : memref<16x128xf32, #tpu.memory_space<vmem>>, vector<16xf32>,
    %mul3A_1218 = vector.broadcast %squeeze3A_1173 : f32 to vector<16xf32>
    %mul3A_1219 = arith.mulf %get3A_1217, %mul3A_1218 : vector<16xf32>
    %swap3A_1220 = arith.constant 14 : i32
    %swap3A_1221 = arith.index_cast %swap3A_1220 : i32 to index
    %swap3A_1222 = arith.constant 64 : index
    %swap3A_1223 = tpu.vector_load %arg25[%swap3A_1221, %swap3A_1222] {strides = array<i32>} : memref<16x128xf32, #tpu.memory_space<vmem>>, vector<16xf32>,
    tpu.vector_store %arg25[%swap3A_1221, %swap3A_1222], %mul3A_1219 {strides = array<i32>} : memref<16x128xf32, #tpu.memory_space<vmem>>, vector<16xf32>,
    %get3A_1224 = arith.constant 14 : i32
    %get3A_1225 = arith.index_cast %get3A_1224 : i32 to index
    %get3A_1226 = arith.constant 80 : index
    %get3A_1227 = tpu.vector_load %arg25[%get3A_1225, %get3A_1226] {strides = array<i32>} : memref<16x128xf32, #tpu.memory_space<vmem>>, vector<16xf32>,
    %mul3A_1228 = vector.broadcast %squeeze3A_1173 : f32 to vector<16xf32>
    %mul3A_1229 = arith.mulf %get3A_1227, %mul3A_1228 : vector<16xf32>
    %swap3A_1230 = arith.constant 14 : i32
    %swap3A_1231 = arith.index_cast %swap3A_1230 : i32 to index
    %swap3A_1232 = arith.constant 80 : index
    %swap3A_1233 = tpu.vector_load %arg25[%swap3A_1231, %swap3A_1232] {strides = array<i32>} : memref<16x128xf32, #tpu.memory_space<vmem>>, vector<16xf32>,
    tpu.vector_store %arg25[%swap3A_1231, %swap3A_1232], %mul3A_1229 {strides = array<i32>} : memref<16x128xf32, #tpu.memory_space<vmem>>, vector<16xf32>,
    %get3A_1234 = arith.constant 14 : i32
    %get3A_1235 = arith.index_cast %get3A_1234 : i32 to index
    %get3A_1236 = arith.constant 96 : index
    %get3A_1237 = tpu.vector_load %arg25[%get3A_1235, %get3A_1236] {strides = array<i32>} : memref<16x128xf32, #tpu.memory_space<vmem>>, vector<16xf32>,
    %mul3A_1238 = vector.broadcast %squeeze3A_1173 : f32 to vector<16xf32>
    %mul3A_1239 = arith.mulf %get3A_1237, %mul3A_1238 : vector<16xf32>
    %swap3A_1240 = arith.constant 14 : i32
    %swap3A_1241 = arith.index_cast %swap3A_1240 : i32 to index
    %swap3A_1242 = arith.constant 96 : index
    %swap3A_1243 = tpu.vector_load %arg25[%swap3A_1241, %swap3A_1242] {strides = array<i32>} : memref<16x128xf32, #tpu.memory_space<vmem>>, vector<16xf32>,
    tpu.vector_store %arg25[%swap3A_1241, %swap3A_1242], %mul3A_1239 {strides = array<i32>} : memref<16x128xf32, #tpu.memory_space<vmem>>, vector<16xf32>,
    %get3A_1244 = arith.constant 14 : i32
    %get3A_1245 = arith.index_cast %get3A_1244 : i32 to index
    %get3A_1246 = arith.constant 112 : index
    %get3A_1247 = tpu.vector_load %arg25[%get3A_1245, %get3A_1246] {strides = array<i32>} : memref<16x128xf32, #tpu.memory_space<vmem>>, vector<16xf32>,
    %mul3A_1248 = vector.broadcast %squeeze3A_1173 : f32 to vector<16xf32>
    %mul3A_1249 = arith.mulf %get3A_1247, %mul3A_1248 : vector<16xf32>
    %swap3A_1250 = arith.constant 14 : i32
    %swap3A_1251 = arith.index_cast %swap3A_1250 : i32 to index
    %swap3A_1252 = arith.constant 112 : index
    %swap3A_1253 = tpu.vector_load %arg25[%swap3A_1251, %swap3A_1252] {strides = array<i32>} : memref<16x128xf32, #tpu.memory_space<vmem>>, vector<16xf32>,
    tpu.vector_store %arg25[%swap3A_1251, %swap3A_1252], %mul3A_1249 {strides = array<i32>} : memref<16x128xf32, #tpu.memory_space<vmem>>, vector<16xf32>,
    %slice3A_1254 = vector.extract_strided_slice %exp3A {offsets = [15], sizes = [1], strides = [1]} : vector<16xf32> to vector<1xf32>
    %squeeze3A_1255 = vector.extract %slice3A_1254[0] : f32 from vector<1xf32>
    %get3A_1256 = arith.constant 15 : i32
    %get3A_1257 = arith.index_cast %get3A_1256 : i32 to index
    %get3A_1258 = arith.constant 0 : index
    %get3A_1259 = tpu.vector_load %arg25[%get3A_1257, %get3A_1258] {strides = array<i32>} : memref<16x128xf32, #tpu.memory_space<vmem>>, vector<16xf32>,
    %mul3A_1260 = vector.broadcast %squeeze3A_1255 : f32 to vector<16xf32>
    %mul3A_1261 = arith.mulf %get3A_1259, %mul3A_1260 : vector<16xf32>
    %swap3A_1262 = arith.constant 15 : i32
    %swap3A_1263 = arith.index_cast %swap3A_1262 : i32 to index
    %swap3A_1264 = arith.constant 0 : index
    %swap3A_1265 = tpu.vector_load %arg25[%swap3A_1263, %swap3A_1264] {strides = array<i32>} : memref<16x128xf32, #tpu.memory_space<vmem>>, vector<16xf32>,
    tpu.vector_store %arg25[%swap3A_1263, %swap3A_1264], %mul3A_1261 {strides = array<i32>} : memref<16x128xf32, #tpu.memory_space<vmem>>, vector<16xf32>,
    %get3A_1266 = arith.constant 15 : i32
    %get3A_1267 = arith.index_cast %get3A_1266 : i32 to index
    %get3A_1268 = arith.constant 16 : index
    %get3A_1269 = tpu.vector_load %arg25[%get3A_1267, %get3A_1268] {strides = array<i32>} : memref<16x128xf32, #tpu.memory_space<vmem>>, vector<16xf32>,
    %mul3A_1270 = vector.broadcast %squeeze3A_1255 : f32 to vector<16xf32>
    %mul3A_1271 = arith.mulf %get3A_1269, %mul3A_1270 : vector<16xf32>
    %swap3A_1272 = arith.constant 15 : i32
    %swap3A_1273 = arith.index_cast %swap3A_1272 : i32 to index
    %swap3A_1274 = arith.constant 16 : index
    %swap3A_1275 = tpu.vector_load %arg25[%swap3A_1273, %swap3A_1274] {strides = array<i32>} : memref<16x128xf32, #tpu.memory_space<vmem>>, vector<16xf32>,
    tpu.vector_store %arg25[%swap3A_1273, %swap3A_1274], %mul3A_1271 {strides = array<i32>} : memref<16x128xf32, #tpu.memory_space<vmem>>, vector<16xf32>,
    %get3A_1276 = arith.constant 15 : i32
    %get3A_1277 = arith.index_cast %get3A_1276 : i32 to index
    %get3A_1278 = arith.constant 32 : index
    %get3A_1279 = tpu.vector_load %arg25[%get3A_1277, %get3A_1278] {strides = array<i32>} : memref<16x128xf32, #tpu.memory_space<vmem>>, vector<16xf32>,
    %mul3A_1280 = vector.broadcast %squeeze3A_1255 : f32 to vector<16xf32>
    %mul3A_1281 = arith.mulf %get3A_1279, %mul3A_1280 : vector<16xf32>
    %swap3A_1282 = arith.constant 15 : i32
    %swap3A_1283 = arith.index_cast %swap3A_1282 : i32 to index
    %swap3A_1284 = arith.constant 32 : index
    %swap3A_1285 = tpu.vector_load %arg25[%swap3A_1283, %swap3A_1284] {strides = array<i32>} : memref<16x128xf32, #tpu.memory_space<vmem>>, vector<16xf32>,
    tpu.vector_store %arg25[%swap3A_1283, %swap3A_1284], %mul3A_1281 {strides = array<i32>} : memref<16x128xf32, #tpu.memory_space<vmem>>, vector<16xf32>,
    %get3A_1286 = arith.constant 15 : i32
    %get3A_1287 = arith.index_cast %get3A_1286 : i32 to index
    %get3A_1288 = arith.constant 48 : index
    %get3A_1289 = tpu.vector_load %arg25[%get3A_1287, %get3A_1288] {strides = array<i32>} : memref<16x128xf32, #tpu.memory_space<vmem>>, vector<16xf32>,
    %mul3A_1290 = vector.broadcast %squeeze3A_1255 : f32 to vector<16xf32>
    %mul3A_1291 = arith.mulf %get3A_1289, %mul3A_1290 : vector<16xf32>
    %swap3A_1292 = arith.constant 15 : i32
    %swap3A_1293 = arith.index_cast %swap3A_1292 : i32 to index
    %swap3A_1294 = arith.constant 48 : index
    %swap3A_1295 = tpu.vector_load %arg25[%swap3A_1293, %swap3A_1294] {strides = array<i32>} : memref<16x128xf32, #tpu.memory_space<vmem>>, vector<16xf32>,
    tpu.vector_store %arg25[%swap3A_1293, %swap3A_1294], %mul3A_1291 {strides = array<i32>} : memref<16x128xf32, #tpu.memory_space<vmem>>, vector<16xf32>,
    %get3A_1296 = arith.constant 15 : i32
    %get3A_1297 = arith.index_cast %get3A_1296 : i32 to index
    %get3A_1298 = arith.constant 64 : index
    %get3A_1299 = tpu.vector_load %arg25[%get3A_1297, %get3A_1298] {strides = array<i32>} : memref<16x128xf32, #tpu.memory_space<vmem>>, vector<16xf32>,
    %mul3A_1300 = vector.broadcast %squeeze3A_1255 : f32 to vector<16xf32>
    %mul3A_1301 = arith.mulf %get3A_1299, %mul3A_1300 : vector<16xf32>
    %swap3A_1302 = arith.constant 15 : i32
    %swap3A_1303 = arith.index_cast %swap3A_1302 : i32 to index
    %swap3A_1304 = arith.constant 64 : index
    %swap3A_1305 = tpu.vector_load %arg25[%swap3A_1303, %swap3A_1304] {strides = array<i32>} : memref<16x128xf32, #tpu.memory_space<vmem>>, vector<16xf32>,
    tpu.vector_store %arg25[%swap3A_1303, %swap3A_1304], %mul3A_1301 {strides = array<i32>} : memref<16x128xf32, #tpu.memory_space<vmem>>, vector<16xf32>,
    %get3A_1306 = arith.constant 15 : i32
    %get3A_1307 = arith.index_cast %get3A_1306 : i32 to index
    %get3A_1308 = arith.constant 80 : index
    %get3A_1309 = tpu.vector_load %arg25[%get3A_1307, %get3A_1308] {strides = array<i32>} : memref<16x128xf32, #tpu.memory_space<vmem>>, vector<16xf32>,
    %mul3A_1310 = vector.broadcast %squeeze3A_1255 : f32 to vector<16xf32>
    %mul3A_1311 = arith.mulf %get3A_1309, %mul3A_1310 : vector<16xf32>
    %swap3A_1312 = arith.constant 15 : i32
    %swap3A_1313 = arith.index_cast %swap3A_1312 : i32 to index
    %swap3A_1314 = arith.constant 80 : index
    %swap3A_1315 = tpu.vector_load %arg25[%swap3A_1313, %swap3A_1314] {strides = array<i32>} : memref<16x128xf32, #tpu.memory_space<vmem>>, vector<16xf32>,
    tpu.vector_store %arg25[%swap3A_1313, %swap3A_1314], %mul3A_1311 {strides = array<i32>} : memref<16x128xf32, #tpu.memory_space<vmem>>, vector<16xf32>,
    %get3A_1316 = arith.constant 15 : i32
    %get3A_1317 = arith.index_cast %get3A_1316 : i32 to index
    %get3A_1318 = arith.constant 96 : index
    %get3A_1319 = tpu.vector_load %arg25[%get3A_1317, %get3A_1318] {strides = array<i32>} : memref<16x128xf32, #tpu.memory_space<vmem>>, vector<16xf32>,
    %mul3A_1320 = vector.broadcast %squeeze3A_1255 : f32 to vector<16xf32>
    %mul3A_1321 = arith.mulf %get3A_1319, %mul3A_1320 : vector<16xf32>
    %swap3A_1322 = arith.constant 15 : i32
    %swap3A_1323 = arith.index_cast %swap3A_1322 : i32 to index
    %swap3A_1324 = arith.constant 96 : index
    %swap3A_1325 = tpu.vector_load %arg25[%swap3A_1323, %swap3A_1324] {strides = array<i32>} : memref<16x128xf32, #tpu.memory_space<vmem>>, vector<16xf32>,
    tpu.vector_store %arg25[%swap3A_1323, %swap3A_1324], %mul3A_1321 {strides = array<i32>} : memref<16x128xf32, #tpu.memory_space<vmem>>, vector<16xf32>,
    %get3A_1326 = arith.constant 15 : i32
    %get3A_1327 = arith.index_cast %get3A_1326 : i32 to index
    %get3A_1328 = arith.constant 112 : index
    %get3A_1329 = tpu.vector_load %arg25[%get3A_1327, %get3A_1328] {strides = array<i32>} : memref<16x128xf32, #tpu.memory_space<vmem>>, vector<16xf32>,
    %mul3A_1330 = vector.broadcast %squeeze3A_1255 : f32 to vector<16xf32>
    %mul3A_1331 = arith.mulf %get3A_1329, %mul3A_1330 : vector<16xf32>
    %swap3A_1332 = arith.constant 15 : i32
    %swap3A_1333 = arith.index_cast %swap3A_1332 : i32 to index
    %swap3A_1334 = arith.constant 112 : index
    %swap3A_1335 = tpu.vector_load %arg25[%swap3A_1333, %swap3A_1334] {strides = array<i32>} : memref<16x128xf32, #tpu.memory_space<vmem>>, vector<16xf32>,
    tpu.vector_store %arg25[%swap3A_1333, %swap3A_1334], %mul3A_1331 {strides = array<i32>} : memref<16x128xf32, #tpu.memory_space<vmem>>, vector<16xf32>,
    "tpu.region"() ({
      %run_scoped3A = tpu.sem_alloc : memref<!tpu.dma_semaphore, #tpu.memory_space<semaphore_mem>>
      %dma_start3A = arith.constant 0 : i32
      %dma_start3A_1342 = arith.constant 0 : i32
      %dma_start3A_1343 = tpu.memref_slice %arg31[%dma_start3A, %dma_start3A_1342] : memref<10112x128xf32, #tpu.memory_space<vmem_shared>> -> memref<10112x128xf32, #tpu.memory_space<vmem_shared>>
      tpu.enqueue_indirect_dma source(%arg25 : memref<16x128xf32, #tpu.memory_space<vmem>>) target(%dma_start3A_1343 : memref<10112x128xf32, #tpu.memory_space<vmem_shared>>) offsets(%arg23 : memref<16xi32, #tpu.memory_space<vmem>>) semaphore(%run_scoped3A : memref<!tpu.dma_semaphore, #tpu.memory_space<semaphore_mem>>) {add = true}
      %dma_wait3A = arith.constant 0 : i32
      %dma_wait3A_1344 = arith.constant 0 : i32
      %dma_wait3A_1345 = tpu.memref_slice %arg31[%dma_wait3A, %dma_wait3A_1344] : memref<10112x128xf32, #tpu.memory_space<vmem_shared>> -> memref<10112x128xf32, #tpu.memory_space<vmem_shared>>
      tpu.wait_indirect_dma semaphore(%run_scoped3A : memref<!tpu.dma_semaphore, #tpu.memory_space<semaphore_mem>>) src(%arg25 : memref<16x128xf32, #tpu.memory_space<vmem>>) dst(%dma_wait3A_1345 : memref<10112x128xf32, #tpu.memory_space<vmem_shared>>)
      tpu.yield
    }) : () -> ()
    "tpu.region"() ({
      %run_scoped3A = tpu.sem_alloc : memref<!tpu.dma_semaphore, #tpu.memory_space<semaphore_mem>>
      %dma_start3A = arith.constant 0 : i32
      %dma_start3A_1342 = tpu.memref_slice %arg32[%dma_start3A] : memref<10112xf32, #tpu.memory_space<vmem_shared>> -> memref<10112xf32, #tpu.memory_space<vmem_shared>>
      tpu.enqueue_indirect_dma source(%arg26 : memref<16xf32, #tpu.memory_space<vmem>>) target(%dma_start3A_1342 : memref<10112xf32, #tpu.memory_space<vmem_shared>>) offsets(%arg23 : memref<16xi32, #tpu.memory_space<vmem>>) semaphore(%run_scoped3A : memref<!tpu.dma_semaphore, #tpu.memory_space<semaphore_mem>>) {add = true}
      %dma_wait3A = arith.constant 0 : i32
      %dma_wait3A_1343 = tpu.memref_slice %arg32[%dma_wait3A] : memref<10112xf32, #tpu.memory_space<vmem_shared>> -> memref<10112xf32, #tpu.memory_space<vmem_shared>>
      tpu.wait_indirect_dma semaphore(%run_scoped3A : memref<!tpu.dma_semaphore, #tpu.memory_space<semaphore_mem>>) src(%arg26 : memref<16xf32, #tpu.memory_space<vmem>>) dst(%dma_wait3A_1343 : memref<10112xf32, #tpu.memory_space<vmem_shared>>)
      tpu.yield
    }) : () -> ()
    %barrier3A_1336 = arith.constant 0 : index
    tpu.barrier barrier_id(%barrier3A_1336)
    "tpu.region"() ({
      %run_scoped3A = tpu.sem_alloc : memref<!tpu.dma_semaphore, #tpu.memory_space<semaphore_mem>>
      %dma_start3A = arith.constant 0 : i32
      %dma_start3A_1342 = tpu.memref_slice %arg10[%arg0, %mul3A_2, %dma_start3A] : memref<2x10112x128xf32, #tpu.memory_space<hbm>> -> memref<1x632x128xf32, #tpu.memory_space<hbm>>
      %dma_start3A_1343 = tpu.memref_squeeze %dma_start3A_1342 : memref<1x632x128xf32, #tpu.memory_space<hbm>> -> memref<632x128xf32, #tpu.memory_space<hbm>>
      %dma_start3A_1344 = arith.constant 0 : i32
      %dma_start3A_1345 = tpu.memref_slice %arg31[%mul3A_2, %dma_start3A_1344] : memref<10112x128xf32, #tpu.memory_space<vmem_shared>> -> memref<632x128xf32, #tpu.memory_space<vmem_shared>>
      tpu.enqueue_dma source(%dma_start3A_1345 : memref<632x128xf32, #tpu.memory_space<vmem_shared>>) target(%dma_start3A_1343 : memref<632x128xf32, #tpu.memory_space<hbm>>) target_semaphore(%run_scoped3A : memref<!tpu.dma_semaphore, #tpu.memory_space<semaphore_mem>>)
      %dma_wait3A = arith.constant 0 : i32
      %dma_wait3A_1346 = tpu.memref_slice %arg10[%arg0, %mul3A_2, %dma_wait3A] : memref<2x10112x128xf32, #tpu.memory_space<hbm>> -> memref<1x632x128xf32, #tpu.memory_space<hbm>>
      %dma_wait3A_1347 = tpu.memref_squeeze %dma_wait3A_1346 : memref<1x632x128xf32, #tpu.memory_space<hbm>> -> memref<632x128xf32, #tpu.memory_space<hbm>>
      %dma_wait3A_1348 = arith.constant 0 : i32
      %dma_wait3A_1349 = tpu.memref_slice %arg31[%mul3A_2, %dma_wait3A_1348] : memref<10112x128xf32, #tpu.memory_space<vmem_shared>> -> memref<632x128xf32, #tpu.memory_space<vmem_shared>>
      tpu.wait_dma2 semaphore(%run_scoped3A : memref<!tpu.dma_semaphore, #tpu.memory_space<semaphore_mem>>) src(%dma_wait3A_1349 : memref<632x128xf32, #tpu.memory_space<vmem_shared>>) dst(%dma_wait3A_1347 : memref<632x128xf32, #tpu.memory_space<hbm>>)
      tpu.yield
    }) : () -> ()
    %eq3A_1337 = arith.constant 0 : i32
    %eq3A_1338 = arith.cmpi eq, %arg1, %eq3A_1337 : i32
    %convert_element_type3A_1339 = arith.extui %eq3A_1338 : i1 to i32
    %cond3A_1340 = arith.constant 0 : i32
    %cond3A_1341 = arith.cmpi ne, %convert_element_type3A_1339, %cond3A_1340 : i32
    scf.if %cond3A_1341 {
      %mul3A_1342 = arith.constant 10112 : i32
      %mul3A_1343 = arith.muli %arg0, %mul3A_1342 : i32
      "tpu.region"() ({
        %run_scoped3A = tpu.sem_alloc : memref<!tpu.dma_semaphore, #tpu.memory_space<semaphore_mem>>
        %dma_start3A = tpu.memref_slice %arg11[%mul3A_1343] : memref<20224xf32, #tpu.memory_space<hbm>> -> memref<10112xf32, #tpu.memory_space<hbm>>
        tpu.enqueue_dma source(%arg32 : memref<10112xf32, #tpu.memory_space<vmem_shared>>) target(%dma_start3A : memref<10112xf32, #tpu.memory_space<hbm>>) target_semaphore(%run_scoped3A : memref<!tpu.dma_semaphore, #tpu.memory_space<semaphore_mem>>)
        %dma_wait3A = tpu.memref_slice %arg11[%mul3A_1343] : memref<20224xf32, #tpu.memory_space<hbm>> -> memref<10112xf32, #tpu.memory_space<hbm>>
        tpu.wait_dma2 semaphore(%run_scoped3A : memref<!tpu.dma_semaphore, #tpu.memory_space<semaphore_mem>>) src(%arg32 : memref<10112xf32, #tpu.memory_space<vmem_shared>>) dst(%dma_wait3A : memref<10112xf32, #tpu.memory_space<hbm>>)
        tpu.yield
      }) : () -> ()
    } else {
    }
    return
  }
}

module attributes {stable_mosaic.version = 14 : i64} {
  func.func @_scores_body(%arg0: i32, %arg1: memref<2000x128xf32, #tpu.memory_space<vmem>>, %arg2: memref<128x8xf32, #tpu.memory_space<vmem>>, %arg3: memref<1x8xf32, #tpu.memory_space<vmem>>, %arg4: memref<2000x8xf32, #tpu.memory_space<vmem>>) attributes {dimension_semantics = [#tpu.dimension_semantics<arbitrary>], iteration_bounds = array<i64: 5>, scalar_prefetch = 0 : i64, scratch_operands = 0 : i64, tpu.core_type = #tpu.core_type<tc>, window_params = [{transform_indices = @transform_0, window_bounds = array<i64: 2000, 128>}, {pipeline_mode = #tpu.pipeline_mode<synchronous>, transform_indices = @transform_1, window_bounds = array<i64: 128, 8>}, {pipeline_mode = #tpu.pipeline_mode<synchronous>, transform_indices = @transform_2, window_bounds = array<i64: 1, 8>}, {transform_indices = @transform_3, window_bounds = array<i64: 2000, 8>}]} {
    %get3A = arith.constant 0 : index
    %get3A_0 = arith.constant 0 : index
    %get3A_1 = vector.load %arg1[%get3A, %get3A_0] : memref<2000x128xf32, #tpu.memory_space<vmem>>, vector<2000x128xf32>
    %get3A_2 = arith.constant 0 : index
    %get3A_3 = arith.constant 0 : index
    %get3A_4 = vector.load %arg2[%get3A_2, %get3A_3] : memref<128x8xf32, #tpu.memory_space<vmem>>, vector<128x8xf32>
    %dot_general3A = arith.constant dense<0.000000e+00> : vector<2000x8xf32>
    %dot_general3A_5 = tpu.matmul %get3A_1, %get3A_4, %dot_general3A {dimension_numbers = #tpu.dot_dimension_numbers<[1], [0], [0], [1], [0, 0, 1, 1], [], []>, transpose_lhs_hint = false} : vector<2000x128xf32>, vector<128x8xf32>, vector<2000x8xf32> -> vector<2000x8xf32>
    %get3A_6 = arith.constant 0 : index
    %get3A_7 = arith.constant 0 : index
    %get3A_8 = vector.load %arg3[%get3A_6, %get3A_7] : memref<1x8xf32, #tpu.memory_space<vmem>>, vector<1x8xf32>
    %add3A = vector.broadcast %get3A_8 : vector<1x8xf32> to vector<2000x8xf32>
    %add3A_9 = arith.addf %dot_general3A_5, %add3A : vector<2000x8xf32>
    %swap3A = arith.constant 0 : index
    %swap3A_10 = arith.constant 0 : index
    %swap3A_11 = vector.load %arg4[%swap3A, %swap3A_10] : memref<2000x8xf32, #tpu.memory_space<vmem>>, vector<2000x8xf32>
    tpu.vector_store %arg4[%swap3A, %swap3A_10], %add3A_9 {strides = array<i32>} : memref<2000x8xf32, #tpu.memory_space<vmem>>, vector<2000x8xf32>,
    return
  }
  func.func @transform_0(%arg0: i32) -> (i32, i32) {
    %c0_i32 = arith.constant 0 : i32
    %c0_i32_0 = arith.constant 0 : i32
    return %arg0, %c0_i32 : i32, i32
  }
  func.func @transform_1(%arg0: i32) -> (i32, i32) {
    %c0_i32 = arith.constant 0 : i32
    %c0_i32_0 = arith.constant 0 : i32
    %c0_i32_1 = arith.constant 0 : i32
    return %c0_i32, %c0_i32_0 : i32, i32
  }
  func.func @transform_2(%arg0: i32) -> (i32, i32) {
    %c0_i32 = arith.constant 0 : i32
    %c0_i32_0 = arith.constant 0 : i32
    %c0_i32_1 = arith.constant 0 : i32
    return %c0_i32, %c0_i32_0 : i32, i32
  }
  func.func @transform_3(%arg0: i32) -> (i32, i32) {
    %c0_i32 = arith.constant 0 : i32
    %c0_i32_0 = arith.constant 0 : i32
    return %arg0, %c0_i32 : i32, i32
  }
}

module attributes {stable_mosaic.version = 14 : i64} {
  func.func @_finalize_body(%arg0: i32, %arg1: memref<2x400x128xf32, #tpu.memory_space<vmem>>, %arg2: memref<2x400x1xf32, #tpu.memory_space<vmem>>, %arg3: memref<400x128xf32, #tpu.memory_space<vmem>>) attributes {dimension_semantics = [#tpu.dimension_semantics<arbitrary>], iteration_bounds = array<i64: 25>, scalar_prefetch = 0 : i64, scratch_operands = 0 : i64, tpu.core_type = #tpu.core_type<tc>, window_params = [{transform_indices = @transform_0, window_bounds = array<i64: 2, 400, 128>}, {transform_indices = @transform_1, window_bounds = array<i64: 2, 400, 1>}, {transform_indices = @transform_2, window_bounds = array<i64: 400, 128>}]} {
    %get3A = arith.constant 0 : index
    %get3A_0 = arith.constant 0 : index
    %get3A_1 = arith.constant 0 : index
    %get3A_2 = vector.load %arg1[%get3A, %get3A_0, %get3A_1] : memref<2x400x128xf32, #tpu.memory_space<vmem>>, vector<2x400x128xf32>
    %get3A_3 = arith.constant 0 : index
    %get3A_4 = arith.constant 0 : index
    %get3A_5 = arith.constant 0 : index
    %get3A_6 = vector.load %arg2[%get3A_3, %get3A_4, %get3A_5] : memref<2x400x1xf32, #tpu.memory_space<vmem>>, vector<2x400x1xf32>
    %slice3A = vector.extract_strided_slice %get3A_6 {offsets = [0, 0, 0], sizes = [1, 400, 1], strides = [1, 1, 1]} : vector<2x400x1xf32> to vector<1x400x1xf32>
    %squeeze3A = vector.shape_cast %slice3A : vector<1x400x1xf32> to vector<400x1xf32>
    %slice3A_7 = vector.extract_strided_slice %get3A_6 {offsets = [1, 0, 0], sizes = [1, 400, 1], strides = [1, 1, 1]} : vector<2x400x1xf32> to vector<1x400x1xf32>
    %squeeze3A_8 = vector.shape_cast %slice3A_7 : vector<1x400x1xf32> to vector<400x1xf32>
    %add3A = arith.addf %squeeze3A, %squeeze3A_8 : vector<400x1xf32>
    %add3A_9 = arith.constant 9.99999971E-10 : f32
    %add3A_10 = vector.broadcast %add3A_9 : f32 to vector<400x1xf32>
    %add3A_11 = arith.addf %add3A, %add3A_10 : vector<400x1xf32>
    %div3A = arith.constant 1.000000e+00 : f32
    %div3A_12 = vector.broadcast %div3A : f32 to vector<400x1xf32>
    %div3A_13 = arith.divf %div3A_12, %add3A_11 : vector<400x1xf32>
    %slice3A_14 = vector.extract_strided_slice %get3A_2 {offsets = [0, 0, 0], sizes = [1, 400, 128], strides = [1, 1, 1]} : vector<2x400x128xf32> to vector<1x400x128xf32>
    %squeeze3A_15 = vector.shape_cast %slice3A_14 : vector<1x400x128xf32> to vector<400x128xf32>
    %slice3A_16 = vector.extract_strided_slice %get3A_2 {offsets = [1, 0, 0], sizes = [1, 400, 128], strides = [1, 1, 1]} : vector<2x400x128xf32> to vector<1x400x128xf32>
    %squeeze3A_17 = vector.shape_cast %slice3A_16 : vector<1x400x128xf32> to vector<400x128xf32>
    %add3A_18 = arith.addf %squeeze3A_15, %squeeze3A_17 : vector<400x128xf32>
    %mul3A = vector.broadcast %div3A_13 : vector<400x1xf32> to vector<400x128xf32>
    %mul3A_19 = arith.mulf %add3A_18, %mul3A : vector<400x128xf32>
    %swap3A = arith.constant 0 : index
    %swap3A_20 = arith.constant 0 : index
    %swap3A_21 = vector.load %arg3[%swap3A, %swap3A_20] : memref<400x128xf32, #tpu.memory_space<vmem>>, vector<400x128xf32>
    tpu.vector_store %arg3[%swap3A, %swap3A_20], %mul3A_19 {strides = array<i32>} : memref<400x128xf32, #tpu.memory_space<vmem>>, vector<400x128xf32>,
    return
  }
  func.func @transform_0(%arg0: i32) -> (i32, i32, i32) {
    %c0_i32 = arith.constant 0 : i32
    %c0_i32_0 = arith.constant 0 : i32
    %c0_i32_1 = arith.constant 0 : i32
    return %c0_i32, %arg0, %c0_i32_0 : i32, i32, i32
  }
  func.func @transform_1(%arg0: i32) -> (i32, i32, i32) {
    %c0_i32 = arith.constant 0 : i32
    %c0_i32_0 = arith.constant 0 : i32
    %c0_i32_1 = arith.constant 0 : i32
    return %c0_i32, %arg0, %c0_i32_0 : i32, i32, i32
  }
  func.func @transform_2(%arg0: i32) -> (i32, i32) {
    %c0_i32 = arith.constant 0 : i32
    %c0_i32_0 = arith.constant 0 : i32
    return %arg0, %c0_i32 : i32, i32
  }
}

</mosaic_0001>

<sc_bundles>
// kernel: kernel.5.cloned.1.call-start
scs
__scs_entry_jumppad:
0x0: {  	(pc) =	sbr.rel $0x88, $3  }
0x1: {  	(tag) =	ssettag $0x0;
	lr =	simm.s32 $0x1  }
0x2: {  	[smem:$0x3F99] =	sst lr;
	_ =	strace $0xD0000000  }
0x3: {  	_ = 	snop  }
0x4: {  	_ = 	snop  }
0x5: {  	_ = 	snop  }
0x6: {  	_ = 	snop  }
0x7: {  	_ = 	snop  }
__scs_overlays_trampoline_lowered:
0x8: {  	[smem:$0x3FA8] =	sst s0  }
0x9: {  	[smem:$0x3FA9] =	sst s1  }
0xa: {  	[smem:$0x3FAA] =	sst s2  }
0xb: {  	[smem:$0x3FAB] =	sst s3  }
0xc: {  	[smem:$0x3FAC] =	sst s4  }
0xd: {  	[smem:$0x3FAD] =	sst s5  }
0xe: {  	[smem:$0x3FAE] =	sst s6  }
0xf: {  	[smem:$0x3FAF] =	sst s7  }
0x10: {  	[smem:$0x3FB0] =	sst s8  }
0x11: {  	[smem:$0x3FB1] =	sst s9;
	s0 =	simm.s32 @!p0 $0x0  }
0x12: {  	s1 =	sld [smem:$0x3F97];
	s0 =	simm.s32 @p0 $0x1  }
0x13: {  	[smem:$0x3FB2] =	sst s0;
	s0 =	simm.s32 @!p1 $0x0  }
0x14: {  	s2 =	sld [smem:$0x3F96];
	s0 =	simm.s32 @p1 $0x1  }
0x15: {  	[smem:$0x3FB3] =	sst s0;
	s0 =	simm.s32 @!p2 $0x0  }
0x16: {  	s3 =	sld [smem:$0x3FDB];
	s0 =	simm.s32 @p2 $0x1  }
0x17: {  	s4 =	simm.s32 $0x1BF5;
	[smem:$0x3FB5] =	sst s0  }
0x18: {  	s0 =	sld [smem:$0x3F98];
	_ =	swait.ge [sflag:s4], $0x0  }
0x19: {  	s7 =	sld [smem:$0x3F99]  }
0x1a: {  	s8 =	sadd.s32 $0xFFFFE003, lr  }
0x1b: {  	s9 =	sadd.s32 $0xFFFFFEF7, lr;
	s5 =	simm.s32 $0xFFFFFFFF;
	p2 =	slt.u32 s8, $0xFFFFF086  }
0x1c: {  	p1 =	slt.u32 s9, $0xF7A;
	s5 =	simm.s32 @!p2 $0x0  }
0x1d: {  	s5 =	simm.s32 @p1 $0x1;
	p0 =	seq.s32 s7, s2  }
0x1e: {  	s7 =	smul.u32 @!p0 $0xF7A, s2;
	p2 =	seq.s32 @!p0 s5, $0x0  }
0x1f: {  	s9 =	smul.u32 $0xF7A, s1;
	s8 =	simm.s32 @!p0 $0x1BF5;
	p2 =	por !p2, p0  }
0x20: {  	[sflag:s8] =	ssyncset.s32 @!p0 $0xFFFFF086;
	s6 =	sadd.s32 @!p0 s3, s7;
	s7 =	simm.s32 @!p0 $0x108  }
0x21: {  	s3 =	sadd.s32 s3, s9;
	s6 =	sadd.s32 @!p0 $0x88, s6;
	s7 =	simm.s32 @p2 $0x1082  }
0x22: {  	[simem:s7], [sflag:s8] =	dma.local @!p0 [hbm:s6], $0xF7A  }
0x23: {  	s9 =	sor.u32 $0xD0000000, s2;
	s6 =	simm.s32 $0x108;
	_ =	swait.ge @!p0 [sflag:s8], $0x0  }
0x24: {  	s3 =	sadd.s32 $0x88, s3;
	s6 =	simm.s32 @!p1 $0x1082;
	[sflag:s4] =	ssyncset.s32 $0xFFFFF086  }
0x25: {  	[simem:s6], [sflag:s4] =	dma.local [hbm:s3], $0xF7A  }
0x26: {  	[smem:$0x3F99] =	sst s1;
	(tag) =	ssettag s2;
	_ =	strace s9  }
0x27: {  	s1 =	sld [smem:$0x3FA9]  }
0x28: {  	s2 =	sld [smem:$0x3FAA]  }
0x29: {  	s4 =	sld [smem:$0x3FAC]  }
0x2a: {  	p0 =	seq.s32 s5, $0x0;
	s5 =	sld [smem:$0x3FAD]  }
0x2b: {  	s6 =	sld [smem:$0x3FAE]  }
0x2c: {  	s7 =	sld [smem:$0x3FAF]  }
0x2d: {  	s3 =	simm.s32 $0x108;
	s8 =	sld [smem:$0x3FB0]  }
0x2e: {  	s3 =	simm.s32 @!p0 $0x1082;
	s9 =	sld [smem:$0x3FB1]  }
0x2f: {  	lr =	sadd.s32 s0, s3;
	s0 =	sld [smem:$0x3FA8]  }
0x30: {  	s3 =	sld [smem:$0x3FAB]  }
0x31: {  	[smem:$0x3FB4] =	sst s10  }
0x32: {  	s10 =	sld [smem:$0x3FB2];
	_ =	sdelay $0x3  }
0x33: {  	p0 =	seq.s32 s10, $0x1;
	s10 =	sld [smem:$0x3FB4];
	_ =	sdelay $0x3  }
0x34: {  	[smem:$0x3FB4] =	sst s10  }
0x35: {  	s10 =	sld [smem:$0x3FB3];
	_ =	sdelay $0x3  }
0x36: {  	p1 =	seq.s32 s10, $0x1;
	s10 =	sld [smem:$0x3FB4];
	_ =	sdelay $0x3  }
0x37: {  	[smem:$0x3FB4] =	sst s10  }
0x38: {  	s10 =	sld [smem:$0x3FB5]  }
0x39: {  	_ = 	snop;
	(pc) =	sbr.ind lr, $3  }
0x3a: {  	_ = 	snop  }
0x3b: {  	_ = 	snop  }
0x3c: {  	p2 =	seq.s32 s10, $0x1;
	s10 =	sld [smem:$0x3FB4]  }
0x3d: {  	_ =	shalt  }
0x3e: {  	_ =	shalt  }
0x3f: {  	_ =	shalt  }
0x40: {  	_ =	shalt  }
0x41: {  	_ =	shalt  }
0x42: {  	_ =	shalt  }
0x43: {  	_ =	shalt  }
0x44: {  	_ =	shalt  }
0x45: {  	_ =	shalt  }
0x46: {  	_ =	shalt  }
0x47: {  	_ =	shalt  }
0x48: {  	_ =	shalt  }
0x49: {  	_ =	shalt  }
0x4a: {  	_ =	shalt  }
0x4b: {  	_ =	shalt  }
0x4c: {  	_ =	shalt  }
0x4d: {  	_ =	shalt  }
0x4e: {  	_ =	shalt  }
0x4f: {  	_ =	shalt  }
0x50: {  	_ =	shalt  }
0x51: {  	_ =	shalt  }
0x52: {  	_ =	shalt  }
0x53: {  	_ =	shalt  }
0x54: {  	_ =	shalt  }
0x55: {  	_ =	shalt  }
0x56: {  	_ =	shalt  }
0x57: {  	_ =	shalt  }
0x58: {  	_ =	shalt  }
0x59: {  	_ =	shalt  }
0x5a: {  	_ =	shalt  }
0x5b: {  	_ =	shalt  }
0x5c: {  	_ =	shalt  }
0x5d: {  	_ =	shalt  }
0x5e: {  	_ =	shalt  }
0x5f: {  	_ =	shalt  }
0x60: {  	_ =	shalt  }
0x61: {  	_ =	shalt  }
0x62: {  	_ =	shalt  }
0x63: {  	_ =	shalt  }
0x64: {  	_ =	shalt  }
0x65: {  	_ =	shalt  }
0x66: {  	_ =	shalt  }
0x67: {  	_ =	shalt  }
0x68: {  	_ =	shalt  }
0x69: {  	_ =	shalt  }
0x6a: {  	_ =	shalt  }
0x6b: {  	_ =	shalt  }
0x6c: {  	_ =	shalt  }
0x6d: {  	_ =	shalt  }
0x6e: {  	_ =	shalt  }
0x6f: {  	_ =	shalt  }
0x70: {  	_ =	shalt  }
0x71: {  	_ =	shalt  }
0x72: {  	_ =	shalt  }
0x73: {  	_ =	shalt  }
0x74: {  	_ =	shalt  }
0x75: {  	_ =	shalt  }
0x76: {  	_ =	shalt  }
0x77: {  	_ =	shalt  }
0x78: {  	_ =	shalt  }
0x79: {  	_ =	shalt  }
0x7a: {  	_ =	shalt  }
0x7b: {  	_ =	shalt  }
0x7c: {  	_ =	shalt  }
0x7d: {  	_ =	shalt  }
0x7e: {  	_ =	shalt  }
0x7f: {  	_ =	shalt  }
0x80: {  	_ =	shalt  }
0x81: {  	_ =	shalt  }
0x82: {  	_ =	shalt  }
0x83: {  	_ =	shalt  }
0x84: {  	_ =	shalt  }
0x85: {  	_ =	shalt  }
0x86: {  	_ =	shalt  }
0x87: {  	_ =	shalt  }
.Lfunc_end0:
.L_simem_size_0:
called_computation_lowered:
.L_overlay_start_0:
0x88: {  	s2 =	sld [smem:$0x3FD9]  }
0x89: {  	s3 =	sld [smem:$0x3FFE];
	_ =	sdelay $0x1  }
0x8a: {  	s1 =	srdreg.scid  }
0x8b: {  	s0 =	sand.u32 $0x1, s1  }
0x8c: {  	s17 =	sshll.u32 s0, $0xA;
	s2 =	sadd.s32 s3, s2  }
0x8d: {  	s2 =	sadd.s32 s2, s17  }
0x8e: {  	[smem:$0x3FC0] =	sst s2  }
0x8f: {  	_ = 	snop  }
0x90: {  	s2 =	sld [smem:$0x3FC9]  }
0x91: {  	s18 =	sld [smem:$0x3FC7]  }
0x92: {  	s4 =	sld [smem:$0x3FD0];
	(tm) =	ssettm $0x1  }
0x93: {  	s5 =	sld [smem:$0x3FFB];
	_ =	sdelay $0x3  }
0x94: {  	_ =	strace s5  }
0x95: {  	s5 =	sld [smem:$0x3FFC];
	_ =	sdelay $0x3  }
0x96: {  	_ =	strace s5  }
0x97: {  	s5 =	sld [smem:$0x3FFD];
	_ =	sdelay $0x3  }
0x98: {  	_ =	strace s5  }
0x99: {  	_ =	strace $0x8FFFFFFF  }
0x9a: {  	s19 =	sld [smem:$0x3FDB];
	_ =	sdelay $0x1  }
0x9b: {  	s6 =	simm.s32 $_scs_section_size  }
0x9c: {  	s7 =	simm.s32 $_size__tile_overlayer_lowered;
	s8 =	simm.s32 $_tile_overlayer_lowered  }
0x9d: {  	s22 =	simm.s32 $0x1BFF;
	s21 =	sshll.u32 s8, $0x1;
	s5 =	sadd.s32 s6, s19  }
0x9e: {  	s9 =	simm.s32 $0x0;
	s20 =	sshll.u32 s7, $0x1;
	s7 =	sadd.s32 s21, s5  }
0x9f: {  	[timem:s9], [sflag:s22] =	dma.local [hbm:s7], s20  }
0xa0: {  	_ =	swait.ge [sflag:s22], s20  }
0xa1: {  	s6 =	ssub.s32 $0x0, s20;
	[sflag:s22] =	ssyncset.done $0x0  }
0xa2: {  	[sflag:s22] =	ssyncadd.s32 s6;
	_ =	sdelay $0x1  }
0xa3: {  	s23 =	simm.s32 $0x1B8B  }
0xa4: {  	_ =	swait.ge [sflag:s23], $0x1  }
0xa5: {  	[sflag:s23] =	ssyncset.done $0x0  }
0xa6: {  	s25 =	simm.s32 $0x1B8E;
	s24 =	sld [smem:$0x3FFE];
	[sflag:s23] =	ssyncadd.s32 $0xFFFFFFFF  }
0xa7: {  	s26 =	simm.s32 $execute0_lowered;
	[smem:$0x3FD2] =	sst s25  }
0xa8: {  	s7 =	sshll.u32 s26, $0x1;
	_ =	strace $0x80000046;
	[dreg:$0x1] =	wrdreg $0xFFFFFFFF  }
0xa9: {  	s28 =	simm.s32 $_size_execute0_lowered;
	s5 =	sadd.s32 s5, s7;
	[dreg:$0x0] =	wrdreg $0x0  }
0xaa: {  	s7 =	sshll.u32 s28, $0x1;
	[dreg:$0x2] =	wrdreg s5  }
0xab: {  	[dreg:$0x3] =	wrdreg s7  }
0xac: {  	[dreg:$0x4] =	wrdreg $0xC0  }
0xad: {  	_ =	task [dreg:s9], $0x5FFFF  }
0xae: {  	[dreg:$0x1] =	wrdreg $0xFFFFFFFF  }
0xaf: {  	[dreg:$0x0] =	wrdreg $0x60  }
0xb0: {  	[dreg:$0x2] =	wrdreg s2  }
0xb1: {  	[dreg:$0x3] =	wrdreg s4  }
0xb2: {  	[dreg:$0x4] =	wrdreg s18  }
0xb3: {  	[dreg:$0x5] =	wrdreg s24  }
0xb4: {  	[dreg:$0x6] =	wrdreg $0x96700  }
0xb5: {  	[dreg:$0x7] =	wrdreg $0x91800  }
0xb6: {  	[dreg:$0x8] =	wrdreg $0x93F80  }
0xb7: {  	[dreg:$0x9] =	wrdreg $0x1D2700  }
0xb8: {  	[dreg:$0xa] =	wrdreg $0x9  }
0xb9: {  	_ =	task.clear_ibuf [dreg:s9], $0xBFFFF;
	_ =	strace $0x90000046  }
0xba: {  	s29 =	simm.s32 $0x9;
	_ =	strace $0x80000048  }
0xbb: {  	_ =	swait.ge [sflag:s29], $0x1  }
0xbc: {  	[sflag:s29] =	ssyncadd.s32 $0xFFFFFFFF  }
0xbd: {  	_ =	strace $0x90000048  }
0xbe: {  	_ =	sfence  }
0xbf: {  	s30 =	sld [smem:$0x0];
	_ =	sdelay $0x2  }
0xc0: {  	s31 =	sshll.u32 s1, $0xD;
	s1 =	sshrl.u32 s1, $0x2  }
0xc1: {  	s3 =	sand.u32 $0x4000, s31;
	s1 =	sadd.s32 s1, s30  }
0xc2: {  	s0 =	sor.u32 s3, s0;
	s1 =	sshll.u32 s1, $0x11  }
0xc3: {  	s0 =	sor.u32 s1, s0  }
0xc4: {  	s0 =	sadd.s32 $0x8F2B, s0  }
0xc5: {  	[sflag:s0] =	ssyncadd.remote.s32 $0x1  }
0xc6: {  	_ =	sfence.sel $0xFFFF  }
0xc7: {  	[dreg:$0x0] =	wrdreg $0xFFFFFFFF;
	(pc) =	sbr.abs _section_cstart, $3  }
0xc8: {  	[dreg:$0x1] =	wrdreg $0xFFFFFFFF  }
0xc9: {  	_ =	task.clear_ibuf [dreg:s9], $0x2FFFF;
	_ =	strace $0x9FFFFFFF  }
0xca: {  	(tm) =	ssettm $0x7FFFFFFF  }
0xcb: {  	_ =	shalt  }
tec
execute0_lowered:
.L_overlay_start_1:
0x0: {  	(tag) =	ssettag $0x1  }
0x1: {  	s0 =	rddreg [dreg:$0x0]  }
0x2: {  	s1 =	rddreg [dreg:$0x1]  }
0x3: {  	s2 =	rddreg [dreg:$0x2]  }
0x4: {  	s3 =	rddreg [dreg:$0x3]  }
0x5: {  	s4 =	rddreg [dreg:$0x4]  }
0x6: {  	s5 =	rddreg [dreg:$0x5]  }
0x7: {  	s6 =	rddreg [dreg:$0x6]  }
0x8: {  	s7 =	rddreg [dreg:$0x7];
	s8 =	simm.s32 $0x0;
	s9 =	srdreg.scid  }
0x9: {  	s14 =	stileid.u32;
	s28 =	simm.s32 $0x180;
	s29 =	simm.s32 $0x280  }
0xa: {  	s30 =	simm.s32 $0x100;
	[smem:$0x7FF] =	sst s8;
	s10 =	sadd.s32 $0xE00, s3  }
0xb: {  	s11 =	sadd.s32 $0x800, s3;
	_ =	strace $0x80000047;
	[dreg:$0x9] =	wrdreg s10  }
0xc: {  	s31 =	simm.s32 $0x200;
	s15 =	sadd.s32 $0x600, s3;
	[dreg:$0xa] =	wrdreg s11  }
0xd: {  	s9 =	sand.u32 $0x1, s9;
	s12 =	sadd.s32 $0x1A00, s3;
	[dreg:$0xb] =	wrdreg s15  }
0xe: {  	s16 =	smul.u32 $0x13C00, s14;
	s17 =	sadd.s32 $0x1400, s3;
	[dreg:$0xc] =	wrdreg s12  }
0xf: {  	p0 =	sne.s32 s14, $0x0;
	s13 =	smul.u32 $0x13C000, s9;
	[dreg:$0xd] =	wrdreg s17  }
0x10: {  	s18 =	sshll.u32 s9, $0x4;
	s19 =	smul.u32 $0x4F0, s9;
	s9 =	ssub.s32 $0x2, s9  }
0x11: {  	s17 =	simm.s32 $0x580;
	s12 =	sor.u32 s14, s18;
	s20 =	sshrl.u32 s9, $0x1  }
0x12: {  	s18 =	simm.s32 $0x2;
	s10 =	sadd.s32 s16, s13;
	s15 =	smul.u32 $0x2710, s12  }
0x13: {  	s13 =	smul.u32 $0x4F000, s14;
	s9 =	ssub.s32 s9, s20;
	s14 =	simm.s32 $0x500  }
0x14: {  	s16 =	simm.s32 $0x1;
	s10 =	sshrl.u32 s10, $0x3;
	s26 =	smax.u32 s9, $0x1  }
0x15: {  	s9 =	simm.s32 $0x4680;
	s10 =	sadd.s32 s10, s3;
	s3 =	sadd.s32 s19, s3  }
0x16: {  	s21 =	sshrl.u32 s15, $0x3;
	s22 =	sshrl.u32 s13, $0x2;
	[dreg:$0x14] =	wrdreg s26  }
0x17: {  	s26 =	simm.s32 $0x80;
	s13 =	simm.s32 $0x400;
	s12 =	sadd.s32 s22, s4  }
0x18: {  	s19 =	simm.s32 $0x600;
	s10 =	sadd.s32 $0x4C00, s10;
	[dreg:$0xe] =	wrdreg s12  }
0x19: {  	s23 =	sadd.s32 $0x4E0, s21;
	s3 =	sadd.s32 $0x4200, s3;
	[dreg:$0x12] =	wrdreg s10  }
0x1a: {  	s11 =	sadd.s32 s1, s21;
	s24 =	sadd.s32 s1, s23;
	[dreg:$0x13] =	wrdreg s3  }
0x1b: {  	s22 =	simm.s32 $0x0;
	s11 =	sadd.s32 $0xA120, s11;
	[dreg:$0xf] =	wrdreg s24  }
0x1c: {  	s25 =	sadd.s32 s2, s23;
	s23 =	simm.s32 $0x3;
	[dreg:$0x10] =	wrdreg s11  }
0x1d: {  	s3 =	sshrl.u32 @!p0 s5, $0x3;
	s10 =	simm.s32 $0x680;
	[dreg:$0x11] =	wrdreg s25  }
0x1e: {  	s12 =	simm.s32 $0x480;
	[dreg:$0x15] =	wrdreg s3;
	s3 =	sshrl.u32 @!p0 s6, $0x3  }
0x1f: {  	s11 =	simm.s32 $0x380;
	[dreg:$0x16] =	wrdreg s3;
	s3 =	simm.s32 $0x300  }
.LBB2_1:
0x20: {  	[dreg:$0x17] =	wrdreg s22  }
0x21: {  	s20 =	rddreg [dreg:$0xb]  }
0x22: {  	[tilespmem:s8], [sflag:$0x3] =	stream.linear.gather [hbm4b:s20+s8], $0x80, $0x38;
	[tilespmem:$0x1D4E8] =	vst v63  }
0x23: {  	_ =	swait.ge [sflag:s23], $0x80  }
0x24: {  	[sflag:s23] =	ssyncset.done $0x0;
	s21 =	rddreg [dreg:$0x9]  }
0x25: {  	s20 =	simm.s32 @!p0 $0x1C03;
	s22 =	rddreg [dreg:$0x15];
	[sflag:s23] =	ssyncadd.s32 $0xFFFFFF80  }
0x26: {  	[spmem:s22], [sflag:s20] =	dma.local @!p0 [hbm:s21], $0x4F0  }
0x27: {  	s21 =	simm.s32 @!p0 $0x3  }
0x28: {  	_ =	swait.ge @!p0 [sflag:s21], $0x4F0  }
0x29: {  	[sflag:s21] =	ssyncset.done @!p0 $0x0;
	s22 =	rddreg [dreg:$0xa]  }
0x2a: {  	s24 =	rddreg [dreg:$0x16];
	[sflag:s21] =	ssyncadd.s32 @!p0 $0xFFFFFB10  }
0x2b: {  	[spmem:s24], [sflag:s20] =	dma.local @!p0 [hbm:s22], $0x4F0  }
0x2c: {  	s24 =	sshrl.u32 @!p0 s7, $0x3;
	_ =	swait.ge @!p0 [sflag:s21], $0x4F0  }
0x2d: {  	[dreg:$0x18] =	wrdreg s24;
	[sflag:s21] =	ssyncset.done @!p0 $0x0  }
0x2e: {  	s22 =	rddreg [dreg:$0xd];
	[sflag:s21] =	ssyncadd.s32 @!p0 $0xFFFFFB10  }
0x2f: {  	[spmem:s24], [sflag:s20] =	dma.local @!p0 [hbm:s22], $0x4F0  }
0x30: {  	s25 =	stileid.u32;
	_ =	swait.ge @!p0 [sflag:s21], $0x4F0  }
0x31: {  	s20 =	sshll.u32 s25, $0x6;
	[sflag:s21] =	ssyncset.done @!p0 $0x0;
	s22 =	rddreg [dreg:$0xe]  }
0x32: {  	s25 =	rddreg [dreg:$0xc];
	[sflag:s21] =	ssyncadd.s32 @!p0 $0xFFFFFB10;
	s21 =	sor.u32 $0x1C03, s20  }
0x33: {  	s24 =	sshrl.u32 s22, $0x3;
	[dreg:$0x19] =	wrdreg s21  }
0x34: {  	[dreg:$0x1a] =	wrdreg s24  }
0x35: {  	[spmem:s24], [sflag:s21] =	dma.local [hbm:s25], $0x2780  }
0x36: {  	_ =	swait.ge [sflag:s23], $0x2780  }
0x37: {  	[sflag:s23] =	ssyncset.done $0x0  }
0x38: {  	[sflag:s23] =	ssyncadd.s32 $0xFFFFD880  }
0x39: {  	s22 =	simm.s32 $0x0;
	[bflag:$0x0] =	sbarrier.arrive $0xFFFF  }
.LBB2_2:
0x3a: {  	s21 =	sshll.u32 s22, $0x8  }
0x3b: {  	s21 =	sadd.s32 s15, s21  }
0x3c: {  	s20 =	sshrl.u32 s21, $0x3  }
0x3d: {  	s25 =	simm.s32 $0x0;
	s24 =	sadd.s32 s1, s20  }
0x3e: {  	[tilespmem:s26], [sflag:$0x3] =	stream.linear.gather [hbm4b:s24+s25], $0x80, $0x38;
	[tilespmem:$0x1D4E8] =	vst v63  }
0x3f: {  	_ =	swait.ge [sflag:s23], $0x80  }
0x40: {  	[sflag:s23] =	ssyncset.done $0x0  }
0x41: {  	s24 =	sadd.s32 $0x9C40, s24;
	[sflag:s23] =	ssyncadd.s32 $0xFFFFFF80  }
0x42: {  	[tilespmem:s28], [sflag:$0x3] =	stream.linear.gather [hbm4b:s24+s25], $0x80, $0x38;
	[tilespmem:$0x1D4E8] =	vst v63  }
0x43: {  	_ =	swait.ge [sflag:s23], $0x80  }
0x44: {  	[sflag:s23] =	ssyncset.done $0x0  }
0x45: {  	s20 =	sadd.s32 s2, s20;
	[sflag:s23] =	ssyncadd.s32 $0xFFFFFF80  }
0x46: {  	[tilespmem:s29], [sflag:$0x3] =	stream.linear.gather [hbm4b:s20+s25], $0x80, $0x38;
	[tilespmem:$0x1D4E8] =	vst v63  }
0x47: {  	s21 =	sadd.s32 $0x80, s21;
	_ =	swait.ge [sflag:s23], $0x80  }
0x48: {  	s20 =	sshrl.u32 s21, $0x3;
	[sflag:s23] =	ssyncset.done $0x0  }
0x49: {  	s24 =	sadd.s32 s1, s20;
	[sflag:s23] =	ssyncadd.s32 $0xFFFFFF80  }
0x4a: {  	[tilespmem:s30], [sflag:$0x3] =	stream.linear.gather [hbm4b:s24+s25], $0x80, $0x38;
	[tilespmem:$0x1D4E8] =	vst v63  }
0x4b: {  	_ =	swait.ge [sflag:s23], $0x80  }
0x4c: {  	[sflag:s23] =	ssyncset.done $0x0  }
0x4d: {  	s21 =	sadd.s32 $0x9C40, s24;
	[sflag:s23] =	ssyncadd.s32 $0xFFFFFF80  }
0x4e: {  	[tilespmem:s31], [sflag:$0x3] =	stream.linear.gather [hbm4b:s21+s25], $0x80, $0x38;
	[tilespmem:$0x1D4E8] =	vst v63  }
0x4f: {  	_ =	swait.ge [sflag:s23], $0x80  }
0x50: {  	[sflag:s23] =	ssyncset.done $0x0  }
0x51: {  	s20 =	sadd.s32 s2, s20;
	[sflag:s23] =	ssyncadd.s32 $0xFFFFFF80  }
0x52: {  	[tilespmem:s3], [sflag:$0x3] =	stream.linear.gather [hbm4b:s20+s25], $0x80, $0x38;
	[tilespmem:$0x1D4E8] =	vst v63  }
0x53: {  	_ =	swait.ge [sflag:s23], $0x80  }
0x54: {  	[sflag:s23] =	ssyncset.done $0x0  }
0x55: {  	[sflag:s23] =	ssyncadd.s32 $0xFFFFFF80  }
0x56: {  	[tilespmem:s10], [sflag:$0x1] =	stream.indirect.gather [hbm4b:s0+s26], $0x80, s26, s26, $0xb8;
	[tilespmem:$0x1D4E8] =	vst v63  }
0x57: {  	_ = 	snop  }
0x58: {  	[tilespmem:s9], [sflag:$0x2] =	stream.indirect.gather [hbm4b:s0+s26], $0x80, s30, s26, $0xb8;
	[tilespmem:$0x1D4E8] =	vst v63  }
0x59: {  	_ = 	snop  }
0x5a: {  	[tilespmem:s11], [sflag:$0x3] =	stream.indirect.gather [spmem:s5], $0x1, s26, s26, $0xb8;
	[tilespmem:$0x1D4E8] =	vst v63  }
0x5b: {  	_ =	swait.ge [sflag:s23], $0x80  }
0x5c: {  	[sflag:s23] =	ssyncset.done $0x0  }
0x5d: {  	[sflag:s23] =	ssyncadd.s32 $0xFFFFFF80  }
0x5e: {  	[tilespmem:s12], [sflag:$0x3] =	stream.indirect.gather [spmem:s6], $0x1, s28, s26, $0xb8;
	[tilespmem:$0x1D4E8] =	vst v63  }
0x5f: {  	_ =	swait.ge [sflag:s23], $0x80  }
0x60: {  	[sflag:s23] =	ssyncset.done $0x0  }
0x61: {  	[sflag:s23] =	ssyncadd.s32 $0xFFFFFF80  }
0x62: {  	[tilespmem:s13], [sflag:$0x3] =	stream.indirect.gather [spmem:s5], $0x1, s30, s26, $0xb8;
	[tilespmem:$0x1D4E8] =	vst v63  }
0x63: {  	_ =	swait.ge [sflag:s23], $0x80  }
0x64: {  	[sflag:s23] =	ssyncset.done $0x0  }
0x65: {  	[sflag:s23] =	ssyncadd.s32 $0xFFFFFF80  }
0x66: {  	[tilespmem:s14], [sflag:$0x3] =	stream.indirect.gather [spmem:s6], $0x1, s31, s26, $0xb8;
	[tilespmem:$0x1D4E8] =	vst v63  }
0x67: {  	_ =	swait.ge [sflag:s23], $0x80  }
0x68: {  	[sflag:s23] =	ssyncset.done $0x0  }
0x69: {  	[sflag:s23] =	ssyncadd.s32 $0xFFFFFF80  }
0x6a: {  	_ =	swait.ge [sflag:s16], $0x4000  }
0x6b: {  	[sflag:s16] =	ssyncset.done $0x0  }
0x6c: {  	[sflag:s16] =	ssyncadd.s32 $0xFFFFC000  }
.LBB2_3:
0x6d: {  	s20 =	sshll.u32 s25, $0x4  }
0x6e: {  	v0 =	vld [tilespmem:s20+$0x280];
	_ =	sdelay $0x4  }
0x6f: {  	v1 =	vld [tilespmem:s20+$0x380]  }
0x70: {  	v2 =	vld [tilespmem:s20+$0x480];
	_ =	sdelay $0x1  }
0x71: {  	v0 =	vld.idx.msk [tilespmem:v0+s8+$0x0], $0xffff;
	_ =	sdelay $0x2  }
0x72: {  	v1 =	vadd.f32 v2, v1;
	_ =	sdelay $0x1  }
0x73: {  	v0 =	vadd.f32 v0, v1;
	_ =	sdelay $0x1  }
0x74: {  	v0 =	vmul.f32 $1.442695020e+00, v0;
	_ =	sdelay $0x1  }
0x75: {  	(erf) = vpow2.f32 v0;
	_ =	sdelay $0x8  }
0x76: {  	s21 =	sshll.u32 s25, $0xB;
	v0 =	vpop (erf)  }
0x77: {  	s21 =	sand.u32 $0x3FFFF800, s21;
	[tilespmem:s20+$0x580] =	vst v0  }
0x78: {  	v11 =	vld [tilespmem:s21+$0x680]  }
0x79: {  	v12 =	vld [tilespmem:s21+$0x690]  }
0x7a: {  	v3 =	vld [tilespmem:s21+$0x6A0]  }
0x7b: {  	v4 =	vbroadcast v0, $0x0;
	v5 =	vld [tilespmem:s21+$0x6B0]  }
0x7c: {  	v6 =	vld [tilespmem:s21+$0x6C0]  }
0x7d: {  	v7 =	vld [tilespmem:s21+$0x6D0];
	v1 =	vmul.f32 v4, v11  }
0x7e: {  	v8 =	vld [tilespmem:s21+$0x6E0];
	v2 =	vmul.f32 v4, v12  }
0x7f: {  	v14 =	vld [tilespmem:s21+$0x6F0];
	v13 =	vmul.f32 v3, v4;
	[tilespmem:s21+$0x680] =	vst v1  }
0x80: {  	v16 =	vld [tilespmem:s21+$0x700];
	v15 =	vmul.f32 v5, v4;
	[tilespmem:s21+$0x690] =	vst v2  }
0x81: {  	v18 =	vld [tilespmem:s21+$0x710];
	v17 =	vmul.f32 v6, v4;
	[tilespmem:s21+$0x6A0] =	vst v13  }
0x82: {  	v20 =	vld [tilespmem:s21+$0x720];
	v19 =	vmul.f32 v7, v4;
	[tilespmem:s21+$0x6B0] =	vst v15  }
0x83: {  	v22 =	vbroadcast v0, $0x1;
	v9 =	vld [tilespmem:s21+$0x730];
	v21 =	vmul.f32 v8, v4;
	[tilespmem:s21+$0x6C0] =	vst v17  }
0x84: {  	v24 =	vld [tilespmem:s21+$0x740];
	v23 =	vmul.f32 v14, v4;
	[tilespmem:s21+$0x6D0] =	vst v19  }
0x85: {  	v26 =	vld [tilespmem:s21+$0x750];
	v25 =	vmul.f32 v16, v22;
	[tilespmem:s21+$0x6E0] =	vst v21  }
0x86: {  	v28 =	vld [tilespmem:s21+$0x760];
	v27 =	vmul.f32 v18, v22;
	[tilespmem:s21+$0x6F0] =	vst v23  }
0x87: {  	v30 =	vld [tilespmem:s21+$0x770];
	v29 =	vmul.f32 v20, v22;
	[tilespmem:s21+$0x700] =	vst v25  }
0x88: {  	v32 =	vld [tilespmem:s21+$0x780];
	v31 =	vmul.f32 v9, v22;
	[tilespmem:s21+$0x710] =	vst v27  }
0x89: {  	v34 =	vld [tilespmem:s21+$0x790];
	v33 =	vmul.f32 v24, v22;
	[tilespmem:s21+$0x720] =	vst v29  }
0x8a: {  	v36 =	vld [tilespmem:s21+$0x7A0];
	v35 =	vmul.f32 v26, v22;
	[tilespmem:s21+$0x730] =	vst v31  }
0x8b: {  	v38 =	vbroadcast v0, $0x2;
	v39 =	vld [tilespmem:s21+$0x7B0];
	v37 =	vmul.f32 v28, v22;
	[tilespmem:s21+$0x740] =	vst v33  }
0x8c: {  	v41 =	vld [tilespmem:s21+$0x7C0];
	v40 =	vmul.f32 v30, v22;
	[tilespmem:s21+$0x750] =	vst v35  }
0x8d: {  	v43 =	vld [tilespmem:s21+$0x7D0];
	v42 =	vmul.f32 v32, v38;
	[tilespmem:s21+$0x760] =	vst v37  }
0x8e: {  	v45 =	vld [tilespmem:s21+$0x7E0];
	v44 =	vmul.f32 v34, v38;
	[tilespmem:s21+$0x770] =	vst v40  }
0x8f: {  	v47 =	vld [tilespmem:s21+$0x7F0];
	v46 =	vmul.f32 v36, v38;
	[tilespmem:s21+$0x780] =	vst v42  }
0x90: {  	v49 =	vld [tilespmem:s21+$0x800];
	v48 =	vmul.f32 v39, v38;
	[tilespmem:s21+$0x790] =	vst v44  }
0x91: {  	v51 =	vld [tilespmem:s21+$0x810];
	v50 =	vmul.f32 v41, v38;
	[tilespmem:s21+$0x7A0] =	vst v46  }
0x92: {  	v53 =	vld [tilespmem:s21+$0x820];
	v52 =	vmul.f32 v43, v38;
	[tilespmem:s21+$0x7B0] =	vst v48  }
0x93: {  	v55 =	vbroadcast v0, $0x3;
	v56 =	vld [tilespmem:s21+$0x830];
	v54 =	vmul.f32 v45, v38;
	[tilespmem:s21+$0x7C0] =	vst v50  }
0x94: {  	v58 =	vld [tilespmem:s21+$0x840];
	v57 =	vmul.f32 v47, v38;
	[tilespmem:s21+$0x7D0] =	vst v52  }
0x95: {  	v60 =	vld [tilespmem:s21+$0x850];
	v59 =	vmul.f32 v49, v55;
	[tilespmem:s21+$0x7E0] =	vst v54  }
0x96: {  	v62 =	vld [tilespmem:s21+$0x860];
	v61 =	vmul.f32 v51, v55;
	[tilespmem:s21+$0x7F0] =	vst v57  }
0x97: {  	v63 =	vmul.f32 v53, v55;
	v12 =	vld [tilespmem:s21+$0x870];
	[tilespmem:s21+$0x800] =	vst v59  }
0x98: {  	v14 =	vld [tilespmem:s21+$0x880];
	[tilespmem:s21+$0x810] =	vst v61;
	v13 =	vmul.f32 v56, v55  }
0x99: {  	v16 =	vld [tilespmem:s21+$0x890];
	[tilespmem:s21+$0x820] =	vst v63;
	v15 =	vmul.f32 v58, v55  }
0x9a: {  	v18 =	vld [tilespmem:s21+$0x8A0];
	v17 =	vmul.f32 v60, v55;
	[tilespmem:s21+$0x830] =	vst v13  }
0x9b: {  	v20 =	vbroadcast v0, $0x4;
	v38 =	vld [tilespmem:s21+$0x930];
	v19 =	vmul.f32 v62, v55;
	[tilespmem:s21+$0x840] =	vst v15  }
0x9c: {  	v21 =	vld [tilespmem:s21+$0x8B0];
	[tilespmem:s21+$0x850] =	vst v17;
	v22 =	vmul.f32 v12, v55  }
0x9d: {  	v23 =	vld [tilespmem:s21+$0x8C0];
	[tilespmem:s21+$0x860] =	vst v19;
	v24 =	vmul.f32 v14, v20  }
0x9e: {  	v25 =	vld [tilespmem:s21+$0x8D0];
	v37 =	vbroadcast v0, $0x5;
	v26 =	vmul.f32 v16, v20;
	[tilespmem:s21+$0x870] =	vst v22  }
0x9f: {  	v27 =	vld [tilespmem:s21+$0x8E0];
	v28 =	vmul.f32 v18, v20;
	[tilespmem:s21+$0x880] =	vst v24  }
0xa0: {  	v29 =	vld [tilespmem:s21+$0x8F0];
	v47 =	vmul.f32 v38, v37;
	[tilespmem:s21+$0x890] =	vst v26  }
0xa1: {  	v31 =	vld [tilespmem:s21+$0x900];
	v30 =	vmul.f32 v21, v20;
	[tilespmem:s21+$0x8A0] =	vst v28  }
0xa2: {  	v33 =	vld [tilespmem:s21+$0x910];
	v32 =	vmul.f32 v23, v20;
	[tilespmem:s21+$0x930] =	vst v47  }
0xa3: {  	v35 =	vld [tilespmem:s21+$0x920];
	v34 =	vmul.f32 v25, v20;
	[tilespmem:s21+$0x8B0] =	vst v30  }
0xa4: {  	v40 =	vld [tilespmem:s21+$0x940];
	v36 =	vmul.f32 v27, v20;
	[tilespmem:s21+$0x8C0] =	vst v32  }
0xa5: {  	v42 =	vld [tilespmem:s21+$0x950];
	v39 =	vmul.f32 v29, v20;
	[tilespmem:s21+$0x8D0] =	vst v34  }
0xa6: {  	v44 =	vld [tilespmem:s21+$0x960];
	v41 =	vmul.f32 v31, v37;
	[tilespmem:s21+$0x8E0] =	vst v36  }
0xa7: {  	v46 =	vld [tilespmem:s21+$0x970];
	v43 =	vmul.f32 v33, v37;
	[tilespmem:s21+$0x8F0] =	vst v39  }
0xa8: {  	v48 =	vld [tilespmem:s21+$0x980];
	v45 =	vmul.f32 v35, v37;
	[tilespmem:s21+$0x900] =	vst v41  }
0xa9: {  	v50 =	vld [tilespmem:s21+$0x990];
	v49 =	vmul.f32 v40, v37;
	[tilespmem:s21+$0x910] =	vst v43  }
0xaa: {  	v52 =	vld [tilespmem:s21+$0x9A0];
	v51 =	vmul.f32 v42, v37;
	[tilespmem:s21+$0x920] =	vst v45  }
0xab: {  	v54 =	vbroadcast v0, $0x6;
	v57 =	vld [tilespmem:s21+$0x9C0];
	v53 =	vmul.f32 v44, v37;
	[tilespmem:s21+$0x940] =	vst v49  }
0xac: {  	v59 =	vld [tilespmem:s21+$0x9D0];
	v56 =	vmul.f32 v46, v37;
	[tilespmem:s21+$0x950] =	vst v51  }
0xad: {  	v61 =	vld [tilespmem:s21+$0x9E0];
	v58 =	vmul.f32 v48, v54;
	[tilespmem:s21+$0x960] =	vst v53  }
0xae: {  	v63 =	vld [tilespmem:s21+$0x9F0];
	v60 =	vmul.f32 v50, v54;
	[tilespmem:s21+$0x970] =	vst v56  }
0xaf: {  	v13 =	vld [tilespmem:s21+$0xA00];
	v62 =	vmul.f32 v52, v54;
	[tilespmem:s21+$0x980] =	vst v58  }
0xb0: {  	v15 =	vld [tilespmem:s21+$0xA10];
	v14 =	vmul.f32 v57, v54;
	[tilespmem:s21+$0x990] =	vst v60  }
0xb1: {  	v17 =	vld [tilespmem:s21+$0xA20];
	v16 =	vmul.f32 v59, v54;
	[tilespmem:s21+$0x9A0] =	vst v62  }
0xb2: {  	v19 =	vbroadcast v0, $0x7;
	v55 =	vld [tilespmem:s21+$0x9B0];
	v18 =	vmul.f32 v61, v54;
	[tilespmem:s21+$0x9C0] =	vst v14  }
0xb3: {  	v20 =	vld [tilespmem:s21+$0xA30];
	v21 =	vmul.f32 v63, v54;
	[tilespmem:s21+$0x9D0] =	vst v16  }
0xb4: {  	v22 =	vld [tilespmem:s21+$0xA40];
	[tilespmem:s21+$0x9E0] =	vst v18;
	v23 =	vmul.f32 v13, v19  }
0xb5: {  	v24 =	vld [tilespmem:s21+$0xA50];
	[tilespmem:s21+$0x9F0] =	vst v21;
	v25 =	vmul.f32 v15, v19  }
0xb6: {  	v26 =	vld [tilespmem:s21+$0xA60];
	v27 =	vmul.f32 v17, v19;
	[tilespmem:s21+$0xA00] =	vst v23  }
0xb7: {  	v28 =	vld [tilespmem:s21+$0xA70];
	v12 =	vmul.f32 v55, v54;
	[tilespmem:s21+$0xA10] =	vst v25  }
0xb8: {  	v37 =	vld [tilespmem:s21+$0xAB0];
	[tilespmem:s21+$0xA20] =	vst v27;
	v29 =	vmul.f32 v20, v19  }
0xb9: {  	v47 =	vld [tilespmem:s21+$0xB00];
	[tilespmem:s21+$0x9B0] =	vst v12;
	v31 =	vmul.f32 v22, v19  }
0xba: {  	v30 =	vld [tilespmem:s21+$0xA80];
	v33 =	vmul.f32 v24, v19;
	[tilespmem:s21+$0xA30] =	vst v29  }
0xbb: {  	v32 =	vld [tilespmem:s21+$0xA90];
	v36 =	vbroadcast v0, $0x8;
	v35 =	vmul.f32 v26, v19;
	[tilespmem:s21+$0xA40] =	vst v31  }
0xbc: {  	v34 =	vld [tilespmem:s21+$0xAA0];
	v53 =	vbroadcast v0, $0x9;
	v38 =	vmul.f32 v28, v19;
	[tilespmem:s21+$0xA50] =	vst v33  }
0xbd: {  	v39 =	vld [tilespmem:s21+$0xAC0];
	v46 =	vmul.f32 v37, v36;
	[tilespmem:s21+$0xA60] =	vst v35  }
0xbe: {  	v41 =	vld [tilespmem:s21+$0xAD0];
	v57 =	vmul.f32 v47, v53;
	[tilespmem:s21+$0xA70] =	vst v38  }
0xbf: {  	v43 =	vld [tilespmem:s21+$0xAE0];
	v40 =	vmul.f32 v30, v36;
	[tilespmem:s21+$0xAB0] =	vst v46  }
0xc0: {  	v45 =	vld [tilespmem:s21+$0xAF0];
	v42 =	vmul.f32 v32, v36;
	[tilespmem:s21+$0xB00] =	vst v57  }
0xc1: {  	v49 =	vld [tilespmem:s21+$0xB10];
	v44 =	vmul.f32 v34, v36;
	[tilespmem:s21+$0xA80] =	vst v40  }
0xc2: {  	v51 =	vld [tilespmem:s21+$0xB20];
	v48 =	vmul.f32 v39, v36;
	[tilespmem:s21+$0xA90] =	vst v42  }
0xc3: {  	v56 =	vld [tilespmem:s21+$0xB40];
	v50 =	vmul.f32 v41, v36;
	[tilespmem:s21+$0xAA0] =	vst v44  }
0xc4: {  	v58 =	vld [tilespmem:s21+$0xB50];
	v52 =	vmul.f32 v43, v36;
	[tilespmem:s21+$0xAC0] =	vst v48  }
0xc5: {  	v60 =	vld [tilespmem:s21+$0xB60];
	v55 =	vmul.f32 v45, v36;
	[tilespmem:s21+$0xAD0] =	vst v50  }
0xc6: {  	v62 =	vld [tilespmem:s21+$0xB70];
	v59 =	vmul.f32 v49, v53;
	[tilespmem:s21+$0xAE0] =	vst v52  }
0xc7: {  	v14 =	vld [tilespmem:s21+$0xB90];
	v61 =	vmul.f32 v51, v53;
	[tilespmem:s21+$0xAF0] =	vst v55  }
0xc8: {  	v16 =	vld [tilespmem:s21+$0xBA0];
	v13 =	vmul.f32 v56, v53;
	[tilespmem:s21+$0xB10] =	vst v59  }
0xc9: {  	v21 =	vld [tilespmem:s21+$0xBC0];
	v15 =	vmul.f32 v58, v53;
	[tilespmem:s21+$0xB20] =	vst v61  }
0xca: {  	v18 =	vbroadcast v0, $0xA;
	v54 =	vld [tilespmem:s21+$0xB30];
	v17 =	vmul.f32 v60, v53;
	[tilespmem:s21+$0xB40] =	vst v13  }
0xcb: {  	v23 =	vld [tilespmem:s21+$0xBD0];
	v20 =	vmul.f32 v62, v53;
	[tilespmem:s21+$0xB50] =	vst v15  }
0xcc: {  	v25 =	vld [tilespmem:s21+$0xBE0];
	v24 =	vmul.f32 v14, v18;
	[tilespmem:s21+$0xB60] =	vst v17  }
0xcd: {  	v27 =	vld [tilespmem:s21+$0xBF0];
	v26 =	vmul.f32 v16, v18;
	[tilespmem:s21+$0xB70] =	vst v20  }
0xce: {  	v12 =	vld [tilespmem:s21+$0xB80];
	v30 =	vmul.f32 v21, v18;
	[tilespmem:s21+$0xB90] =	vst v24  }
0xcf: {  	v19 =	vld [tilespmem:s21+$0xBB0];
	v63 =	vmul.f32 v54, v53;
	[tilespmem:s21+$0xBA0] =	vst v26  }
0xd0: {  	v29 =	vld [tilespmem:s21+$0xC00];
	v32 =	vmul.f32 v23, v18;
	[tilespmem:s21+$0xBC0] =	vst v30  }
0xd1: {  	v31 =	vld [tilespmem:s21+$0xC10];
	v34 =	vmul.f32 v25, v18;
	[tilespmem:s21+$0xB30] =	vst v63  }
0xd2: {  	v33 =	vld [tilespmem:s21+$0xC20];
	v37 =	vmul.f32 v27, v18;
	[tilespmem:s21+$0xBD0] =	vst v32  }
0xd3: {  	v35 =	vbroadcast v0, $0xB;
	v36 =	vld [tilespmem:s21+$0xC30];
	v22 =	vmul.f32 v12, v18;
	[tilespmem:s21+$0xBE0] =	vst v34  }
0xd4: {  	v38 =	vld [tilespmem:s21+$0xC40];
	v28 =	vmul.f32 v19, v18;
	[tilespmem:s21+$0xBF0] =	vst v37  }
0xd5: {  	v46 =	vld [tilespmem:s21+$0xC80];
	[tilespmem:s21+$0xB80] =	vst v22;
	v39 =	vmul.f32 v29, v35  }
0xd6: {  	v57 =	vld [tilespmem:s21+$0xCD0];
	[tilespmem:s21+$0xBB0] =	vst v28;
	v41 =	vmul.f32 v31, v35  }
0xd7: {  	v53 =	vld [tilespmem:s21+$0xCB0];
	v43 =	vmul.f32 v33, v35;
	[tilespmem:s21+$0xC00] =	vst v39  }
0xd8: {  	v40 =	vld [tilespmem:s21+$0xC50];
	v52 =	vbroadcast v0, $0xC;
	v45 =	vmul.f32 v36, v35;
	[tilespmem:s21+$0xC10] =	vst v41  }
0xd9: {  	v42 =	vld [tilespmem:s21+$0xC60];
	v47 =	vmul.f32 v38, v35;
	[tilespmem:s21+$0xC20] =	vst v43  }
0xda: {  	v44 =	vld [tilespmem:s21+$0xC70];
	v56 =	vmul.f32 v46, v52;
	[tilespmem:s21+$0xC30] =	vst v45  }
0xdb: {  	v48 =	vld [tilespmem:s21+$0xC90];
	v14 =	vmul.f32 v57, v52;
	[tilespmem:s21+$0xC40] =	vst v47  }
0xdc: {  	v50 =	vld [tilespmem:s21+$0xCA0];
	v62 =	vmul.f32 v53, v52;
	[tilespmem:s21+$0xC80] =	vst v56  }
0xdd: {  	v55 =	vld [tilespmem:s21+$0xCC0];
	v49 =	vmul.f32 v40, v35;
	[tilespmem:s21+$0xCD0] =	vst v14  }
0xde: {  	v59 =	vld [tilespmem:s21+$0xCE0];
	v51 =	vmul.f32 v42, v35;
	[tilespmem:s21+$0xCB0] =	vst v62  }
0xdf: {  	v61 =	vld [tilespmem:s21+$0xCF0];
	v54 =	vmul.f32 v44, v35;
	[tilespmem:s21+$0xC50] =	vst v49  }
0xe0: {  	v13 =	vld [tilespmem:s21+$0xD10];
	v58 =	vmul.f32 v48, v52;
	[tilespmem:s21+$0xC60] =	vst v51  }
0xe1: {  	v15 =	vld [tilespmem:s21+$0xD20];
	v60 =	vmul.f32 v50, v52;
	[tilespmem:s21+$0xC70] =	vst v54  }
0xe2: {  	v20 =	vld [tilespmem:s21+$0xD40];
	v12 =	vmul.f32 v55, v52;
	[tilespmem:s21+$0xC90] =	vst v58  }
0xe3: {  	v17 =	vbroadcast v0, $0xD;
	v24 =	vld [tilespmem:s21+$0xD60];
	v16 =	vmul.f32 v59, v52;
	[tilespmem:s21+$0xCA0] =	vst v60  }
0xe4: {  	v26 =	vld [tilespmem:s21+$0xD70];
	v19 =	vmul.f32 v61, v52;
	[tilespmem:s21+$0xCC0] =	vst v12  }
0xe5: {  	v30 =	vld [tilespmem:s21+$0xD90];
	v23 =	vmul.f32 v13, v17;
	[tilespmem:s21+$0xCE0] =	vst v16  }
0xe6: {  	v63 =	vld [tilespmem:s21+$0xD00];
	v25 =	vmul.f32 v15, v17;
	[tilespmem:s21+$0xCF0] =	vst v19  }
0xe7: {  	v18 =	vld [tilespmem:s21+$0xD30];
	v29 =	vmul.f32 v20, v17;
	[tilespmem:s21+$0xD10] =	vst v23  }
0xe8: {  	v32 =	vld [tilespmem:s21+$0xDA0];
	v34 =	vbroadcast v0, $0xE;
	v33 =	vmul.f32 v24, v17;
	[tilespmem:s21+$0xD20] =	vst v25  }
0xe9: {  	v37 =	vld [tilespmem:s21+$0xDC0];
	v36 =	vmul.f32 v26, v17;
	[tilespmem:s21+$0xD40] =	vst v29  }
0xea: {  	v22 =	vld [tilespmem:s21+$0xD50];
	v40 =	vmul.f32 v30, v34;
	[tilespmem:s21+$0xD60] =	vst v33  }
0xeb: {  	v28 =	vld [tilespmem:s21+$0xD80];
	v21 =	vmul.f32 v63, v17;
	[tilespmem:s21+$0xD70] =	vst v36  }
0xec: {  	v57 =	vld [tilespmem:s21+$0xE60];
	v27 =	vmul.f32 v18, v17;
	[tilespmem:s21+$0xD90] =	vst v40  }
0xed: {  	v53 =	vld [tilespmem:s21+$0xE40];
	v42 =	vmul.f32 v32, v34;
	[tilespmem:s21+$0xD00] =	vst v21  }
0xee: {  	v35 =	vld [tilespmem:s21+$0xDB0];
	v46 =	vmul.f32 v37, v34;
	[tilespmem:s21+$0xD30] =	vst v27  }
0xef: {  	v0 =	vbroadcast v0, $0xF;
	v39 =	vld [tilespmem:s21+$0xDD0];
	v31 =	vmul.f32 v22, v17;
	[tilespmem:s21+$0xDA0] =	vst v42  }
0xf0: {  	v41 =	vld [tilespmem:s21+$0xDE0];
	v38 =	vmul.f32 v28, v34;
	[tilespmem:s21+$0xDC0] =	vst v46  }
0xf1: {  	v43 =	vld [tilespmem:s21+$0xDF0];
	v63 =	vmul.f32 v57, v0;
	[tilespmem:s21+$0xD50] =	vst v31  }
0xf2: {  	v45 =	vld [tilespmem:s21+$0xE00];
	v61 =	vmul.f32 v53, v0;
	[tilespmem:s21+$0xD80] =	vst v38  }
0xf3: {  	v47 =	vld [tilespmem:s21+$0xE10];
	v44 =	vmul.f32 v35, v34;
	[tilespmem:s21+$0xE60] =	vst v63  }
0xf4: {  	v55 =	vld [tilespmem:s21+$0xE50];
	v48 =	vmul.f32 v39, v34;
	[tilespmem:s21+$0xE40] =	vst v61  }
0xf5: {  	v49 =	vld [tilespmem:s21+$0xE20];
	v50 =	vmul.f32 v41, v34;
	[tilespmem:s21+$0xDB0] =	vst v44  }
0xf6: {  	v51 =	vld [tilespmem:s21+$0xE30];
	v52 =	vmul.f32 v43, v34;
	[tilespmem:s21+$0xDD0] =	vst v48  }
0xf7: {  	v59 =	vld [tilespmem:s21+$0xE70];
	v54 =	vmul.f32 v45, v0;
	[tilespmem:s21+$0xDE0] =	vst v50  }
0xf8: {  	v56 =	vmul.f32 v47, v0;
	[tilespmem:s21+$0xDF0] =	vst v52  }
0xf9: {  	p1 =	sne.s32 s25, $0x7;
	v62 =	vmul.f32 v55, v0;
	[tilespmem:s21+$0xE00] =	vst v54  }
.Ltmp0:
0xfa: {  	v58 =	vmul.f32 v49, v0;
	[tilespmem:s21+$0xE10] =	vst v56;
	(pc) =	sbr.rel @p1 .LBB2_3-.Ltmp0, $4  }
0xfb: {  	v60 =	vmul.f32 v51, v0;
	[tilespmem:s21+$0xE50] =	vst v62  }
0xfc: {  	v0 =	vmul.f32 v59, v0;
	[tilespmem:s21+$0xE20] =	vst v58  }
0xfd: {  	[tilespmem:s21+$0xE30] =	vst v60  }
0xfe: {  	s25 =	sadd.s32 $0x1, s25;
	[tilespmem:s21+$0xE70] =	vst v0  }
0xff: {  	[spmem:s4] =	stream.indirect.scatter.add.f32 [tilespmem:s10], [sflag:$0x3], $0x80, s28, s26, $0xb8;
	[tilespmem:$0x1D4E8] =	vst v63  }
0x100: {  	_ =	swait.ge [sflag:s23], $0x4000  }
0x101: {  	[sflag:s23] =	ssyncset.done $0x0  }
0x102: {  	[sflag:s23] =	ssyncadd.s32 $0xFFFFC000  }
0x103: {  	[spmem:s7] =	stream.indirect.scatter.add.f32 [tilespmem:s17], [sflag:$0x3], $0x1, s28, s26, $0xb8;
	[tilespmem:$0x1D4E8] =	vst v63  }
0x104: {  	_ =	swait.ge [sflag:s23], $0x80  }
0x105: {  	[sflag:s23] =	ssyncset.done $0x0  }
0x106: {  	[sflag:s23] =	ssyncadd.s32 $0xFFFFFF80  }
0x107: {  	_ =	swait.ge [sflag:s18], $0x4000  }
0x108: {  	[sflag:s18] =	ssyncset.done $0x0  }
0x109: {  	s25 =	simm.s32 $0x0;
	[sflag:s18] =	ssyncadd.s32 $0xFFFFC000  }
.LBB2_5:
0x10a: {  	s20 =	sshll.u32 s25, $0x4  }
0x10b: {  	v0 =	vld [tilespmem:s20+$0x300];
	_ =	sdelay $0x4  }
0x10c: {  	v1 =	vld [tilespmem:s20+$0x400]  }
0x10d: {  	v2 =	vld [tilespmem:s20+$0x500];
	_ =	sdelay $0x1  }
0x10e: {  	v0 =	vld.idx.msk [tilespmem:v0+s8+$0x0], $0xffff;
	_ =	sdelay $0x2  }
0x10f: {  	v1 =	vadd.f32 v2, v1;
	_ =	sdelay $0x1  }
0x110: {  	v0 =	vadd.f32 v0, v1;
	_ =	sdelay $0x1  }
0x111: {  	v0 =	vmul.f32 $1.442695020e+00, v0;
	_ =	sdelay $0x1  }
0x112: {  	(erf) = vpow2.f32 v0;
	_ =	sdelay $0x8  }
0x113: {  	s21 =	sshll.u32 s25, $0xD;
	v0 =	vpop (erf)  }
0x114: {  	s21 =	sshra.s32 s21, $0x2;
	[tilespmem:s20+$0x600] =	vst v0  }
0x115: {  	v11 =	vld [tilespmem:s21+$0x4680]  }
0x116: {  	v12 =	vld [tilespmem:s21+$0x4690]  }
0x117: {  	v3 =	vld [tilespmem:s21+$0x46A0]  }
0x118: {  	v4 =	vbroadcast v0, $0x0;
	v5 =	vld [tilespmem:s21+$0x46B0]  }
0x119: {  	v6 =	vld [tilespmem:s21+$0x46C0]  }
0x11a: {  	v7 =	vld [tilespmem:s21+$0x46D0];
	v1 =	vmul.f32 v4, v11  }
0x11b: {  	v8 =	vld [tilespmem:s21+$0x46E0];
	v2 =	vmul.f32 v4, v12  }
0x11c: {  	v14 =	vld [tilespmem:s21+$0x46F0];
	v13 =	vmul.f32 v3, v4;
	[tilespmem:s21+$0x4680] =	vst v1  }
0x11d: {  	v16 =	vld [tilespmem:s21+$0x4700];
	v15 =	vmul.f32 v5, v4;
	[tilespmem:s21+$0x4690] =	vst v2  }
0x11e: {  	v18 =	vld [tilespmem:s21+$0x4710];
	v17 =	vmul.f32 v6, v4;
	[tilespmem:s21+$0x46A0] =	vst v13  }
0x11f: {  	v20 =	vld [tilespmem:s21+$0x4720];
	v19 =	vmul.f32 v7, v4;
	[tilespmem:s21+$0x46B0] =	vst v15  }
0x120: {  	v22 =	vbroadcast v0, $0x1;
	v9 =	vld [tilespmem:s21+$0x4730];
	v21 =	vmul.f32 v8, v4;
	[tilespmem:s21+$0x46C0] =	vst v17  }
0x121: {  	v24 =	vld [tilespmem:s21+$0x4740];
	v23 =	vmul.f32 v14, v4;
	[tilespmem:s21+$0x46D0] =	vst v19  }
0x122: {  	v26 =	vld [tilespmem:s21+$0x4750];
	v25 =	vmul.f32 v16, v22;
	[tilespmem:s21+$0x46E0] =	vst v21  }
0x123: {  	v28 =	vld [tilespmem:s21+$0x4760];
	v27 =	vmul.f32 v18, v22;
	[tilespmem:s21+$0x46F0] =	vst v23  }
0x124: {  	v30 =	vld [tilespmem:s21+$0x4770];
	v29 =	vmul.f32 v20, v22;
	[tilespmem:s21+$0x4700] =	vst v25  }
0x125: {  	v32 =	vld [tilespmem:s21+$0x4780];
	v31 =	vmul.f32 v9, v22;
	[tilespmem:s21+$0x4710] =	vst v27  }
0x126: {  	v34 =	vld [tilespmem:s21+$0x4790];
	v33 =	vmul.f32 v24, v22;
	[tilespmem:s21+$0x4720] =	vst v29  }
0x127: {  	v36 =	vld [tilespmem:s21+$0x47A0];
	v35 =	vmul.f32 v26, v22;
	[tilespmem:s21+$0x4730] =	vst v31  }
0x128: {  	v38 =	vbroadcast v0, $0x2;
	v39 =	vld [tilespmem:s21+$0x47B0];
	v37 =	vmul.f32 v28, v22;
	[tilespmem:s21+$0x4740] =	vst v33  }
0x129: {  	v41 =	vld [tilespmem:s21+$0x47C0];
	v40 =	vmul.f32 v30, v22;
	[tilespmem:s21+$0x4750] =	vst v35  }
0x12a: {  	v43 =	vld [tilespmem:s21+$0x47D0];
	v42 =	vmul.f32 v32, v38;
	[tilespmem:s21+$0x4760] =	vst v37  }
0x12b: {  	v45 =	vld [tilespmem:s21+$0x47E0];
	v44 =	vmul.f32 v34, v38;
	[tilespmem:s21+$0x4770] =	vst v40  }
0x12c: {  	v47 =	vld [tilespmem:s21+$0x47F0];
	v46 =	vmul.f32 v36, v38;
	[tilespmem:s21+$0x4780] =	vst v42  }
0x12d: {  	v49 =	vld [tilespmem:s21+$0x4800];
	v48 =	vmul.f32 v39, v38;
	[tilespmem:s21+$0x4790] =	vst v44  }
0x12e: {  	v51 =	vld [tilespmem:s21+$0x4810];
	v50 =	vmul.f32 v41, v38;
	[tilespmem:s21+$0x47A0] =	vst v46  }
0x12f: {  	v53 =	vld [tilespmem:s21+$0x4820];
	v52 =	vmul.f32 v43, v38;
	[tilespmem:s21+$0x47B0] =	vst v48  }
0x130: {  	v55 =	vbroadcast v0, $0x3;
	v56 =	vld [tilespmem:s21+$0x4830];
	v54 =	vmul.f32 v45, v38;
	[tilespmem:s21+$0x47C0] =	vst v50  }
0x131: {  	v58 =	vld [tilespmem:s21+$0x4840];
	v57 =	vmul.f32 v47, v38;
	[tilespmem:s21+$0x47D0] =	vst v52  }
0x132: {  	v60 =	vld [tilespmem:s21+$0x4850];
	v59 =	vmul.f32 v49, v55;
	[tilespmem:s21+$0x47E0] =	vst v54  }
0x133: {  	v62 =	vld [tilespmem:s21+$0x4860];
	v61 =	vmul.f32 v51, v55;
	[tilespmem:s21+$0x47F0] =	vst v57  }
0x134: {  	v63 =	vmul.f32 v53, v55;
	v12 =	vld [tilespmem:s21+$0x4870];
	[tilespmem:s21+$0x4800] =	vst v59  }
0x135: {  	v14 =	vld [tilespmem:s21+$0x4880];
	[tilespmem:s21+$0x4810] =	vst v61;
	v13 =	vmul.f32 v56, v55  }
0x136: {  	v16 =	vld [tilespmem:s21+$0x4890];
	[tilespmem:s21+$0x4820] =	vst v63;
	v15 =	vmul.f32 v58, v55  }
0x137: {  	v18 =	vld [tilespmem:s21+$0x48A0];
	v17 =	vmul.f32 v60, v55;
	[tilespmem:s21+$0x4830] =	vst v13  }
0x138: {  	v20 =	vbroadcast v0, $0x4;
	v38 =	vld [tilespmem:s21+$0x4930];
	v19 =	vmul.f32 v62, v55;
	[tilespmem:s21+$0x4840] =	vst v15  }
0x139: {  	v21 =	vld [tilespmem:s21+$0x48B0];
	[tilespmem:s21+$0x4850] =	vst v17;
	v22 =	vmul.f32 v12, v55  }
0x13a: {  	v23 =	vld [tilespmem:s21+$0x48C0];
	[tilespmem:s21+$0x4860] =	vst v19;
	v24 =	vmul.f32 v14, v20  }
0x13b: {  	v25 =	vld [tilespmem:s21+$0x48D0];
	v37 =	vbroadcast v0, $0x5;
	v26 =	vmul.f32 v16, v20;
	[tilespmem:s21+$0x4870] =	vst v22  }
0x13c: {  	v27 =	vld [tilespmem:s21+$0x48E0];
	v28 =	vmul.f32 v18, v20;
	[tilespmem:s21+$0x4880] =	vst v24  }
0x13d: {  	v29 =	vld [tilespmem:s21+$0x48F0];
	v47 =	vmul.f32 v38, v37;
	[tilespmem:s21+$0x4890] =	vst v26  }
0x13e: {  	v31 =	vld [tilespmem:s21+$0x4900];
	v30 =	vmul.f32 v21, v20;
	[tilespmem:s21+$0x48A0] =	vst v28  }
0x13f: {  	v33 =	vld [tilespmem:s21+$0x4910];
	v32 =	vmul.f32 v23, v20;
	[tilespmem:s21+$0x4930] =	vst v47  }
0x140: {  	v35 =	vld [tilespmem:s21+$0x4920];
	v34 =	vmul.f32 v25, v20;
	[tilespmem:s21+$0x48B0] =	vst v30  }
0x141: {  	v40 =	vld [tilespmem:s21+$0x4940];
	v36 =	vmul.f32 v27, v20;
	[tilespmem:s21+$0x48C0] =	vst v32  }
0x142: {  	v42 =	vld [tilespmem:s21+$0x4950];
	v39 =	vmul.f32 v29, v20;
	[tilespmem:s21+$0x48D0] =	vst v34  }
0x143: {  	v44 =	vld [tilespmem:s21+$0x4960];
	v41 =	vmul.f32 v31, v37;
	[tilespmem:s21+$0x48E0] =	vst v36  }
0x144: {  	v46 =	vld [tilespmem:s21+$0x4970];
	v43 =	vmul.f32 v33, v37;
	[tilespmem:s21+$0x48F0] =	vst v39  }
0x145: {  	v48 =	vld [tilespmem:s21+$0x4980];
	v45 =	vmul.f32 v35, v37;
	[tilespmem:s21+$0x4900] =	vst v41  }
0x146: {  	v50 =	vld [tilespmem:s21+$0x4990];
	v49 =	vmul.f32 v40, v37;
	[tilespmem:s21+$0x4910] =	vst v43  }
0x147: {  	v52 =	vld [tilespmem:s21+$0x49A0];
	v51 =	vmul.f32 v42, v37;
	[tilespmem:s21+$0x4920] =	vst v45  }
0x148: {  	v54 =	vbroadcast v0, $0x6;
	v57 =	vld [tilespmem:s21+$0x49C0];
	v53 =	vmul.f32 v44, v37;
	[tilespmem:s21+$0x4940] =	vst v49  }
0x149: {  	v59 =	vld [tilespmem:s21+$0x49D0];
	v56 =	vmul.f32 v46, v37;
	[tilespmem:s21+$0x4950] =	vst v51  }
0x14a: {  	v61 =	vld [tilespmem:s21+$0x49E0];
	v58 =	vmul.f32 v48, v54;
	[tilespmem:s21+$0x4960] =	vst v53  }
0x14b: {  	v63 =	vld [tilespmem:s21+$0x49F0];
	v60 =	vmul.f32 v50, v54;
	[tilespmem:s21+$0x4970] =	vst v56  }
0x14c: {  	v13 =	vld [tilespmem:s21+$0x4A00];
	v62 =	vmul.f32 v52, v54;
	[tilespmem:s21+$0x4980] =	vst v58  }
0x14d: {  	v15 =	vld [tilespmem:s21+$0x4A10];
	v14 =	vmul.f32 v57, v54;
	[tilespmem:s21+$0x4990] =	vst v60  }
0x14e: {  	v17 =	vld [tilespmem:s21+$0x4A20];
	v16 =	vmul.f32 v59, v54;
	[tilespmem:s21+$0x49A0] =	vst v62  }
0x14f: {  	v19 =	vbroadcast v0, $0x7;
	v55 =	vld [tilespmem:s21+$0x49B0];
	v18 =	vmul.f32 v61, v54;
	[tilespmem:s21+$0x49C0] =	vst v14  }
0x150: {  	v20 =	vld [tilespmem:s21+$0x4A30];
	v21 =	vmul.f32 v63, v54;
	[tilespmem:s21+$0x49D0] =	vst v16  }
0x151: {  	v22 =	vld [tilespmem:s21+$0x4A40];
	[tilespmem:s21+$0x49E0] =	vst v18;
	v23 =	vmul.f32 v13, v19  }
0x152: {  	v24 =	vld [tilespmem:s21+$0x4A50];
	[tilespmem:s21+$0x49F0] =	vst v21;
	v25 =	vmul.f32 v15, v19  }
0x153: {  	v26 =	vld [tilespmem:s21+$0x4A60];
	v27 =	vmul.f32 v17, v19;
	[tilespmem:s21+$0x4A00] =	vst v23  }
0x154: {  	v28 =	vld [tilespmem:s21+$0x4A70];
	v12 =	vmul.f32 v55, v54;
	[tilespmem:s21+$0x4A10] =	vst v25  }
0x155: {  	v37 =	vld [tilespmem:s21+$0x4AB0];
	[tilespmem:s21+$0x4A20] =	vst v27;
	v29 =	vmul.f32 v20, v19  }
0x156: {  	v47 =	vld [tilespmem:s21+$0x4B00];
	[tilespmem:s21+$0x49B0] =	vst v12;
	v31 =	vmul.f32 v22, v19  }
0x157: {  	v30 =	vld [tilespmem:s21+$0x4A80];
	v33 =	vmul.f32 v24, v19;
	[tilespmem:s21+$0x4A30] =	vst v29  }
0x158: {  	v32 =	vld [tilespmem:s21+$0x4A90];
	v36 =	vbroadcast v0, $0x8;
	v35 =	vmul.f32 v26, v19;
	[tilespmem:s21+$0x4A40] =	vst v31  }
0x159: {  	v34 =	vld [tilespmem:s21+$0x4AA0];
	v53 =	vbroadcast v0, $0x9;
	v38 =	vmul.f32 v28, v19;
	[tilespmem:s21+$0x4A50] =	vst v33  }
0x15a: {  	v39 =	vld [tilespmem:s21+$0x4AC0];
	v46 =	vmul.f32 v37, v36;
	[tilespmem:s21+$0x4A60] =	vst v35  }
0x15b: {  	v41 =	vld [tilespmem:s21+$0x4AD0];
	v57 =	vmul.f32 v47, v53;
	[tilespmem:s21+$0x4A70] =	vst v38  }
0x15c: {  	v43 =	vld [tilespmem:s21+$0x4AE0];
	v40 =	vmul.f32 v30, v36;
	[tilespmem:s21+$0x4AB0] =	vst v46  }
0x15d: {  	v45 =	vld [tilespmem:s21+$0x4AF0];
	v42 =	vmul.f32 v32, v36;
	[tilespmem:s21+$0x4B00] =	vst v57  }
0x15e: {  	v49 =	vld [tilespmem:s21+$0x4B10];
	v44 =	vmul.f32 v34, v36;
	[tilespmem:s21+$0x4A80] =	vst v40  }
0x15f: {  	v51 =	vld [tilespmem:s21+$0x4B20];
	v48 =	vmul.f32 v39, v36;
	[tilespmem:s21+$0x4A90] =	vst v42  }
0x160: {  	v56 =	vld [tilespmem:s21+$0x4B40];
	v50 =	vmul.f32 v41, v36;
	[tilespmem:s21+$0x4AA0] =	vst v44  }
0x161: {  	v58 =	vld [tilespmem:s21+$0x4B50];
	v52 =	vmul.f32 v43, v36;
	[tilespmem:s21+$0x4AC0] =	vst v48  }
0x162: {  	v60 =	vld [tilespmem:s21+$0x4B60];
	v55 =	vmul.f32 v45, v36;
	[tilespmem:s21+$0x4AD0] =	vst v50  }
0x163: {  	v62 =	vld [tilespmem:s21+$0x4B70];
	v59 =	vmul.f32 v49, v53;
	[tilespmem:s21+$0x4AE0] =	vst v52  }
0x164: {  	v14 =	vld [tilespmem:s21+$0x4B90];
	v61 =	vmul.f32 v51, v53;
	[tilespmem:s21+$0x4AF0] =	vst v55  }
0x165: {  	v16 =	vld [tilespmem:s21+$0x4BA0];
	v13 =	vmul.f32 v56, v53;
	[tilespmem:s21+$0x4B10] =	vst v59  }
0x166: {  	v21 =	vld [tilespmem:s21+$0x4BC0];
	v15 =	vmul.f32 v58, v53;
	[tilespmem:s21+$0x4B20] =	vst v61  }
0x167: {  	v18 =	vbroadcast v0, $0xA;
	v54 =	vld [tilespmem:s21+$0x4B30];
	v17 =	vmul.f32 v60, v53;
	[tilespmem:s21+$0x4B40] =	vst v13  }
0x168: {  	v23 =	vld [tilespmem:s21+$0x4BD0];
	v20 =	vmul.f32 v62, v53;
	[tilespmem:s21+$0x4B50] =	vst v15  }
0x169: {  	v25 =	vld [tilespmem:s21+$0x4BE0];
	v24 =	vmul.f32 v14, v18;
	[tilespmem:s21+$0x4B60] =	vst v17  }
0x16a: {  	v27 =	vld [tilespmem:s21+$0x4BF0];
	v26 =	vmul.f32 v16, v18;
	[tilespmem:s21+$0x4B70] =	vst v20  }
0x16b: {  	v12 =	vld [tilespmem:s21+$0x4B80];
	v30 =	vmul.f32 v21, v18;
	[tilespmem:s21+$0x4B90] =	vst v24  }
0x16c: {  	v19 =	vld [tilespmem:s21+$0x4BB0];
	v63 =	vmul.f32 v54, v53;
	[tilespmem:s21+$0x4BA0] =	vst v26  }
0x16d: {  	v29 =	vld [tilespmem:s21+$0x4C00];
	v32 =	vmul.f32 v23, v18;
	[tilespmem:s21+$0x4BC0] =	vst v30  }
0x16e: {  	v31 =	vld [tilespmem:s21+$0x4C10];
	v34 =	vmul.f32 v25, v18;
	[tilespmem:s21+$0x4B30] =	vst v63  }
0x16f: {  	v33 =	vld [tilespmem:s21+$0x4C20];
	v37 =	vmul.f32 v27, v18;
	[tilespmem:s21+$0x4BD0] =	vst v32  }
0x170: {  	v35 =	vbroadcast v0, $0xB;
	v36 =	vld [tilespmem:s21+$0x4C30];
	v22 =	vmul.f32 v12, v18;
	[tilespmem:s21+$0x4BE0] =	vst v34  }
0x171: {  	v38 =	vld [tilespmem:s21+$0x4C40];
	v28 =	vmul.f32 v19, v18;
	[tilespmem:s21+$0x4BF0] =	vst v37  }
0x172: {  	v46 =	vld [tilespmem:s21+$0x4C80];
	[tilespmem:s21+$0x4B80] =	vst v22;
	v39 =	vmul.f32 v29, v35  }
0x173: {  	v57 =	vld [tilespmem:s21+$0x4CD0];
	[tilespmem:s21+$0x4BB0] =	vst v28;
	v41 =	vmul.f32 v31, v35  }
0x174: {  	v53 =	vld [tilespmem:s21+$0x4CB0];
	v43 =	vmul.f32 v33, v35;
	[tilespmem:s21+$0x4C00] =	vst v39  }
0x175: {  	v40 =	vld [tilespmem:s21+$0x4C50];
	v52 =	vbroadcast v0, $0xC;
	v45 =	vmul.f32 v36, v35;
	[tilespmem:s21+$0x4C10] =	vst v41  }
0x176: {  	v42 =	vld [tilespmem:s21+$0x4C60];
	v47 =	vmul.f32 v38, v35;
	[tilespmem:s21+$0x4C20] =	vst v43  }
0x177: {  	v44 =	vld [tilespmem:s21+$0x4C70];
	v56 =	vmul.f32 v46, v52;
	[tilespmem:s21+$0x4C30] =	vst v45  }
0x178: {  	v48 =	vld [tilespmem:s21+$0x4C90];
	v14 =	vmul.f32 v57, v52;
	[tilespmem:s21+$0x4C40] =	vst v47  }
0x179: {  	v50 =	vld [tilespmem:s21+$0x4CA0];
	v62 =	vmul.f32 v53, v52;
	[tilespmem:s21+$0x4C80] =	vst v56  }
0x17a: {  	v55 =	vld [tilespmem:s21+$0x4CC0];
	v49 =	vmul.f32 v40, v35;
	[tilespmem:s21+$0x4CD0] =	vst v14  }
0x17b: {  	v59 =	vld [tilespmem:s21+$0x4CE0];
	v51 =	vmul.f32 v42, v35;
	[tilespmem:s21+$0x4CB0] =	vst v62  }
0x17c: {  	v61 =	vld [tilespmem:s21+$0x4CF0];
	v54 =	vmul.f32 v44, v35;
	[tilespmem:s21+$0x4C50] =	vst v49  }
0x17d: {  	v13 =	vld [tilespmem:s21+$0x4D10];
	v58 =	vmul.f32 v48, v52;
	[tilespmem:s21+$0x4C60] =	vst v51  }
0x17e: {  	v15 =	vld [tilespmem:s21+$0x4D20];
	v60 =	vmul.f32 v50, v52;
	[tilespmem:s21+$0x4C70] =	vst v54  }
0x17f: {  	v20 =	vld [tilespmem:s21+$0x4D40];
	v12 =	vmul.f32 v55, v52;
	[tilespmem:s21+$0x4C90] =	vst v58  }
0x180: {  	v17 =	vbroadcast v0, $0xD;
	v24 =	vld [tilespmem:s21+$0x4D60];
	v16 =	vmul.f32 v59, v52;
	[tilespmem:s21+$0x4CA0] =	vst v60  }
0x181: {  	v26 =	vld [tilespmem:s21+$0x4D70];
	v19 =	vmul.f32 v61, v52;
	[tilespmem:s21+$0x4CC0] =	vst v12  }
0x182: {  	v30 =	vld [tilespmem:s21+$0x4D90];
	v23 =	vmul.f32 v13, v17;
	[tilespmem:s21+$0x4CE0] =	vst v16  }
0x183: {  	v63 =	vld [tilespmem:s21+$0x4D00];
	v25 =	vmul.f32 v15, v17;
	[tilespmem:s21+$0x4CF0] =	vst v19  }
0x184: {  	v18 =	vld [tilespmem:s21+$0x4D30];
	v29 =	vmul.f32 v20, v17;
	[tilespmem:s21+$0x4D10] =	vst v23  }
0x185: {  	v32 =	vld [tilespmem:s21+$0x4DA0];
	v34 =	vbroadcast v0, $0xE;
	v33 =	vmul.f32 v24, v17;
	[tilespmem:s21+$0x4D20] =	vst v25  }
0x186: {  	v37 =	vld [tilespmem:s21+$0x4DC0];
	v36 =	vmul.f32 v26, v17;
	[tilespmem:s21+$0x4D40] =	vst v29  }
0x187: {  	v22 =	vld [tilespmem:s21+$0x4D50];
	v40 =	vmul.f32 v30, v34;
	[tilespmem:s21+$0x4D60] =	vst v33  }
0x188: {  	v28 =	vld [tilespmem:s21+$0x4D80];
	v21 =	vmul.f32 v63, v17;
	[tilespmem:s21+$0x4D70] =	vst v36  }
0x189: {  	v57 =	vld [tilespmem:s21+$0x4E60];
	v27 =	vmul.f32 v18, v17;
	[tilespmem:s21+$0x4D90] =	vst v40  }
0x18a: {  	v53 =	vld [tilespmem:s21+$0x4E40];
	v42 =	vmul.f32 v32, v34;
	[tilespmem:s21+$0x4D00] =	vst v21  }
0x18b: {  	v35 =	vld [tilespmem:s21+$0x4DB0];
	v46 =	vmul.f32 v37, v34;
	[tilespmem:s21+$0x4D30] =	vst v27  }
0x18c: {  	v0 =	vbroadcast v0, $0xF;
	v39 =	vld [tilespmem:s21+$0x4DD0];
	v31 =	vmul.f32 v22, v17;
	[tilespmem:s21+$0x4DA0] =	vst v42  }
0x18d: {  	v41 =	vld [tilespmem:s21+$0x4DE0];
	v38 =	vmul.f32 v28, v34;
	[tilespmem:s21+$0x4DC0] =	vst v46  }
0x18e: {  	v43 =	vld [tilespmem:s21+$0x4DF0];
	v63 =	vmul.f32 v57, v0;
	[tilespmem:s21+$0x4D50] =	vst v31  }
0x18f: {  	v45 =	vld [tilespmem:s21+$0x4E00];
	v61 =	vmul.f32 v53, v0;
	[tilespmem:s21+$0x4D80] =	vst v38  }
0x190: {  	v47 =	vld [tilespmem:s21+$0x4E10];
	v44 =	vmul.f32 v35, v34;
	[tilespmem:s21+$0x4E60] =	vst v63  }
0x191: {  	v55 =	vld [tilespmem:s21+$0x4E50];
	v48 =	vmul.f32 v39, v34;
	[tilespmem:s21+$0x4E40] =	vst v61  }
0x192: {  	v49 =	vld [tilespmem:s21+$0x4E20];
	v50 =	vmul.f32 v41, v34;
	[tilespmem:s21+$0x4DB0] =	vst v44  }
0x193: {  	v51 =	vld [tilespmem:s21+$0x4E30];
	v52 =	vmul.f32 v43, v34;
	[tilespmem:s21+$0x4DD0] =	vst v48  }
0x194: {  	v59 =	vld [tilespmem:s21+$0x4E70];
	v54 =	vmul.f32 v45, v0;
	[tilespmem:s21+$0x4DE0] =	vst v50  }
0x195: {  	v56 =	vmul.f32 v47, v0;
	[tilespmem:s21+$0x4DF0] =	vst v52  }
0x196: {  	p1 =	sne.s32 s25, $0x7;
	v62 =	vmul.f32 v55, v0;
	[tilespmem:s21+$0x4E00] =	vst v54  }
.Ltmp1:
0x197: {  	v58 =	vmul.f32 v49, v0;
	[tilespmem:s21+$0x4E10] =	vst v56;
	(pc) =	sbr.rel @p1 .LBB2_5-.Ltmp1, $4  }
0x198: {  	v60 =	vmul.f32 v51, v0;
	[tilespmem:s21+$0x4E50] =	vst v62  }
0x199: {  	v0 =	vmul.f32 v59, v0;
	[tilespmem:s21+$0x4E20] =	vst v58  }
0x19a: {  	[tilespmem:s21+$0x4E30] =	vst v60  }
0x19b: {  	s25 =	sadd.s32 $0x1, s25;
	[tilespmem:s21+$0x4E70] =	vst v0  }
0x19c: {  	[spmem:s4] =	stream.indirect.scatter.add.f32 [tilespmem:s9], [sflag:$0x3], $0x80, s31, s26, $0xb8;
	[tilespmem:$0x1D4E8] =	vst v63  }
0x19d: {  	s22 =	sadd.s32 $0x1, s22;
	_ =	swait.ge [sflag:s23], $0x4000  }
0x19e: {  	p1 =	sne.s32 s22, $0x27;
	[sflag:s23] =	ssyncset.done $0x0  }
.Ltmp2:
0x19f: {  	[sflag:s23] =	ssyncadd.s32 $0xFFFFC000;
	(pc) =	sbr.rel @p1 .LBB2_2-.Ltmp2, $4  }
0x1a0: {  	[spmem:s7] =	stream.indirect.scatter.add.f32 [tilespmem:s19], [sflag:$0x3], $0x1, s31, s26, $0xb8;
	[tilespmem:$0x1D4E8] =	vst v63  }
0x1a1: {  	_ =	swait.ge [sflag:s23], $0x80  }
0x1a2: {  	[sflag:s23] =	ssyncset.done $0x0  }
0x1a3: {  	[sflag:s23] =	ssyncadd.s32 $0xFFFFFF80  }
0x1a4: {  	s20 =	rddreg [dreg:$0xf];
	s21 =	simm.s32 $0x8680  }
0x1a5: {  	[tilespmem:s21], [sflag:$0x3] =	stream.linear.gather [hbm4b:s20+s8], $0x10, $0x38;
	[tilespmem:$0x1D4E8] =	vst v63  }
0x1a6: {  	_ =	swait.ge [sflag:s23], $0x10  }
0x1a7: {  	[sflag:s23] =	ssyncset.done $0x0  }
0x1a8: {  	s22 =	simm.s32 $0x8700;
	s24 =	rddreg [dreg:$0x10];
	[sflag:s23] =	ssyncadd.s32 $0xFFFFFFF0  }
0x1a9: {  	[tilespmem:s22], [sflag:$0x3] =	stream.linear.gather [hbm4b:s24+s8], $0x10, $0x38;
	[tilespmem:$0x1D4E8] =	vst v63  }
0x1aa: {  	_ =	swait.ge [sflag:s23], $0x10  }
0x1ab: {  	[sflag:s23] =	ssyncset.done $0x0  }
0x1ac: {  	s24 =	simm.s32 $0x8780;
	s25 =	rddreg [dreg:$0x11];
	[sflag:s23] =	ssyncadd.s32 $0xFFFFFFF0  }
0x1ad: {  	[tilespmem:s24], [sflag:$0x3] =	stream.linear.gather [hbm4b:s25+s8], $0x10, $0x38;
	[tilespmem:$0x1D4E8] =	vst v63  }
0x1ae: {  	_ =	swait.ge [sflag:s23], $0x10  }
0x1af: {  	[sflag:s23] =	ssyncset.done $0x0  }
0x1b0: {  	s20 =	simm.s32 $0x10;
	s24 =	simm.s32 $0x8800;
	[sflag:s23] =	ssyncadd.s32 $0xFFFFFFF0  }
0x1b1: {  	[tilespmem:s24], [sflag:$0x3] =	stream.indirect.gather [hbm4b:s0+s20], $0x80, s21, s20, $0xb8;
	[tilespmem:$0x1D4E8] =	vst v63  }
0x1b2: {  	_ =	swait.ge [sflag:s23], $0x800  }
0x1b3: {  	[sflag:s23] =	ssyncset.done $0x0  }
0x1b4: {  	s25 =	simm.s32 $0x9080;
	[sflag:s23] =	ssyncadd.s32 $0xFFFFF800  }
0x1b5: {  	v0 =	vld [tilespmem:$0x8780];
	[tilespmem:s25], [sflag:$0x3] =	stream.indirect.gather [spmem:s5], $0x1, s21, s20, $0xb8  }
0x1b6: {  	_ =	swait.ge [sflag:s23], $0x10  }
0x1b7: {  	[sflag:s23] =	ssyncset.done $0x0  }
0x1b8: {  	s25 =	simm.s32 $0x9100;
	[sflag:s23] =	ssyncadd.s32 $0xFFFFFFF0  }
0x1b9: {  	[tilespmem:s25], [sflag:$0x3] =	stream.indirect.gather [spmem:s6], $0x1, s22, s20, $0xb8;
	[tilespmem:$0x1D4E8] =	vst v63  }
0x1ba: {  	_ =	swait.ge [sflag:s23], $0x10  }
0x1bb: {  	[sflag:s23] =	ssyncset.done $0x0  }
0x1bc: {  	[sflag:s23] =	ssyncadd.s32 $0xFFFFFFF0  }
0x1bd: {  	v1 =	vld [tilespmem:$0x9080]  }
0x1be: {  	v2 =	vld [tilespmem:$0x9100];
	_ =	sdelay $0x1  }
0x1bf: {  	v0 =	vld.idx.msk [tilespmem:v0+s8+$0x0], $0xffff;
	_ =	sdelay $0x2  }
0x1c0: {  	v1 =	vadd.f32 v2, v1;
	_ =	sdelay $0x1  }
0x1c1: {  	v0 =	vadd.f32 v0, v1;
	_ =	sdelay $0x1  }
0x1c2: {  	v0 =	vmul.f32 $1.442695020e+00, v0;
	_ =	sdelay $0x1  }
0x1c3: {  	(erf) = vpow2.f32 v0;
	_ =	sdelay $0x6  }
0x1c4: {  	v18 =	vld [tilespmem:$0x8800]  }
0x1c5: {  	v19 =	vld [tilespmem:$0x8810]  }
0x1c6: {  	v3 =	vld [tilespmem:$0x8820];
	v0 =	vpop (erf)  }
0x1c7: {  	v5 =	vld [tilespmem:$0x8830];
	v4 =	vbroadcast v0, $0x0  }
0x1c8: {  	v6 =	vld [tilespmem:$0x8840]  }
0x1c9: {  	v7 =	vld [tilespmem:$0x8850];
	v1 =	vmul.f32 v4, v18  }
0x1ca: {  	v8 =	vld [tilespmem:$0x8860];
	[tilespmem:$0x9000] =	vst v0;
	v2 =	vmul.f32 v4, v19  }
0x1cb: {  	v21 =	vld [tilespmem:$0x8870];
	v20 =	vmul.f32 v3, v4;
	[tilespmem:$0x8800] =	vst v1  }
0x1cc: {  	v23 =	vld [tilespmem:$0x8880];
	v22 =	vmul.f32 v5, v4;
	[tilespmem:$0x8810] =	vst v2  }
0x1cd: {  	v25 =	vld [tilespmem:$0x8890];
	v24 =	vmul.f32 v6, v4;
	[tilespmem:$0x8820] =	vst v20  }
0x1ce: {  	v27 =	vld [tilespmem:$0x88A0];
	v26 =	vmul.f32 v7, v4;
	[tilespmem:$0x8830] =	vst v22  }
0x1cf: {  	v9 =	vld [tilespmem:$0x88B0];
	v29 =	vbroadcast v0, $0x1;
	v28 =	vmul.f32 v8, v4;
	[tilespmem:$0x8840] =	vst v24  }
0x1d0: {  	v31 =	vld [tilespmem:$0x88C0];
	v30 =	vmul.f32 v21, v4;
	[tilespmem:$0x8850] =	vst v26  }
0x1d1: {  	v33 =	vld [tilespmem:$0x88D0];
	v32 =	vmul.f32 v23, v29;
	[tilespmem:$0x8860] =	vst v28  }
0x1d2: {  	v35 =	vld [tilespmem:$0x88E0];
	v34 =	vmul.f32 v25, v29;
	[tilespmem:$0x8870] =	vst v30  }
0x1d3: {  	v37 =	vld [tilespmem:$0x88F0];
	v36 =	vmul.f32 v27, v29;
	[tilespmem:$0x8880] =	vst v32  }
0x1d4: {  	v39 =	vld [tilespmem:$0x8900];
	v38 =	vmul.f32 v9, v29;
	[tilespmem:$0x8890] =	vst v34  }
0x1d5: {  	v41 =	vld [tilespmem:$0x8910];
	v40 =	vmul.f32 v31, v29;
	[tilespmem:$0x88A0] =	vst v36  }
0x1d6: {  	v43 =	vld [tilespmem:$0x8920];
	v42 =	vmul.f32 v33, v29;
	[tilespmem:$0x88B0] =	vst v38  }
0x1d7: {  	v46 =	vld [tilespmem:$0x8930];
	v45 =	vbroadcast v0, $0x2;
	v44 =	vmul.f32 v35, v29;
	[tilespmem:$0x88C0] =	vst v40  }
0x1d8: {  	v48 =	vld [tilespmem:$0x8940];
	v47 =	vmul.f32 v37, v29;
	[tilespmem:$0x88D0] =	vst v42  }
0x1d9: {  	v50 =	vld [tilespmem:$0x8950];
	v49 =	vmul.f32 v39, v45;
	[tilespmem:$0x88E0] =	vst v44  }
0x1da: {  	v52 =	vld [tilespmem:$0x8960];
	v51 =	vmul.f32 v41, v45;
	[tilespmem:$0x88F0] =	vst v47  }
0x1db: {  	v54 =	vld [tilespmem:$0x8970];
	v53 =	vmul.f32 v43, v45;
	[tilespmem:$0x8900] =	vst v49  }
0x1dc: {  	v56 =	vld [tilespmem:$0x8980];
	v55 =	vmul.f32 v46, v45;
	[tilespmem:$0x8910] =	vst v51  }
0x1dd: {  	v58 =	vld [tilespmem:$0x8990];
	v57 =	vmul.f32 v48, v45;
	[tilespmem:$0x8920] =	vst v53  }
0x1de: {  	v60 =	vld [tilespmem:$0x89A0];
	v59 =	vmul.f32 v50, v45;
	[tilespmem:$0x8930] =	vst v55  }
0x1df: {  	v63 =	vld [tilespmem:$0x89B0];
	v62 =	vbroadcast v0, $0x3;
	v61 =	vmul.f32 v52, v45;
	[tilespmem:$0x8940] =	vst v57  }
0x1e0: {  	v12 =	vld [tilespmem:$0x89C0];
	v11 =	vmul.f32 v54, v45;
	[tilespmem:$0x8950] =	vst v59  }
0x1e1: {  	v14 =	vld [tilespmem:$0x89D0];
	v13 =	vmul.f32 v56, v62;
	[tilespmem:$0x8960] =	vst v61  }
0x1e2: {  	v16 =	vld [tilespmem:$0x89E0];
	v15 =	vmul.f32 v58, v62;
	[tilespmem:$0x8970] =	vst v11  }
0x1e3: {  	v17 =	vmul.f32 v60, v62;
	v18 =	vld [tilespmem:$0x89F0];
	[tilespmem:$0x8980] =	vst v13  }
0x1e4: {  	v19 =	vmul.f32 v63, v62;
	v27 =	vld [tilespmem:$0x8A30];
	[tilespmem:$0x8990] =	vst v15  }
0x1e5: {  	v21 =	vmul.f32 v12, v62;
	v29 =	vld [tilespmem:$0x8A40];
	[tilespmem:$0x89A0] =	vst v17  }
0x1e6: {  	v23 =	vmul.f32 v14, v62;
	v31 =	vld [tilespmem:$0x8A50];
	[tilespmem:$0x89B0] =	vst v19  }
0x1e7: {  	v25 =	vmul.f32 v16, v62;
	v33 =	vld [tilespmem:$0x8A60];
	[tilespmem:$0x89C0] =	vst v21;
	v26 =	vbroadcast v0, $0x4  }
0x1e8: {  	v35 =	vld [tilespmem:$0x8A70];
	[tilespmem:$0x89D0] =	vst v23;
	v28 =	vmul.f32 v18, v62  }
0x1e9: {  	v37 =	vld [tilespmem:$0x8A80];
	[tilespmem:$0x89E0] =	vst v25;
	v36 =	vmul.f32 v27, v26  }
0x1ea: {  	v39 =	vld [tilespmem:$0x8A90];
	v38 =	vmul.f32 v29, v26;
	[tilespmem:$0x89F0] =	vst v28  }
0x1eb: {  	v41 =	vld [tilespmem:$0x8AA0];
	v40 =	vmul.f32 v31, v26;
	[tilespmem:$0x8A30] =	vst v36  }
0x1ec: {  	v43 =	vbroadcast v0, $0x5;
	v46 =	vld [tilespmem:$0x8AC0];
	v42 =	vmul.f32 v33, v26;
	[tilespmem:$0x8A40] =	vst v38  }
0x1ed: {  	v48 =	vld [tilespmem:$0x8AD0];
	v45 =	vmul.f32 v35, v26;
	[tilespmem:$0x8A50] =	vst v40  }
0x1ee: {  	v50 =	vld [tilespmem:$0x8AE0];
	v47 =	vmul.f32 v37, v43;
	[tilespmem:$0x8A60] =	vst v42  }
0x1ef: {  	v52 =	vld [tilespmem:$0x8AF0];
	v49 =	vmul.f32 v39, v43;
	[tilespmem:$0x8A70] =	vst v45  }
0x1f0: {  	v54 =	vld [tilespmem:$0x8B00];
	v51 =	vmul.f32 v41, v43;
	[tilespmem:$0x8A80] =	vst v47  }
0x1f1: {  	v56 =	vld [tilespmem:$0x8B10];
	v55 =	vmul.f32 v46, v43;
	[tilespmem:$0x8A90] =	vst v49  }
0x1f2: {  	v58 =	vld [tilespmem:$0x8B20];
	v57 =	vmul.f32 v48, v43;
	[tilespmem:$0x8AA0] =	vst v51  }
0x1f3: {  	v60 =	vbroadcast v0, $0x6;
	v63 =	vld [tilespmem:$0x8B40];
	v59 =	vmul.f32 v50, v43;
	[tilespmem:$0x8AC0] =	vst v55  }
0x1f4: {  	v12 =	vld [tilespmem:$0x8B50];
	v62 =	vmul.f32 v52, v43;
	[tilespmem:$0x8AD0] =	vst v57  }
0x1f5: {  	v14 =	vld [tilespmem:$0x8B60];
	v11 =	vmul.f32 v54, v60;
	[tilespmem:$0x8AE0] =	vst v59  }
0x1f6: {  	v20 =	vld [tilespmem:$0x8A00];
	v13 =	vmul.f32 v56, v60;
	[tilespmem:$0x8AF0] =	vst v62  }
0x1f7: {  	v22 =	vld [tilespmem:$0x8A10];
	v15 =	vmul.f32 v58, v60;
	[tilespmem:$0x8B00] =	vst v11  }
0x1f8: {  	v24 =	vld [tilespmem:$0x8A20];
	v19 =	vmul.f32 v63, v60;
	[tilespmem:$0x8B10] =	vst v13  }
0x1f9: {  	v44 =	vld [tilespmem:$0x8AB0];
	v21 =	vmul.f32 v12, v60;
	[tilespmem:$0x8B20] =	vst v15  }
0x1fa: {  	v61 =	vld [tilespmem:$0x8B30];
	v23 =	vmul.f32 v14, v60;
	[tilespmem:$0x8B40] =	vst v19  }
0x1fb: {  	v16 =	vld [tilespmem:$0x8B70];
	v30 =	vmul.f32 v20, v26;
	[tilespmem:$0x8B50] =	vst v21  }
0x1fc: {  	v25 =	vld [tilespmem:$0x8BB0];
	v32 =	vmul.f32 v22, v26;
	[tilespmem:$0x8B60] =	vst v23  }
0x1fd: {  	v18 =	vld [tilespmem:$0x8B80];
	v34 =	vmul.f32 v24, v26;
	[tilespmem:$0x8A00] =	vst v30  }
0x1fe: {  	v27 =	vld [tilespmem:$0x8BC0];
	v53 =	vmul.f32 v44, v43;
	[tilespmem:$0x8A10] =	vst v32  }
0x1ff: {  	v29 =	vld [tilespmem:$0x8BD0];
	v17 =	vmul.f32 v61, v60;
	v24 =	vbroadcast v0, $0x7;
	[tilespmem:$0x8A20] =	vst v34  }
0x200: {  	v31 =	vld [tilespmem:$0x8BE0];
	v26 =	vmul.f32 v16, v60;
	[tilespmem:$0x8AB0] =	vst v53  }
0x201: {  	v33 =	vld [tilespmem:$0x8BF0];
	[tilespmem:$0x8B30] =	vst v17;
	v34 =	vmul.f32 v25, v24  }
0x202: {  	v35 =	vld [tilespmem:$0x8C00];
	[tilespmem:$0x8B70] =	vst v26;
	v28 =	vmul.f32 v18, v24  }
0x203: {  	v37 =	vld [tilespmem:$0x8C10];
	v36 =	vmul.f32 v27, v24;
	[tilespmem:$0x8BB0] =	vst v34  }
0x204: {  	v39 =	vld [tilespmem:$0x8C20];
	v38 =	vmul.f32 v29, v24;
	[tilespmem:$0x8B80] =	vst v28  }
0x205: {  	v41 =	vbroadcast v0, $0x8;
	v46 =	vld [tilespmem:$0x8C50];
	v40 =	vmul.f32 v31, v24;
	[tilespmem:$0x8BC0] =	vst v36  }
0x206: {  	v48 =	vld [tilespmem:$0x8C60];
	v43 =	vmul.f32 v33, v24;
	[tilespmem:$0x8BD0] =	vst v38  }
0x207: {  	v50 =	vld [tilespmem:$0x8C70];
	v45 =	vmul.f32 v35, v41;
	[tilespmem:$0x8BE0] =	vst v40  }
0x208: {  	v52 =	vld [tilespmem:$0x8C80];
	v47 =	vmul.f32 v37, v41;
	[tilespmem:$0x8BF0] =	vst v43  }
0x209: {  	v54 =	vld [tilespmem:$0x8C90];
	v49 =	vmul.f32 v39, v41;
	[tilespmem:$0x8C00] =	vst v45  }
0x20a: {  	v56 =	vld [tilespmem:$0x8CA0];
	v55 =	vmul.f32 v46, v41;
	[tilespmem:$0x8C10] =	vst v47  }
0x20b: {  	v58 =	vbroadcast v0, $0x9;
	v63 =	vld [tilespmem:$0x8CD0];
	v57 =	vmul.f32 v48, v41;
	[tilespmem:$0x8C20] =	vst v49  }
0x20c: {  	v12 =	vld [tilespmem:$0x8CE0];
	v60 =	vmul.f32 v50, v41;
	[tilespmem:$0x8C50] =	vst v55  }
0x20d: {  	v20 =	vld [tilespmem:$0x8B90];
	v62 =	vmul.f32 v52, v58;
	[tilespmem:$0x8C60] =	vst v57  }
0x20e: {  	v22 =	vld [tilespmem:$0x8BA0];
	v11 =	vmul.f32 v54, v58;
	[tilespmem:$0x8C70] =	vst v60  }
0x20f: {  	v42 =	vld [tilespmem:$0x8C30];
	v13 =	vmul.f32 v56, v58;
	[tilespmem:$0x8C80] =	vst v62  }
0x210: {  	v44 =	vld [tilespmem:$0x8C40];
	v19 =	vmul.f32 v63, v58;
	[tilespmem:$0x8C90] =	vst v11  }
0x211: {  	v59 =	vld [tilespmem:$0x8CB0];
	v21 =	vmul.f32 v12, v58;
	[tilespmem:$0x8CA0] =	vst v13  }
0x212: {  	v61 =	vld [tilespmem:$0x8CC0];
	v30 =	vmul.f32 v20, v24;
	[tilespmem:$0x8CD0] =	vst v19  }
0x213: {  	v14 =	vld [tilespmem:$0x8CF0];
	v32 =	vmul.f32 v22, v24;
	[tilespmem:$0x8CE0] =	vst v21  }
0x214: {  	v16 =	vld [tilespmem:$0x8D00];
	v51 =	vmul.f32 v42, v41;
	[tilespmem:$0x8B90] =	vst v30  }
0x215: {  	v23 =	vld [tilespmem:$0x8D30];
	v53 =	vmul.f32 v44, v41;
	[tilespmem:$0x8BA0] =	vst v32  }
0x216: {  	v25 =	vld [tilespmem:$0x8D40];
	v15 =	vmul.f32 v59, v58;
	[tilespmem:$0x8C30] =	vst v51  }
0x217: {  	v18 =	vld [tilespmem:$0x8D10];
	v17 =	vmul.f32 v61, v58;
	v22 =	vbroadcast v0, $0xA;
	[tilespmem:$0x8C40] =	vst v53  }
0x218: {  	v27 =	vld [tilespmem:$0x8D50];
	v24 =	vmul.f32 v14, v58;
	[tilespmem:$0x8CB0] =	vst v15  }
0x219: {  	v29 =	vld [tilespmem:$0x8D60];
	[tilespmem:$0x8CC0] =	vst v17;
	v26 =	vmul.f32 v16, v22  }
0x21a: {  	v31 =	vld [tilespmem:$0x8D70];
	[tilespmem:$0x8CF0] =	vst v24;
	v32 =	vmul.f32 v23, v22  }
0x21b: {  	v33 =	vld [tilespmem:$0x8D80];
	v34 =	vmul.f32 v25, v22;
	[tilespmem:$0x8D00] =	vst v26  }
0x21c: {  	v35 =	vld [tilespmem:$0x8D90];
	v28 =	vmul.f32 v18, v22;
	[tilespmem:$0x8D30] =	vst v32  }
0x21d: {  	v37 =	vld [tilespmem:$0x8DA0];
	v36 =	vmul.f32 v27, v22;
	[tilespmem:$0x8D40] =	vst v34  }
0x21e: {  	v39 =	vbroadcast v0, $0xB;
	v46 =	vld [tilespmem:$0x8DE0];
	v38 =	vmul.f32 v29, v22;
	[tilespmem:$0x8D10] =	vst v28  }
0x21f: {  	v48 =	vld [tilespmem:$0x8DF0];
	v41 =	vmul.f32 v31, v22;
	[tilespmem:$0x8D50] =	vst v36  }
0x220: {  	v50 =	vld [tilespmem:$0x8E00];
	v43 =	vmul.f32 v33, v39;
	[tilespmem:$0x8D60] =	vst v38  }
0x221: {  	v52 =	vld [tilespmem:$0x8E10];
	v45 =	vmul.f32 v35, v39;
	[tilespmem:$0x8D70] =	vst v41  }
0x222: {  	v54 =	vld [tilespmem:$0x8E20];
	v47 =	vmul.f32 v37, v39;
	[tilespmem:$0x8D80] =	vst v43  }
0x223: {  	v56 =	vbroadcast v0, $0xC;
	v20 =	vld [tilespmem:$0x8D20];
	v55 =	vmul.f32 v46, v39;
	[tilespmem:$0x8D90] =	vst v45  }
0x224: {  	v40 =	vld [tilespmem:$0x8DB0];
	v58 =	vmul.f32 v48, v39;
	[tilespmem:$0x8DA0] =	vst v47  }
0x225: {  	v42 =	vld [tilespmem:$0x8DC0];
	v60 =	vmul.f32 v50, v56;
	[tilespmem:$0x8DE0] =	vst v55  }
0x226: {  	v44 =	vld [tilespmem:$0x8DD0];
	v62 =	vmul.f32 v52, v56;
	[tilespmem:$0x8DF0] =	vst v58  }
0x227: {  	v57 =	vld [tilespmem:$0x8E30];
	v12 =	vmul.f32 v54, v56;
	[tilespmem:$0x8E00] =	vst v60  }
0x228: {  	v59 =	vld [tilespmem:$0x8E40];
	v30 =	vmul.f32 v20, v22;
	[tilespmem:$0x8E10] =	vst v62  }
0x229: {  	v61 =	vld [tilespmem:$0x8E50];
	v49 =	vmul.f32 v40, v39;
	[tilespmem:$0x8E20] =	vst v12  }
0x22a: {  	v63 =	vld [tilespmem:$0x8E60];
	v51 =	vmul.f32 v42, v39;
	[tilespmem:$0x8D20] =	vst v30  }
0x22b: {  	v13 =	vld [tilespmem:$0x8E70];
	v53 =	vmul.f32 v44, v39;
	[tilespmem:$0x8DB0] =	vst v49  }
0x22c: {  	v19 =	vld [tilespmem:$0x8EA0];
	v14 =	vmul.f32 v57, v56;
	[tilespmem:$0x8DC0] =	vst v51  }
0x22d: {  	v15 =	vld [tilespmem:$0x8E80];
	v16 =	vmul.f32 v59, v56;
	[tilespmem:$0x8DD0] =	vst v53  }
0x22e: {  	v17 =	vld [tilespmem:$0x8E90];
	v18 =	vmul.f32 v61, v56;
	[tilespmem:$0x8E30] =	vst v14  }
0x22f: {  	v21 =	vbroadcast v0, $0xD;
	v24 =	vld [tilespmem:$0x8EC0];
	v20 =	vmul.f32 v63, v56;
	[tilespmem:$0x8E40] =	vst v16  }
0x230: {  	v29 =	vld [tilespmem:$0x8EE0];
	v23 =	vmul.f32 v13, v56;
	[tilespmem:$0x8E50] =	vst v18  }
0x231: {  	v31 =	vld [tilespmem:$0x8EF0];
	v28 =	vmul.f32 v19, v21;
	[tilespmem:$0x8E60] =	vst v20  }
0x232: {  	v33 =	vld [tilespmem:$0x8F00];
	v25 =	vmul.f32 v15, v21;
	[tilespmem:$0x8E70] =	vst v23  }
0x233: {  	v35 =	vld [tilespmem:$0x8F10];
	v27 =	vmul.f32 v17, v21;
	[tilespmem:$0x8EA0] =	vst v28  }
0x234: {  	v50 =	vld [tilespmem:$0x8FA0];
	v32 =	vmul.f32 v24, v21;
	[tilespmem:$0x8E80] =	vst v25  }
0x235: {  	v52 =	vld [tilespmem:$0x8FB0];
	v38 =	vbroadcast v0, $0xE;
	v37 =	vmul.f32 v29, v21;
	[tilespmem:$0x8E90] =	vst v27  }
0x236: {  	v26 =	vld [tilespmem:$0x8ED0];
	v5 =	vmul.f32 v31, v21;
	[tilespmem:$0x8EC0] =	vst v32  }
0x237: {  	v22 =	vld [tilespmem:$0x8EB0];
	v0 =	vbroadcast v0, $0xF;
	v41 =	vmul.f32 v33, v38;
	[tilespmem:$0x8EE0] =	vst v37  }
0x238: {  	v36 =	vld [tilespmem:$0x8F20];
	v43 =	vmul.f32 v35, v38;
	[tilespmem:$0x8EF0] =	vst v5  }
0x239: {  	v39 =	vld [tilespmem:$0x8F30];
	v58 =	vmul.f32 v50, v0;
	[tilespmem:$0x8F00] =	vst v41  }
0x23a: {  	v40 =	vld [tilespmem:$0x8F40];
	v60 =	vmul.f32 v52, v0;
	[tilespmem:$0x8F10] =	vst v43  }
0x23b: {  	v42 =	vld [tilespmem:$0x8F50];
	v34 =	vmul.f32 v26, v21;
	[tilespmem:$0x8FA0] =	vst v58  }
0x23c: {  	v44 =	vld [tilespmem:$0x8F60];
	v30 =	vmul.f32 v22, v21;
	[tilespmem:$0x8FB0] =	vst v60  }
0x23d: {  	v45 =	vld [tilespmem:$0x8F70];
	v1 =	vmul.f32 v36, v38;
	[tilespmem:$0x8ED0] =	vst v34  }
0x23e: {  	v47 =	vld [tilespmem:$0x8F80];
	v46 =	vmul.f32 v39, v38;
	[tilespmem:$0x8EB0] =	vst v30  }
0x23f: {  	v55 =	vld [tilespmem:$0x8FD0];
	v48 =	vmul.f32 v40, v38;
	[tilespmem:$0x8F20] =	vst v1  }
0x240: {  	v57 =	vld [tilespmem:$0x8FE0];
	v3 =	vmul.f32 v42, v38;
	[tilespmem:$0x8F30] =	vst v46  }
0x241: {  	v49 =	vld [tilespmem:$0x8F90];
	v51 =	vmul.f32 v44, v38;
	[tilespmem:$0x8F40] =	vst v48  }
0x242: {  	v53 =	vld [tilespmem:$0x8FC0];
	v2 =	vmul.f32 v45, v38;
	[tilespmem:$0x8F50] =	vst v3  }
0x243: {  	v59 =	vld [tilespmem:$0x8FF0];
	v54 =	vmul.f32 v47, v0;
	[tilespmem:$0x8F60] =	vst v51  }
0x244: {  	v62 =	vmul.f32 v55, v0;
	[tilespmem:$0x8F70] =	vst v2  }
0x245: {  	v63 =	vmul.f32 v57, v0;
	[tilespmem:$0x8F80] =	vst v54  }
0x246: {  	v56 =	vmul.f32 v49, v0;
	[tilespmem:$0x8FD0] =	vst v62  }
0x247: {  	v61 =	vmul.f32 v53, v0;
	[tilespmem:$0x8FE0] =	vst v63  }
0x248: {  	v0 =	vmul.f32 v59, v0;
	[tilespmem:$0x8F90] =	vst v56  }
0x249: {  	[tilespmem:$0x8FC0] =	vst v61  }
0x24a: {  	[tilespmem:$0x8FF0] =	vst v0  }
0x24b: {  	[spmem:s4] =	stream.indirect.scatter.add.f32 [tilespmem:s24], [sflag:$0x3], $0x80, s22, s20, $0xb8;
	[tilespmem:$0x1D4E8] =	vst v63  }
0x24c: {  	_ =	swait.ge [sflag:s23], $0x800  }
0x24d: {  	[sflag:s23] =	ssyncset.done $0x0  }
0x24e: {  	s25 =	simm.s32 $0x9000;
	[sflag:s23] =	ssyncadd.s32 $0xFFFFF800  }
0x24f: {  	[spmem:s7] =	stream.indirect.scatter.add.f32 [tilespmem:s25], [sflag:$0x3], $0x1, s22, s20, $0xb8;
	[tilespmem:$0x1D4E8] =	vst v63  }
0x250: {  	_ =	swait.ge [sflag:s23], $0x10  }
0x251: {  	[sflag:s23] =	ssyncset.done $0x0  }
0x252: {  	[sflag:s23] =	ssyncadd.s32 $0xFFFFFFF0  }
0x253: {  	[bflag:$0x0] =	sbarrier.arrive $0xFFFF  }
0x254: {  	s24 =	rddreg [dreg:$0x12]  }
0x255: {  	s22 =	rddreg [dreg:$0x19]  }
0x256: {  	s25 =	rddreg [dreg:$0x1a]  }
0x257: {  	[hbm:s24], [sflag:s22] =	dma.local [spmem:s25], $0x2780  }
0x258: {  	_ =	swait.ge [sflag:s23], $0x2780  }
0x259: {  	[sflag:s23] =	ssyncset.done $0x0;
	s20 =	rddreg [dreg:$0x13]  }
0x25a: {  	s21 =	rddreg [dreg:$0x18];
	[sflag:s23] =	ssyncadd.s32 $0xFFFFD880  }
0x25b: {  	[hbm:s20], [sflag:s22] =	dma.local @!p0 [spmem:s21], $0x4F0  }
0x25c: {  	s20 =	simm.s32 @!p0 $0x3  }
0x25d: {  	_ =	swait.ge @!p0 [sflag:s20], $0x4F0  }
0x25e: {  	s24 =	rddreg [dreg:$0x17]  }
0x25f: {  	s25 =	rddreg [dreg:$0x14];
	s22 =	sadd.s32 $0x1, s24  }
0x260: {  	p1 =	sne.s32 s22, s25  }
.Ltmp3:
0x261: {  	_ = 	snop;
	(pc) =	sbr.rel @p1 .LBB2_1-.Ltmp3, $3  }
0x262: {  	_ =	sdelay $0x1  }
0x263: {  	[sflag:s20] =	ssyncset.done @!p0 $0x0  }
0x264: {  	[sflag:s20] =	ssyncadd.s32 @!p0 $0xFFFFFB10  }
0x265: {  	_ =	sfence.sel $0x180000  }
0x266: {  	[bflag:$0x0] =	sbarrier.arrive $0xFFFF  }
0x267: {  	_ =	strace $0x90000047  }
0x268: {  	[bflag:$0x2] =	sbarrier.arrive $0xFFFF  }
0x269: {  	s0 =	rddreg [dreg:$0x8]  }
0x26a: {  	s0 =	sadd.s32 @!p0 $0x100000, s0  }
0x26b: {  	[sflag:s0] =	ssyncadd.tile.s32 @!p0 $0x1;
	_ =	shalt  }
.Lfunc_end2:
_tile_overlayer_lowered:
.L_overlay_start_2:
0x26c: {  	(tag) =	ssettag $0x2  }
0x26d: {  	s0 =	rddreg [dreg:$0x0];
	s2 =	stileid.u32  }
0x26e: {  	s1 =	rddreg [dreg:$0x1];
	p0 =	sne.s32 s2, $0x0  }
0x26f: {  	s3 =	rddreg [dreg:$0x2];
	[bflag:$0x3] =	sbarrier.arrive $0xFFFF;
	s2 =	simm.s32 @!p0 $0x1C03  }
0x270: {  	[timem:s3], [sflag:s2] =	dma.local @!p0 [hbm:s0], s1  }
0x271: {  	s0 =	simm.s32 @!p0 $0x3  }
0x272: {  	_ =	swait.ge @!p0 [sflag:s0], s1  }
0x273: {  	s1 =	ssub.s32 @!p0 $0x0, s1;
	[sflag:s0] =	ssyncset.done @!p0 $0x0  }
0x274: {  	[sflag:s0] =	ssyncadd.s32 @!p0 s1  }
0x275: {  	[bflag:$0x3] =	sbarrier.arrive $0xFFFF  }
0x276: {  	_ =	shalt  }

</sc_bundles>
